<compile_context>
chip_gen: v7x
topology: tpu7x:2x2x1
jax: 0.10.2.dev20260603
libtpu: 0.0.44.dev20260713+nightly
codegen_flags: <defaults>
</compile_context>

<pallas_src>
import functools

import jax
import jax.numpy as jnp
from jax import lax
from jax.experimental import pallas as pl
from jax.experimental.pallas import tpu as pltpu
from jax.experimental.pallas import tpu_sc as plsc

_NC = 2
_NS = 16
_LN = 16
_D = 128
_DSUB = _D // _LN
_KPC = _DSUB // _NC
_K = 512


def _round_up(x, m):
    return (x + m - 1) // m * m


def _elu(x):
    return jnp.where(x > 0, x, jnp.exp(jnp.minimum(x, 0.0)) - 1.0)



_C = 16
_NU = 2
_UR = 256
_GU = _NU * _UR
_BS = 2048
_CAP = 2 * _BS + _GU + 16
_RP = 16384


@functools.cache
def _make_spmm3(n_dst, e_pads):
    ets = [e // _NS for e in e_pads]
    nblks = [et // _BS for et in ets]
    assert all(nb * _BS == et for nb, et in zip(nblks, ets))
    R = _round_up(-(-n_dst // _C), 8)
    assert R < _RP
    acc_rows = _round_up(R + 1, 128)
    stripe = acc_rows // _NS
    trash = R
    dtail = R - (_NS - 1) * stripe
    assert 0 < dtail <= stripe and dtail % 8 == 0
    mesh = plsc.VectorSubcoreMesh(core_axis_name="c", subcore_axis_name="s",
                                  num_cores=_NC, num_subcores=_NS)
    out = jax.ShapeDtypeStruct((_C * R, _D), jnp.float32)

    scratch = [
        pltpu.VMEM((_BS,), jnp.int32),
        pltpu.VMEM((_BS,), jnp.int32),
        pltpu.VMEM((_BS,), jnp.int32),
        pltpu.VMEM((_BS,), jnp.int32),
        pltpu.VMEM((_CAP,), jnp.int32),
    ]
    scratch += [pltpu.VMEM((_UR,), jnp.int32) for _ in range(2 * _NU)]
    scratch += [pltpu.VMEM((_UR, _D), jnp.float32) for _ in range(_NU)]
    scratch += [pltpu.VMEM_SHARED((acc_rows, _D), jnp.float32)]
    scratch += [pltpu.SemaphoreType.DMA for _ in range(2 + _NU)]

    @functools.partial(
        pl.kernel,
        out_type=(out, out, out),
        mesh=mesh,
        compiler_params=pltpu.CompilerParams(needs_layout_passes=False),
        scratch_types=scratch,
    )
    def spmm3(ya, sa, da, yb, sb, db, yc, sc_, dc, z_h, outa, outb, outc,
              s0, d0, s1, d1, cbuf, *rest):
        gb = rest[:_NU]
        ib = rest[_NU:2 * _NU]
        rb = rest[2 * _NU:3 * _NU]
        acc = rest[3 * _NU]
        semA, semB = rest[3 * _NU + 1], rest[3 * _NU + 2]
        gsem = rest[3 * _NU + 3:]
        c = lax.axis_index("c")
        s = lax.axis_index("s")
        ti = jnp.full((_LN,), trash, jnp.int32)
        ones = jnp.ones((_LN,), jnp.int32)

        r0 = s * stripe
        stage = ((s0, d0, semA), (s1, d1, semB))
        sets = ((ya, sa, da, outa, 0), (yb, sb, db, outb, 1),
                (yc, sc_, dc, outc, 2))
        for y_h, src_h, dst_h, out_h, si in sets:
            et = ets[si]
            nblk = nblks[si]
            e0 = s * et

            def do_chunk(cc, _, y_h=y_h, src_h=src_h, dst_h=dst_h,
                         out_h=out_h, et=et, nblk=nblk, e0=e0):
                ch = c * (_C // _NC) + cc
                lo = ch * R
                hi = lo + R

                pltpu.sync_copy(z_h, acc.at[pl.ds(r0, stripe)])
                plsc.subcore_barrier()

                def flushg(g, _):
                    base = g * _GU
                    cps = []
                    for u in range(_NU):
                        def fill(j, _, u=u):
                            cv = cbuf[pl.ds(base + u * _UR + j * _LN, _LN)]
                            gb[u][pl.ds(j * _LN, _LN)] = cv >> 14
                            ib[u][pl.ds(j * _LN, _LN)] = cv & (_RP - 1)
                            return 0
                        lax.fori_loop(0, _UR // _LN, fill, 0)
                        cp = pltpu.make_async_copy(y_h.at[gb[u]], rb[u],
                                                   gsem[u])
                        cp.start()
                        cps.append(cp)
                    for u in range(_NU):
                        cps[u].wait()
                        pltpu.sync_copy(rb[u], acc.at[ib[u]], add=True)
                    return 0

                def scan_vregs(buf_s, buf_d, n):
                    def scan_v(i, n):
                        d = buf_d[pl.ds(i * _LN, _LN)]
                        sv = buf_s[pl.ds(i * _LN, _LN)]
                        m = (d >= lo) & (d < hi)
                        pos = plsc.cumsum(ones, mask=m) + (n - 1)
                        plsc.store_scatter(cbuf, [pos],
                                           sv * _RP + (d - lo), mask=m)
                        return n + plsc.all_reduce_population_count(m)[0]
                    return lax.fori_loop(0, _BS // _LN, scan_v, n)

                def flush_compact(n):
                    ng = n // _GU
                    lax.fori_loop(0, ng, flushg, 0)
                    done = ng * _GU

                    def comp(j, _):
                        cbuf[pl.ds(j * _LN, _LN)] = cbuf[
                            pl.ds(done + j * _LN, _LN)]
                        return 0
                    lax.fori_loop(0, _GU // _LN, comp, 0)
                    return n - done

                def stage_pair(p):
                    eb0 = e0 + (2 * p) * _BS
                    eb1 = eb0 + _BS
                    pltpu.make_async_copy(src_h.at[pl.ds(eb0, _BS)], s0,
                                          semA).start()
                    pltpu.make_async_copy(dst_h.at[pl.ds(eb0, _BS)], d0,
                                          semA).start()
                    pltpu.make_async_copy(src_h.at[pl.ds(eb1, _BS)], s1,
                                          semB).start()
                    pltpu.make_async_copy(dst_h.at[pl.ds(eb1, _BS)], d1,
                                          semB).start()

                def wait_stage(buf, sem):
                    pltpu.make_async_copy(src_h.at[pl.ds(e0, _BS)], buf,
                                          sem).wait()

                stage_pair(0)

                def pair(p, n):
                    wait_stage(s0, semA)
                    wait_stage(d0, semA)
                    n = scan_vregs(s0, d0, n)
                    wait_stage(s1, semB)
                    wait_stage(d1, semB)
                    n = scan_vregs(s1, d1, n)

                    @pl.when(p + 1 < nblk // 2)
                    def _():
                        stage_pair(p + 1)
                    return flush_compact(n)
                n = lax.fori_loop(0, nblk // 2, pair, 0)

                def padf(j, _):
                    cbuf[pl.ds(n + j * _LN, _LN)] = ti
                    return 0
                lax.fori_loop(0, _GU // _LN, padf, 0)
                lax.fori_loop(0, (n + _GU - 1) // _GU, flushg, 0)
                plsc.subcore_barrier()

                @pl.when(s < _NS - 1)
                def _():
                    pltpu.sync_copy(acc.at[pl.ds(r0, stripe)],
                                    out_h.at[pl.ds(lo + r0, stripe)])

                @pl.when(s == _NS - 1)
                def _():
                    pltpu.sync_copy(acc.at[pl.ds(r0, dtail)],
                                    out_h.at[pl.ds(lo + r0, dtail)])
                plsc.subcore_barrier()
                return 0
            lax.fori_loop(0, _C // _NC, do_chunk, 0)

    return spmm3


def _pad_edges(idx, e_pad):
    pad = e_pad - idx.shape[1]
    dst_p = jnp.concatenate([idx[0], jnp.full((pad,), 1 << 30, jnp.int32)])
    src_p = jnp.concatenate([idx[1], jnp.zeros((pad,), jnp.int32)])
    return src_p, dst_p


def _spmm3(idx1, y1, idx2, y2, idx0, y0, n_dst):
    e_pads = tuple(_round_up(i.shape[1], 2 * _NS * _BS)
                   for i in (idx1, idx2, idx0))
    sa, da = _pad_edges(idx1, e_pads[0])
    sb, db = _pad_edges(idx2, e_pads[1])
    sc_, dc = _pad_edges(idx0, e_pads[2])
    R = _round_up(-(-n_dst // _C), 8)
    stripe = _round_up(R + 1, 128) // _NS
    z_h = jnp.zeros((stripe, _D), jnp.float32)
    return _make_spmm3(n_dst, e_pads)(y1, sa, da, y2, sb, db, y0, sc_, dc,
                                      z_h)



_BM = 2000


def _mm_body(x_ref, w_ref, o_ref):
    o_ref[...] = jnp.dot(x_ref[...], w_ref[...],
                         preferred_element_type=jnp.float32)


def _matmul(x, w):
    n = x.shape[0]
    return pl.pallas_call(
        _mm_body,
        grid=(n // _BM,),
        in_specs=[pl.BlockSpec((_BM, _D), lambda i: (i, 0)),
                  pl.BlockSpec((_D, _D), lambda i: (0, 0))],
        out_specs=pl.BlockSpec((_BM, _D), lambda i: (i, 0)),
        out_shape=jax.ShapeDtypeStruct((n, _D), jnp.float32),
    )(x, w)


def _stage1_body(scale_ref, s1_ref, s2_ref, x1_ref, wa_ref, wb_ref, b1_ref,
                 h_ref, sums_ref):
    i = pl.program_id(0)
    xs = x1_ref[...] * scale_ref[0, 0]
    xu = xs + _elu(s1_ref[...])
    xc = xs + _elu(s2_ref[...])
    h = (jnp.dot(xu, wa_ref[...], preferred_element_type=jnp.float32)
         + jnp.dot(xc, wb_ref[...], preferred_element_type=jnp.float32)
         + b1_ref[...])
    h_ref[...] = h
    ps = jnp.sum(h, axis=0)[None, :]
    pq = jnp.sum(h * h, axis=0)[None, :]
    blk = jnp.concatenate([ps, pq, jnp.zeros((6, _D), jnp.float32)], axis=0)

    @pl.when(i == 0)
    def _():
        sums_ref[...] = blk

    @pl.when(i > 0)
    def _():
        sums_ref[...] = sums_ref[...] + blk


def _stage1(s1, s2, x1, wa, wb, b1, scale):
    n = x1.shape[0]
    return pl.pallas_call(
        _stage1_body,
        grid=(n // _BM,),
        in_specs=[pl.BlockSpec(memory_space=pltpu.SMEM),
                  pl.BlockSpec((_BM, _D), lambda i: (i, 0)),
                  pl.BlockSpec((_BM, _D), lambda i: (i, 0)),
                  pl.BlockSpec((_BM, _D), lambda i: (i, 0)),
                  pl.BlockSpec((_D, _D), lambda i: (0, 0)),
                  pl.BlockSpec((_D, _D), lambda i: (0, 0)),
                  pl.BlockSpec((1, _D), lambda i: (0, 0))],
        out_specs=[pl.BlockSpec((_BM, _D), lambda i: (i, 0)),
                   pl.BlockSpec((8, _D), lambda i: (0, 0))],
        out_shape=[jax.ShapeDtypeStruct((n, _D), jnp.float32),
                   jax.ShapeDtypeStruct((8, _D), jnp.float32)],
    )(scale, s1, s2, x1, wa, wb, b1)


def _stage2_body(h_ref, s0_ref, sums_ref, g_ref, bt_ref, w2_ref, b2_ref,
                 wu_ref, bu_ref, o_ref, *, inv_n):
    mu = sums_ref[0:1, :] * inv_n
    var = sums_ref[1:2, :] * inv_n - mu * mu
    inv = lax.rsqrt(var + 1e-5) * g_ref[...]
    hn = jax.nn.relu((h_ref[...] - mu) * inv + bt_ref[...])
    xf = jnp.dot(hn, w2_ref[...], preferred_element_type=jnp.float32) + b2_ref[...]
    xa = xf + _elu(s0_ref[...])
    o_ref[...] = _elu(
        jnp.dot(xa, wu_ref[...], preferred_element_type=jnp.float32) + bu_ref[...])


def _stage2(h, s0, sums, gamma, beta, w2, b2, wu, bu):
    n = h.shape[0]
    return pl.pallas_call(
        functools.partial(_stage2_body, inv_n=1.0 / n),
        grid=(n // _BM,),
        in_specs=[pl.BlockSpec((_BM, _D), lambda i: (i, 0)),
                  pl.BlockSpec((_BM, _D), lambda i: (i, 0)),
                  pl.BlockSpec((8, _D), lambda i: (0, 0)),
                  pl.BlockSpec((1, _D), lambda i: (0, 0)),
                  pl.BlockSpec((1, _D), lambda i: (0, 0)),
                  pl.BlockSpec((_D, _D), lambda i: (0, 0)),
                  pl.BlockSpec((1, _D), lambda i: (0, 0)),
                  pl.BlockSpec((_D, _D), lambda i: (0, 0)),
                  pl.BlockSpec((1, _D), lambda i: (0, 0))],
        out_specs=pl.BlockSpec((_BM, _D), lambda i: (i, 0)),
        out_shape=jax.ShapeDtypeStruct((n, _D), jnp.float32),
    )(h, s0, sums, gamma, beta, w2, b2, wu, bu)




def kernel(x_0, x_1, x_2, neighborhood_1_to_1, neighborhood_2_to_1,
           neighborhood_0_to_1, W_1to1, W_2to1, mlp1_W1, mlp1_b1,
           mlp1_gamma, mlp1_beta, mlp1_W2, mlp1_b2, eps1, W_0to1,
           upd_W, upd_b):
    n1 = x_1.shape[0]
    y1 = _matmul(x_1, W_1to1)
    y2 = _matmul(x_2, W_2to1)
    y0 = _matmul(x_0, W_0to1)
    s1, s2, s0 = _spmm3(neighborhood_1_to_1, y1, neighborhood_2_to_1, y2,
                        neighborhood_0_to_1, y0, n1)
    scale = (1.0 + eps1).reshape(1, 1)
    wa = mlp1_W1[:_D]
    wb = mlp1_W1[_D:]
    h, sums = _stage1(s1, s2, x_1, wa, wb, mlp1_b1.reshape(1, _D), scale)
    return _stage2(h, s0, sums, mlp1_gamma.reshape(1, _D),
                   mlp1_beta.reshape(1, _D), mlp1_W2,
                   mlp1_b2.reshape(1, _D), upd_W, upd_b.reshape(1, _D))

# --- scband reference (transcript-rebuilt; emitter-appended) ---
"""Pipeline reference for scband-cwn-34471407517841 (READ-ONLY COPY).

The authoritative reference and input builder live on the scoring server;
editing this copy changes nothing except your own understanding.
"""

import jax, jax.numpy as jnp
import numpy as np

N0 = 50000
N1 = 100000
N2 = 50000
D = 128
E11 = 500000
E21 = 150000
E01 = 200000


def setup_inputs(seed: int = 0) -> dict:
    key = jax.random.key(seed)
    ks = jax.random.split(key, 24)
    inp = {}
    inp["x_0"] = jax.random.normal(ks[0], (N0, D), dtype=jnp.float32)
    inp["x_1"] = jax.random.normal(ks[1], (N1, D), dtype=jnp.float32)
    inp["x_2"] = jax.random.normal(ks[2], (N2, D), dtype=jnp.float32)
    # COO indices: row = destination r-cell (< N1), col = source cell
    inp["neighborhood_1_to_1"] = jax.random.randint(ks[3], (2, E11), 0, N1)
    inp["neighborhood_2_to_1"] = jax.random.randint(ks[4], (2, E21), 0, N2)
    inp["neighborhood_0_to_1"] = jax.random.randint(ks[5], (2, E01), 0, N0)
    s = 0.05
    # _CWNDefaultFirstConv params
    inp["W_1to1"] = jax.random.normal(ks[6], (D, D), dtype=jnp.float32) * s
    inp["W_2to1"] = jax.random.normal(ks[7], (D, D), dtype=jnp.float32) * s
    inp["mlp1_W1"] = jax.random.normal(ks[8], (2 * D, D), dtype=jnp.float32) * s
    inp["mlp1_b1"] = jnp.zeros((D,), dtype=jnp.float32)
    inp["mlp1_gamma"] = jnp.ones((D,), dtype=jnp.float32)
    inp["mlp1_beta"] = jnp.zeros((D,), dtype=jnp.float32)
    inp["mlp1_W2"] = jax.random.normal(ks[9], (D, D), dtype=jnp.float32) * s
    inp["mlp1_b2"] = jnp.zeros((D,), dtype=jnp.float32)
    inp["eps1"] = jnp.array([0.0], dtype=jnp.float32)
    # _CWNDefaultSecondConv params
    inp["W_0to1"] = jax.random.normal(ks[10], (D, D), dtype=jnp.float32) * s
    # _CWNDefaultUpdate params
    inp["upd_W"] = jax.random.normal(ks[11], (D, D), dtype=jnp.float32) * s
    inp["upd_b"] = jnp.zeros((D,), dtype=jnp.float32)
    return inp


def _spmm(idx, x, n_rows):
    # sparse (binary) neighborhood matmul: gather source rows, scatter-add into dst rows
    gathered = jnp.take(x, idx[1], axis=0)
    return jax.ops.segment_sum(gathered, idx[0], num_segments=n_rows)


def _bn(h, gamma, beta):
    mu = jnp.mean(h, axis=0)
    var = jnp.var(h, axis=0)
    return (h - mu) / jnp.sqrt(var + 1e-5) * gamma + beta


def reference(x_0, x_1, x_2, neighborhood_1_to_1, neighborhood_2_to_1,
              neighborhood_0_to_1, W_1to1, W_2to1, mlp1_W1, mlp1_b1,
              mlp1_gamma, mlp1_beta, mlp1_W2, mlp1_b2, eps1, W_0to1,
              upd_W, upd_b):
    n1 = x_1.shape[0]
    # --- first conv step (_CWNDefaultFirstConv) ---
    x_up = jax.nn.elu(_spmm(neighborhood_1_to_1, x_1 @ W_1to1, n1))
    x_up = (1.0 + eps1) * x_1 + x_up
    x_cob = jax.nn.elu(_spmm(neighborhood_2_to_1, x_2 @ W_2to1, n1))
    x_cob = (1.0 + eps1) * x_1 + x_cob
    h = jnp.concatenate([x_up, x_cob], axis=-1)
    # MLP([2D, D, D]) with BatchNorm + ReLU after first linear, plain last layer
    h = h @ mlp1_W1 + mlp1_b1
    h = _bn(h, mlp1_gamma, mlp1_beta)
    h = jax.nn.relu(h)
    x_first = h @ mlp1_W2 + mlp1_b2
    # --- second conv step (_CWNDefaultSecondConv) ---
    x_second = jax.nn.elu(_spmm(neighborhood_0_to_1, x_0 @ W_0to1, n1))
    # --- aggregate (_CWNDefaultAggregate) ---
    x_agg = x_first + x_second
    # --- update (_CWNDefaultUpdate) ---
    return jax.nn.elu(x_agg @ upd_W + upd_b)

if __name__ == "__main__":
    import jax
    _d = setup_inputs()
    print(jax.jit(kernel)(*tuple(_d.values())))

</pallas_src>

<mosaic_0001>
#map = affine_map<(d0, d1) -> (0, 0)>
#map1 = affine_map<(d0, d1) -> (0)>
module attributes {stable_mosaic.version = 14 : i64} {
  func.func @spmm3(%arg0: i32, %arg1: i32, %arg2: memref<100000x128xf32, #tpu.memory_space<hbm>>, %arg3: memref<524288xi32, #tpu.memory_space<hbm>>, %arg4: memref<524288xi32, #tpu.memory_space<hbm>>, %arg5: memref<50000x128xf32, #tpu.memory_space<hbm>>, %arg6: memref<196608xi32, #tpu.memory_space<hbm>>, %arg7: memref<196608xi32, #tpu.memory_space<hbm>>, %arg8: memref<50000x128xf32, #tpu.memory_space<hbm>>, %arg9: memref<262144xi32, #tpu.memory_space<hbm>>, %arg10: memref<262144xi32, #tpu.memory_space<hbm>>, %arg11: memref<392x128xf32, #tpu.memory_space<hbm>>, %arg12: memref<100096x128xf32, #tpu.memory_space<hbm>>, %arg13: memref<100096x128xf32, #tpu.memory_space<hbm>>, %arg14: memref<100096x128xf32, #tpu.memory_space<hbm>>, %arg15: memref<2048xi32, #tpu.memory_space<vmem>>, %arg16: memref<2048xi32, #tpu.memory_space<vmem>>, %arg17: memref<2048xi32, #tpu.memory_space<vmem>>, %arg18: memref<2048xi32, #tpu.memory_space<vmem>>, %arg19: memref<4624xi32, #tpu.memory_space<vmem>>, %arg20: memref<256xi32, #tpu.memory_space<vmem>>, %arg21: memref<256xi32, #tpu.memory_space<vmem>>, %arg22: memref<256xi32, #tpu.memory_space<vmem>>, %arg23: memref<256xi32, #tpu.memory_space<vmem>>, %arg24: memref<256x128xf32, #tpu.memory_space<vmem>>, %arg25: memref<256x128xf32, #tpu.memory_space<vmem>>, %arg26: memref<6272x128xf32, #tpu.memory_space<vmem_shared>>, %arg27: memref<!tpu.dma_semaphore, #tpu.memory_space<semaphore_mem>>, %arg28: memref<!tpu.dma_semaphore, #tpu.memory_space<semaphore_mem>>, %arg29: memref<!tpu.dma_semaphore, #tpu.memory_space<semaphore_mem>>, %arg30: memref<!tpu.dma_semaphore, #tpu.memory_space<semaphore_mem>>) attributes {dimension_semantics = [#tpu.dimension_semantics<core_parallel>, #tpu.dimension_semantics<subcore_parallel>], iteration_bounds = array<i64: 2, 16>, scalar_prefetch = 0 : i64, scratch_operands = 16 : i64, tpu.core_type = #tpu.core_type<sc_vector_subcore>, window_params = [{transform_indices = #map}, {transform_indices = #map1}, {transform_indices = #map1}, {transform_indices = #map}, {transform_indices = #map1}, {transform_indices = #map1}, {transform_indices = #map}, {transform_indices = #map1}, {transform_indices = #map1}, {transform_indices = #map}, {transform_indices = #map}, {transform_indices = #map}, {transform_indices = #map}]} {
    %broadcast_in_dim3A = arith.constant 6256 : i32
    %broadcast_in_dim3A_0 = vector.broadcast %broadcast_in_dim3A : i32 to vector<16xi32>
    %broadcast_in_dim3A_1 = arith.constant 1 : i32
    %broadcast_in_dim3A_2 = vector.broadcast %broadcast_in_dim3A_1 : i32 to vector<16xi32>
    %mul3A = arith.constant 392 : i32
    %mul3A_3 = arith.muli %arg1, %mul3A : i32
    %mul3A_4 = arith.constant 32768 : i32
    %mul3A_5 = arith.muli %arg1, %mul3A_4 : i32
    %scan3A = arith.constant 0 : i32
    %scan3A_6 = arith.constant 0 : i32
    %scan3A_7 = arith.constant 8 : i32
    %scan3A_8 = arith.addi %scan3A_6, %scan3A_7 : i32
    %scan3A_9 = arith.constant 1 : i32
    %scan3A_10 = scf.for %scan3A_30 = %scan3A_6 to %scan3A_8 step %scan3A_9 iter_args(%scan3A_31 = %scan3A) -> (i32)  : i32 {
      %mul3A_32 = arith.constant 8 : i32
      %mul3A_33 = arith.muli %arg0, %mul3A_32 : i32
      %add3A = arith.addi %mul3A_33, %scan3A_30 : i32
      %mul3A_34 = arith.constant 6256 : i32
      %mul3A_35 = arith.muli %add3A, %mul3A_34 : i32
      %add3A_36 = arith.constant 6256 : i32
      %add3A_37 = arith.addi %mul3A_35, %add3A_36 : i32
      "tpu.region"() ({
        %run_scoped3A = tpu.sem_alloc : memref<!tpu.dma_semaphore, #tpu.memory_space<semaphore_mem>>
        %dma_start3A_103 = arith.constant 0 : i32
        %dma_start3A_104 = tpu.memref_slice %arg26[%mul3A_3, %dma_start3A_103] : memref<6272x128xf32, #tpu.memory_space<vmem_shared>> -> memref<392x128xf32, #tpu.memory_space<vmem_shared>>
        tpu.enqueue_dma source(%arg11 : memref<392x128xf32, #tpu.memory_space<hbm>>) target(%dma_start3A_104 : memref<392x128xf32, #tpu.memory_space<vmem_shared>>) target_semaphore(%run_scoped3A : memref<!tpu.dma_semaphore, #tpu.memory_space<semaphore_mem>>)
        %dma_wait3A = arith.constant 0 : i32
        %dma_wait3A_105 = tpu.memref_slice %arg26[%mul3A_3, %dma_wait3A] : memref<6272x128xf32, #tpu.memory_space<vmem_shared>> -> memref<392x128xf32, #tpu.memory_space<vmem_shared>>
        tpu.wait_dma2 semaphore(%run_scoped3A : memref<!tpu.dma_semaphore, #tpu.memory_space<semaphore_mem>>) src(%arg11 : memref<392x128xf32, #tpu.memory_space<hbm>>) dst(%dma_wait3A_105 : memref<392x128xf32, #tpu.memory_space<vmem_shared>>)
        tpu.yield
      }) : () -> ()
      %barrier3A = arith.constant 0 : index
      tpu.barrier barrier_id(%barrier3A)
      %add3A_38 = arith.constant 0 : i32
      %add3A_39 = arith.addi %mul3A_5, %add3A_38 : i32
      %add3A_40 = arith.constant 2048 : i32
      %add3A_41 = arith.addi %add3A_39, %add3A_40 : i32
      %dma_start3A = tpu.memref_slice %arg3[%add3A_39] : memref<524288xi32, #tpu.memory_space<hbm>> -> memref<2048xi32, #tpu.memory_space<hbm>>
      %dma_start3A_42 = tpu.memref_slice %arg3[%add3A_39] : memref<524288xi32, #tpu.memory_space<hbm>> -> memref<2048xi32, #tpu.memory_space<hbm>>
      tpu.enqueue_dma source(%dma_start3A_42 : memref<2048xi32, #tpu.memory_space<hbm>>) target(%arg15 : memref<2048xi32, #tpu.memory_space<vmem>>) target_semaphore(%arg27 : memref<!tpu.dma_semaphore, #tpu.memory_space<semaphore_mem>>)
      %dma_start3A_43 = tpu.memref_slice %arg4[%add3A_39] : memref<524288xi32, #tpu.memory_space<hbm>> -> memref<2048xi32, #tpu.memory_space<hbm>>
      %dma_start3A_44 = tpu.memref_slice %arg4[%add3A_39] : memref<524288xi32, #tpu.memory_space<hbm>> -> memref<2048xi32, #tpu.memory_space<hbm>>
      tpu.enqueue_dma source(%dma_start3A_44 : memref<2048xi32, #tpu.memory_space<hbm>>) target(%arg16 : memref<2048xi32, #tpu.memory_space<vmem>>) target_semaphore(%arg27 : memref<!tpu.dma_semaphore, #tpu.memory_space<semaphore_mem>>)
      %dma_start3A_45 = tpu.memref_slice %arg3[%add3A_41] : memref<524288xi32, #tpu.memory_space<hbm>> -> memref<2048xi32, #tpu.memory_space<hbm>>
      %dma_start3A_46 = tpu.memref_slice %arg3[%add3A_41] : memref<524288xi32, #tpu.memory_space<hbm>> -> memref<2048xi32, #tpu.memory_space<hbm>>
      tpu.enqueue_dma source(%dma_start3A_46 : memref<2048xi32, #tpu.memory_space<hbm>>) target(%arg17 : memref<2048xi32, #tpu.memory_space<vmem>>) target_semaphore(%arg28 : memref<!tpu.dma_semaphore, #tpu.memory_space<semaphore_mem>>)
      %dma_start3A_47 = tpu.memref_slice %arg4[%add3A_41] : memref<524288xi32, #tpu.memory_space<hbm>> -> memref<2048xi32, #tpu.memory_space<hbm>>
      %dma_start3A_48 = tpu.memref_slice %arg4[%add3A_41] : memref<524288xi32, #tpu.memory_space<hbm>> -> memref<2048xi32, #tpu.memory_space<hbm>>
      tpu.enqueue_dma source(%dma_start3A_48 : memref<2048xi32, #tpu.memory_space<hbm>>) target(%arg18 : memref<2048xi32, #tpu.memory_space<vmem>>) target_semaphore(%arg28 : memref<!tpu.dma_semaphore, #tpu.memory_space<semaphore_mem>>)
      %scan3A_49 = arith.constant 0 : i32
      %scan3A_50 = arith.constant 0 : i32
      %scan3A_51 = arith.constant 8 : i32
      %scan3A_52 = arith.addi %scan3A_50, %scan3A_51 : i32
      %scan3A_53 = arith.constant 1 : i32
      %scan3A_54 = scf.for %scan3A_103 = %scan3A_50 to %scan3A_52 step %scan3A_53 iter_args(%scan3A_104 = %scan3A_49) -> (i32)  : i32 {
        %dma_wait3A = tpu.memref_slice %arg3[%mul3A_5] : memref<524288xi32, #tpu.memory_space<hbm>> -> memref<2048xi32, #tpu.memory_space<hbm>>
        %dma_wait3A_105 = tpu.memref_slice %arg3[%mul3A_5] : memref<524288xi32, #tpu.memory_space<hbm>> -> memref<2048xi32, #tpu.memory_space<hbm>>
        tpu.wait_dma2 semaphore(%arg27 : memref<!tpu.dma_semaphore, #tpu.memory_space<semaphore_mem>>) src(%dma_wait3A_105 : memref<2048xi32, #tpu.memory_space<hbm>>) dst(%arg15 : memref<2048xi32, #tpu.memory_space<vmem>>)
        %dma_wait3A_106 = tpu.memref_slice %arg3[%mul3A_5] : memref<524288xi32, #tpu.memory_space<hbm>> -> memref<2048xi32, #tpu.memory_space<hbm>>
        %dma_wait3A_107 = tpu.memref_slice %arg3[%mul3A_5] : memref<524288xi32, #tpu.memory_space<hbm>> -> memref<2048xi32, #tpu.memory_space<hbm>>
        tpu.wait_dma2 semaphore(%arg27 : memref<!tpu.dma_semaphore, #tpu.memory_space<semaphore_mem>>) src(%dma_wait3A_107 : memref<2048xi32, #tpu.memory_space<hbm>>) dst(%arg16 : memref<2048xi32, #tpu.memory_space<vmem>>)
        %scan3A_108 = arith.constant 0 : i32
        %scan3A_109 = arith.constant 128 : i32
        %scan3A_110 = arith.addi %scan3A_108, %scan3A_109 : i32
        %scan3A_111 = arith.constant 1 : i32
        %scan3A_112 = scf.for %scan3A_177 = %scan3A_108 to %scan3A_110 step %scan3A_111 iter_args(%scan3A_178 = %scan3A_104) -> (i32)  : i32 {
          %mul3A_179 = arith.constant 16 : i32
          %mul3A_180 = arith.muli %scan3A_177, %mul3A_179 : i32
          %get3A = arith.index_cast %mul3A_180 : i32 to index
          %get3A_181 = tpu.vector_load %arg16[%get3A] {strides = array<i32>} : memref<2048xi32, #tpu.memory_space<vmem>>, vector<16xi32>,
          %mul3A_182 = arith.constant 16 : i32
          %mul3A_183 = arith.muli %scan3A_177, %mul3A_182 : i32
          %get3A_184 = arith.index_cast %mul3A_183 : i32 to index
          %get3A_185 = tpu.vector_load %arg15[%get3A_184] {strides = array<i32>} : memref<2048xi32, #tpu.memory_space<vmem>>, vector<16xi32>,
          %ge3A = vector.broadcast %mul3A_35 : i32 to vector<16xi32>
          %ge3A_186 = arith.cmpi sge, %get3A_181, %ge3A : vector<16xi32>
          %lt3A_187 = vector.broadcast %add3A_37 : i32 to vector<16xi32>
          %lt3A_188 = arith.cmpi slt, %get3A_181, %lt3A_187 : vector<16xi32>
          %and3A_189 = arith.andi %ge3A_186, %lt3A_188 : vector<16xi1>
          %masked_cumsum3A = tpu.scan <sum>, %broadcast_in_dim3A_2 masked %and3A_189 : vector<16xi32>, vector<16xi1> -> vector<16xi32>
          %sub3A_190 = arith.constant 1 : i32
          %sub3A_191 = arith.subi %scan3A_178, %sub3A_190 : i32
          %add3A_192 = vector.broadcast %sub3A_191 : i32 to vector<16xi32>
          %add3A_193 = arith.addi %masked_cumsum3A, %add3A_192 : vector<16xi32>
          %mul3A_194 = arith.constant 16384 : i32
          %mul3A_195 = vector.broadcast %mul3A_194 : i32 to vector<16xi32>
          %mul3A_196 = arith.muli %get3A_185, %mul3A_195 : vector<16xi32>
          %sub3A_197 = vector.broadcast %mul3A_35 : i32 to vector<16xi32>
          %sub3A_198 = arith.subi %get3A_181, %sub3A_197 : vector<16xi32>
          %add3A_199 = arith.addi %mul3A_196, %sub3A_198 : vector<16xi32>
          tpu.vector_store_idx %arg19[%add3A_193], %add3A_199 masked %and3A_189 : memref<4624xi32, #tpu.memory_space<vmem>>[vector<16xi32>], vector<16xi32>, vector<16xi1>
          %all_reduce_population_count3A = tpu.all_reduce %and3A_189 {dim = 0 : i64, kind = #tpu.reduction_kind<sum>} : vector<16xi1> -> vector<16xi32>
          %slice3A = vector.extract_strided_slice %all_reduce_population_count3A {offsets = [0], sizes = [1], strides = [1]} : vector<16xi32> to vector<1xi32>
          %squeeze3A = vector.extract %slice3A[0] : i32 from vector<1xi32>
          %add3A_200 = arith.addi %scan3A_178, %squeeze3A : i32
          scf.yield %add3A_200 : i32
        }
        %scan3A_113 = arith.constant 128 : i32
        %dma_wait3A_114 = tpu.memref_slice %arg3[%mul3A_5] : memref<524288xi32, #tpu.memory_space<hbm>> -> memref<2048xi32, #tpu.memory_space<hbm>>
        %dma_wait3A_115 = tpu.memref_slice %arg3[%mul3A_5] : memref<524288xi32, #tpu.memory_space<hbm>> -> memref<2048xi32, #tpu.memory_space<hbm>>
        tpu.wait_dma2 semaphore(%arg28 : memref<!tpu.dma_semaphore, #tpu.memory_space<semaphore_mem>>) src(%dma_wait3A_115 : memref<2048xi32, #tpu.memory_space<hbm>>) dst(%arg17 : memref<2048xi32, #tpu.memory_space<vmem>>)
        %dma_wait3A_116 = tpu.memref_slice %arg3[%mul3A_5] : memref<524288xi32, #tpu.memory_space<hbm>> -> memref<2048xi32, #tpu.memory_space<hbm>>
        %dma_wait3A_117 = tpu.memref_slice %arg3[%mul3A_5] : memref<524288xi32, #tpu.memory_space<hbm>> -> memref<2048xi32, #tpu.memory_space<hbm>>
        tpu.wait_dma2 semaphore(%arg28 : memref<!tpu.dma_semaphore, #tpu.memory_space<semaphore_mem>>) src(%dma_wait3A_117 : memref<2048xi32, #tpu.memory_space<hbm>>) dst(%arg18 : memref<2048xi32, #tpu.memory_space<vmem>>)
        %scan3A_118 = arith.constant 0 : i32
        %scan3A_119 = arith.constant 128 : i32
        %scan3A_120 = arith.addi %scan3A_118, %scan3A_119 : i32
        %scan3A_121 = arith.constant 1 : i32
        %scan3A_122 = scf.for %scan3A_177 = %scan3A_118 to %scan3A_120 step %scan3A_121 iter_args(%scan3A_178 = %scan3A_112) -> (i32)  : i32 {
          %mul3A_179 = arith.constant 16 : i32
          %mul3A_180 = arith.muli %scan3A_177, %mul3A_179 : i32
          %get3A = arith.index_cast %mul3A_180 : i32 to index
          %get3A_181 = tpu.vector_load %arg18[%get3A] {strides = array<i32>} : memref<2048xi32, #tpu.memory_space<vmem>>, vector<16xi32>,
          %mul3A_182 = arith.constant 16 : i32
          %mul3A_183 = arith.muli %scan3A_177, %mul3A_182 : i32
          %get3A_184 = arith.index_cast %mul3A_183 : i32 to index
          %get3A_185 = tpu.vector_load %arg17[%get3A_184] {strides = array<i32>} : memref<2048xi32, #tpu.memory_space<vmem>>, vector<16xi32>,
          %ge3A = vector.broadcast %mul3A_35 : i32 to vector<16xi32>
          %ge3A_186 = arith.cmpi sge, %get3A_181, %ge3A : vector<16xi32>
          %lt3A_187 = vector.broadcast %add3A_37 : i32 to vector<16xi32>
          %lt3A_188 = arith.cmpi slt, %get3A_181, %lt3A_187 : vector<16xi32>
          %and3A_189 = arith.andi %ge3A_186, %lt3A_188 : vector<16xi1>
          %masked_cumsum3A = tpu.scan <sum>, %broadcast_in_dim3A_2 masked %and3A_189 : vector<16xi32>, vector<16xi1> -> vector<16xi32>
          %sub3A_190 = arith.constant 1 : i32
          %sub3A_191 = arith.subi %scan3A_178, %sub3A_190 : i32
          %add3A_192 = vector.broadcast %sub3A_191 : i32 to vector<16xi32>
          %add3A_193 = arith.addi %masked_cumsum3A, %add3A_192 : vector<16xi32>
          %mul3A_194 = arith.constant 16384 : i32
          %mul3A_195 = vector.broadcast %mul3A_194 : i32 to vector<16xi32>
          %mul3A_196 = arith.muli %get3A_185, %mul3A_195 : vector<16xi32>
          %sub3A_197 = vector.broadcast %mul3A_35 : i32 to vector<16xi32>
          %sub3A_198 = arith.subi %get3A_181, %sub3A_197 : vector<16xi32>
          %add3A_199 = arith.addi %mul3A_196, %sub3A_198 : vector<16xi32>
          tpu.vector_store_idx %arg19[%add3A_193], %add3A_199 masked %and3A_189 : memref<4624xi32, #tpu.memory_space<vmem>>[vector<16xi32>], vector<16xi32>, vector<16xi1>
          %all_reduce_population_count3A = tpu.all_reduce %and3A_189 {dim = 0 : i64, kind = #tpu.reduction_kind<sum>} : vector<16xi1> -> vector<16xi32>
          %slice3A = vector.extract_strided_slice %all_reduce_population_count3A {offsets = [0], sizes = [1], strides = [1]} : vector<16xi32> to vector<1xi32>
          %squeeze3A = vector.extract %slice3A[0] : i32 from vector<1xi32>
          %add3A_200 = arith.addi %scan3A_178, %squeeze3A : i32
          scf.yield %add3A_200 : i32
        }
        %scan3A_123 = arith.constant 128 : i32
        %add3A_124 = arith.constant 1 : i32
        %add3A_125 = arith.addi %scan3A_103, %add3A_124 : i32
        %lt3A_126 = arith.constant 8 : i32
        %lt3A_127 = arith.cmpi slt, %add3A_125, %lt3A_126 : i32
        %convert_element_type3A_128 = arith.extui %lt3A_127 : i1 to i32
        %cond3A_129 = arith.constant 0 : i32
        %cond3A_130 = arith.cmpi ne, %convert_element_type3A_128, %cond3A_129 : i32
        scf.if %cond3A_130 {
          %add3A_177 = arith.constant 1 : i32
          %add3A_178 = arith.addi %scan3A_103, %add3A_177 : i32
          %mul3A_179 = arith.constant 2 : i32
          %mul3A_180 = arith.muli %mul3A_179, %add3A_178 : i32
          %mul3A_181 = arith.constant 2048 : i32
          %mul3A_182 = arith.muli %mul3A_180, %mul3A_181 : i32
          %add3A_183 = arith.addi %mul3A_5, %mul3A_182 : i32
          %add3A_184 = arith.constant 2048 : i32
          %add3A_185 = arith.addi %add3A_183, %add3A_184 : i32
          %dma_start3A_186 = tpu.memref_slice %arg3[%add3A_183] : memref<524288xi32, #tpu.memory_space<hbm>> -> memref<2048xi32, #tpu.memory_space<hbm>>
          %dma_start3A_187 = tpu.memref_slice %arg3[%add3A_183] : memref<524288xi32, #tpu.memory_space<hbm>> -> memref<2048xi32, #tpu.memory_space<hbm>>
          tpu.enqueue_dma source(%dma_start3A_187 : memref<2048xi32, #tpu.memory_space<hbm>>) target(%arg15 : memref<2048xi32, #tpu.memory_space<vmem>>) target_semaphore(%arg27 : memref<!tpu.dma_semaphore, #tpu.memory_space<semaphore_mem>>)
          %dma_start3A_188 = tpu.memref_slice %arg4[%add3A_183] : memref<524288xi32, #tpu.memory_space<hbm>> -> memref<2048xi32, #tpu.memory_space<hbm>>
          %dma_start3A_189 = tpu.memref_slice %arg4[%add3A_183] : memref<524288xi32, #tpu.memory_space<hbm>> -> memref<2048xi32, #tpu.memory_space<hbm>>
          tpu.enqueue_dma source(%dma_start3A_189 : memref<2048xi32, #tpu.memory_space<hbm>>) target(%arg16 : memref<2048xi32, #tpu.memory_space<vmem>>) target_semaphore(%arg27 : memref<!tpu.dma_semaphore, #tpu.memory_space<semaphore_mem>>)
          %dma_start3A_190 = tpu.memref_slice %arg3[%add3A_185] : memref<524288xi32, #tpu.memory_space<hbm>> -> memref<2048xi32, #tpu.memory_space<hbm>>
          %dma_start3A_191 = tpu.memref_slice %arg3[%add3A_185] : memref<524288xi32, #tpu.memory_space<hbm>> -> memref<2048xi32, #tpu.memory_space<hbm>>
          tpu.enqueue_dma source(%dma_start3A_191 : memref<2048xi32, #tpu.memory_space<hbm>>) target(%arg17 : memref<2048xi32, #tpu.memory_space<vmem>>) target_semaphore(%arg28 : memref<!tpu.dma_semaphore, #tpu.memory_space<semaphore_mem>>)
          %dma_start3A_192 = tpu.memref_slice %arg4[%add3A_185] : memref<524288xi32, #tpu.memory_space<hbm>> -> memref<2048xi32, #tpu.memory_space<hbm>>
          %dma_start3A_193 = tpu.memref_slice %arg4[%add3A_185] : memref<524288xi32, #tpu.memory_space<hbm>> -> memref<2048xi32, #tpu.memory_space<hbm>>
          tpu.enqueue_dma source(%dma_start3A_193 : memref<2048xi32, #tpu.memory_space<hbm>>) target(%arg18 : memref<2048xi32, #tpu.memory_space<vmem>>) target_semaphore(%arg28 : memref<!tpu.dma_semaphore, #tpu.memory_space<semaphore_mem>>)
        } else {
        }
        %jit3A_131 = arith.constant 512 : i32
        %div3A_132 = arith.divsi %scan3A_122, %jit3A_131 : i32
        %sign3A_133 = arith.constant 0 : i32
        %sign3A_134 = arith.cmpi sgt, %scan3A_122, %sign3A_133 : i32
        %sign3A_135 = arith.extui %sign3A_134 : i1 to i32
        %sign3A_136 = arith.constant 0 : i32
        %sign3A_137 = arith.cmpi slt, %scan3A_122, %sign3A_136 : i32
        %sign3A_138 = arith.extui %sign3A_137 : i1 to i32
        %sign3A_139 = arith.subi %sign3A_135, %sign3A_138 : i32
        %sign3A_140 = arith.constant 0 : i32
        %sign3A_141 = arith.cmpi sgt, %jit3A_131, %sign3A_140 : i32
        %sign3A_142 = arith.extui %sign3A_141 : i1 to i32
        %sign3A_143 = arith.constant 0 : i32
        %sign3A_144 = arith.cmpi slt, %jit3A_131, %sign3A_143 : i32
        %sign3A_145 = arith.extui %sign3A_144 : i1 to i32
        %sign3A_146 = arith.subi %sign3A_142, %sign3A_145 : i32
        %ne3A_147 = arith.cmpi ne, %sign3A_139, %sign3A_146 : i32
        %rem3A_148 = arith.remsi %scan3A_122, %jit3A_131 : i32
        %ne3A_149 = arith.constant 0 : i32
        %ne3A_150 = arith.cmpi ne, %rem3A_148, %ne3A_149 : i32
        %and3A_151 = arith.andi %ne3A_147, %ne3A_150 : i1
        %sub3A_152 = arith.constant 1 : i32
        %sub3A_153 = arith.subi %div3A_132, %sub3A_152 : i32
        %select_n3A_154 = arith.select %and3A_151, %sub3A_153, %div3A_132 : i32
        %while3A_155 = arith.constant 0 : i32
        %while3A_156 = arith.constant 0 : i32
        %while3A_157 = arith.subi %select_n3A_154, %while3A_155 : i32
        %while3A_158 = arith.addi %while3A_155, %while3A_157 : i32
        %while3A_159 = arith.constant 1 : i32
        %while3A_160 = arith.divsi %while3A_157, %while3A_159 : i32
        %while3A_161 = arith.muli %while3A_160, %while3A_159 : i32
        %while3A_162 = arith.addi %while3A_155, %while3A_161 : i32
        %while3A_163 = arith.constant 1 : i32
        %while3A_164 = scf.for %while3A_177 = %while3A_155 to %while3A_162 step %while3A_163 iter_args(%while3A_178 = %while3A_156) -> (i32)  : i32 {
          %mul3A_179 = arith.constant 512 : i32
          %mul3A_180 = arith.muli %while3A_177, %mul3A_179 : i32
          %scan3A_181 = arith.constant 0 : i32
          %scan3A_182 = arith.constant 0 : i32
          %scan3A_183 = arith.constant 16 : i32
          %scan3A_184 = arith.addi %scan3A_182, %scan3A_183 : i32
          %scan3A_185 = arith.constant 1 : i32
          %scan3A_186 = scf.for %scan3A_208 = %scan3A_182 to %scan3A_184 step %scan3A_185 iter_args(%scan3A_209 = %scan3A_181) -> (i32)  : i32 {
            %add3A_210 = arith.constant 0 : i32
            %add3A_211 = arith.addi %mul3A_180, %add3A_210 : i32
            %mul3A_212 = arith.constant 16 : i32
            %mul3A_213 = arith.muli %scan3A_208, %mul3A_212 : i32
            %add3A_214 = arith.addi %add3A_211, %mul3A_213 : i32
            %get3A = arith.index_cast %add3A_214 : i32 to index
            %get3A_215 = tpu.vector_load %arg19[%get3A] {strides = array<i32>} : memref<4624xi32, #tpu.memory_space<vmem>>, vector<16xi32>,
            %shift_right_arithmetic3A = arith.constant 14 : i32
            %shift_right_arithmetic3A_216 = vector.broadcast %shift_right_arithmetic3A : i32 to vector<16xi32>
            %shift_right_arithmetic3A_217 = arith.shrsi %get3A_215, %shift_right_arithmetic3A_216 : vector<16xi32>
            %mul3A_218 = arith.constant 16 : i32
            %mul3A_219 = arith.muli %scan3A_208, %mul3A_218 : i32
            %swap3A = arith.index_cast %mul3A_219 : i32 to index
            %swap3A_220 = tpu.vector_load %arg20[%swap3A] {strides = array<i32>} : memref<256xi32, #tpu.memory_space<vmem>>, vector<16xi32>,
            tpu.vector_store %arg20[%swap3A], %shift_right_arithmetic3A_217 {strides = array<i32>} : memref<256xi32, #tpu.memory_space<vmem>>, vector<16xi32>,
            %and3A_221 = arith.constant 16383 : i32
            %and3A_222 = vector.broadcast %and3A_221 : i32 to vector<16xi32>
            %and3A_223 = arith.andi %get3A_215, %and3A_222 : vector<16xi32>
            %mul3A_224 = arith.constant 16 : i32
            %mul3A_225 = arith.muli %scan3A_208, %mul3A_224 : i32
            %swap3A_226 = arith.index_cast %mul3A_225 : i32 to index
            %swap3A_227 = tpu.vector_load %arg22[%swap3A_226] {strides = array<i32>} : memref<256xi32, #tpu.memory_space<vmem>>, vector<16xi32>,
            tpu.vector_store %arg22[%swap3A_226], %and3A_223 {strides = array<i32>} : memref<256xi32, #tpu.memory_space<vmem>>, vector<16xi32>,
            %scan3A_228 = arith.constant 0 : i32
            scf.yield %scan3A_228 : i32
          }
          %scan3A_187 = arith.constant 16 : i32
          %dma_start3A_188 = arith.constant 0 : i32
          %dma_start3A_189 = arith.constant 0 : i32
          %dma_start3A_190 = tpu.memref_slice %arg2[%dma_start3A_188, %dma_start3A_189] : memref<100000x128xf32, #tpu.memory_space<hbm>> -> memref<100000x128xf32, #tpu.memory_space<hbm>>
          tpu.enqueue_indirect_dma source(%dma_start3A_190 : memref<100000x128xf32, #tpu.memory_space<hbm>>) target(%arg24 : memref<256x128xf32, #tpu.memory_space<vmem>>) offsets(%arg20 : memref<256xi32, #tpu.memory_space<vmem>>) semaphore(%arg29 : memref<!tpu.dma_semaphore, #tpu.memory_space<semaphore_mem>>)
          %scan3A_191 = arith.constant 0 : i32
          %scan3A_192 = arith.constant 0 : i32
          %scan3A_193 = arith.constant 16 : i32
          %scan3A_194 = arith.addi %scan3A_192, %scan3A_193 : i32
          %scan3A_195 = arith.constant 1 : i32
          %scan3A_196 = scf.for %scan3A_208 = %scan3A_192 to %scan3A_194 step %scan3A_195 iter_args(%scan3A_209 = %scan3A_191) -> (i32)  : i32 {
            %add3A_210 = arith.constant 256 : i32
            %add3A_211 = arith.addi %mul3A_180, %add3A_210 : i32
            %mul3A_212 = arith.constant 16 : i32
            %mul3A_213 = arith.muli %scan3A_208, %mul3A_212 : i32
            %add3A_214 = arith.addi %add3A_211, %mul3A_213 : i32
            %get3A = arith.index_cast %add3A_214 : i32 to index
            %get3A_215 = tpu.vector_load %arg19[%get3A] {strides = array<i32>} : memref<4624xi32, #tpu.memory_space<vmem>>, vector<16xi32>,
            %shift_right_arithmetic3A = arith.constant 14 : i32
            %shift_right_arithmetic3A_216 = vector.broadcast %shift_right_arithmetic3A : i32 to vector<16xi32>
            %shift_right_arithmetic3A_217 = arith.shrsi %get3A_215, %shift_right_arithmetic3A_216 : vector<16xi32>
            %mul3A_218 = arith.constant 16 : i32
            %mul3A_219 = arith.muli %scan3A_208, %mul3A_218 : i32
            %swap3A = arith.index_cast %mul3A_219 : i32 to index
            %swap3A_220 = tpu.vector_load %arg21[%swap3A] {strides = array<i32>} : memref<256xi32, #tpu.memory_space<vmem>>, vector<16xi32>,
            tpu.vector_store %arg21[%swap3A], %shift_right_arithmetic3A_217 {strides = array<i32>} : memref<256xi32, #tpu.memory_space<vmem>>, vector<16xi32>,
            %and3A_221 = arith.constant 16383 : i32
            %and3A_222 = vector.broadcast %and3A_221 : i32 to vector<16xi32>
            %and3A_223 = arith.andi %get3A_215, %and3A_222 : vector<16xi32>
            %mul3A_224 = arith.constant 16 : i32
            %mul3A_225 = arith.muli %scan3A_208, %mul3A_224 : i32
            %swap3A_226 = arith.index_cast %mul3A_225 : i32 to index
            %swap3A_227 = tpu.vector_load %arg23[%swap3A_226] {strides = array<i32>} : memref<256xi32, #tpu.memory_space<vmem>>, vector<16xi32>,
            tpu.vector_store %arg23[%swap3A_226], %and3A_223 {strides = array<i32>} : memref<256xi32, #tpu.memory_space<vmem>>, vector<16xi32>,
            %scan3A_228 = arith.constant 0 : i32
            scf.yield %scan3A_228 : i32
          }
          %scan3A_197 = arith.constant 16 : i32
          %dma_start3A_198 = arith.constant 0 : i32
          %dma_start3A_199 = arith.constant 0 : i32
          %dma_start3A_200 = tpu.memref_slice %arg2[%dma_start3A_198, %dma_start3A_199] : memref<100000x128xf32, #tpu.memory_space<hbm>> -> memref<100000x128xf32, #tpu.memory_space<hbm>>
          tpu.enqueue_indirect_dma source(%dma_start3A_200 : memref<100000x128xf32, #tpu.memory_space<hbm>>) target(%arg25 : memref<256x128xf32, #tpu.memory_space<vmem>>) offsets(%arg21 : memref<256xi32, #tpu.memory_space<vmem>>) semaphore(%arg30 : memref<!tpu.dma_semaphore, #tpu.memory_space<semaphore_mem>>)
          %dma_wait3A_201 = arith.constant 0 : i32
          %dma_wait3A_202 = arith.constant 0 : i32
          %dma_wait3A_203 = tpu.memref_slice %arg2[%dma_wait3A_201, %dma_wait3A_202] : memref<100000x128xf32, #tpu.memory_space<hbm>> -> memref<100000x128xf32, #tpu.memory_space<hbm>>
          tpu.wait_indirect_dma semaphore(%arg29 : memref<!tpu.dma_semaphore, #tpu.memory_space<semaphore_mem>>) src(%dma_wait3A_203 : memref<100000x128xf32, #tpu.memory_space<hbm>>) dst(%arg24 : memref<256x128xf32, #tpu.memory_space<vmem>>)
          "tpu.region"() ({
            %run_scoped3A = tpu.sem_alloc : memref<!tpu.dma_semaphore, #tpu.memory_space<semaphore_mem>>
            %dma_start3A_208 = arith.constant 0 : i32
            %dma_start3A_209 = arith.constant 0 : i32
            %dma_start3A_210 = tpu.memref_slice %arg26[%dma_start3A_208, %dma_start3A_209] : memref<6272x128xf32, #tpu.memory_space<vmem_shared>> -> memref<6272x128xf32, #tpu.memory_space<vmem_shared>>
            tpu.enqueue_indirect_dma source(%arg24 : memref<256x128xf32, #tpu.memory_space<vmem>>) target(%dma_start3A_210 : memref<6272x128xf32, #tpu.memory_space<vmem_shared>>) offsets(%arg22 : memref<256xi32, #tpu.memory_space<vmem>>) semaphore(%run_scoped3A : memref<!tpu.dma_semaphore, #tpu.memory_space<semaphore_mem>>) {add = true}
            %dma_wait3A_211 = arith.constant 0 : i32
            %dma_wait3A_212 = arith.constant 0 : i32
            %dma_wait3A_213 = tpu.memref_slice %arg26[%dma_wait3A_211, %dma_wait3A_212] : memref<6272x128xf32, #tpu.memory_space<vmem_shared>> -> memref<6272x128xf32, #tpu.memory_space<vmem_shared>>
            tpu.wait_indirect_dma semaphore(%run_scoped3A : memref<!tpu.dma_semaphore, #tpu.memory_space<semaphore_mem>>) src(%arg24 : memref<256x128xf32, #tpu.memory_space<vmem>>) dst(%dma_wait3A_213 : memref<6272x128xf32, #tpu.memory_space<vmem_shared>>)
            tpu.yield
          }) : () -> ()
          %dma_wait3A_204 = arith.constant 0 : i32
          %dma_wait3A_205 = arith.constant 0 : i32
          %dma_wait3A_206 = tpu.memref_slice %arg2[%dma_wait3A_204, %dma_wait3A_205] : memref<100000x128xf32, #tpu.memory_space<hbm>> -> memref<100000x128xf32, #tpu.memory_space<hbm>>
          tpu.wait_indirect_dma semaphore(%arg30 : memref<!tpu.dma_semaphore, #tpu.memory_space<semaphore_mem>>) src(%dma_wait3A_206 : memref<100000x128xf32, #tpu.memory_space<hbm>>) dst(%arg25 : memref<256x128xf32, #tpu.memory_space<vmem>>)
          "tpu.region"() ({
            %run_scoped3A = tpu.sem_alloc : memref<!tpu.dma_semaphore, #tpu.memory_space<semaphore_mem>>
            %dma_start3A_208 = arith.constant 0 : i32
            %dma_start3A_209 = arith.constant 0 : i32
            %dma_start3A_210 = tpu.memref_slice %arg26[%dma_start3A_208, %dma_start3A_209] : memref<6272x128xf32, #tpu.memory_space<vmem_shared>> -> memref<6272x128xf32, #tpu.memory_space<vmem_shared>>
            tpu.enqueue_indirect_dma source(%arg25 : memref<256x128xf32, #tpu.memory_space<vmem>>) target(%dma_start3A_210 : memref<6272x128xf32, #tpu.memory_space<vmem_shared>>) offsets(%arg23 : memref<256xi32, #tpu.memory_space<vmem>>) semaphore(%run_scoped3A : memref<!tpu.dma_semaphore, #tpu.memory_space<semaphore_mem>>) {add = true}
            %dma_wait3A_211 = arith.constant 0 : i32
            %dma_wait3A_212 = arith.constant 0 : i32
            %dma_wait3A_213 = tpu.memref_slice %arg26[%dma_wait3A_211, %dma_wait3A_212] : memref<6272x128xf32, #tpu.memory_space<vmem_shared>> -> memref<6272x128xf32, #tpu.memory_space<vmem_shared>>
            tpu.wait_indirect_dma semaphore(%run_scoped3A : memref<!tpu.dma_semaphore, #tpu.memory_space<semaphore_mem>>) src(%arg25 : memref<256x128xf32, #tpu.memory_space<vmem>>) dst(%dma_wait3A_213 : memref<6272x128xf32, #tpu.memory_space<vmem_shared>>)
            tpu.yield
          }) : () -> ()
          %while3A_207 = arith.constant 0 : i32
          scf.yield %while3A_207 : i32
        }
        %while3A_165 = arith.constant 1 : i32
        %while3A_166 = scf.for %while3A_177 = %while3A_162 to %while3A_158 step %while3A_165 iter_args(%while3A_178 = %while3A_164) -> (i32)  : i32 {
          %mul3A_179 = arith.constant 512 : i32
          %mul3A_180 = arith.muli %while3A_177, %mul3A_179 : i32
          %scan3A_181 = arith.constant 0 : i32
          %scan3A_182 = arith.constant 0 : i32
          %scan3A_183 = arith.constant 16 : i32
          %scan3A_184 = arith.addi %scan3A_182, %scan3A_183 : i32
          %scan3A_185 = arith.constant 1 : i32
          %scan3A_186 = scf.for %scan3A_208 = %scan3A_182 to %scan3A_184 step %scan3A_185 iter_args(%scan3A_209 = %scan3A_181) -> (i32)  : i32 {
            %add3A_210 = arith.constant 0 : i32
            %add3A_211 = arith.addi %mul3A_180, %add3A_210 : i32
            %mul3A_212 = arith.constant 16 : i32
            %mul3A_213 = arith.muli %scan3A_208, %mul3A_212 : i32
            %add3A_214 = arith.addi %add3A_211, %mul3A_213 : i32
            %get3A = arith.index_cast %add3A_214 : i32 to index
            %get3A_215 = tpu.vector_load %arg19[%get3A] {strides = array<i32>} : memref<4624xi32, #tpu.memory_space<vmem>>, vector<16xi32>,
            %shift_right_arithmetic3A = arith.constant 14 : i32
            %shift_right_arithmetic3A_216 = vector.broadcast %shift_right_arithmetic3A : i32 to vector<16xi32>
            %shift_right_arithmetic3A_217 = arith.shrsi %get3A_215, %shift_right_arithmetic3A_216 : vector<16xi32>
            %mul3A_218 = arith.constant 16 : i32
            %mul3A_219 = arith.muli %scan3A_208, %mul3A_218 : i32
            %swap3A = arith.index_cast %mul3A_219 : i32 to index
            %swap3A_220 = tpu.vector_load %arg20[%swap3A] {strides = array<i32>} : memref<256xi32, #tpu.memory_space<vmem>>, vector<16xi32>,
            tpu.vector_store %arg20[%swap3A], %shift_right_arithmetic3A_217 {strides = array<i32>} : memref<256xi32, #tpu.memory_space<vmem>>, vector<16xi32>,
            %and3A_221 = arith.constant 16383 : i32
            %and3A_222 = vector.broadcast %and3A_221 : i32 to vector<16xi32>
            %and3A_223 = arith.andi %get3A_215, %and3A_222 : vector<16xi32>
            %mul3A_224 = arith.constant 16 : i32
            %mul3A_225 = arith.muli %scan3A_208, %mul3A_224 : i32
            %swap3A_226 = arith.index_cast %mul3A_225 : i32 to index
            %swap3A_227 = tpu.vector_load %arg22[%swap3A_226] {strides = array<i32>} : memref<256xi32, #tpu.memory_space<vmem>>, vector<16xi32>,
            tpu.vector_store %arg22[%swap3A_226], %and3A_223 {strides = array<i32>} : memref<256xi32, #tpu.memory_space<vmem>>, vector<16xi32>,
            %scan3A_228 = arith.constant 0 : i32
            scf.yield %scan3A_228 : i32
          }
          %scan3A_187 = arith.constant 16 : i32
          %dma_start3A_188 = arith.constant 0 : i32
          %dma_start3A_189 = arith.constant 0 : i32
          %dma_start3A_190 = tpu.memref_slice %arg2[%dma_start3A_188, %dma_start3A_189] : memref<100000x128xf32, #tpu.memory_space<hbm>> -> memref<100000x128xf32, #tpu.memory_space<hbm>>
          tpu.enqueue_indirect_dma source(%dma_start3A_190 : memref<100000x128xf32, #tpu.memory_space<hbm>>) target(%arg24 : memref<256x128xf32, #tpu.memory_space<vmem>>) offsets(%arg20 : memref<256xi32, #tpu.memory_space<vmem>>) semaphore(%arg29 : memref<!tpu.dma_semaphore, #tpu.memory_space<semaphore_mem>>)
          %scan3A_191 = arith.constant 0 : i32
          %scan3A_192 = arith.constant 0 : i32
          %scan3A_193 = arith.constant 16 : i32
          %scan3A_194 = arith.addi %scan3A_192, %scan3A_193 : i32
          %scan3A_195 = arith.constant 1 : i32
          %scan3A_196 = scf.for %scan3A_208 = %scan3A_192 to %scan3A_194 step %scan3A_195 iter_args(%scan3A_209 = %scan3A_191) -> (i32)  : i32 {
            %add3A_210 = arith.constant 256 : i32
            %add3A_211 = arith.addi %mul3A_180, %add3A_210 : i32
            %mul3A_212 = arith.constant 16 : i32
            %mul3A_213 = arith.muli %scan3A_208, %mul3A_212 : i32
            %add3A_214 = arith.addi %add3A_211, %mul3A_213 : i32
            %get3A = arith.index_cast %add3A_214 : i32 to index
            %get3A_215 = tpu.vector_load %arg19[%get3A] {strides = array<i32>} : memref<4624xi32, #tpu.memory_space<vmem>>, vector<16xi32>,
            %shift_right_arithmetic3A = arith.constant 14 : i32
            %shift_right_arithmetic3A_216 = vector.broadcast %shift_right_arithmetic3A : i32 to vector<16xi32>
            %shift_right_arithmetic3A_217 = arith.shrsi %get3A_215, %shift_right_arithmetic3A_216 : vector<16xi32>
            %mul3A_218 = arith.constant 16 : i32
            %mul3A_219 = arith.muli %scan3A_208, %mul3A_218 : i32
            %swap3A = arith.index_cast %mul3A_219 : i32 to index
            %swap3A_220 = tpu.vector_load %arg21[%swap3A] {strides = array<i32>} : memref<256xi32, #tpu.memory_space<vmem>>, vector<16xi32>,
            tpu.vector_store %arg21[%swap3A], %shift_right_arithmetic3A_217 {strides = array<i32>} : memref<256xi32, #tpu.memory_space<vmem>>, vector<16xi32>,
            %and3A_221 = arith.constant 16383 : i32
            %and3A_222 = vector.broadcast %and3A_221 : i32 to vector<16xi32>
            %and3A_223 = arith.andi %get3A_215, %and3A_222 : vector<16xi32>
            %mul3A_224 = arith.constant 16 : i32
            %mul3A_225 = arith.muli %scan3A_208, %mul3A_224 : i32
            %swap3A_226 = arith.index_cast %mul3A_225 : i32 to index
            %swap3A_227 = tpu.vector_load %arg23[%swap3A_226] {strides = array<i32>} : memref<256xi32, #tpu.memory_space<vmem>>, vector<16xi32>,
            tpu.vector_store %arg23[%swap3A_226], %and3A_223 {strides = array<i32>} : memref<256xi32, #tpu.memory_space<vmem>>, vector<16xi32>,
            %scan3A_228 = arith.constant 0 : i32
            scf.yield %scan3A_228 : i32
          }
          %scan3A_197 = arith.constant 16 : i32
          %dma_start3A_198 = arith.constant 0 : i32
          %dma_start3A_199 = arith.constant 0 : i32
          %dma_start3A_200 = tpu.memref_slice %arg2[%dma_start3A_198, %dma_start3A_199] : memref<100000x128xf32, #tpu.memory_space<hbm>> -> memref<100000x128xf32, #tpu.memory_space<hbm>>
          tpu.enqueue_indirect_dma source(%dma_start3A_200 : memref<100000x128xf32, #tpu.memory_space<hbm>>) target(%arg25 : memref<256x128xf32, #tpu.memory_space<vmem>>) offsets(%arg21 : memref<256xi32, #tpu.memory_space<vmem>>) semaphore(%arg30 : memref<!tpu.dma_semaphore, #tpu.memory_space<semaphore_mem>>)
          %dma_wait3A_201 = arith.constant 0 : i32
          %dma_wait3A_202 = arith.constant 0 : i32
          %dma_wait3A_203 = tpu.memref_slice %arg2[%dma_wait3A_201, %dma_wait3A_202] : memref<100000x128xf32, #tpu.memory_space<hbm>> -> memref<100000x128xf32, #tpu.memory_space<hbm>>
          tpu.wait_indirect_dma semaphore(%arg29 : memref<!tpu.dma_semaphore, #tpu.memory_space<semaphore_mem>>) src(%dma_wait3A_203 : memref<100000x128xf32, #tpu.memory_space<hbm>>) dst(%arg24 : memref<256x128xf32, #tpu.memory_space<vmem>>)
          "tpu.region"() ({
            %run_scoped3A = tpu.sem_alloc : memref<!tpu.dma_semaphore, #tpu.memory_space<semaphore_mem>>
            %dma_start3A_208 = arith.constant 0 : i32
            %dma_start3A_209 = arith.constant 0 : i32
            %dma_start3A_210 = tpu.memref_slice %arg26[%dma_start3A_208, %dma_start3A_209] : memref<6272x128xf32, #tpu.memory_space<vmem_shared>> -> memref<6272x128xf32, #tpu.memory_space<vmem_shared>>
            tpu.enqueue_indirect_dma source(%arg24 : memref<256x128xf32, #tpu.memory_space<vmem>>) target(%dma_start3A_210 : memref<6272x128xf32, #tpu.memory_space<vmem_shared>>) offsets(%arg22 : memref<256xi32, #tpu.memory_space<vmem>>) semaphore(%run_scoped3A : memref<!tpu.dma_semaphore, #tpu.memory_space<semaphore_mem>>) {add = true}
            %dma_wait3A_211 = arith.constant 0 : i32
            %dma_wait3A_212 = arith.constant 0 : i32
            %dma_wait3A_213 = tpu.memref_slice %arg26[%dma_wait3A_211, %dma_wait3A_212] : memref<6272x128xf32, #tpu.memory_space<vmem_shared>> -> memref<6272x128xf32, #tpu.memory_space<vmem_shared>>
            tpu.wait_indirect_dma semaphore(%run_scoped3A : memref<!tpu.dma_semaphore, #tpu.memory_space<semaphore_mem>>) src(%arg24 : memref<256x128xf32, #tpu.memory_space<vmem>>) dst(%dma_wait3A_213 : memref<6272x128xf32, #tpu.memory_space<vmem_shared>>)
            tpu.yield
          }) : () -> ()
          %dma_wait3A_204 = arith.constant 0 : i32
          %dma_wait3A_205 = arith.constant 0 : i32
          %dma_wait3A_206 = tpu.memref_slice %arg2[%dma_wait3A_204, %dma_wait3A_205] : memref<100000x128xf32, #tpu.memory_space<hbm>> -> memref<100000x128xf32, #tpu.memory_space<hbm>>
          tpu.wait_indirect_dma semaphore(%arg30 : memref<!tpu.dma_semaphore, #tpu.memory_space<semaphore_mem>>) src(%dma_wait3A_206 : memref<100000x128xf32, #tpu.memory_space<hbm>>) dst(%arg25 : memref<256x128xf32, #tpu.memory_space<vmem>>)
          "tpu.region"() ({
            %run_scoped3A = tpu.sem_alloc : memref<!tpu.dma_semaphore, #tpu.memory_space<semaphore_mem>>
            %dma_start3A_208 = arith.constant 0 : i32
            %dma_start3A_209 = arith.constant 0 : i32
            %dma_start3A_210 = tpu.memref_slice %arg26[%dma_start3A_208, %dma_start3A_209] : memref<6272x128xf32, #tpu.memory_space<vmem_shared>> -> memref<6272x128xf32, #tpu.memory_space<vmem_shared>>
            tpu.enqueue_indirect_dma source(%arg25 : memref<256x128xf32, #tpu.memory_space<vmem>>) target(%dma_start3A_210 : memref<6272x128xf32, #tpu.memory_space<vmem_shared>>) offsets(%arg23 : memref<256xi32, #tpu.memory_space<vmem>>) semaphore(%run_scoped3A : memref<!tpu.dma_semaphore, #tpu.memory_space<semaphore_mem>>) {add = true}
            %dma_wait3A_211 = arith.constant 0 : i32
            %dma_wait3A_212 = arith.constant 0 : i32
            %dma_wait3A_213 = tpu.memref_slice %arg26[%dma_wait3A_211, %dma_wait3A_212] : memref<6272x128xf32, #tpu.memory_space<vmem_shared>> -> memref<6272x128xf32, #tpu.memory_space<vmem_shared>>
            tpu.wait_indirect_dma semaphore(%run_scoped3A : memref<!tpu.dma_semaphore, #tpu.memory_space<semaphore_mem>>) src(%arg25 : memref<256x128xf32, #tpu.memory_space<vmem>>) dst(%dma_wait3A_213 : memref<6272x128xf32, #tpu.memory_space<vmem_shared>>)
            tpu.yield
          }) : () -> ()
          %while3A_207 = arith.constant 0 : i32
          scf.yield %while3A_207 : i32
        }
        %mul3A_167 = arith.constant 512 : i32
        %mul3A_168 = arith.muli %select_n3A_154, %mul3A_167 : i32
        %scan3A_169 = arith.constant 0 : i32
        %scan3A_170 = arith.constant 0 : i32
        %scan3A_171 = arith.constant 32 : i32
        %scan3A_172 = arith.addi %scan3A_170, %scan3A_171 : i32
        %scan3A_173 = arith.constant 1 : i32
        %scan3A_174 = scf.for %scan3A_177 = %scan3A_170 to %scan3A_172 step %scan3A_173 iter_args(%scan3A_178 = %scan3A_169) -> (i32)  : i32 {
          %mul3A_179 = arith.constant 16 : i32
          %mul3A_180 = arith.muli %scan3A_177, %mul3A_179 : i32
          %add3A_181 = arith.addi %mul3A_168, %mul3A_180 : i32
          %get3A = arith.index_cast %add3A_181 : i32 to index
          %get3A_182 = tpu.vector_load %arg19[%get3A] {strides = array<i32>} : memref<4624xi32, #tpu.memory_space<vmem>>, vector<16xi32>,
          %mul3A_183 = arith.constant 16 : i32
          %mul3A_184 = arith.muli %scan3A_177, %mul3A_183 : i32
          %swap3A = arith.index_cast %mul3A_184 : i32 to index
          %swap3A_185 = tpu.vector_load %arg19[%swap3A] {strides = array<i32>} : memref<4624xi32, #tpu.memory_space<vmem>>, vector<16xi32>,
          tpu.vector_store %arg19[%swap3A], %get3A_182 {strides = array<i32>} : memref<4624xi32, #tpu.memory_space<vmem>>, vector<16xi32>,
          %scan3A_186 = arith.constant 0 : i32
          scf.yield %scan3A_186 : i32
        }
        %scan3A_175 = arith.constant 32 : i32
        %sub3A_176 = arith.subi %scan3A_122, %mul3A_168 : i32
        scf.yield %sub3A_176 : i32
      }
      %scan3A_55 = arith.constant 8 : i32
      %scan3A_56 = arith.constant 0 : i32
      %scan3A_57 = arith.constant 0 : i32
      %scan3A_58 = arith.constant 32 : i32
      %scan3A_59 = arith.addi %scan3A_57, %scan3A_58 : i32
      %scan3A_60 = arith.constant 1 : i32
      %scan3A_61 = scf.for %scan3A_103 = %scan3A_57 to %scan3A_59 step %scan3A_60 iter_args(%scan3A_104 = %scan3A_56) -> (i32)  : i32 {
        %mul3A_105 = arith.constant 16 : i32
        %mul3A_106 = arith.muli %scan3A_103, %mul3A_105 : i32
        %add3A_107 = arith.addi %scan3A_54, %mul3A_106 : i32
        %swap3A = arith.index_cast %add3A_107 : i32 to index
        %swap3A_108 = tpu.vector_load %arg19[%swap3A] {strides = array<i32>} : memref<4624xi32, #tpu.memory_space<vmem>>, vector<16xi32>,
        tpu.vector_store %arg19[%swap3A], %broadcast_in_dim3A_0 {strides = array<i32>} : memref<4624xi32, #tpu.memory_space<vmem>>, vector<16xi32>,
        %scan3A_109 = arith.constant 0 : i32
        scf.yield %scan3A_109 : i32
      }
      %scan3A_62 = arith.constant 32 : i32
      %add3A_63 = arith.constant 512 : i32
      %add3A_64 = arith.addi %scan3A_54, %add3A_63 : i32
      %sub3A = arith.constant 1 : i32
      %sub3A_65 = arith.subi %add3A_64, %sub3A : i32
      %jit3A = arith.constant 512 : i32
      %div3A = arith.divsi %sub3A_65, %jit3A : i32
      %sign3A = arith.constant 0 : i32
      %sign3A_66 = arith.cmpi sgt, %sub3A_65, %sign3A : i32
      %sign3A_67 = arith.extui %sign3A_66 : i1 to i32
      %sign3A_68 = arith.constant 0 : i32
      %sign3A_69 = arith.cmpi slt, %sub3A_65, %sign3A_68 : i32
      %sign3A_70 = arith.extui %sign3A_69 : i1 to i32
      %sign3A_71 = arith.subi %sign3A_67, %sign3A_70 : i32
      %sign3A_72 = arith.constant 0 : i32
      %sign3A_73 = arith.cmpi sgt, %jit3A, %sign3A_72 : i32
      %sign3A_74 = arith.extui %sign3A_73 : i1 to i32
      %sign3A_75 = arith.constant 0 : i32
      %sign3A_76 = arith.cmpi slt, %jit3A, %sign3A_75 : i32
      %sign3A_77 = arith.extui %sign3A_76 : i1 to i32
      %sign3A_78 = arith.subi %sign3A_74, %sign3A_77 : i32
      %ne3A = arith.cmpi ne, %sign3A_71, %sign3A_78 : i32
      %rem3A = arith.remsi %sub3A_65, %jit3A : i32
      %ne3A_79 = arith.constant 0 : i32
      %ne3A_80 = arith.cmpi ne, %rem3A, %ne3A_79 : i32
      %and3A = arith.andi %ne3A, %ne3A_80 : i1
      %sub3A_81 = arith.constant 1 : i32
      %sub3A_82 = arith.subi %div3A, %sub3A_81 : i32
      %select_n3A = arith.select %and3A, %sub3A_82, %div3A : i32
      %while3A = arith.constant 0 : i32
      %while3A_83 = arith.constant 0 : i32
      %while3A_84 = arith.subi %select_n3A, %while3A : i32
      %while3A_85 = arith.addi %while3A, %while3A_84 : i32
      %while3A_86 = arith.constant 1 : i32
      %while3A_87 = arith.divsi %while3A_84, %while3A_86 : i32
      %while3A_88 = arith.muli %while3A_87, %while3A_86 : i32
      %while3A_89 = arith.addi %while3A, %while3A_88 : i32
      %while3A_90 = arith.constant 1 : i32
      %while3A_91 = scf.for %while3A_103 = %while3A to %while3A_89 step %while3A_90 iter_args(%while3A_104 = %while3A_83) -> (i32)  : i32 {
        %mul3A_105 = arith.constant 512 : i32
        %mul3A_106 = arith.muli %while3A_103, %mul3A_105 : i32
        %scan3A_107 = arith.constant 0 : i32
        %scan3A_108 = arith.constant 0 : i32
        %scan3A_109 = arith.constant 16 : i32
        %scan3A_110 = arith.addi %scan3A_108, %scan3A_109 : i32
        %scan3A_111 = arith.constant 1 : i32
        %scan3A_112 = scf.for %scan3A_133 = %scan3A_108 to %scan3A_110 step %scan3A_111 iter_args(%scan3A_134 = %scan3A_107) -> (i32)  : i32 {
          %add3A_135 = arith.constant 0 : i32
          %add3A_136 = arith.addi %mul3A_106, %add3A_135 : i32
          %mul3A_137 = arith.constant 16 : i32
          %mul3A_138 = arith.muli %scan3A_133, %mul3A_137 : i32
          %add3A_139 = arith.addi %add3A_136, %mul3A_138 : i32
          %get3A = arith.index_cast %add3A_139 : i32 to index
          %get3A_140 = tpu.vector_load %arg19[%get3A] {strides = array<i32>} : memref<4624xi32, #tpu.memory_space<vmem>>, vector<16xi32>,
          %shift_right_arithmetic3A = arith.constant 14 : i32
          %shift_right_arithmetic3A_141 = vector.broadcast %shift_right_arithmetic3A : i32 to vector<16xi32>
          %shift_right_arithmetic3A_142 = arith.shrsi %get3A_140, %shift_right_arithmetic3A_141 : vector<16xi32>
          %mul3A_143 = arith.constant 16 : i32
          %mul3A_144 = arith.muli %scan3A_133, %mul3A_143 : i32
          %swap3A = arith.index_cast %mul3A_144 : i32 to index
          %swap3A_145 = tpu.vector_load %arg20[%swap3A] {strides = array<i32>} : memref<256xi32, #tpu.memory_space<vmem>>, vector<16xi32>,
          tpu.vector_store %arg20[%swap3A], %shift_right_arithmetic3A_142 {strides = array<i32>} : memref<256xi32, #tpu.memory_space<vmem>>, vector<16xi32>,
          %and3A_146 = arith.constant 16383 : i32
          %and3A_147 = vector.broadcast %and3A_146 : i32 to vector<16xi32>
          %and3A_148 = arith.andi %get3A_140, %and3A_147 : vector<16xi32>
          %mul3A_149 = arith.constant 16 : i32
          %mul3A_150 = arith.muli %scan3A_133, %mul3A_149 : i32
          %swap3A_151 = arith.index_cast %mul3A_150 : i32 to index
          %swap3A_152 = tpu.vector_load %arg22[%swap3A_151] {strides = array<i32>} : memref<256xi32, #tpu.memory_space<vmem>>, vector<16xi32>,
          tpu.vector_store %arg22[%swap3A_151], %and3A_148 {strides = array<i32>} : memref<256xi32, #tpu.memory_space<vmem>>, vector<16xi32>,
          %scan3A_153 = arith.constant 0 : i32
          scf.yield %scan3A_153 : i32
        }
        %scan3A_113 = arith.constant 16 : i32
        %dma_start3A_114 = arith.constant 0 : i32
        %dma_start3A_115 = arith.constant 0 : i32
        %dma_start3A_116 = tpu.memref_slice %arg2[%dma_start3A_114, %dma_start3A_115] : memref<100000x128xf32, #tpu.memory_space<hbm>> -> memref<100000x128xf32, #tpu.memory_space<hbm>>
        tpu.enqueue_indirect_dma source(%dma_start3A_116 : memref<100000x128xf32, #tpu.memory_space<hbm>>) target(%arg24 : memref<256x128xf32, #tpu.memory_space<vmem>>) offsets(%arg20 : memref<256xi32, #tpu.memory_space<vmem>>) semaphore(%arg29 : memref<!tpu.dma_semaphore, #tpu.memory_space<semaphore_mem>>)
        %scan3A_117 = arith.constant 0 : i32
        %scan3A_118 = arith.constant 0 : i32
        %scan3A_119 = arith.constant 16 : i32
        %scan3A_120 = arith.addi %scan3A_118, %scan3A_119 : i32
        %scan3A_121 = arith.constant 1 : i32
        %scan3A_122 = scf.for %scan3A_133 = %scan3A_118 to %scan3A_120 step %scan3A_121 iter_args(%scan3A_134 = %scan3A_117) -> (i32)  : i32 {
          %add3A_135 = arith.constant 256 : i32
          %add3A_136 = arith.addi %mul3A_106, %add3A_135 : i32
          %mul3A_137 = arith.constant 16 : i32
          %mul3A_138 = arith.muli %scan3A_133, %mul3A_137 : i32
          %add3A_139 = arith.addi %add3A_136, %mul3A_138 : i32
          %get3A = arith.index_cast %add3A_139 : i32 to index
          %get3A_140 = tpu.vector_load %arg19[%get3A] {strides = array<i32>} : memref<4624xi32, #tpu.memory_space<vmem>>, vector<16xi32>,
          %shift_right_arithmetic3A = arith.constant 14 : i32
          %shift_right_arithmetic3A_141 = vector.broadcast %shift_right_arithmetic3A : i32 to vector<16xi32>
          %shift_right_arithmetic3A_142 = arith.shrsi %get3A_140, %shift_right_arithmetic3A_141 : vector<16xi32>
          %mul3A_143 = arith.constant 16 : i32
          %mul3A_144 = arith.muli %scan3A_133, %mul3A_143 : i32
          %swap3A = arith.index_cast %mul3A_144 : i32 to index
          %swap3A_145 = tpu.vector_load %arg21[%swap3A] {strides = array<i32>} : memref<256xi32, #tpu.memory_space<vmem>>, vector<16xi32>,
          tpu.vector_store %arg21[%swap3A], %shift_right_arithmetic3A_142 {strides = array<i32>} : memref<256xi32, #tpu.memory_space<vmem>>, vector<16xi32>,
          %and3A_146 = arith.constant 16383 : i32
          %and3A_147 = vector.broadcast %and3A_146 : i32 to vector<16xi32>
          %and3A_148 = arith.andi %get3A_140, %and3A_147 : vector<16xi32>
          %mul3A_149 = arith.constant 16 : i32
          %mul3A_150 = arith.muli %scan3A_133, %mul3A_149 : i32
          %swap3A_151 = arith.index_cast %mul3A_150 : i32 to index
          %swap3A_152 = tpu.vector_load %arg23[%swap3A_151] {strides = array<i32>} : memref<256xi32, #tpu.memory_space<vmem>>, vector<16xi32>,
          tpu.vector_store %arg23[%swap3A_151], %and3A_148 {strides = array<i32>} : memref<256xi32, #tpu.memory_space<vmem>>, vector<16xi32>,
          %scan3A_153 = arith.constant 0 : i32
          scf.yield %scan3A_153 : i32
        }
        %scan3A_123 = arith.constant 16 : i32
        %dma_start3A_124 = arith.constant 0 : i32
        %dma_start3A_125 = arith.constant 0 : i32
        %dma_start3A_126 = tpu.memref_slice %arg2[%dma_start3A_124, %dma_start3A_125] : memref<100000x128xf32, #tpu.memory_space<hbm>> -> memref<100000x128xf32, #tpu.memory_space<hbm>>
        tpu.enqueue_indirect_dma source(%dma_start3A_126 : memref<100000x128xf32, #tpu.memory_space<hbm>>) target(%arg25 : memref<256x128xf32, #tpu.memory_space<vmem>>) offsets(%arg21 : memref<256xi32, #tpu.memory_space<vmem>>) semaphore(%arg30 : memref<!tpu.dma_semaphore, #tpu.memory_space<semaphore_mem>>)
        %dma_wait3A = arith.constant 0 : i32
        %dma_wait3A_127 = arith.constant 0 : i32
        %dma_wait3A_128 = tpu.memref_slice %arg2[%dma_wait3A, %dma_wait3A_127] : memref<100000x128xf32, #tpu.memory_space<hbm>> -> memref<100000x128xf32, #tpu.memory_space<hbm>>
        tpu.wait_indirect_dma semaphore(%arg29 : memref<!tpu.dma_semaphore, #tpu.memory_space<semaphore_mem>>) src(%dma_wait3A_128 : memref<100000x128xf32, #tpu.memory_space<hbm>>) dst(%arg24 : memref<256x128xf32, #tpu.memory_space<vmem>>)
        "tpu.region"() ({
          %run_scoped3A = tpu.sem_alloc : memref<!tpu.dma_semaphore, #tpu.memory_space<semaphore_mem>>
          %dma_start3A_133 = arith.constant 0 : i32
          %dma_start3A_134 = arith.constant 0 : i32
          %dma_start3A_135 = tpu.memref_slice %arg26[%dma_start3A_133, %dma_start3A_134] : memref<6272x128xf32, #tpu.memory_space<vmem_shared>> -> memref<6272x128xf32, #tpu.memory_space<vmem_shared>>
          tpu.enqueue_indirect_dma source(%arg24 : memref<256x128xf32, #tpu.memory_space<vmem>>) target(%dma_start3A_135 : memref<6272x128xf32, #tpu.memory_space<vmem_shared>>) offsets(%arg22 : memref<256xi32, #tpu.memory_space<vmem>>) semaphore(%run_scoped3A : memref<!tpu.dma_semaphore, #tpu.memory_space<semaphore_mem>>) {add = true}
          %dma_wait3A_136 = arith.constant 0 : i32
          %dma_wait3A_137 = arith.constant 0 : i32
          %dma_wait3A_138 = tpu.memref_slice %arg26[%dma_wait3A_136, %dma_wait3A_137] : memref<6272x128xf32, #tpu.memory_space<vmem_shared>> -> memref<6272x128xf32, #tpu.memory_space<vmem_shared>>
          tpu.wait_indirect_dma semaphore(%run_scoped3A : memref<!tpu.dma_semaphore, #tpu.memory_space<semaphore_mem>>) src(%arg24 : memref<256x128xf32, #tpu.memory_space<vmem>>) dst(%dma_wait3A_138 : memref<6272x128xf32, #tpu.memory_space<vmem_shared>>)
          tpu.yield
        }) : () -> ()
        %dma_wait3A_129 = arith.constant 0 : i32
        %dma_wait3A_130 = arith.constant 0 : i32
        %dma_wait3A_131 = tpu.memref_slice %arg2[%dma_wait3A_129, %dma_wait3A_130] : memref<100000x128xf32, #tpu.memory_space<hbm>> -> memref<100000x128xf32, #tpu.memory_space<hbm>>
        tpu.wait_indirect_dma semaphore(%arg30 : memref<!tpu.dma_semaphore, #tpu.memory_space<semaphore_mem>>) src(%dma_wait3A_131 : memref<100000x128xf32, #tpu.memory_space<hbm>>) dst(%arg25 : memref<256x128xf32, #tpu.memory_space<vmem>>)
        "tpu.region"() ({
          %run_scoped3A = tpu.sem_alloc : memref<!tpu.dma_semaphore, #tpu.memory_space<semaphore_mem>>
          %dma_start3A_133 = arith.constant 0 : i32
          %dma_start3A_134 = arith.constant 0 : i32
          %dma_start3A_135 = tpu.memref_slice %arg26[%dma_start3A_133, %dma_start3A_134] : memref<6272x128xf32, #tpu.memory_space<vmem_shared>> -> memref<6272x128xf32, #tpu.memory_space<vmem_shared>>
          tpu.enqueue_indirect_dma source(%arg25 : memref<256x128xf32, #tpu.memory_space<vmem>>) target(%dma_start3A_135 : memref<6272x128xf32, #tpu.memory_space<vmem_shared>>) offsets(%arg23 : memref<256xi32, #tpu.memory_space<vmem>>) semaphore(%run_scoped3A : memref<!tpu.dma_semaphore, #tpu.memory_space<semaphore_mem>>) {add = true}
          %dma_wait3A_136 = arith.constant 0 : i32
          %dma_wait3A_137 = arith.constant 0 : i32
          %dma_wait3A_138 = tpu.memref_slice %arg26[%dma_wait3A_136, %dma_wait3A_137] : memref<6272x128xf32, #tpu.memory_space<vmem_shared>> -> memref<6272x128xf32, #tpu.memory_space<vmem_shared>>
          tpu.wait_indirect_dma semaphore(%run_scoped3A : memref<!tpu.dma_semaphore, #tpu.memory_space<semaphore_mem>>) src(%arg25 : memref<256x128xf32, #tpu.memory_space<vmem>>) dst(%dma_wait3A_138 : memref<6272x128xf32, #tpu.memory_space<vmem_shared>>)
          tpu.yield
        }) : () -> ()
        %while3A_132 = arith.constant 0 : i32
        scf.yield %while3A_132 : i32
      }
      %while3A_92 = arith.constant 1 : i32
      %while3A_93 = scf.for %while3A_103 = %while3A_89 to %while3A_85 step %while3A_92 iter_args(%while3A_104 = %while3A_91) -> (i32)  : i32 {
        %mul3A_105 = arith.constant 512 : i32
        %mul3A_106 = arith.muli %while3A_103, %mul3A_105 : i32
        %scan3A_107 = arith.constant 0 : i32
        %scan3A_108 = arith.constant 0 : i32
        %scan3A_109 = arith.constant 16 : i32
        %scan3A_110 = arith.addi %scan3A_108, %scan3A_109 : i32
        %scan3A_111 = arith.constant 1 : i32
        %scan3A_112 = scf.for %scan3A_133 = %scan3A_108 to %scan3A_110 step %scan3A_111 iter_args(%scan3A_134 = %scan3A_107) -> (i32)  : i32 {
          %add3A_135 = arith.constant 0 : i32
          %add3A_136 = arith.addi %mul3A_106, %add3A_135 : i32
          %mul3A_137 = arith.constant 16 : i32
          %mul3A_138 = arith.muli %scan3A_133, %mul3A_137 : i32
          %add3A_139 = arith.addi %add3A_136, %mul3A_138 : i32
          %get3A = arith.index_cast %add3A_139 : i32 to index
          %get3A_140 = tpu.vector_load %arg19[%get3A] {strides = array<i32>} : memref<4624xi32, #tpu.memory_space<vmem>>, vector<16xi32>,
          %shift_right_arithmetic3A = arith.constant 14 : i32
          %shift_right_arithmetic3A_141 = vector.broadcast %shift_right_arithmetic3A : i32 to vector<16xi32>
          %shift_right_arithmetic3A_142 = arith.shrsi %get3A_140, %shift_right_arithmetic3A_141 : vector<16xi32>
          %mul3A_143 = arith.constant 16 : i32
          %mul3A_144 = arith.muli %scan3A_133, %mul3A_143 : i32
          %swap3A = arith.index_cast %mul3A_144 : i32 to index
          %swap3A_145 = tpu.vector_load %arg20[%swap3A] {strides = array<i32>} : memref<256xi32, #tpu.memory_space<vmem>>, vector<16xi32>,
          tpu.vector_store %arg20[%swap3A], %shift_right_arithmetic3A_142 {strides = array<i32>} : memref<256xi32, #tpu.memory_space<vmem>>, vector<16xi32>,
          %and3A_146 = arith.constant 16383 : i32
          %and3A_147 = vector.broadcast %and3A_146 : i32 to vector<16xi32>
          %and3A_148 = arith.andi %get3A_140, %and3A_147 : vector<16xi32>
          %mul3A_149 = arith.constant 16 : i32
          %mul3A_150 = arith.muli %scan3A_133, %mul3A_149 : i32
          %swap3A_151 = arith.index_cast %mul3A_150 : i32 to index
          %swap3A_152 = tpu.vector_load %arg22[%swap3A_151] {strides = array<i32>} : memref<256xi32, #tpu.memory_space<vmem>>, vector<16xi32>,
          tpu.vector_store %arg22[%swap3A_151], %and3A_148 {strides = array<i32>} : memref<256xi32, #tpu.memory_space<vmem>>, vector<16xi32>,
          %scan3A_153 = arith.constant 0 : i32
          scf.yield %scan3A_153 : i32
        }
        %scan3A_113 = arith.constant 16 : i32
        %dma_start3A_114 = arith.constant 0 : i32
        %dma_start3A_115 = arith.constant 0 : i32
        %dma_start3A_116 = tpu.memref_slice %arg2[%dma_start3A_114, %dma_start3A_115] : memref<100000x128xf32, #tpu.memory_space<hbm>> -> memref<100000x128xf32, #tpu.memory_space<hbm>>
        tpu.enqueue_indirect_dma source(%dma_start3A_116 : memref<100000x128xf32, #tpu.memory_space<hbm>>) target(%arg24 : memref<256x128xf32, #tpu.memory_space<vmem>>) offsets(%arg20 : memref<256xi32, #tpu.memory_space<vmem>>) semaphore(%arg29 : memref<!tpu.dma_semaphore, #tpu.memory_space<semaphore_mem>>)
        %scan3A_117 = arith.constant 0 : i32
        %scan3A_118 = arith.constant 0 : i32
        %scan3A_119 = arith.constant 16 : i32
        %scan3A_120 = arith.addi %scan3A_118, %scan3A_119 : i32
        %scan3A_121 = arith.constant 1 : i32
        %scan3A_122 = scf.for %scan3A_133 = %scan3A_118 to %scan3A_120 step %scan3A_121 iter_args(%scan3A_134 = %scan3A_117) -> (i32)  : i32 {
          %add3A_135 = arith.constant 256 : i32
          %add3A_136 = arith.addi %mul3A_106, %add3A_135 : i32
          %mul3A_137 = arith.constant 16 : i32
          %mul3A_138 = arith.muli %scan3A_133, %mul3A_137 : i32
          %add3A_139 = arith.addi %add3A_136, %mul3A_138 : i32
          %get3A = arith.index_cast %add3A_139 : i32 to index
          %get3A_140 = tpu.vector_load %arg19[%get3A] {strides = array<i32>} : memref<4624xi32, #tpu.memory_space<vmem>>, vector<16xi32>,
          %shift_right_arithmetic3A = arith.constant 14 : i32
          %shift_right_arithmetic3A_141 = vector.broadcast %shift_right_arithmetic3A : i32 to vector<16xi32>
          %shift_right_arithmetic3A_142 = arith.shrsi %get3A_140, %shift_right_arithmetic3A_141 : vector<16xi32>
          %mul3A_143 = arith.constant 16 : i32
          %mul3A_144 = arith.muli %scan3A_133, %mul3A_143 : i32
          %swap3A = arith.index_cast %mul3A_144 : i32 to index
          %swap3A_145 = tpu.vector_load %arg21[%swap3A] {strides = array<i32>} : memref<256xi32, #tpu.memory_space<vmem>>, vector<16xi32>,
          tpu.vector_store %arg21[%swap3A], %shift_right_arithmetic3A_142 {strides = array<i32>} : memref<256xi32, #tpu.memory_space<vmem>>, vector<16xi32>,
          %and3A_146 = arith.constant 16383 : i32
          %and3A_147 = vector.broadcast %and3A_146 : i32 to vector<16xi32>
          %and3A_148 = arith.andi %get3A_140, %and3A_147 : vector<16xi32>
          %mul3A_149 = arith.constant 16 : i32
          %mul3A_150 = arith.muli %scan3A_133, %mul3A_149 : i32
          %swap3A_151 = arith.index_cast %mul3A_150 : i32 to index
          %swap3A_152 = tpu.vector_load %arg23[%swap3A_151] {strides = array<i32>} : memref<256xi32, #tpu.memory_space<vmem>>, vector<16xi32>,
          tpu.vector_store %arg23[%swap3A_151], %and3A_148 {strides = array<i32>} : memref<256xi32, #tpu.memory_space<vmem>>, vector<16xi32>,
          %scan3A_153 = arith.constant 0 : i32
          scf.yield %scan3A_153 : i32
        }
        %scan3A_123 = arith.constant 16 : i32
        %dma_start3A_124 = arith.constant 0 : i32
        %dma_start3A_125 = arith.constant 0 : i32
        %dma_start3A_126 = tpu.memref_slice %arg2[%dma_start3A_124, %dma_start3A_125] : memref<100000x128xf32, #tpu.memory_space<hbm>> -> memref<100000x128xf32, #tpu.memory_space<hbm>>
        tpu.enqueue_indirect_dma source(%dma_start3A_126 : memref<100000x128xf32, #tpu.memory_space<hbm>>) target(%arg25 : memref<256x128xf32, #tpu.memory_space<vmem>>) offsets(%arg21 : memref<256xi32, #tpu.memory_space<vmem>>) semaphore(%arg30 : memref<!tpu.dma_semaphore, #tpu.memory_space<semaphore_mem>>)
        %dma_wait3A = arith.constant 0 : i32
        %dma_wait3A_127 = arith.constant 0 : i32
        %dma_wait3A_128 = tpu.memref_slice %arg2[%dma_wait3A, %dma_wait3A_127] : memref<100000x128xf32, #tpu.memory_space<hbm>> -> memref<100000x128xf32, #tpu.memory_space<hbm>>
        tpu.wait_indirect_dma semaphore(%arg29 : memref<!tpu.dma_semaphore, #tpu.memory_space<semaphore_mem>>) src(%dma_wait3A_128 : memref<100000x128xf32, #tpu.memory_space<hbm>>) dst(%arg24 : memref<256x128xf32, #tpu.memory_space<vmem>>)
        "tpu.region"() ({
          %run_scoped3A = tpu.sem_alloc : memref<!tpu.dma_semaphore, #tpu.memory_space<semaphore_mem>>
          %dma_start3A_133 = arith.constant 0 : i32
          %dma_start3A_134 = arith.constant 0 : i32
          %dma_start3A_135 = tpu.memref_slice %arg26[%dma_start3A_133, %dma_start3A_134] : memref<6272x128xf32, #tpu.memory_space<vmem_shared>> -> memref<6272x128xf32, #tpu.memory_space<vmem_shared>>
          tpu.enqueue_indirect_dma source(%arg24 : memref<256x128xf32, #tpu.memory_space<vmem>>) target(%dma_start3A_135 : memref<6272x128xf32, #tpu.memory_space<vmem_shared>>) offsets(%arg22 : memref<256xi32, #tpu.memory_space<vmem>>) semaphore(%run_scoped3A : memref<!tpu.dma_semaphore, #tpu.memory_space<semaphore_mem>>) {add = true}
          %dma_wait3A_136 = arith.constant 0 : i32
          %dma_wait3A_137 = arith.constant 0 : i32
          %dma_wait3A_138 = tpu.memref_slice %arg26[%dma_wait3A_136, %dma_wait3A_137] : memref<6272x128xf32, #tpu.memory_space<vmem_shared>> -> memref<6272x128xf32, #tpu.memory_space<vmem_shared>>
          tpu.wait_indirect_dma semaphore(%run_scoped3A : memref<!tpu.dma_semaphore, #tpu.memory_space<semaphore_mem>>) src(%arg24 : memref<256x128xf32, #tpu.memory_space<vmem>>) dst(%dma_wait3A_138 : memref<6272x128xf32, #tpu.memory_space<vmem_shared>>)
          tpu.yield
        }) : () -> ()
        %dma_wait3A_129 = arith.constant 0 : i32
        %dma_wait3A_130 = arith.constant 0 : i32
        %dma_wait3A_131 = tpu.memref_slice %arg2[%dma_wait3A_129, %dma_wait3A_130] : memref<100000x128xf32, #tpu.memory_space<hbm>> -> memref<100000x128xf32, #tpu.memory_space<hbm>>
        tpu.wait_indirect_dma semaphore(%arg30 : memref<!tpu.dma_semaphore, #tpu.memory_space<semaphore_mem>>) src(%dma_wait3A_131 : memref<100000x128xf32, #tpu.memory_space<hbm>>) dst(%arg25 : memref<256x128xf32, #tpu.memory_space<vmem>>)
        "tpu.region"() ({
          %run_scoped3A = tpu.sem_alloc : memref<!tpu.dma_semaphore, #tpu.memory_space<semaphore_mem>>
          %dma_start3A_133 = arith.constant 0 : i32
          %dma_start3A_134 = arith.constant 0 : i32
          %dma_start3A_135 = tpu.memref_slice %arg26[%dma_start3A_133, %dma_start3A_134] : memref<6272x128xf32, #tpu.memory_space<vmem_shared>> -> memref<6272x128xf32, #tpu.memory_space<vmem_shared>>
          tpu.enqueue_indirect_dma source(%arg25 : memref<256x128xf32, #tpu.memory_space<vmem>>) target(%dma_start3A_135 : memref<6272x128xf32, #tpu.memory_space<vmem_shared>>) offsets(%arg23 : memref<256xi32, #tpu.memory_space<vmem>>) semaphore(%run_scoped3A : memref<!tpu.dma_semaphore, #tpu.memory_space<semaphore_mem>>) {add = true}
          %dma_wait3A_136 = arith.constant 0 : i32
          %dma_wait3A_137 = arith.constant 0 : i32
          %dma_wait3A_138 = tpu.memref_slice %arg26[%dma_wait3A_136, %dma_wait3A_137] : memref<6272x128xf32, #tpu.memory_space<vmem_shared>> -> memref<6272x128xf32, #tpu.memory_space<vmem_shared>>
          tpu.wait_indirect_dma semaphore(%run_scoped3A : memref<!tpu.dma_semaphore, #tpu.memory_space<semaphore_mem>>) src(%arg25 : memref<256x128xf32, #tpu.memory_space<vmem>>) dst(%dma_wait3A_138 : memref<6272x128xf32, #tpu.memory_space<vmem_shared>>)
          tpu.yield
        }) : () -> ()
        %while3A_132 = arith.constant 0 : i32
        scf.yield %while3A_132 : i32
      }
      %barrier3A_94 = arith.constant 0 : index
      tpu.barrier barrier_id(%barrier3A_94)
      %lt3A = arith.constant 15 : i32
      %lt3A_95 = arith.cmpi slt, %arg1, %lt3A : i32
      %convert_element_type3A = arith.extui %lt3A_95 : i1 to i32
      %cond3A = arith.constant 0 : i32
      %cond3A_96 = arith.cmpi ne, %convert_element_type3A, %cond3A : i32
      scf.if %cond3A_96 {
        %add3A_103 = arith.addi %mul3A_35, %mul3A_3 : i32
        "tpu.region"() ({
          %run_scoped3A = tpu.sem_alloc : memref<!tpu.dma_semaphore, #tpu.memory_space<semaphore_mem>>
          %dma_start3A_104 = arith.constant 0 : i32
          %dma_start3A_105 = tpu.memref_slice %arg12[%add3A_103, %dma_start3A_104] : memref<100096x128xf32, #tpu.memory_space<hbm>> -> memref<392x128xf32, #tpu.memory_space<hbm>>
          %dma_start3A_106 = arith.constant 0 : i32
          %dma_start3A_107 = tpu.memref_slice %arg26[%mul3A_3, %dma_start3A_106] : memref<6272x128xf32, #tpu.memory_space<vmem_shared>> -> memref<392x128xf32, #tpu.memory_space<vmem_shared>>
          tpu.enqueue_dma source(%dma_start3A_107 : memref<392x128xf32, #tpu.memory_space<vmem_shared>>) target(%dma_start3A_105 : memref<392x128xf32, #tpu.memory_space<hbm>>) target_semaphore(%run_scoped3A : memref<!tpu.dma_semaphore, #tpu.memory_space<semaphore_mem>>)
          %dma_wait3A = arith.constant 0 : i32
          %dma_wait3A_108 = tpu.memref_slice %arg12[%add3A_103, %dma_wait3A] : memref<100096x128xf32, #tpu.memory_space<hbm>> -> memref<392x128xf32, #tpu.memory_space<hbm>>
          %dma_wait3A_109 = arith.constant 0 : i32
          %dma_wait3A_110 = tpu.memref_slice %arg26[%mul3A_3, %dma_wait3A_109] : memref<6272x128xf32, #tpu.memory_space<vmem_shared>> -> memref<392x128xf32, #tpu.memory_space<vmem_shared>>
          tpu.wait_dma2 semaphore(%run_scoped3A : memref<!tpu.dma_semaphore, #tpu.memory_space<semaphore_mem>>) src(%dma_wait3A_110 : memref<392x128xf32, #tpu.memory_space<vmem_shared>>) dst(%dma_wait3A_108 : memref<392x128xf32, #tpu.memory_space<hbm>>)
          tpu.yield
        }) : () -> ()
      } else {
      }
      %eq3A = arith.constant 15 : i32
      %eq3A_97 = arith.cmpi eq, %arg1, %eq3A : i32
      %convert_element_type3A_98 = arith.extui %eq3A_97 : i1 to i32
      %cond3A_99 = arith.constant 0 : i32
      %cond3A_100 = arith.cmpi ne, %convert_element_type3A_98, %cond3A_99 : i32
      scf.if %cond3A_100 {
        %add3A_103 = arith.addi %mul3A_35, %mul3A_3 : i32
        "tpu.region"() ({
          %run_scoped3A = tpu.sem_alloc : memref<!tpu.dma_semaphore, #tpu.memory_space<semaphore_mem>>
          %dma_start3A_104 = arith.constant 0 : i32
          %dma_start3A_105 = tpu.memref_slice %arg12[%add3A_103, %dma_start3A_104] : memref<100096x128xf32, #tpu.memory_space<hbm>> -> memref<376x128xf32, #tpu.memory_space<hbm>>
          %dma_start3A_106 = arith.constant 0 : i32
          %dma_start3A_107 = tpu.memref_slice %arg26[%mul3A_3, %dma_start3A_106] : memref<6272x128xf32, #tpu.memory_space<vmem_shared>> -> memref<376x128xf32, #tpu.memory_space<vmem_shared>>
          tpu.enqueue_dma source(%dma_start3A_107 : memref<376x128xf32, #tpu.memory_space<vmem_shared>>) target(%dma_start3A_105 : memref<376x128xf32, #tpu.memory_space<hbm>>) target_semaphore(%run_scoped3A : memref<!tpu.dma_semaphore, #tpu.memory_space<semaphore_mem>>)
          %dma_wait3A = arith.constant 0 : i32
          %dma_wait3A_108 = tpu.memref_slice %arg12[%add3A_103, %dma_wait3A] : memref<100096x128xf32, #tpu.memory_space<hbm>> -> memref<376x128xf32, #tpu.memory_space<hbm>>
          %dma_wait3A_109 = arith.constant 0 : i32
          %dma_wait3A_110 = tpu.memref_slice %arg26[%mul3A_3, %dma_wait3A_109] : memref<6272x128xf32, #tpu.memory_space<vmem_shared>> -> memref<376x128xf32, #tpu.memory_space<vmem_shared>>
          tpu.wait_dma2 semaphore(%run_scoped3A : memref<!tpu.dma_semaphore, #tpu.memory_space<semaphore_mem>>) src(%dma_wait3A_110 : memref<376x128xf32, #tpu.memory_space<vmem_shared>>) dst(%dma_wait3A_108 : memref<376x128xf32, #tpu.memory_space<hbm>>)
          tpu.yield
        }) : () -> ()
      } else {
      }
      %barrier3A_101 = arith.constant 0 : index
      tpu.barrier barrier_id(%barrier3A_101)
      %scan3A_102 = arith.constant 0 : i32
      scf.yield %scan3A_102 : i32
    }
    %scan3A_11 = arith.constant 8 : i32
    %mul3A_12 = arith.constant 12288 : i32
    %mul3A_13 = arith.muli %arg1, %mul3A_12 : i32
    %scan3A_14 = arith.constant 0 : i32
    %scan3A_15 = arith.constant 0 : i32
    %scan3A_16 = arith.constant 8 : i32
    %scan3A_17 = arith.addi %scan3A_15, %scan3A_16 : i32
    %scan3A_18 = arith.constant 1 : i32
    %scan3A_19 = scf.for %scan3A_30 = %scan3A_15 to %scan3A_17 step %scan3A_18 iter_args(%scan3A_31 = %scan3A_14) -> (i32)  : i32 {
      %mul3A_32 = arith.constant 8 : i32
      %mul3A_33 = arith.muli %arg0, %mul3A_32 : i32
      %add3A = arith.addi %mul3A_33, %scan3A_30 : i32
      %mul3A_34 = arith.constant 6256 : i32
      %mul3A_35 = arith.muli %add3A, %mul3A_34 : i32
      %add3A_36 = arith.constant 6256 : i32
      %add3A_37 = arith.addi %mul3A_35, %add3A_36 : i32
      "tpu.region"() ({
        %run_scoped3A = tpu.sem_alloc : memref<!tpu.dma_semaphore, #tpu.memory_space<semaphore_mem>>
        %dma_start3A_103 = arith.constant 0 : i32
        %dma_start3A_104 = tpu.memref_slice %arg26[%mul3A_3, %dma_start3A_103] : memref<6272x128xf32, #tpu.memory_space<vmem_shared>> -> memref<392x128xf32, #tpu.memory_space<vmem_shared>>
        tpu.enqueue_dma source(%arg11 : memref<392x128xf32, #tpu.memory_space<hbm>>) target(%dma_start3A_104 : memref<392x128xf32, #tpu.memory_space<vmem_shared>>) target_semaphore(%run_scoped3A : memref<!tpu.dma_semaphore, #tpu.memory_space<semaphore_mem>>)
        %dma_wait3A = arith.constant 0 : i32
        %dma_wait3A_105 = tpu.memref_slice %arg26[%mul3A_3, %dma_wait3A] : memref<6272x128xf32, #tpu.memory_space<vmem_shared>> -> memref<392x128xf32, #tpu.memory_space<vmem_shared>>
        tpu.wait_dma2 semaphore(%run_scoped3A : memref<!tpu.dma_semaphore, #tpu.memory_space<semaphore_mem>>) src(%arg11 : memref<392x128xf32, #tpu.memory_space<hbm>>) dst(%dma_wait3A_105 : memref<392x128xf32, #tpu.memory_space<vmem_shared>>)
        tpu.yield
      }) : () -> ()
      %barrier3A = arith.constant 0 : index
      tpu.barrier barrier_id(%barrier3A)
      %add3A_38 = arith.constant 0 : i32
      %add3A_39 = arith.addi %mul3A_13, %add3A_38 : i32
      %add3A_40 = arith.constant 2048 : i32
      %add3A_41 = arith.addi %add3A_39, %add3A_40 : i32
      %dma_start3A = tpu.memref_slice %arg6[%add3A_39] : memref<196608xi32, #tpu.memory_space<hbm>> -> memref<2048xi32, #tpu.memory_space<hbm>>
      %dma_start3A_42 = tpu.memref_slice %arg6[%add3A_39] : memref<196608xi32, #tpu.memory_space<hbm>> -> memref<2048xi32, #tpu.memory_space<hbm>>
      tpu.enqueue_dma source(%dma_start3A_42 : memref<2048xi32, #tpu.memory_space<hbm>>) target(%arg15 : memref<2048xi32, #tpu.memory_space<vmem>>) target_semaphore(%arg27 : memref<!tpu.dma_semaphore, #tpu.memory_space<semaphore_mem>>)
      %dma_start3A_43 = tpu.memref_slice %arg7[%add3A_39] : memref<196608xi32, #tpu.memory_space<hbm>> -> memref<2048xi32, #tpu.memory_space<hbm>>
      %dma_start3A_44 = tpu.memref_slice %arg7[%add3A_39] : memref<196608xi32, #tpu.memory_space<hbm>> -> memref<2048xi32, #tpu.memory_space<hbm>>
      tpu.enqueue_dma source(%dma_start3A_44 : memref<2048xi32, #tpu.memory_space<hbm>>) target(%arg16 : memref<2048xi32, #tpu.memory_space<vmem>>) target_semaphore(%arg27 : memref<!tpu.dma_semaphore, #tpu.memory_space<semaphore_mem>>)
      %dma_start3A_45 = tpu.memref_slice %arg6[%add3A_41] : memref<196608xi32, #tpu.memory_space<hbm>> -> memref<2048xi32, #tpu.memory_space<hbm>>
      %dma_start3A_46 = tpu.memref_slice %arg6[%add3A_41] : memref<196608xi32, #tpu.memory_space<hbm>> -> memref<2048xi32, #tpu.memory_space<hbm>>
      tpu.enqueue_dma source(%dma_start3A_46 : memref<2048xi32, #tpu.memory_space<hbm>>) target(%arg17 : memref<2048xi32, #tpu.memory_space<vmem>>) target_semaphore(%arg28 : memref<!tpu.dma_semaphore, #tpu.memory_space<semaphore_mem>>)
      %dma_start3A_47 = tpu.memref_slice %arg7[%add3A_41] : memref<196608xi32, #tpu.memory_space<hbm>> -> memref<2048xi32, #tpu.memory_space<hbm>>
      %dma_start3A_48 = tpu.memref_slice %arg7[%add3A_41] : memref<196608xi32, #tpu.memory_space<hbm>> -> memref<2048xi32, #tpu.memory_space<hbm>>
      tpu.enqueue_dma source(%dma_start3A_48 : memref<2048xi32, #tpu.memory_space<hbm>>) target(%arg18 : memref<2048xi32, #tpu.memory_space<vmem>>) target_semaphore(%arg28 : memref<!tpu.dma_semaphore, #tpu.memory_space<semaphore_mem>>)
      %scan3A_49 = arith.constant 0 : i32
      %scan3A_50 = arith.constant 0 : i32
      %scan3A_51 = arith.constant 3 : i32
      %scan3A_52 = arith.addi %scan3A_50, %scan3A_51 : i32
      %scan3A_53 = arith.constant 1 : i32
      %scan3A_54 = scf.for %scan3A_103 = %scan3A_50 to %scan3A_52 step %scan3A_53 iter_args(%scan3A_104 = %scan3A_49) -> (i32)  : i32 {
        %dma_wait3A = tpu.memref_slice %arg6[%mul3A_13] : memref<196608xi32, #tpu.memory_space<hbm>> -> memref<2048xi32, #tpu.memory_space<hbm>>
        %dma_wait3A_105 = tpu.memref_slice %arg6[%mul3A_13] : memref<196608xi32, #tpu.memory_space<hbm>> -> memref<2048xi32, #tpu.memory_space<hbm>>
        tpu.wait_dma2 semaphore(%arg27 : memref<!tpu.dma_semaphore, #tpu.memory_space<semaphore_mem>>) src(%dma_wait3A_105 : memref<2048xi32, #tpu.memory_space<hbm>>) dst(%arg15 : memref<2048xi32, #tpu.memory_space<vmem>>)
        %dma_wait3A_106 = tpu.memref_slice %arg6[%mul3A_13] : memref<196608xi32, #tpu.memory_space<hbm>> -> memref<2048xi32, #tpu.memory_space<hbm>>
        %dma_wait3A_107 = tpu.memref_slice %arg6[%mul3A_13] : memref<196608xi32, #tpu.memory_space<hbm>> -> memref<2048xi32, #tpu.memory_space<hbm>>
        tpu.wait_dma2 semaphore(%arg27 : memref<!tpu.dma_semaphore, #tpu.memory_space<semaphore_mem>>) src(%dma_wait3A_107 : memref<2048xi32, #tpu.memory_space<hbm>>) dst(%arg16 : memref<2048xi32, #tpu.memory_space<vmem>>)
        %scan3A_108 = arith.constant 0 : i32
        %scan3A_109 = arith.constant 128 : i32
        %scan3A_110 = arith.addi %scan3A_108, %scan3A_109 : i32
        %scan3A_111 = arith.constant 1 : i32
        %scan3A_112 = scf.for %scan3A_177 = %scan3A_108 to %scan3A_110 step %scan3A_111 iter_args(%scan3A_178 = %scan3A_104) -> (i32)  : i32 {
          %mul3A_179 = arith.constant 16 : i32
          %mul3A_180 = arith.muli %scan3A_177, %mul3A_179 : i32
          %get3A = arith.index_cast %mul3A_180 : i32 to index
          %get3A_181 = tpu.vector_load %arg16[%get3A] {strides = array<i32>} : memref<2048xi32, #tpu.memory_space<vmem>>, vector<16xi32>,
          %mul3A_182 = arith.constant 16 : i32
          %mul3A_183 = arith.muli %scan3A_177, %mul3A_182 : i32
          %get3A_184 = arith.index_cast %mul3A_183 : i32 to index
          %get3A_185 = tpu.vector_load %arg15[%get3A_184] {strides = array<i32>} : memref<2048xi32, #tpu.memory_space<vmem>>, vector<16xi32>,
          %ge3A = vector.broadcast %mul3A_35 : i32 to vector<16xi32>
          %ge3A_186 = arith.cmpi sge, %get3A_181, %ge3A : vector<16xi32>
          %lt3A_187 = vector.broadcast %add3A_37 : i32 to vector<16xi32>
          %lt3A_188 = arith.cmpi slt, %get3A_181, %lt3A_187 : vector<16xi32>
          %and3A_189 = arith.andi %ge3A_186, %lt3A_188 : vector<16xi1>
          %masked_cumsum3A = tpu.scan <sum>, %broadcast_in_dim3A_2 masked %and3A_189 : vector<16xi32>, vector<16xi1> -> vector<16xi32>
          %sub3A_190 = arith.constant 1 : i32
          %sub3A_191 = arith.subi %scan3A_178, %sub3A_190 : i32
          %add3A_192 = vector.broadcast %sub3A_191 : i32 to vector<16xi32>
          %add3A_193 = arith.addi %masked_cumsum3A, %add3A_192 : vector<16xi32>
          %mul3A_194 = arith.constant 16384 : i32
          %mul3A_195 = vector.broadcast %mul3A_194 : i32 to vector<16xi32>
          %mul3A_196 = arith.muli %get3A_185, %mul3A_195 : vector<16xi32>
          %sub3A_197 = vector.broadcast %mul3A_35 : i32 to vector<16xi32>
          %sub3A_198 = arith.subi %get3A_181, %sub3A_197 : vector<16xi32>
          %add3A_199 = arith.addi %mul3A_196, %sub3A_198 : vector<16xi32>
          tpu.vector_store_idx %arg19[%add3A_193], %add3A_199 masked %and3A_189 : memref<4624xi32, #tpu.memory_space<vmem>>[vector<16xi32>], vector<16xi32>, vector<16xi1>
          %all_reduce_population_count3A = tpu.all_reduce %and3A_189 {dim = 0 : i64, kind = #tpu.reduction_kind<sum>} : vector<16xi1> -> vector<16xi32>
          %slice3A = vector.extract_strided_slice %all_reduce_population_count3A {offsets = [0], sizes = [1], strides = [1]} : vector<16xi32> to vector<1xi32>
          %squeeze3A = vector.extract %slice3A[0] : i32 from vector<1xi32>
          %add3A_200 = arith.addi %scan3A_178, %squeeze3A : i32
          scf.yield %add3A_200 : i32
        }
        %scan3A_113 = arith.constant 128 : i32
        %dma_wait3A_114 = tpu.memref_slice %arg6[%mul3A_13] : memref<196608xi32, #tpu.memory_space<hbm>> -> memref<2048xi32, #tpu.memory_space<hbm>>
        %dma_wait3A_115 = tpu.memref_slice %arg6[%mul3A_13] : memref<196608xi32, #tpu.memory_space<hbm>> -> memref<2048xi32, #tpu.memory_space<hbm>>
        tpu.wait_dma2 semaphore(%arg28 : memref<!tpu.dma_semaphore, #tpu.memory_space<semaphore_mem>>) src(%dma_wait3A_115 : memref<2048xi32, #tpu.memory_space<hbm>>) dst(%arg17 : memref<2048xi32, #tpu.memory_space<vmem>>)
        %dma_wait3A_116 = tpu.memref_slice %arg6[%mul3A_13] : memref<196608xi32, #tpu.memory_space<hbm>> -> memref<2048xi32, #tpu.memory_space<hbm>>
        %dma_wait3A_117 = tpu.memref_slice %arg6[%mul3A_13] : memref<196608xi32, #tpu.memory_space<hbm>> -> memref<2048xi32, #tpu.memory_space<hbm>>
        tpu.wait_dma2 semaphore(%arg28 : memref<!tpu.dma_semaphore, #tpu.memory_space<semaphore_mem>>) src(%dma_wait3A_117 : memref<2048xi32, #tpu.memory_space<hbm>>) dst(%arg18 : memref<2048xi32, #tpu.memory_space<vmem>>)
        %scan3A_118 = arith.constant 0 : i32
        %scan3A_119 = arith.constant 128 : i32
        %scan3A_120 = arith.addi %scan3A_118, %scan3A_119 : i32
        %scan3A_121 = arith.constant 1 : i32
        %scan3A_122 = scf.for %scan3A_177 = %scan3A_118 to %scan3A_120 step %scan3A_121 iter_args(%scan3A_178 = %scan3A_112) -> (i32)  : i32 {
          %mul3A_179 = arith.constant 16 : i32
          %mul3A_180 = arith.muli %scan3A_177, %mul3A_179 : i32
          %get3A = arith.index_cast %mul3A_180 : i32 to index
          %get3A_181 = tpu.vector_load %arg18[%get3A] {strides = array<i32>} : memref<2048xi32, #tpu.memory_space<vmem>>, vector<16xi32>,
          %mul3A_182 = arith.constant 16 : i32
          %mul3A_183 = arith.muli %scan3A_177, %mul3A_182 : i32
          %get3A_184 = arith.index_cast %mul3A_183 : i32 to index
          %get3A_185 = tpu.vector_load %arg17[%get3A_184] {strides = array<i32>} : memref<2048xi32, #tpu.memory_space<vmem>>, vector<16xi32>,
          %ge3A = vector.broadcast %mul3A_35 : i32 to vector<16xi32>
          %ge3A_186 = arith.cmpi sge, %get3A_181, %ge3A : vector<16xi32>
          %lt3A_187 = vector.broadcast %add3A_37 : i32 to vector<16xi32>
          %lt3A_188 = arith.cmpi slt, %get3A_181, %lt3A_187 : vector<16xi32>
          %and3A_189 = arith.andi %ge3A_186, %lt3A_188 : vector<16xi1>
          %masked_cumsum3A = tpu.scan <sum>, %broadcast_in_dim3A_2 masked %and3A_189 : vector<16xi32>, vector<16xi1> -> vector<16xi32>
          %sub3A_190 = arith.constant 1 : i32
          %sub3A_191 = arith.subi %scan3A_178, %sub3A_190 : i32
          %add3A_192 = vector.broadcast %sub3A_191 : i32 to vector<16xi32>
          %add3A_193 = arith.addi %masked_cumsum3A, %add3A_192 : vector<16xi32>
          %mul3A_194 = arith.constant 16384 : i32
          %mul3A_195 = vector.broadcast %mul3A_194 : i32 to vector<16xi32>
          %mul3A_196 = arith.muli %get3A_185, %mul3A_195 : vector<16xi32>
          %sub3A_197 = vector.broadcast %mul3A_35 : i32 to vector<16xi32>
          %sub3A_198 = arith.subi %get3A_181, %sub3A_197 : vector<16xi32>
          %add3A_199 = arith.addi %mul3A_196, %sub3A_198 : vector<16xi32>
          tpu.vector_store_idx %arg19[%add3A_193], %add3A_199 masked %and3A_189 : memref<4624xi32, #tpu.memory_space<vmem>>[vector<16xi32>], vector<16xi32>, vector<16xi1>
          %all_reduce_population_count3A = tpu.all_reduce %and3A_189 {dim = 0 : i64, kind = #tpu.reduction_kind<sum>} : vector<16xi1> -> vector<16xi32>
          %slice3A = vector.extract_strided_slice %all_reduce_population_count3A {offsets = [0], sizes = [1], strides = [1]} : vector<16xi32> to vector<1xi32>
          %squeeze3A = vector.extract %slice3A[0] : i32 from vector<1xi32>
          %add3A_200 = arith.addi %scan3A_178, %squeeze3A : i32
          scf.yield %add3A_200 : i32
        }
        %scan3A_123 = arith.constant 128 : i32
        %add3A_124 = arith.constant 1 : i32
        %add3A_125 = arith.addi %scan3A_103, %add3A_124 : i32
        %lt3A_126 = arith.constant 3 : i32
        %lt3A_127 = arith.cmpi slt, %add3A_125, %lt3A_126 : i32
        %convert_element_type3A_128 = arith.extui %lt3A_127 : i1 to i32
        %cond3A_129 = arith.constant 0 : i32
        %cond3A_130 = arith.cmpi ne, %convert_element_type3A_128, %cond3A_129 : i32
        scf.if %cond3A_130 {
          %add3A_177 = arith.constant 1 : i32
          %add3A_178 = arith.addi %scan3A_103, %add3A_177 : i32
          %mul3A_179 = arith.constant 2 : i32
          %mul3A_180 = arith.muli %mul3A_179, %add3A_178 : i32
          %mul3A_181 = arith.constant 2048 : i32
          %mul3A_182 = arith.muli %mul3A_180, %mul3A_181 : i32
          %add3A_183 = arith.addi %mul3A_13, %mul3A_182 : i32
          %add3A_184 = arith.constant 2048 : i32
          %add3A_185 = arith.addi %add3A_183, %add3A_184 : i32
          %dma_start3A_186 = tpu.memref_slice %arg6[%add3A_183] : memref<196608xi32, #tpu.memory_space<hbm>> -> memref<2048xi32, #tpu.memory_space<hbm>>
          %dma_start3A_187 = tpu.memref_slice %arg6[%add3A_183] : memref<196608xi32, #tpu.memory_space<hbm>> -> memref<2048xi32, #tpu.memory_space<hbm>>
          tpu.enqueue_dma source(%dma_start3A_187 : memref<2048xi32, #tpu.memory_space<hbm>>) target(%arg15 : memref<2048xi32, #tpu.memory_space<vmem>>) target_semaphore(%arg27 : memref<!tpu.dma_semaphore, #tpu.memory_space<semaphore_mem>>)
          %dma_start3A_188 = tpu.memref_slice %arg7[%add3A_183] : memref<196608xi32, #tpu.memory_space<hbm>> -> memref<2048xi32, #tpu.memory_space<hbm>>
          %dma_start3A_189 = tpu.memref_slice %arg7[%add3A_183] : memref<196608xi32, #tpu.memory_space<hbm>> -> memref<2048xi32, #tpu.memory_space<hbm>>
          tpu.enqueue_dma source(%dma_start3A_189 : memref<2048xi32, #tpu.memory_space<hbm>>) target(%arg16 : memref<2048xi32, #tpu.memory_space<vmem>>) target_semaphore(%arg27 : memref<!tpu.dma_semaphore, #tpu.memory_space<semaphore_mem>>)
          %dma_start3A_190 = tpu.memref_slice %arg6[%add3A_185] : memref<196608xi32, #tpu.memory_space<hbm>> -> memref<2048xi32, #tpu.memory_space<hbm>>
          %dma_start3A_191 = tpu.memref_slice %arg6[%add3A_185] : memref<196608xi32, #tpu.memory_space<hbm>> -> memref<2048xi32, #tpu.memory_space<hbm>>
          tpu.enqueue_dma source(%dma_start3A_191 : memref<2048xi32, #tpu.memory_space<hbm>>) target(%arg17 : memref<2048xi32, #tpu.memory_space<vmem>>) target_semaphore(%arg28 : memref<!tpu.dma_semaphore, #tpu.memory_space<semaphore_mem>>)
          %dma_start3A_192 = tpu.memref_slice %arg7[%add3A_185] : memref<196608xi32, #tpu.memory_space<hbm>> -> memref<2048xi32, #tpu.memory_space<hbm>>
          %dma_start3A_193 = tpu.memref_slice %arg7[%add3A_185] : memref<196608xi32, #tpu.memory_space<hbm>> -> memref<2048xi32, #tpu.memory_space<hbm>>
          tpu.enqueue_dma source(%dma_start3A_193 : memref<2048xi32, #tpu.memory_space<hbm>>) target(%arg18 : memref<2048xi32, #tpu.memory_space<vmem>>) target_semaphore(%arg28 : memref<!tpu.dma_semaphore, #tpu.memory_space<semaphore_mem>>)
        } else {
        }
        %jit3A_131 = arith.constant 512 : i32
        %div3A_132 = arith.divsi %scan3A_122, %jit3A_131 : i32
        %sign3A_133 = arith.constant 0 : i32
        %sign3A_134 = arith.cmpi sgt, %scan3A_122, %sign3A_133 : i32
        %sign3A_135 = arith.extui %sign3A_134 : i1 to i32
        %sign3A_136 = arith.constant 0 : i32
        %sign3A_137 = arith.cmpi slt, %scan3A_122, %sign3A_136 : i32
        %sign3A_138 = arith.extui %sign3A_137 : i1 to i32
        %sign3A_139 = arith.subi %sign3A_135, %sign3A_138 : i32
        %sign3A_140 = arith.constant 0 : i32
        %sign3A_141 = arith.cmpi sgt, %jit3A_131, %sign3A_140 : i32
        %sign3A_142 = arith.extui %sign3A_141 : i1 to i32
        %sign3A_143 = arith.constant 0 : i32
        %sign3A_144 = arith.cmpi slt, %jit3A_131, %sign3A_143 : i32
        %sign3A_145 = arith.extui %sign3A_144 : i1 to i32
        %sign3A_146 = arith.subi %sign3A_142, %sign3A_145 : i32
        %ne3A_147 = arith.cmpi ne, %sign3A_139, %sign3A_146 : i32
        %rem3A_148 = arith.remsi %scan3A_122, %jit3A_131 : i32
        %ne3A_149 = arith.constant 0 : i32
        %ne3A_150 = arith.cmpi ne, %rem3A_148, %ne3A_149 : i32
        %and3A_151 = arith.andi %ne3A_147, %ne3A_150 : i1
        %sub3A_152 = arith.constant 1 : i32
        %sub3A_153 = arith.subi %div3A_132, %sub3A_152 : i32
        %select_n3A_154 = arith.select %and3A_151, %sub3A_153, %div3A_132 : i32
        %while3A_155 = arith.constant 0 : i32
        %while3A_156 = arith.constant 0 : i32
        %while3A_157 = arith.subi %select_n3A_154, %while3A_155 : i32
        %while3A_158 = arith.addi %while3A_155, %while3A_157 : i32
        %while3A_159 = arith.constant 1 : i32
        %while3A_160 = arith.divsi %while3A_157, %while3A_159 : i32
        %while3A_161 = arith.muli %while3A_160, %while3A_159 : i32
        %while3A_162 = arith.addi %while3A_155, %while3A_161 : i32
        %while3A_163 = arith.constant 1 : i32
        %while3A_164 = scf.for %while3A_177 = %while3A_155 to %while3A_162 step %while3A_163 iter_args(%while3A_178 = %while3A_156) -> (i32)  : i32 {
          %mul3A_179 = arith.constant 512 : i32
          %mul3A_180 = arith.muli %while3A_177, %mul3A_179 : i32
          %scan3A_181 = arith.constant 0 : i32
          %scan3A_182 = arith.constant 0 : i32
          %scan3A_183 = arith.constant 16 : i32
          %scan3A_184 = arith.addi %scan3A_182, %scan3A_183 : i32
          %scan3A_185 = arith.constant 1 : i32
          %scan3A_186 = scf.for %scan3A_208 = %scan3A_182 to %scan3A_184 step %scan3A_185 iter_args(%scan3A_209 = %scan3A_181) -> (i32)  : i32 {
            %add3A_210 = arith.constant 0 : i32
            %add3A_211 = arith.addi %mul3A_180, %add3A_210 : i32
            %mul3A_212 = arith.constant 16 : i32
            %mul3A_213 = arith.muli %scan3A_208, %mul3A_212 : i32
            %add3A_214 = arith.addi %add3A_211, %mul3A_213 : i32
            %get3A = arith.index_cast %add3A_214 : i32 to index
            %get3A_215 = tpu.vector_load %arg19[%get3A] {strides = array<i32>} : memref<4624xi32, #tpu.memory_space<vmem>>, vector<16xi32>,
            %shift_right_arithmetic3A = arith.constant 14 : i32
            %shift_right_arithmetic3A_216 = vector.broadcast %shift_right_arithmetic3A : i32 to vector<16xi32>
            %shift_right_arithmetic3A_217 = arith.shrsi %get3A_215, %shift_right_arithmetic3A_216 : vector<16xi32>
            %mul3A_218 = arith.constant 16 : i32
            %mul3A_219 = arith.muli %scan3A_208, %mul3A_218 : i32
            %swap3A = arith.index_cast %mul3A_219 : i32 to index
            %swap3A_220 = tpu.vector_load %arg20[%swap3A] {strides = array<i32>} : memref<256xi32, #tpu.memory_space<vmem>>, vector<16xi32>,
            tpu.vector_store %arg20[%swap3A], %shift_right_arithmetic3A_217 {strides = array<i32>} : memref<256xi32, #tpu.memory_space<vmem>>, vector<16xi32>,
            %and3A_221 = arith.constant 16383 : i32
            %and3A_222 = vector.broadcast %and3A_221 : i32 to vector<16xi32>
            %and3A_223 = arith.andi %get3A_215, %and3A_222 : vector<16xi32>
            %mul3A_224 = arith.constant 16 : i32
            %mul3A_225 = arith.muli %scan3A_208, %mul3A_224 : i32
            %swap3A_226 = arith.index_cast %mul3A_225 : i32 to index
            %swap3A_227 = tpu.vector_load %arg22[%swap3A_226] {strides = array<i32>} : memref<256xi32, #tpu.memory_space<vmem>>, vector<16xi32>,
            tpu.vector_store %arg22[%swap3A_226], %and3A_223 {strides = array<i32>} : memref<256xi32, #tpu.memory_space<vmem>>, vector<16xi32>,
            %scan3A_228 = arith.constant 0 : i32
            scf.yield %scan3A_228 : i32
          }
          %scan3A_187 = arith.constant 16 : i32
          %dma_start3A_188 = arith.constant 0 : i32
          %dma_start3A_189 = arith.constant 0 : i32
          %dma_start3A_190 = tpu.memref_slice %arg5[%dma_start3A_188, %dma_start3A_189] : memref<50000x128xf32, #tpu.memory_space<hbm>> -> memref<50000x128xf32, #tpu.memory_space<hbm>>
          tpu.enqueue_indirect_dma source(%dma_start3A_190 : memref<50000x128xf32, #tpu.memory_space<hbm>>) target(%arg24 : memref<256x128xf32, #tpu.memory_space<vmem>>) offsets(%arg20 : memref<256xi32, #tpu.memory_space<vmem>>) semaphore(%arg29 : memref<!tpu.dma_semaphore, #tpu.memory_space<semaphore_mem>>)
          %scan3A_191 = arith.constant 0 : i32
          %scan3A_192 = arith.constant 0 : i32
          %scan3A_193 = arith.constant 16 : i32
          %scan3A_194 = arith.addi %scan3A_192, %scan3A_193 : i32
          %scan3A_195 = arith.constant 1 : i32
          %scan3A_196 = scf.for %scan3A_208 = %scan3A_192 to %scan3A_194 step %scan3A_195 iter_args(%scan3A_209 = %scan3A_191) -> (i32)  : i32 {
            %add3A_210 = arith.constant 256 : i32
            %add3A_211 = arith.addi %mul3A_180, %add3A_210 : i32
            %mul3A_212 = arith.constant 16 : i32
            %mul3A_213 = arith.muli %scan3A_208, %mul3A_212 : i32
            %add3A_214 = arith.addi %add3A_211, %mul3A_213 : i32
            %get3A = arith.index_cast %add3A_214 : i32 to index
            %get3A_215 = tpu.vector_load %arg19[%get3A] {strides = array<i32>} : memref<4624xi32, #tpu.memory_space<vmem>>, vector<16xi32>,
            %shift_right_arithmetic3A = arith.constant 14 : i32
            %shift_right_arithmetic3A_216 = vector.broadcast %shift_right_arithmetic3A : i32 to vector<16xi32>
            %shift_right_arithmetic3A_217 = arith.shrsi %get3A_215, %shift_right_arithmetic3A_216 : vector<16xi32>
            %mul3A_218 = arith.constant 16 : i32
            %mul3A_219 = arith.muli %scan3A_208, %mul3A_218 : i32
            %swap3A = arith.index_cast %mul3A_219 : i32 to index
            %swap3A_220 = tpu.vector_load %arg21[%swap3A] {strides = array<i32>} : memref<256xi32, #tpu.memory_space<vmem>>, vector<16xi32>,
            tpu.vector_store %arg21[%swap3A], %shift_right_arithmetic3A_217 {strides = array<i32>} : memref<256xi32, #tpu.memory_space<vmem>>, vector<16xi32>,
            %and3A_221 = arith.constant 16383 : i32
            %and3A_222 = vector.broadcast %and3A_221 : i32 to vector<16xi32>
            %and3A_223 = arith.andi %get3A_215, %and3A_222 : vector<16xi32>
            %mul3A_224 = arith.constant 16 : i32
            %mul3A_225 = arith.muli %scan3A_208, %mul3A_224 : i32
            %swap3A_226 = arith.index_cast %mul3A_225 : i32 to index
            %swap3A_227 = tpu.vector_load %arg23[%swap3A_226] {strides = array<i32>} : memref<256xi32, #tpu.memory_space<vmem>>, vector<16xi32>,
            tpu.vector_store %arg23[%swap3A_226], %and3A_223 {strides = array<i32>} : memref<256xi32, #tpu.memory_space<vmem>>, vector<16xi32>,
            %scan3A_228 = arith.constant 0 : i32
            scf.yield %scan3A_228 : i32
          }
          %scan3A_197 = arith.constant 16 : i32
          %dma_start3A_198 = arith.constant 0 : i32
          %dma_start3A_199 = arith.constant 0 : i32
          %dma_start3A_200 = tpu.memref_slice %arg5[%dma_start3A_198, %dma_start3A_199] : memref<50000x128xf32, #tpu.memory_space<hbm>> -> memref<50000x128xf32, #tpu.memory_space<hbm>>
          tpu.enqueue_indirect_dma source(%dma_start3A_200 : memref<50000x128xf32, #tpu.memory_space<hbm>>) target(%arg25 : memref<256x128xf32, #tpu.memory_space<vmem>>) offsets(%arg21 : memref<256xi32, #tpu.memory_space<vmem>>) semaphore(%arg30 : memref<!tpu.dma_semaphore, #tpu.memory_space<semaphore_mem>>)
          %dma_wait3A_201 = arith.constant 0 : i32
          %dma_wait3A_202 = arith.constant 0 : i32
          %dma_wait3A_203 = tpu.memref_slice %arg5[%dma_wait3A_201, %dma_wait3A_202] : memref<50000x128xf32, #tpu.memory_space<hbm>> -> memref<50000x128xf32, #tpu.memory_space<hbm>>
          tpu.wait_indirect_dma semaphore(%arg29 : memref<!tpu.dma_semaphore, #tpu.memory_space<semaphore_mem>>) src(%dma_wait3A_203 : memref<50000x128xf32, #tpu.memory_space<hbm>>) dst(%arg24 : memref<256x128xf32, #tpu.memory_space<vmem>>)
          "tpu.region"() ({
            %run_scoped3A = tpu.sem_alloc : memref<!tpu.dma_semaphore, #tpu.memory_space<semaphore_mem>>
            %dma_start3A_208 = arith.constant 0 : i32
            %dma_start3A_209 = arith.constant 0 : i32
            %dma_start3A_210 = tpu.memref_slice %arg26[%dma_start3A_208, %dma_start3A_209] : memref<6272x128xf32, #tpu.memory_space<vmem_shared>> -> memref<6272x128xf32, #tpu.memory_space<vmem_shared>>
            tpu.enqueue_indirect_dma source(%arg24 : memref<256x128xf32, #tpu.memory_space<vmem>>) target(%dma_start3A_210 : memref<6272x128xf32, #tpu.memory_space<vmem_shared>>) offsets(%arg22 : memref<256xi32, #tpu.memory_space<vmem>>) semaphore(%run_scoped3A : memref<!tpu.dma_semaphore, #tpu.memory_space<semaphore_mem>>) {add = true}
            %dma_wait3A_211 = arith.constant 0 : i32
            %dma_wait3A_212 = arith.constant 0 : i32
            %dma_wait3A_213 = tpu.memref_slice %arg26[%dma_wait3A_211, %dma_wait3A_212] : memref<6272x128xf32, #tpu.memory_space<vmem_shared>> -> memref<6272x128xf32, #tpu.memory_space<vmem_shared>>
            tpu.wait_indirect_dma semaphore(%run_scoped3A : memref<!tpu.dma_semaphore, #tpu.memory_space<semaphore_mem>>) src(%arg24 : memref<256x128xf32, #tpu.memory_space<vmem>>) dst(%dma_wait3A_213 : memref<6272x128xf32, #tpu.memory_space<vmem_shared>>)
            tpu.yield
          }) : () -> ()
          %dma_wait3A_204 = arith.constant 0 : i32
          %dma_wait3A_205 = arith.constant 0 : i32
          %dma_wait3A_206 = tpu.memref_slice %arg5[%dma_wait3A_204, %dma_wait3A_205] : memref<50000x128xf32, #tpu.memory_space<hbm>> -> memref<50000x128xf32, #tpu.memory_space<hbm>>
          tpu.wait_indirect_dma semaphore(%arg30 : memref<!tpu.dma_semaphore, #tpu.memory_space<semaphore_mem>>) src(%dma_wait3A_206 : memref<50000x128xf32, #tpu.memory_space<hbm>>) dst(%arg25 : memref<256x128xf32, #tpu.memory_space<vmem>>)
          "tpu.region"() ({
            %run_scoped3A = tpu.sem_alloc : memref<!tpu.dma_semaphore, #tpu.memory_space<semaphore_mem>>
            %dma_start3A_208 = arith.constant 0 : i32
            %dma_start3A_209 = arith.constant 0 : i32
            %dma_start3A_210 = tpu.memref_slice %arg26[%dma_start3A_208, %dma_start3A_209] : memref<6272x128xf32, #tpu.memory_space<vmem_shared>> -> memref<6272x128xf32, #tpu.memory_space<vmem_shared>>
            tpu.enqueue_indirect_dma source(%arg25 : memref<256x128xf32, #tpu.memory_space<vmem>>) target(%dma_start3A_210 : memref<6272x128xf32, #tpu.memory_space<vmem_shared>>) offsets(%arg23 : memref<256xi32, #tpu.memory_space<vmem>>) semaphore(%run_scoped3A : memref<!tpu.dma_semaphore, #tpu.memory_space<semaphore_mem>>) {add = true}
            %dma_wait3A_211 = arith.constant 0 : i32
            %dma_wait3A_212 = arith.constant 0 : i32
            %dma_wait3A_213 = tpu.memref_slice %arg26[%dma_wait3A_211, %dma_wait3A_212] : memref<6272x128xf32, #tpu.memory_space<vmem_shared>> -> memref<6272x128xf32, #tpu.memory_space<vmem_shared>>
            tpu.wait_indirect_dma semaphore(%run_scoped3A : memref<!tpu.dma_semaphore, #tpu.memory_space<semaphore_mem>>) src(%arg25 : memref<256x128xf32, #tpu.memory_space<vmem>>) dst(%dma_wait3A_213 : memref<6272x128xf32, #tpu.memory_space<vmem_shared>>)
            tpu.yield
          }) : () -> ()
          %while3A_207 = arith.constant 0 : i32
          scf.yield %while3A_207 : i32
        }
        %while3A_165 = arith.constant 1 : i32
        %while3A_166 = scf.for %while3A_177 = %while3A_162 to %while3A_158 step %while3A_165 iter_args(%while3A_178 = %while3A_164) -> (i32)  : i32 {
          %mul3A_179 = arith.constant 512 : i32
          %mul3A_180 = arith.muli %while3A_177, %mul3A_179 : i32
          %scan3A_181 = arith.constant 0 : i32
          %scan3A_182 = arith.constant 0 : i32
          %scan3A_183 = arith.constant 16 : i32
          %scan3A_184 = arith.addi %scan3A_182, %scan3A_183 : i32
          %scan3A_185 = arith.constant 1 : i32
          %scan3A_186 = scf.for %scan3A_208 = %scan3A_182 to %scan3A_184 step %scan3A_185 iter_args(%scan3A_209 = %scan3A_181) -> (i32)  : i32 {
            %add3A_210 = arith.constant 0 : i32
            %add3A_211 = arith.addi %mul3A_180, %add3A_210 : i32
            %mul3A_212 = arith.constant 16 : i32
            %mul3A_213 = arith.muli %scan3A_208, %mul3A_212 : i32
            %add3A_214 = arith.addi %add3A_211, %mul3A_213 : i32
            %get3A = arith.index_cast %add3A_214 : i32 to index
            %get3A_215 = tpu.vector_load %arg19[%get3A] {strides = array<i32>} : memref<4624xi32, #tpu.memory_space<vmem>>, vector<16xi32>,
            %shift_right_arithmetic3A = arith.constant 14 : i32
            %shift_right_arithmetic3A_216 = vector.broadcast %shift_right_arithmetic3A : i32 to vector<16xi32>
            %shift_right_arithmetic3A_217 = arith.shrsi %get3A_215, %shift_right_arithmetic3A_216 : vector<16xi32>
            %mul3A_218 = arith.constant 16 : i32
            %mul3A_219 = arith.muli %scan3A_208, %mul3A_218 : i32
            %swap3A = arith.index_cast %mul3A_219 : i32 to index
            %swap3A_220 = tpu.vector_load %arg20[%swap3A] {strides = array<i32>} : memref<256xi32, #tpu.memory_space<vmem>>, vector<16xi32>,
            tpu.vector_store %arg20[%swap3A], %shift_right_arithmetic3A_217 {strides = array<i32>} : memref<256xi32, #tpu.memory_space<vmem>>, vector<16xi32>,
            %and3A_221 = arith.constant 16383 : i32
            %and3A_222 = vector.broadcast %and3A_221 : i32 to vector<16xi32>
            %and3A_223 = arith.andi %get3A_215, %and3A_222 : vector<16xi32>
            %mul3A_224 = arith.constant 16 : i32
            %mul3A_225 = arith.muli %scan3A_208, %mul3A_224 : i32
            %swap3A_226 = arith.index_cast %mul3A_225 : i32 to index
            %swap3A_227 = tpu.vector_load %arg22[%swap3A_226] {strides = array<i32>} : memref<256xi32, #tpu.memory_space<vmem>>, vector<16xi32>,
            tpu.vector_store %arg22[%swap3A_226], %and3A_223 {strides = array<i32>} : memref<256xi32, #tpu.memory_space<vmem>>, vector<16xi32>,
            %scan3A_228 = arith.constant 0 : i32
            scf.yield %scan3A_228 : i32
          }
          %scan3A_187 = arith.constant 16 : i32
          %dma_start3A_188 = arith.constant 0 : i32
          %dma_start3A_189 = arith.constant 0 : i32
          %dma_start3A_190 = tpu.memref_slice %arg5[%dma_start3A_188, %dma_start3A_189] : memref<50000x128xf32, #tpu.memory_space<hbm>> -> memref<50000x128xf32, #tpu.memory_space<hbm>>
          tpu.enqueue_indirect_dma source(%dma_start3A_190 : memref<50000x128xf32, #tpu.memory_space<hbm>>) target(%arg24 : memref<256x128xf32, #tpu.memory_space<vmem>>) offsets(%arg20 : memref<256xi32, #tpu.memory_space<vmem>>) semaphore(%arg29 : memref<!tpu.dma_semaphore, #tpu.memory_space<semaphore_mem>>)
          %scan3A_191 = arith.constant 0 : i32
          %scan3A_192 = arith.constant 0 : i32
          %scan3A_193 = arith.constant 16 : i32
          %scan3A_194 = arith.addi %scan3A_192, %scan3A_193 : i32
          %scan3A_195 = arith.constant 1 : i32
          %scan3A_196 = scf.for %scan3A_208 = %scan3A_192 to %scan3A_194 step %scan3A_195 iter_args(%scan3A_209 = %scan3A_191) -> (i32)  : i32 {
            %add3A_210 = arith.constant 256 : i32
            %add3A_211 = arith.addi %mul3A_180, %add3A_210 : i32
            %mul3A_212 = arith.constant 16 : i32
            %mul3A_213 = arith.muli %scan3A_208, %mul3A_212 : i32
            %add3A_214 = arith.addi %add3A_211, %mul3A_213 : i32
            %get3A = arith.index_cast %add3A_214 : i32 to index
            %get3A_215 = tpu.vector_load %arg19[%get3A] {strides = array<i32>} : memref<4624xi32, #tpu.memory_space<vmem>>, vector<16xi32>,
            %shift_right_arithmetic3A = arith.constant 14 : i32
            %shift_right_arithmetic3A_216 = vector.broadcast %shift_right_arithmetic3A : i32 to vector<16xi32>
            %shift_right_arithmetic3A_217 = arith.shrsi %get3A_215, %shift_right_arithmetic3A_216 : vector<16xi32>
            %mul3A_218 = arith.constant 16 : i32
            %mul3A_219 = arith.muli %scan3A_208, %mul3A_218 : i32
            %swap3A = arith.index_cast %mul3A_219 : i32 to index
            %swap3A_220 = tpu.vector_load %arg21[%swap3A] {strides = array<i32>} : memref<256xi32, #tpu.memory_space<vmem>>, vector<16xi32>,
            tpu.vector_store %arg21[%swap3A], %shift_right_arithmetic3A_217 {strides = array<i32>} : memref<256xi32, #tpu.memory_space<vmem>>, vector<16xi32>,
            %and3A_221 = arith.constant 16383 : i32
            %and3A_222 = vector.broadcast %and3A_221 : i32 to vector<16xi32>
            %and3A_223 = arith.andi %get3A_215, %and3A_222 : vector<16xi32>
            %mul3A_224 = arith.constant 16 : i32
            %mul3A_225 = arith.muli %scan3A_208, %mul3A_224 : i32
            %swap3A_226 = arith.index_cast %mul3A_225 : i32 to index
            %swap3A_227 = tpu.vector_load %arg23[%swap3A_226] {strides = array<i32>} : memref<256xi32, #tpu.memory_space<vmem>>, vector<16xi32>,
            tpu.vector_store %arg23[%swap3A_226], %and3A_223 {strides = array<i32>} : memref<256xi32, #tpu.memory_space<vmem>>, vector<16xi32>,
            %scan3A_228 = arith.constant 0 : i32
            scf.yield %scan3A_228 : i32
          }
          %scan3A_197 = arith.constant 16 : i32
          %dma_start3A_198 = arith.constant 0 : i32
          %dma_start3A_199 = arith.constant 0 : i32
          %dma_start3A_200 = tpu.memref_slice %arg5[%dma_start3A_198, %dma_start3A_199] : memref<50000x128xf32, #tpu.memory_space<hbm>> -> memref<50000x128xf32, #tpu.memory_space<hbm>>
          tpu.enqueue_indirect_dma source(%dma_start3A_200 : memref<50000x128xf32, #tpu.memory_space<hbm>>) target(%arg25 : memref<256x128xf32, #tpu.memory_space<vmem>>) offsets(%arg21 : memref<256xi32, #tpu.memory_space<vmem>>) semaphore(%arg30 : memref<!tpu.dma_semaphore, #tpu.memory_space<semaphore_mem>>)
          %dma_wait3A_201 = arith.constant 0 : i32
          %dma_wait3A_202 = arith.constant 0 : i32
          %dma_wait3A_203 = tpu.memref_slice %arg5[%dma_wait3A_201, %dma_wait3A_202] : memref<50000x128xf32, #tpu.memory_space<hbm>> -> memref<50000x128xf32, #tpu.memory_space<hbm>>
          tpu.wait_indirect_dma semaphore(%arg29 : memref<!tpu.dma_semaphore, #tpu.memory_space<semaphore_mem>>) src(%dma_wait3A_203 : memref<50000x128xf32, #tpu.memory_space<hbm>>) dst(%arg24 : memref<256x128xf32, #tpu.memory_space<vmem>>)
          "tpu.region"() ({
            %run_scoped3A = tpu.sem_alloc : memref<!tpu.dma_semaphore, #tpu.memory_space<semaphore_mem>>
            %dma_start3A_208 = arith.constant 0 : i32
            %dma_start3A_209 = arith.constant 0 : i32
            %dma_start3A_210 = tpu.memref_slice %arg26[%dma_start3A_208, %dma_start3A_209] : memref<6272x128xf32, #tpu.memory_space<vmem_shared>> -> memref<6272x128xf32, #tpu.memory_space<vmem_shared>>
            tpu.enqueue_indirect_dma source(%arg24 : memref<256x128xf32, #tpu.memory_space<vmem>>) target(%dma_start3A_210 : memref<6272x128xf32, #tpu.memory_space<vmem_shared>>) offsets(%arg22 : memref<256xi32, #tpu.memory_space<vmem>>) semaphore(%run_scoped3A : memref<!tpu.dma_semaphore, #tpu.memory_space<semaphore_mem>>) {add = true}
            %dma_wait3A_211 = arith.constant 0 : i32
            %dma_wait3A_212 = arith.constant 0 : i32
            %dma_wait3A_213 = tpu.memref_slice %arg26[%dma_wait3A_211, %dma_wait3A_212] : memref<6272x128xf32, #tpu.memory_space<vmem_shared>> -> memref<6272x128xf32, #tpu.memory_space<vmem_shared>>
            tpu.wait_indirect_dma semaphore(%run_scoped3A : memref<!tpu.dma_semaphore, #tpu.memory_space<semaphore_mem>>) src(%arg24 : memref<256x128xf32, #tpu.memory_space<vmem>>) dst(%dma_wait3A_213 : memref<6272x128xf32, #tpu.memory_space<vmem_shared>>)
            tpu.yield
          }) : () -> ()
          %dma_wait3A_204 = arith.constant 0 : i32
          %dma_wait3A_205 = arith.constant 0 : i32
          %dma_wait3A_206 = tpu.memref_slice %arg5[%dma_wait3A_204, %dma_wait3A_205] : memref<50000x128xf32, #tpu.memory_space<hbm>> -> memref<50000x128xf32, #tpu.memory_space<hbm>>
          tpu.wait_indirect_dma semaphore(%arg30 : memref<!tpu.dma_semaphore, #tpu.memory_space<semaphore_mem>>) src(%dma_wait3A_206 : memref<50000x128xf32, #tpu.memory_space<hbm>>) dst(%arg25 : memref<256x128xf32, #tpu.memory_space<vmem>>)
          "tpu.region"() ({
            %run_scoped3A = tpu.sem_alloc : memref<!tpu.dma_semaphore, #tpu.memory_space<semaphore_mem>>
            %dma_start3A_208 = arith.constant 0 : i32
            %dma_start3A_209 = arith.constant 0 : i32
            %dma_start3A_210 = tpu.memref_slice %arg26[%dma_start3A_208, %dma_start3A_209] : memref<6272x128xf32, #tpu.memory_space<vmem_shared>> -> memref<6272x128xf32, #tpu.memory_space<vmem_shared>>
            tpu.enqueue_indirect_dma source(%arg25 : memref<256x128xf32, #tpu.memory_space<vmem>>) target(%dma_start3A_210 : memref<6272x128xf32, #tpu.memory_space<vmem_shared>>) offsets(%arg23 : memref<256xi32, #tpu.memory_space<vmem>>) semaphore(%run_scoped3A : memref<!tpu.dma_semaphore, #tpu.memory_space<semaphore_mem>>) {add = true}
            %dma_wait3A_211 = arith.constant 0 : i32
            %dma_wait3A_212 = arith.constant 0 : i32
            %dma_wait3A_213 = tpu.memref_slice %arg26[%dma_wait3A_211, %dma_wait3A_212] : memref<6272x128xf32, #tpu.memory_space<vmem_shared>> -> memref<6272x128xf32, #tpu.memory_space<vmem_shared>>
            tpu.wait_indirect_dma semaphore(%run_scoped3A : memref<!tpu.dma_semaphore, #tpu.memory_space<semaphore_mem>>) src(%arg25 : memref<256x128xf32, #tpu.memory_space<vmem>>) dst(%dma_wait3A_213 : memref<6272x128xf32, #tpu.memory_space<vmem_shared>>)
            tpu.yield
          }) : () -> ()
          %while3A_207 = arith.constant 0 : i32
          scf.yield %while3A_207 : i32
        }
        %mul3A_167 = arith.constant 512 : i32
        %mul3A_168 = arith.muli %select_n3A_154, %mul3A_167 : i32
        %scan3A_169 = arith.constant 0 : i32
        %scan3A_170 = arith.constant 0 : i32
        %scan3A_171 = arith.constant 32 : i32
        %scan3A_172 = arith.addi %scan3A_170, %scan3A_171 : i32
        %scan3A_173 = arith.constant 1 : i32
        %scan3A_174 = scf.for %scan3A_177 = %scan3A_170 to %scan3A_172 step %scan3A_173 iter_args(%scan3A_178 = %scan3A_169) -> (i32)  : i32 {
          %mul3A_179 = arith.constant 16 : i32
          %mul3A_180 = arith.muli %scan3A_177, %mul3A_179 : i32
          %add3A_181 = arith.addi %mul3A_168, %mul3A_180 : i32
          %get3A = arith.index_cast %add3A_181 : i32 to index
          %get3A_182 = tpu.vector_load %arg19[%get3A] {strides = array<i32>} : memref<4624xi32, #tpu.memory_space<vmem>>, vector<16xi32>,
          %mul3A_183 = arith.constant 16 : i32
          %mul3A_184 = arith.muli %scan3A_177, %mul3A_183 : i32
          %swap3A = arith.index_cast %mul3A_184 : i32 to index
          %swap3A_185 = tpu.vector_load %arg19[%swap3A] {strides = array<i32>} : memref<4624xi32, #tpu.memory_space<vmem>>, vector<16xi32>,
          tpu.vector_store %arg19[%swap3A], %get3A_182 {strides = array<i32>} : memref<4624xi32, #tpu.memory_space<vmem>>, vector<16xi32>,
          %scan3A_186 = arith.constant 0 : i32
          scf.yield %scan3A_186 : i32
        }
        %scan3A_175 = arith.constant 32 : i32
        %sub3A_176 = arith.subi %scan3A_122, %mul3A_168 : i32
        scf.yield %sub3A_176 : i32
      }
      %scan3A_55 = arith.constant 3 : i32
      %scan3A_56 = arith.constant 0 : i32
      %scan3A_57 = arith.constant 0 : i32
      %scan3A_58 = arith.constant 32 : i32
      %scan3A_59 = arith.addi %scan3A_57, %scan3A_58 : i32
      %scan3A_60 = arith.constant 1 : i32
      %scan3A_61 = scf.for %scan3A_103 = %scan3A_57 to %scan3A_59 step %scan3A_60 iter_args(%scan3A_104 = %scan3A_56) -> (i32)  : i32 {
        %mul3A_105 = arith.constant 16 : i32
        %mul3A_106 = arith.muli %scan3A_103, %mul3A_105 : i32
        %add3A_107 = arith.addi %scan3A_54, %mul3A_106 : i32
        %swap3A = arith.index_cast %add3A_107 : i32 to index
        %swap3A_108 = tpu.vector_load %arg19[%swap3A] {strides = array<i32>} : memref<4624xi32, #tpu.memory_space<vmem>>, vector<16xi32>,
        tpu.vector_store %arg19[%swap3A], %broadcast_in_dim3A_0 {strides = array<i32>} : memref<4624xi32, #tpu.memory_space<vmem>>, vector<16xi32>,
        %scan3A_109 = arith.constant 0 : i32
        scf.yield %scan3A_109 : i32
      }
      %scan3A_62 = arith.constant 32 : i32
      %add3A_63 = arith.constant 512 : i32
      %add3A_64 = arith.addi %scan3A_54, %add3A_63 : i32
      %sub3A = arith.constant 1 : i32
      %sub3A_65 = arith.subi %add3A_64, %sub3A : i32
      %jit3A = arith.constant 512 : i32
      %div3A = arith.divsi %sub3A_65, %jit3A : i32
      %sign3A = arith.constant 0 : i32
      %sign3A_66 = arith.cmpi sgt, %sub3A_65, %sign3A : i32
      %sign3A_67 = arith.extui %sign3A_66 : i1 to i32
      %sign3A_68 = arith.constant 0 : i32
      %sign3A_69 = arith.cmpi slt, %sub3A_65, %sign3A_68 : i32
      %sign3A_70 = arith.extui %sign3A_69 : i1 to i32
      %sign3A_71 = arith.subi %sign3A_67, %sign3A_70 : i32
      %sign3A_72 = arith.constant 0 : i32
      %sign3A_73 = arith.cmpi sgt, %jit3A, %sign3A_72 : i32
      %sign3A_74 = arith.extui %sign3A_73 : i1 to i32
      %sign3A_75 = arith.constant 0 : i32
      %sign3A_76 = arith.cmpi slt, %jit3A, %sign3A_75 : i32
      %sign3A_77 = arith.extui %sign3A_76 : i1 to i32
      %sign3A_78 = arith.subi %sign3A_74, %sign3A_77 : i32
      %ne3A = arith.cmpi ne, %sign3A_71, %sign3A_78 : i32
      %rem3A = arith.remsi %sub3A_65, %jit3A : i32
      %ne3A_79 = arith.constant 0 : i32
      %ne3A_80 = arith.cmpi ne, %rem3A, %ne3A_79 : i32
      %and3A = arith.andi %ne3A, %ne3A_80 : i1
      %sub3A_81 = arith.constant 1 : i32
      %sub3A_82 = arith.subi %div3A, %sub3A_81 : i32
      %select_n3A = arith.select %and3A, %sub3A_82, %div3A : i32
      %while3A = arith.constant 0 : i32
      %while3A_83 = arith.constant 0 : i32
      %while3A_84 = arith.subi %select_n3A, %while3A : i32
      %while3A_85 = arith.addi %while3A, %while3A_84 : i32
      %while3A_86 = arith.constant 1 : i32
      %while3A_87 = arith.divsi %while3A_84, %while3A_86 : i32
      %while3A_88 = arith.muli %while3A_87, %while3A_86 : i32
      %while3A_89 = arith.addi %while3A, %while3A_88 : i32
      %while3A_90 = arith.constant 1 : i32
      %while3A_91 = scf.for %while3A_103 = %while3A to %while3A_89 step %while3A_90 iter_args(%while3A_104 = %while3A_83) -> (i32)  : i32 {
        %mul3A_105 = arith.constant 512 : i32
        %mul3A_106 = arith.muli %while3A_103, %mul3A_105 : i32
        %scan3A_107 = arith.constant 0 : i32
        %scan3A_108 = arith.constant 0 : i32
        %scan3A_109 = arith.constant 16 : i32
        %scan3A_110 = arith.addi %scan3A_108, %scan3A_109 : i32
        %scan3A_111 = arith.constant 1 : i32
        %scan3A_112 = scf.for %scan3A_133 = %scan3A_108 to %scan3A_110 step %scan3A_111 iter_args(%scan3A_134 = %scan3A_107) -> (i32)  : i32 {
          %add3A_135 = arith.constant 0 : i32
          %add3A_136 = arith.addi %mul3A_106, %add3A_135 : i32
          %mul3A_137 = arith.constant 16 : i32
          %mul3A_138 = arith.muli %scan3A_133, %mul3A_137 : i32
          %add3A_139 = arith.addi %add3A_136, %mul3A_138 : i32
          %get3A = arith.index_cast %add3A_139 : i32 to index
          %get3A_140 = tpu.vector_load %arg19[%get3A] {strides = array<i32>} : memref<4624xi32, #tpu.memory_space<vmem>>, vector<16xi32>,
          %shift_right_arithmetic3A = arith.constant 14 : i32
          %shift_right_arithmetic3A_141 = vector.broadcast %shift_right_arithmetic3A : i32 to vector<16xi32>
          %shift_right_arithmetic3A_142 = arith.shrsi %get3A_140, %shift_right_arithmetic3A_141 : vector<16xi32>
          %mul3A_143 = arith.constant 16 : i32
          %mul3A_144 = arith.muli %scan3A_133, %mul3A_143 : i32
          %swap3A = arith.index_cast %mul3A_144 : i32 to index
          %swap3A_145 = tpu.vector_load %arg20[%swap3A] {strides = array<i32>} : memref<256xi32, #tpu.memory_space<vmem>>, vector<16xi32>,
          tpu.vector_store %arg20[%swap3A], %shift_right_arithmetic3A_142 {strides = array<i32>} : memref<256xi32, #tpu.memory_space<vmem>>, vector<16xi32>,
          %and3A_146 = arith.constant 16383 : i32
          %and3A_147 = vector.broadcast %and3A_146 : i32 to vector<16xi32>
          %and3A_148 = arith.andi %get3A_140, %and3A_147 : vector<16xi32>
          %mul3A_149 = arith.constant 16 : i32
          %mul3A_150 = arith.muli %scan3A_133, %mul3A_149 : i32
          %swap3A_151 = arith.index_cast %mul3A_150 : i32 to index
          %swap3A_152 = tpu.vector_load %arg22[%swap3A_151] {strides = array<i32>} : memref<256xi32, #tpu.memory_space<vmem>>, vector<16xi32>,
          tpu.vector_store %arg22[%swap3A_151], %and3A_148 {strides = array<i32>} : memref<256xi32, #tpu.memory_space<vmem>>, vector<16xi32>,
          %scan3A_153 = arith.constant 0 : i32
          scf.yield %scan3A_153 : i32
        }
        %scan3A_113 = arith.constant 16 : i32
        %dma_start3A_114 = arith.constant 0 : i32
        %dma_start3A_115 = arith.constant 0 : i32
        %dma_start3A_116 = tpu.memref_slice %arg5[%dma_start3A_114, %dma_start3A_115] : memref<50000x128xf32, #tpu.memory_space<hbm>> -> memref<50000x128xf32, #tpu.memory_space<hbm>>
        tpu.enqueue_indirect_dma source(%dma_start3A_116 : memref<50000x128xf32, #tpu.memory_space<hbm>>) target(%arg24 : memref<256x128xf32, #tpu.memory_space<vmem>>) offsets(%arg20 : memref<256xi32, #tpu.memory_space<vmem>>) semaphore(%arg29 : memref<!tpu.dma_semaphore, #tpu.memory_space<semaphore_mem>>)
        %scan3A_117 = arith.constant 0 : i32
        %scan3A_118 = arith.constant 0 : i32
        %scan3A_119 = arith.constant 16 : i32
        %scan3A_120 = arith.addi %scan3A_118, %scan3A_119 : i32
        %scan3A_121 = arith.constant 1 : i32
        %scan3A_122 = scf.for %scan3A_133 = %scan3A_118 to %scan3A_120 step %scan3A_121 iter_args(%scan3A_134 = %scan3A_117) -> (i32)  : i32 {
          %add3A_135 = arith.constant 256 : i32
          %add3A_136 = arith.addi %mul3A_106, %add3A_135 : i32
          %mul3A_137 = arith.constant 16 : i32
          %mul3A_138 = arith.muli %scan3A_133, %mul3A_137 : i32
          %add3A_139 = arith.addi %add3A_136, %mul3A_138 : i32
          %get3A = arith.index_cast %add3A_139 : i32 to index
          %get3A_140 = tpu.vector_load %arg19[%get3A] {strides = array<i32>} : memref<4624xi32, #tpu.memory_space<vmem>>, vector<16xi32>,
          %shift_right_arithmetic3A = arith.constant 14 : i32
          %shift_right_arithmetic3A_141 = vector.broadcast %shift_right_arithmetic3A : i32 to vector<16xi32>
          %shift_right_arithmetic3A_142 = arith.shrsi %get3A_140, %shift_right_arithmetic3A_141 : vector<16xi32>
          %mul3A_143 = arith.constant 16 : i32
          %mul3A_144 = arith.muli %scan3A_133, %mul3A_143 : i32
          %swap3A = arith.index_cast %mul3A_144 : i32 to index
          %swap3A_145 = tpu.vector_load %arg21[%swap3A] {strides = array<i32>} : memref<256xi32, #tpu.memory_space<vmem>>, vector<16xi32>,
          tpu.vector_store %arg21[%swap3A], %shift_right_arithmetic3A_142 {strides = array<i32>} : memref<256xi32, #tpu.memory_space<vmem>>, vector<16xi32>,
          %and3A_146 = arith.constant 16383 : i32
          %and3A_147 = vector.broadcast %and3A_146 : i32 to vector<16xi32>
          %and3A_148 = arith.andi %get3A_140, %and3A_147 : vector<16xi32>
          %mul3A_149 = arith.constant 16 : i32
          %mul3A_150 = arith.muli %scan3A_133, %mul3A_149 : i32
          %swap3A_151 = arith.index_cast %mul3A_150 : i32 to index
          %swap3A_152 = tpu.vector_load %arg23[%swap3A_151] {strides = array<i32>} : memref<256xi32, #tpu.memory_space<vmem>>, vector<16xi32>,
          tpu.vector_store %arg23[%swap3A_151], %and3A_148 {strides = array<i32>} : memref<256xi32, #tpu.memory_space<vmem>>, vector<16xi32>,
          %scan3A_153 = arith.constant 0 : i32
          scf.yield %scan3A_153 : i32
        }
        %scan3A_123 = arith.constant 16 : i32
        %dma_start3A_124 = arith.constant 0 : i32
        %dma_start3A_125 = arith.constant 0 : i32
        %dma_start3A_126 = tpu.memref_slice %arg5[%dma_start3A_124, %dma_start3A_125] : memref<50000x128xf32, #tpu.memory_space<hbm>> -> memref<50000x128xf32, #tpu.memory_space<hbm>>
        tpu.enqueue_indirect_dma source(%dma_start3A_126 : memref<50000x128xf32, #tpu.memory_space<hbm>>) target(%arg25 : memref<256x128xf32, #tpu.memory_space<vmem>>) offsets(%arg21 : memref<256xi32, #tpu.memory_space<vmem>>) semaphore(%arg30 : memref<!tpu.dma_semaphore, #tpu.memory_space<semaphore_mem>>)
        %dma_wait3A = arith.constant 0 : i32
        %dma_wait3A_127 = arith.constant 0 : i32
        %dma_wait3A_128 = tpu.memref_slice %arg5[%dma_wait3A, %dma_wait3A_127] : memref<50000x128xf32, #tpu.memory_space<hbm>> -> memref<50000x128xf32, #tpu.memory_space<hbm>>
        tpu.wait_indirect_dma semaphore(%arg29 : memref<!tpu.dma_semaphore, #tpu.memory_space<semaphore_mem>>) src(%dma_wait3A_128 : memref<50000x128xf32, #tpu.memory_space<hbm>>) dst(%arg24 : memref<256x128xf32, #tpu.memory_space<vmem>>)
        "tpu.region"() ({
          %run_scoped3A = tpu.sem_alloc : memref<!tpu.dma_semaphore, #tpu.memory_space<semaphore_mem>>
          %dma_start3A_133 = arith.constant 0 : i32
          %dma_start3A_134 = arith.constant 0 : i32
          %dma_start3A_135 = tpu.memref_slice %arg26[%dma_start3A_133, %dma_start3A_134] : memref<6272x128xf32, #tpu.memory_space<vmem_shared>> -> memref<6272x128xf32, #tpu.memory_space<vmem_shared>>
          tpu.enqueue_indirect_dma source(%arg24 : memref<256x128xf32, #tpu.memory_space<vmem>>) target(%dma_start3A_135 : memref<6272x128xf32, #tpu.memory_space<vmem_shared>>) offsets(%arg22 : memref<256xi32, #tpu.memory_space<vmem>>) semaphore(%run_scoped3A : memref<!tpu.dma_semaphore, #tpu.memory_space<semaphore_mem>>) {add = true}
          %dma_wait3A_136 = arith.constant 0 : i32
          %dma_wait3A_137 = arith.constant 0 : i32
          %dma_wait3A_138 = tpu.memref_slice %arg26[%dma_wait3A_136, %dma_wait3A_137] : memref<6272x128xf32, #tpu.memory_space<vmem_shared>> -> memref<6272x128xf32, #tpu.memory_space<vmem_shared>>
          tpu.wait_indirect_dma semaphore(%run_scoped3A : memref<!tpu.dma_semaphore, #tpu.memory_space<semaphore_mem>>) src(%arg24 : memref<256x128xf32, #tpu.memory_space<vmem>>) dst(%dma_wait3A_138 : memref<6272x128xf32, #tpu.memory_space<vmem_shared>>)
          tpu.yield
        }) : () -> ()
        %dma_wait3A_129 = arith.constant 0 : i32
        %dma_wait3A_130 = arith.constant 0 : i32
        %dma_wait3A_131 = tpu.memref_slice %arg5[%dma_wait3A_129, %dma_wait3A_130] : memref<50000x128xf32, #tpu.memory_space<hbm>> -> memref<50000x128xf32, #tpu.memory_space<hbm>>
        tpu.wait_indirect_dma semaphore(%arg30 : memref<!tpu.dma_semaphore, #tpu.memory_space<semaphore_mem>>) src(%dma_wait3A_131 : memref<50000x128xf32, #tpu.memory_space<hbm>>) dst(%arg25 : memref<256x128xf32, #tpu.memory_space<vmem>>)
        "tpu.region"() ({
          %run_scoped3A = tpu.sem_alloc : memref<!tpu.dma_semaphore, #tpu.memory_space<semaphore_mem>>
          %dma_start3A_133 = arith.constant 0 : i32
          %dma_start3A_134 = arith.constant 0 : i32
          %dma_start3A_135 = tpu.memref_slice %arg26[%dma_start3A_133, %dma_start3A_134] : memref<6272x128xf32, #tpu.memory_space<vmem_shared>> -> memref<6272x128xf32, #tpu.memory_space<vmem_shared>>
          tpu.enqueue_indirect_dma source(%arg25 : memref<256x128xf32, #tpu.memory_space<vmem>>) target(%dma_start3A_135 : memref<6272x128xf32, #tpu.memory_space<vmem_shared>>) offsets(%arg23 : memref<256xi32, #tpu.memory_space<vmem>>) semaphore(%run_scoped3A : memref<!tpu.dma_semaphore, #tpu.memory_space<semaphore_mem>>) {add = true}
          %dma_wait3A_136 = arith.constant 0 : i32
          %dma_wait3A_137 = arith.constant 0 : i32
          %dma_wait3A_138 = tpu.memref_slice %arg26[%dma_wait3A_136, %dma_wait3A_137] : memref<6272x128xf32, #tpu.memory_space<vmem_shared>> -> memref<6272x128xf32, #tpu.memory_space<vmem_shared>>
          tpu.wait_indirect_dma semaphore(%run_scoped3A : memref<!tpu.dma_semaphore, #tpu.memory_space<semaphore_mem>>) src(%arg25 : memref<256x128xf32, #tpu.memory_space<vmem>>) dst(%dma_wait3A_138 : memref<6272x128xf32, #tpu.memory_space<vmem_shared>>)
          tpu.yield
        }) : () -> ()
        %while3A_132 = arith.constant 0 : i32
        scf.yield %while3A_132 : i32
      }
      %while3A_92 = arith.constant 1 : i32
      %while3A_93 = scf.for %while3A_103 = %while3A_89 to %while3A_85 step %while3A_92 iter_args(%while3A_104 = %while3A_91) -> (i32)  : i32 {
        %mul3A_105 = arith.constant 512 : i32
        %mul3A_106 = arith.muli %while3A_103, %mul3A_105 : i32
        %scan3A_107 = arith.constant 0 : i32
        %scan3A_108 = arith.constant 0 : i32
        %scan3A_109 = arith.constant 16 : i32
        %scan3A_110 = arith.addi %scan3A_108, %scan3A_109 : i32
        %scan3A_111 = arith.constant 1 : i32
        %scan3A_112 = scf.for %scan3A_133 = %scan3A_108 to %scan3A_110 step %scan3A_111 iter_args(%scan3A_134 = %scan3A_107) -> (i32)  : i32 {
          %add3A_135 = arith.constant 0 : i32
          %add3A_136 = arith.addi %mul3A_106, %add3A_135 : i32
          %mul3A_137 = arith.constant 16 : i32
          %mul3A_138 = arith.muli %scan3A_133, %mul3A_137 : i32
          %add3A_139 = arith.addi %add3A_136, %mul3A_138 : i32
          %get3A = arith.index_cast %add3A_139 : i32 to index
          %get3A_140 = tpu.vector_load %arg19[%get3A] {strides = array<i32>} : memref<4624xi32, #tpu.memory_space<vmem>>, vector<16xi32>,
          %shift_right_arithmetic3A = arith.constant 14 : i32
          %shift_right_arithmetic3A_141 = vector.broadcast %shift_right_arithmetic3A : i32 to vector<16xi32>
          %shift_right_arithmetic3A_142 = arith.shrsi %get3A_140, %shift_right_arithmetic3A_141 : vector<16xi32>
          %mul3A_143 = arith.constant 16 : i32
          %mul3A_144 = arith.muli %scan3A_133, %mul3A_143 : i32
          %swap3A = arith.index_cast %mul3A_144 : i32 to index
          %swap3A_145 = tpu.vector_load %arg20[%swap3A] {strides = array<i32>} : memref<256xi32, #tpu.memory_space<vmem>>, vector<16xi32>,
          tpu.vector_store %arg20[%swap3A], %shift_right_arithmetic3A_142 {strides = array<i32>} : memref<256xi32, #tpu.memory_space<vmem>>, vector<16xi32>,
          %and3A_146 = arith.constant 16383 : i32
          %and3A_147 = vector.broadcast %and3A_146 : i32 to vector<16xi32>
          %and3A_148 = arith.andi %get3A_140, %and3A_147 : vector<16xi32>
          %mul3A_149 = arith.constant 16 : i32
          %mul3A_150 = arith.muli %scan3A_133, %mul3A_149 : i32
          %swap3A_151 = arith.index_cast %mul3A_150 : i32 to index
          %swap3A_152 = tpu.vector_load %arg22[%swap3A_151] {strides = array<i32>} : memref<256xi32, #tpu.memory_space<vmem>>, vector<16xi32>,
          tpu.vector_store %arg22[%swap3A_151], %and3A_148 {strides = array<i32>} : memref<256xi32, #tpu.memory_space<vmem>>, vector<16xi32>,
          %scan3A_153 = arith.constant 0 : i32
          scf.yield %scan3A_153 : i32
        }
        %scan3A_113 = arith.constant 16 : i32
        %dma_start3A_114 = arith.constant 0 : i32
        %dma_start3A_115 = arith.constant 0 : i32
        %dma_start3A_116 = tpu.memref_slice %arg5[%dma_start3A_114, %dma_start3A_115] : memref<50000x128xf32, #tpu.memory_space<hbm>> -> memref<50000x128xf32, #tpu.memory_space<hbm>>
        tpu.enqueue_indirect_dma source(%dma_start3A_116 : memref<50000x128xf32, #tpu.memory_space<hbm>>) target(%arg24 : memref<256x128xf32, #tpu.memory_space<vmem>>) offsets(%arg20 : memref<256xi32, #tpu.memory_space<vmem>>) semaphore(%arg29 : memref<!tpu.dma_semaphore, #tpu.memory_space<semaphore_mem>>)
        %scan3A_117 = arith.constant 0 : i32
        %scan3A_118 = arith.constant 0 : i32
        %scan3A_119 = arith.constant 16 : i32
        %scan3A_120 = arith.addi %scan3A_118, %scan3A_119 : i32
        %scan3A_121 = arith.constant 1 : i32
        %scan3A_122 = scf.for %scan3A_133 = %scan3A_118 to %scan3A_120 step %scan3A_121 iter_args(%scan3A_134 = %scan3A_117) -> (i32)  : i32 {
          %add3A_135 = arith.constant 256 : i32
          %add3A_136 = arith.addi %mul3A_106, %add3A_135 : i32
          %mul3A_137 = arith.constant 16 : i32
          %mul3A_138 = arith.muli %scan3A_133, %mul3A_137 : i32
          %add3A_139 = arith.addi %add3A_136, %mul3A_138 : i32
          %get3A = arith.index_cast %add3A_139 : i32 to index
          %get3A_140 = tpu.vector_load %arg19[%get3A] {strides = array<i32>} : memref<4624xi32, #tpu.memory_space<vmem>>, vector<16xi32>,
          %shift_right_arithmetic3A = arith.constant 14 : i32
          %shift_right_arithmetic3A_141 = vector.broadcast %shift_right_arithmetic3A : i32 to vector<16xi32>
          %shift_right_arithmetic3A_142 = arith.shrsi %get3A_140, %shift_right_arithmetic3A_141 : vector<16xi32>
          %mul3A_143 = arith.constant 16 : i32
          %mul3A_144 = arith.muli %scan3A_133, %mul3A_143 : i32
          %swap3A = arith.index_cast %mul3A_144 : i32 to index
          %swap3A_145 = tpu.vector_load %arg21[%swap3A] {strides = array<i32>} : memref<256xi32, #tpu.memory_space<vmem>>, vector<16xi32>,
          tpu.vector_store %arg21[%swap3A], %shift_right_arithmetic3A_142 {strides = array<i32>} : memref<256xi32, #tpu.memory_space<vmem>>, vector<16xi32>,
          %and3A_146 = arith.constant 16383 : i32
          %and3A_147 = vector.broadcast %and3A_146 : i32 to vector<16xi32>
          %and3A_148 = arith.andi %get3A_140, %and3A_147 : vector<16xi32>
          %mul3A_149 = arith.constant 16 : i32
          %mul3A_150 = arith.muli %scan3A_133, %mul3A_149 : i32
          %swap3A_151 = arith.index_cast %mul3A_150 : i32 to index
          %swap3A_152 = tpu.vector_load %arg23[%swap3A_151] {strides = array<i32>} : memref<256xi32, #tpu.memory_space<vmem>>, vector<16xi32>,
          tpu.vector_store %arg23[%swap3A_151], %and3A_148 {strides = array<i32>} : memref<256xi32, #tpu.memory_space<vmem>>, vector<16xi32>,
          %scan3A_153 = arith.constant 0 : i32
          scf.yield %scan3A_153 : i32
        }
        %scan3A_123 = arith.constant 16 : i32
        %dma_start3A_124 = arith.constant 0 : i32
        %dma_start3A_125 = arith.constant 0 : i32
        %dma_start3A_126 = tpu.memref_slice %arg5[%dma_start3A_124, %dma_start3A_125] : memref<50000x128xf32, #tpu.memory_space<hbm>> -> memref<50000x128xf32, #tpu.memory_space<hbm>>
        tpu.enqueue_indirect_dma source(%dma_start3A_126 : memref<50000x128xf32, #tpu.memory_space<hbm>>) target(%arg25 : memref<256x128xf32, #tpu.memory_space<vmem>>) offsets(%arg21 : memref<256xi32, #tpu.memory_space<vmem>>) semaphore(%arg30 : memref<!tpu.dma_semaphore, #tpu.memory_space<semaphore_mem>>)
        %dma_wait3A = arith.constant 0 : i32
        %dma_wait3A_127 = arith.constant 0 : i32
        %dma_wait3A_128 = tpu.memref_slice %arg5[%dma_wait3A, %dma_wait3A_127] : memref<50000x128xf32, #tpu.memory_space<hbm>> -> memref<50000x128xf32, #tpu.memory_space<hbm>>
        tpu.wait_indirect_dma semaphore(%arg29 : memref<!tpu.dma_semaphore, #tpu.memory_space<semaphore_mem>>) src(%dma_wait3A_128 : memref<50000x128xf32, #tpu.memory_space<hbm>>) dst(%arg24 : memref<256x128xf32, #tpu.memory_space<vmem>>)
        "tpu.region"() ({
          %run_scoped3A = tpu.sem_alloc : memref<!tpu.dma_semaphore, #tpu.memory_space<semaphore_mem>>
          %dma_start3A_133 = arith.constant 0 : i32
          %dma_start3A_134 = arith.constant 0 : i32
          %dma_start3A_135 = tpu.memref_slice %arg26[%dma_start3A_133, %dma_start3A_134] : memref<6272x128xf32, #tpu.memory_space<vmem_shared>> -> memref<6272x128xf32, #tpu.memory_space<vmem_shared>>
          tpu.enqueue_indirect_dma source(%arg24 : memref<256x128xf32, #tpu.memory_space<vmem>>) target(%dma_start3A_135 : memref<6272x128xf32, #tpu.memory_space<vmem_shared>>) offsets(%arg22 : memref<256xi32, #tpu.memory_space<vmem>>) semaphore(%run_scoped3A : memref<!tpu.dma_semaphore, #tpu.memory_space<semaphore_mem>>) {add = true}
          %dma_wait3A_136 = arith.constant 0 : i32
          %dma_wait3A_137 = arith.constant 0 : i32
          %dma_wait3A_138 = tpu.memref_slice %arg26[%dma_wait3A_136, %dma_wait3A_137] : memref<6272x128xf32, #tpu.memory_space<vmem_shared>> -> memref<6272x128xf32, #tpu.memory_space<vmem_shared>>
          tpu.wait_indirect_dma semaphore(%run_scoped3A : memref<!tpu.dma_semaphore, #tpu.memory_space<semaphore_mem>>) src(%arg24 : memref<256x128xf32, #tpu.memory_space<vmem>>) dst(%dma_wait3A_138 : memref<6272x128xf32, #tpu.memory_space<vmem_shared>>)
          tpu.yield
        }) : () -> ()
        %dma_wait3A_129 = arith.constant 0 : i32
        %dma_wait3A_130 = arith.constant 0 : i32
        %dma_wait3A_131 = tpu.memref_slice %arg5[%dma_wait3A_129, %dma_wait3A_130] : memref<50000x128xf32, #tpu.memory_space<hbm>> -> memref<50000x128xf32, #tpu.memory_space<hbm>>
        tpu.wait_indirect_dma semaphore(%arg30 : memref<!tpu.dma_semaphore, #tpu.memory_space<semaphore_mem>>) src(%dma_wait3A_131 : memref<50000x128xf32, #tpu.memory_space<hbm>>) dst(%arg25 : memref<256x128xf32, #tpu.memory_space<vmem>>)
        "tpu.region"() ({
          %run_scoped3A = tpu.sem_alloc : memref<!tpu.dma_semaphore, #tpu.memory_space<semaphore_mem>>
          %dma_start3A_133 = arith.constant 0 : i32
          %dma_start3A_134 = arith.constant 0 : i32
          %dma_start3A_135 = tpu.memref_slice %arg26[%dma_start3A_133, %dma_start3A_134] : memref<6272x128xf32, #tpu.memory_space<vmem_shared>> -> memref<6272x128xf32, #tpu.memory_space<vmem_shared>>
          tpu.enqueue_indirect_dma source(%arg25 : memref<256x128xf32, #tpu.memory_space<vmem>>) target(%dma_start3A_135 : memref<6272x128xf32, #tpu.memory_space<vmem_shared>>) offsets(%arg23 : memref<256xi32, #tpu.memory_space<vmem>>) semaphore(%run_scoped3A : memref<!tpu.dma_semaphore, #tpu.memory_space<semaphore_mem>>) {add = true}
          %dma_wait3A_136 = arith.constant 0 : i32
          %dma_wait3A_137 = arith.constant 0 : i32
          %dma_wait3A_138 = tpu.memref_slice %arg26[%dma_wait3A_136, %dma_wait3A_137] : memref<6272x128xf32, #tpu.memory_space<vmem_shared>> -> memref<6272x128xf32, #tpu.memory_space<vmem_shared>>
          tpu.wait_indirect_dma semaphore(%run_scoped3A : memref<!tpu.dma_semaphore, #tpu.memory_space<semaphore_mem>>) src(%arg25 : memref<256x128xf32, #tpu.memory_space<vmem>>) dst(%dma_wait3A_138 : memref<6272x128xf32, #tpu.memory_space<vmem_shared>>)
          tpu.yield
        }) : () -> ()
        %while3A_132 = arith.constant 0 : i32
        scf.yield %while3A_132 : i32
      }
      %barrier3A_94 = arith.constant 0 : index
      tpu.barrier barrier_id(%barrier3A_94)
      %lt3A = arith.constant 15 : i32
      %lt3A_95 = arith.cmpi slt, %arg1, %lt3A : i32
      %convert_element_type3A = arith.extui %lt3A_95 : i1 to i32
      %cond3A = arith.constant 0 : i32
      %cond3A_96 = arith.cmpi ne, %convert_element_type3A, %cond3A : i32
      scf.if %cond3A_96 {
        %add3A_103 = arith.addi %mul3A_35, %mul3A_3 : i32
        "tpu.region"() ({
          %run_scoped3A = tpu.sem_alloc : memref<!tpu.dma_semaphore, #tpu.memory_space<semaphore_mem>>
          %dma_start3A_104 = arith.constant 0 : i32
          %dma_start3A_105 = tpu.memref_slice %arg13[%add3A_103, %dma_start3A_104] : memref<100096x128xf32, #tpu.memory_space<hbm>> -> memref<392x128xf32, #tpu.memory_space<hbm>>
          %dma_start3A_106 = arith.constant 0 : i32
          %dma_start3A_107 = tpu.memref_slice %arg26[%mul3A_3, %dma_start3A_106] : memref<6272x128xf32, #tpu.memory_space<vmem_shared>> -> memref<392x128xf32, #tpu.memory_space<vmem_shared>>
          tpu.enqueue_dma source(%dma_start3A_107 : memref<392x128xf32, #tpu.memory_space<vmem_shared>>) target(%dma_start3A_105 : memref<392x128xf32, #tpu.memory_space<hbm>>) target_semaphore(%run_scoped3A : memref<!tpu.dma_semaphore, #tpu.memory_space<semaphore_mem>>)
          %dma_wait3A = arith.constant 0 : i32
          %dma_wait3A_108 = tpu.memref_slice %arg13[%add3A_103, %dma_wait3A] : memref<100096x128xf32, #tpu.memory_space<hbm>> -> memref<392x128xf32, #tpu.memory_space<hbm>>
          %dma_wait3A_109 = arith.constant 0 : i32
          %dma_wait3A_110 = tpu.memref_slice %arg26[%mul3A_3, %dma_wait3A_109] : memref<6272x128xf32, #tpu.memory_space<vmem_shared>> -> memref<392x128xf32, #tpu.memory_space<vmem_shared>>
          tpu.wait_dma2 semaphore(%run_scoped3A : memref<!tpu.dma_semaphore, #tpu.memory_space<semaphore_mem>>) src(%dma_wait3A_110 : memref<392x128xf32, #tpu.memory_space<vmem_shared>>) dst(%dma_wait3A_108 : memref<392x128xf32, #tpu.memory_space<hbm>>)
          tpu.yield
        }) : () -> ()
      } else {
      }
      %eq3A = arith.constant 15 : i32
      %eq3A_97 = arith.cmpi eq, %arg1, %eq3A : i32
      %convert_element_type3A_98 = arith.extui %eq3A_97 : i1 to i32
      %cond3A_99 = arith.constant 0 : i32
      %cond3A_100 = arith.cmpi ne, %convert_element_type3A_98, %cond3A_99 : i32
      scf.if %cond3A_100 {
        %add3A_103 = arith.addi %mul3A_35, %mul3A_3 : i32
        "tpu.region"() ({
          %run_scoped3A = tpu.sem_alloc : memref<!tpu.dma_semaphore, #tpu.memory_space<semaphore_mem>>
          %dma_start3A_104 = arith.constant 0 : i32
          %dma_start3A_105 = tpu.memref_slice %arg13[%add3A_103, %dma_start3A_104] : memref<100096x128xf32, #tpu.memory_space<hbm>> -> memref<376x128xf32, #tpu.memory_space<hbm>>
          %dma_start3A_106 = arith.constant 0 : i32
          %dma_start3A_107 = tpu.memref_slice %arg26[%mul3A_3, %dma_start3A_106] : memref<6272x128xf32, #tpu.memory_space<vmem_shared>> -> memref<376x128xf32, #tpu.memory_space<vmem_shared>>
          tpu.enqueue_dma source(%dma_start3A_107 : memref<376x128xf32, #tpu.memory_space<vmem_shared>>) target(%dma_start3A_105 : memref<376x128xf32, #tpu.memory_space<hbm>>) target_semaphore(%run_scoped3A : memref<!tpu.dma_semaphore, #tpu.memory_space<semaphore_mem>>)
          %dma_wait3A = arith.constant 0 : i32
          %dma_wait3A_108 = tpu.memref_slice %arg13[%add3A_103, %dma_wait3A] : memref<100096x128xf32, #tpu.memory_space<hbm>> -> memref<376x128xf32, #tpu.memory_space<hbm>>
          %dma_wait3A_109 = arith.constant 0 : i32
          %dma_wait3A_110 = tpu.memref_slice %arg26[%mul3A_3, %dma_wait3A_109] : memref<6272x128xf32, #tpu.memory_space<vmem_shared>> -> memref<376x128xf32, #tpu.memory_space<vmem_shared>>
          tpu.wait_dma2 semaphore(%run_scoped3A : memref<!tpu.dma_semaphore, #tpu.memory_space<semaphore_mem>>) src(%dma_wait3A_110 : memref<376x128xf32, #tpu.memory_space<vmem_shared>>) dst(%dma_wait3A_108 : memref<376x128xf32, #tpu.memory_space<hbm>>)
          tpu.yield
        }) : () -> ()
      } else {
      }
      %barrier3A_101 = arith.constant 0 : index
      tpu.barrier barrier_id(%barrier3A_101)
      %scan3A_102 = arith.constant 0 : i32
      scf.yield %scan3A_102 : i32
    }
    %scan3A_20 = arith.constant 8 : i32
    %mul3A_21 = arith.constant 16384 : i32
    %mul3A_22 = arith.muli %arg1, %mul3A_21 : i32
    %scan3A_23 = arith.constant 0 : i32
    %scan3A_24 = arith.constant 0 : i32
    %scan3A_25 = arith.constant 8 : i32
    %scan3A_26 = arith.addi %scan3A_24, %scan3A_25 : i32
    %scan3A_27 = arith.constant 1 : i32
    %scan3A_28 = scf.for %scan3A_30 = %scan3A_24 to %scan3A_26 step %scan3A_27 iter_args(%scan3A_31 = %scan3A_23) -> (i32)  : i32 {
      %mul3A_32 = arith.constant 8 : i32
      %mul3A_33 = arith.muli %arg0, %mul3A_32 : i32
      %add3A = arith.addi %mul3A_33, %scan3A_30 : i32
      %mul3A_34 = arith.constant 6256 : i32
      %mul3A_35 = arith.muli %add3A, %mul3A_34 : i32
      %add3A_36 = arith.constant 6256 : i32
      %add3A_37 = arith.addi %mul3A_35, %add3A_36 : i32
      "tpu.region"() ({
        %run_scoped3A = tpu.sem_alloc : memref<!tpu.dma_semaphore, #tpu.memory_space<semaphore_mem>>
        %dma_start3A_103 = arith.constant 0 : i32
        %dma_start3A_104 = tpu.memref_slice %arg26[%mul3A_3, %dma_start3A_103] : memref<6272x128xf32, #tpu.memory_space<vmem_shared>> -> memref<392x128xf32, #tpu.memory_space<vmem_shared>>
        tpu.enqueue_dma source(%arg11 : memref<392x128xf32, #tpu.memory_space<hbm>>) target(%dma_start3A_104 : memref<392x128xf32, #tpu.memory_space<vmem_shared>>) target_semaphore(%run_scoped3A : memref<!tpu.dma_semaphore, #tpu.memory_space<semaphore_mem>>)
        %dma_wait3A = arith.constant 0 : i32
        %dma_wait3A_105 = tpu.memref_slice %arg26[%mul3A_3, %dma_wait3A] : memref<6272x128xf32, #tpu.memory_space<vmem_shared>> -> memref<392x128xf32, #tpu.memory_space<vmem_shared>>
        tpu.wait_dma2 semaphore(%run_scoped3A : memref<!tpu.dma_semaphore, #tpu.memory_space<semaphore_mem>>) src(%arg11 : memref<392x128xf32, #tpu.memory_space<hbm>>) dst(%dma_wait3A_105 : memref<392x128xf32, #tpu.memory_space<vmem_shared>>)
        tpu.yield
      }) : () -> ()
      %barrier3A = arith.constant 0 : index
      tpu.barrier barrier_id(%barrier3A)
      %add3A_38 = arith.constant 0 : i32
      %add3A_39 = arith.addi %mul3A_22, %add3A_38 : i32
      %add3A_40 = arith.constant 2048 : i32
      %add3A_41 = arith.addi %add3A_39, %add3A_40 : i32
      %dma_start3A = tpu.memref_slice %arg9[%add3A_39] : memref<262144xi32, #tpu.memory_space<hbm>> -> memref<2048xi32, #tpu.memory_space<hbm>>
      %dma_start3A_42 = tpu.memref_slice %arg9[%add3A_39] : memref<262144xi32, #tpu.memory_space<hbm>> -> memref<2048xi32, #tpu.memory_space<hbm>>
      tpu.enqueue_dma source(%dma_start3A_42 : memref<2048xi32, #tpu.memory_space<hbm>>) target(%arg15 : memref<2048xi32, #tpu.memory_space<vmem>>) target_semaphore(%arg27 : memref<!tpu.dma_semaphore, #tpu.memory_space<semaphore_mem>>)
      %dma_start3A_43 = tpu.memref_slice %arg10[%add3A_39] : memref<262144xi32, #tpu.memory_space<hbm>> -> memref<2048xi32, #tpu.memory_space<hbm>>
      %dma_start3A_44 = tpu.memref_slice %arg10[%add3A_39] : memref<262144xi32, #tpu.memory_space<hbm>> -> memref<2048xi32, #tpu.memory_space<hbm>>
      tpu.enqueue_dma source(%dma_start3A_44 : memref<2048xi32, #tpu.memory_space<hbm>>) target(%arg16 : memref<2048xi32, #tpu.memory_space<vmem>>) target_semaphore(%arg27 : memref<!tpu.dma_semaphore, #tpu.memory_space<semaphore_mem>>)
      %dma_start3A_45 = tpu.memref_slice %arg9[%add3A_41] : memref<262144xi32, #tpu.memory_space<hbm>> -> memref<2048xi32, #tpu.memory_space<hbm>>
      %dma_start3A_46 = tpu.memref_slice %arg9[%add3A_41] : memref<262144xi32, #tpu.memory_space<hbm>> -> memref<2048xi32, #tpu.memory_space<hbm>>
      tpu.enqueue_dma source(%dma_start3A_46 : memref<2048xi32, #tpu.memory_space<hbm>>) target(%arg17 : memref<2048xi32, #tpu.memory_space<vmem>>) target_semaphore(%arg28 : memref<!tpu.dma_semaphore, #tpu.memory_space<semaphore_mem>>)
      %dma_start3A_47 = tpu.memref_slice %arg10[%add3A_41] : memref<262144xi32, #tpu.memory_space<hbm>> -> memref<2048xi32, #tpu.memory_space<hbm>>
      %dma_start3A_48 = tpu.memref_slice %arg10[%add3A_41] : memref<262144xi32, #tpu.memory_space<hbm>> -> memref<2048xi32, #tpu.memory_space<hbm>>
      tpu.enqueue_dma source(%dma_start3A_48 : memref<2048xi32, #tpu.memory_space<hbm>>) target(%arg18 : memref<2048xi32, #tpu.memory_space<vmem>>) target_semaphore(%arg28 : memref<!tpu.dma_semaphore, #tpu.memory_space<semaphore_mem>>)
      %scan3A_49 = arith.constant 0 : i32
      %scan3A_50 = arith.constant 0 : i32
      %scan3A_51 = arith.constant 4 : i32
      %scan3A_52 = arith.addi %scan3A_50, %scan3A_51 : i32
      %scan3A_53 = arith.constant 1 : i32
      %scan3A_54 = scf.for %scan3A_103 = %scan3A_50 to %scan3A_52 step %scan3A_53 iter_args(%scan3A_104 = %scan3A_49) -> (i32)  : i32 {
        %dma_wait3A = tpu.memref_slice %arg9[%mul3A_22] : memref<262144xi32, #tpu.memory_space<hbm>> -> memref<2048xi32, #tpu.memory_space<hbm>>
        %dma_wait3A_105 = tpu.memref_slice %arg9[%mul3A_22] : memref<262144xi32, #tpu.memory_space<hbm>> -> memref<2048xi32, #tpu.memory_space<hbm>>
        tpu.wait_dma2 semaphore(%arg27 : memref<!tpu.dma_semaphore, #tpu.memory_space<semaphore_mem>>) src(%dma_wait3A_105 : memref<2048xi32, #tpu.memory_space<hbm>>) dst(%arg15 : memref<2048xi32, #tpu.memory_space<vmem>>)
        %dma_wait3A_106 = tpu.memref_slice %arg9[%mul3A_22] : memref<262144xi32, #tpu.memory_space<hbm>> -> memref<2048xi32, #tpu.memory_space<hbm>>
        %dma_wait3A_107 = tpu.memref_slice %arg9[%mul3A_22] : memref<262144xi32, #tpu.memory_space<hbm>> -> memref<2048xi32, #tpu.memory_space<hbm>>
        tpu.wait_dma2 semaphore(%arg27 : memref<!tpu.dma_semaphore, #tpu.memory_space<semaphore_mem>>) src(%dma_wait3A_107 : memref<2048xi32, #tpu.memory_space<hbm>>) dst(%arg16 : memref<2048xi32, #tpu.memory_space<vmem>>)
        %scan3A_108 = arith.constant 0 : i32
        %scan3A_109 = arith.constant 128 : i32
        %scan3A_110 = arith.addi %scan3A_108, %scan3A_109 : i32
        %scan3A_111 = arith.constant 1 : i32
        %scan3A_112 = scf.for %scan3A_177 = %scan3A_108 to %scan3A_110 step %scan3A_111 iter_args(%scan3A_178 = %scan3A_104) -> (i32)  : i32 {
          %mul3A_179 = arith.constant 16 : i32
          %mul3A_180 = arith.muli %scan3A_177, %mul3A_179 : i32
          %get3A = arith.index_cast %mul3A_180 : i32 to index
          %get3A_181 = tpu.vector_load %arg16[%get3A] {strides = array<i32>} : memref<2048xi32, #tpu.memory_space<vmem>>, vector<16xi32>,
          %mul3A_182 = arith.constant 16 : i32
          %mul3A_183 = arith.muli %scan3A_177, %mul3A_182 : i32
          %get3A_184 = arith.index_cast %mul3A_183 : i32 to index
          %get3A_185 = tpu.vector_load %arg15[%get3A_184] {strides = array<i32>} : memref<2048xi32, #tpu.memory_space<vmem>>, vector<16xi32>,
          %ge3A = vector.broadcast %mul3A_35 : i32 to vector<16xi32>
          %ge3A_186 = arith.cmpi sge, %get3A_181, %ge3A : vector<16xi32>
          %lt3A_187 = vector.broadcast %add3A_37 : i32 to vector<16xi32>
          %lt3A_188 = arith.cmpi slt, %get3A_181, %lt3A_187 : vector<16xi32>
          %and3A_189 = arith.andi %ge3A_186, %lt3A_188 : vector<16xi1>
          %masked_cumsum3A = tpu.scan <sum>, %broadcast_in_dim3A_2 masked %and3A_189 : vector<16xi32>, vector<16xi1> -> vector<16xi32>
          %sub3A_190 = arith.constant 1 : i32
          %sub3A_191 = arith.subi %scan3A_178, %sub3A_190 : i32
          %add3A_192 = vector.broadcast %sub3A_191 : i32 to vector<16xi32>
          %add3A_193 = arith.addi %masked_cumsum3A, %add3A_192 : vector<16xi32>
          %mul3A_194 = arith.constant 16384 : i32
          %mul3A_195 = vector.broadcast %mul3A_194 : i32 to vector<16xi32>
          %mul3A_196 = arith.muli %get3A_185, %mul3A_195 : vector<16xi32>
          %sub3A_197 = vector.broadcast %mul3A_35 : i32 to vector<16xi32>
          %sub3A_198 = arith.subi %get3A_181, %sub3A_197 : vector<16xi32>
          %add3A_199 = arith.addi %mul3A_196, %sub3A_198 : vector<16xi32>
          tpu.vector_store_idx %arg19[%add3A_193], %add3A_199 masked %and3A_189 : memref<4624xi32, #tpu.memory_space<vmem>>[vector<16xi32>], vector<16xi32>, vector<16xi1>
          %all_reduce_population_count3A = tpu.all_reduce %and3A_189 {dim = 0 : i64, kind = #tpu.reduction_kind<sum>} : vector<16xi1> -> vector<16xi32>
          %slice3A = vector.extract_strided_slice %all_reduce_population_count3A {offsets = [0], sizes = [1], strides = [1]} : vector<16xi32> to vector<1xi32>
          %squeeze3A = vector.extract %slice3A[0] : i32 from vector<1xi32>
          %add3A_200 = arith.addi %scan3A_178, %squeeze3A : i32
          scf.yield %add3A_200 : i32
        }
        %scan3A_113 = arith.constant 128 : i32
        %dma_wait3A_114 = tpu.memref_slice %arg9[%mul3A_22] : memref<262144xi32, #tpu.memory_space<hbm>> -> memref<2048xi32, #tpu.memory_space<hbm>>
        %dma_wait3A_115 = tpu.memref_slice %arg9[%mul3A_22] : memref<262144xi32, #tpu.memory_space<hbm>> -> memref<2048xi32, #tpu.memory_space<hbm>>
        tpu.wait_dma2 semaphore(%arg28 : memref<!tpu.dma_semaphore, #tpu.memory_space<semaphore_mem>>) src(%dma_wait3A_115 : memref<2048xi32, #tpu.memory_space<hbm>>) dst(%arg17 : memref<2048xi32, #tpu.memory_space<vmem>>)
        %dma_wait3A_116 = tpu.memref_slice %arg9[%mul3A_22] : memref<262144xi32, #tpu.memory_space<hbm>> -> memref<2048xi32, #tpu.memory_space<hbm>>
        %dma_wait3A_117 = tpu.memref_slice %arg9[%mul3A_22] : memref<262144xi32, #tpu.memory_space<hbm>> -> memref<2048xi32, #tpu.memory_space<hbm>>
        tpu.wait_dma2 semaphore(%arg28 : memref<!tpu.dma_semaphore, #tpu.memory_space<semaphore_mem>>) src(%dma_wait3A_117 : memref<2048xi32, #tpu.memory_space<hbm>>) dst(%arg18 : memref<2048xi32, #tpu.memory_space<vmem>>)
        %scan3A_118 = arith.constant 0 : i32
        %scan3A_119 = arith.constant 128 : i32
        %scan3A_120 = arith.addi %scan3A_118, %scan3A_119 : i32
        %scan3A_121 = arith.constant 1 : i32
        %scan3A_122 = scf.for %scan3A_177 = %scan3A_118 to %scan3A_120 step %scan3A_121 iter_args(%scan3A_178 = %scan3A_112) -> (i32)  : i32 {
          %mul3A_179 = arith.constant 16 : i32
          %mul3A_180 = arith.muli %scan3A_177, %mul3A_179 : i32
          %get3A = arith.index_cast %mul3A_180 : i32 to index
          %get3A_181 = tpu.vector_load %arg18[%get3A] {strides = array<i32>} : memref<2048xi32, #tpu.memory_space<vmem>>, vector<16xi32>,
          %mul3A_182 = arith.constant 16 : i32
          %mul3A_183 = arith.muli %scan3A_177, %mul3A_182 : i32
          %get3A_184 = arith.index_cast %mul3A_183 : i32 to index
          %get3A_185 = tpu.vector_load %arg17[%get3A_184] {strides = array<i32>} : memref<2048xi32, #tpu.memory_space<vmem>>, vector<16xi32>,
          %ge3A = vector.broadcast %mul3A_35 : i32 to vector<16xi32>
          %ge3A_186 = arith.cmpi sge, %get3A_181, %ge3A : vector<16xi32>
          %lt3A_187 = vector.broadcast %add3A_37 : i32 to vector<16xi32>
          %lt3A_188 = arith.cmpi slt, %get3A_181, %lt3A_187 : vector<16xi32>
          %and3A_189 = arith.andi %ge3A_186, %lt3A_188 : vector<16xi1>
          %masked_cumsum3A = tpu.scan <sum>, %broadcast_in_dim3A_2 masked %and3A_189 : vector<16xi32>, vector<16xi1> -> vector<16xi32>
          %sub3A_190 = arith.constant 1 : i32
          %sub3A_191 = arith.subi %scan3A_178, %sub3A_190 : i32
          %add3A_192 = vector.broadcast %sub3A_191 : i32 to vector<16xi32>
          %add3A_193 = arith.addi %masked_cumsum3A, %add3A_192 : vector<16xi32>
          %mul3A_194 = arith.constant 16384 : i32
          %mul3A_195 = vector.broadcast %mul3A_194 : i32 to vector<16xi32>
          %mul3A_196 = arith.muli %get3A_185, %mul3A_195 : vector<16xi32>
          %sub3A_197 = vector.broadcast %mul3A_35 : i32 to vector<16xi32>
          %sub3A_198 = arith.subi %get3A_181, %sub3A_197 : vector<16xi32>
          %add3A_199 = arith.addi %mul3A_196, %sub3A_198 : vector<16xi32>
          tpu.vector_store_idx %arg19[%add3A_193], %add3A_199 masked %and3A_189 : memref<4624xi32, #tpu.memory_space<vmem>>[vector<16xi32>], vector<16xi32>, vector<16xi1>
          %all_reduce_population_count3A = tpu.all_reduce %and3A_189 {dim = 0 : i64, kind = #tpu.reduction_kind<sum>} : vector<16xi1> -> vector<16xi32>
          %slice3A = vector.extract_strided_slice %all_reduce_population_count3A {offsets = [0], sizes = [1], strides = [1]} : vector<16xi32> to vector<1xi32>
          %squeeze3A = vector.extract %slice3A[0] : i32 from vector<1xi32>
          %add3A_200 = arith.addi %scan3A_178, %squeeze3A : i32
          scf.yield %add3A_200 : i32
        }
        %scan3A_123 = arith.constant 128 : i32
        %add3A_124 = arith.constant 1 : i32
        %add3A_125 = arith.addi %scan3A_103, %add3A_124 : i32
        %lt3A_126 = arith.constant 4 : i32
        %lt3A_127 = arith.cmpi slt, %add3A_125, %lt3A_126 : i32
        %convert_element_type3A_128 = arith.extui %lt3A_127 : i1 to i32
        %cond3A_129 = arith.constant 0 : i32
        %cond3A_130 = arith.cmpi ne, %convert_element_type3A_128, %cond3A_129 : i32
        scf.if %cond3A_130 {
          %add3A_177 = arith.constant 1 : i32
          %add3A_178 = arith.addi %scan3A_103, %add3A_177 : i32
          %mul3A_179 = arith.constant 2 : i32
          %mul3A_180 = arith.muli %mul3A_179, %add3A_178 : i32
          %mul3A_181 = arith.constant 2048 : i32
          %mul3A_182 = arith.muli %mul3A_180, %mul3A_181 : i32
          %add3A_183 = arith.addi %mul3A_22, %mul3A_182 : i32
          %add3A_184 = arith.constant 2048 : i32
          %add3A_185 = arith.addi %add3A_183, %add3A_184 : i32
          %dma_start3A_186 = tpu.memref_slice %arg9[%add3A_183] : memref<262144xi32, #tpu.memory_space<hbm>> -> memref<2048xi32, #tpu.memory_space<hbm>>
          %dma_start3A_187 = tpu.memref_slice %arg9[%add3A_183] : memref<262144xi32, #tpu.memory_space<hbm>> -> memref<2048xi32, #tpu.memory_space<hbm>>
          tpu.enqueue_dma source(%dma_start3A_187 : memref<2048xi32, #tpu.memory_space<hbm>>) target(%arg15 : memref<2048xi32, #tpu.memory_space<vmem>>) target_semaphore(%arg27 : memref<!tpu.dma_semaphore, #tpu.memory_space<semaphore_mem>>)
          %dma_start3A_188 = tpu.memref_slice %arg10[%add3A_183] : memref<262144xi32, #tpu.memory_space<hbm>> -> memref<2048xi32, #tpu.memory_space<hbm>>
          %dma_start3A_189 = tpu.memref_slice %arg10[%add3A_183] : memref<262144xi32, #tpu.memory_space<hbm>> -> memref<2048xi32, #tpu.memory_space<hbm>>
          tpu.enqueue_dma source(%dma_start3A_189 : memref<2048xi32, #tpu.memory_space<hbm>>) target(%arg16 : memref<2048xi32, #tpu.memory_space<vmem>>) target_semaphore(%arg27 : memref<!tpu.dma_semaphore, #tpu.memory_space<semaphore_mem>>)
          %dma_start3A_190 = tpu.memref_slice %arg9[%add3A_185] : memref<262144xi32, #tpu.memory_space<hbm>> -> memref<2048xi32, #tpu.memory_space<hbm>>
          %dma_start3A_191 = tpu.memref_slice %arg9[%add3A_185] : memref<262144xi32, #tpu.memory_space<hbm>> -> memref<2048xi32, #tpu.memory_space<hbm>>
          tpu.enqueue_dma source(%dma_start3A_191 : memref<2048xi32, #tpu.memory_space<hbm>>) target(%arg17 : memref<2048xi32, #tpu.memory_space<vmem>>) target_semaphore(%arg28 : memref<!tpu.dma_semaphore, #tpu.memory_space<semaphore_mem>>)
          %dma_start3A_192 = tpu.memref_slice %arg10[%add3A_185] : memref<262144xi32, #tpu.memory_space<hbm>> -> memref<2048xi32, #tpu.memory_space<hbm>>
          %dma_start3A_193 = tpu.memref_slice %arg10[%add3A_185] : memref<262144xi32, #tpu.memory_space<hbm>> -> memref<2048xi32, #tpu.memory_space<hbm>>
          tpu.enqueue_dma source(%dma_start3A_193 : memref<2048xi32, #tpu.memory_space<hbm>>) target(%arg18 : memref<2048xi32, #tpu.memory_space<vmem>>) target_semaphore(%arg28 : memref<!tpu.dma_semaphore, #tpu.memory_space<semaphore_mem>>)
        } else {
        }
        %jit3A_131 = arith.constant 512 : i32
        %div3A_132 = arith.divsi %scan3A_122, %jit3A_131 : i32
        %sign3A_133 = arith.constant 0 : i32
        %sign3A_134 = arith.cmpi sgt, %scan3A_122, %sign3A_133 : i32
        %sign3A_135 = arith.extui %sign3A_134 : i1 to i32
        %sign3A_136 = arith.constant 0 : i32
        %sign3A_137 = arith.cmpi slt, %scan3A_122, %sign3A_136 : i32
        %sign3A_138 = arith.extui %sign3A_137 : i1 to i32
        %sign3A_139 = arith.subi %sign3A_135, %sign3A_138 : i32
        %sign3A_140 = arith.constant 0 : i32
        %sign3A_141 = arith.cmpi sgt, %jit3A_131, %sign3A_140 : i32
        %sign3A_142 = arith.extui %sign3A_141 : i1 to i32
        %sign3A_143 = arith.constant 0 : i32
        %sign3A_144 = arith.cmpi slt, %jit3A_131, %sign3A_143 : i32
        %sign3A_145 = arith.extui %sign3A_144 : i1 to i32
        %sign3A_146 = arith.subi %sign3A_142, %sign3A_145 : i32
        %ne3A_147 = arith.cmpi ne, %sign3A_139, %sign3A_146 : i32
        %rem3A_148 = arith.remsi %scan3A_122, %jit3A_131 : i32
        %ne3A_149 = arith.constant 0 : i32
        %ne3A_150 = arith.cmpi ne, %rem3A_148, %ne3A_149 : i32
        %and3A_151 = arith.andi %ne3A_147, %ne3A_150 : i1
        %sub3A_152 = arith.constant 1 : i32
        %sub3A_153 = arith.subi %div3A_132, %sub3A_152 : i32
        %select_n3A_154 = arith.select %and3A_151, %sub3A_153, %div3A_132 : i32
        %while3A_155 = arith.constant 0 : i32
        %while3A_156 = arith.constant 0 : i32
        %while3A_157 = arith.subi %select_n3A_154, %while3A_155 : i32
        %while3A_158 = arith.addi %while3A_155, %while3A_157 : i32
        %while3A_159 = arith.constant 1 : i32
        %while3A_160 = arith.divsi %while3A_157, %while3A_159 : i32
        %while3A_161 = arith.muli %while3A_160, %while3A_159 : i32
        %while3A_162 = arith.addi %while3A_155, %while3A_161 : i32
        %while3A_163 = arith.constant 1 : i32
        %while3A_164 = scf.for %while3A_177 = %while3A_155 to %while3A_162 step %while3A_163 iter_args(%while3A_178 = %while3A_156) -> (i32)  : i32 {
          %mul3A_179 = arith.constant 512 : i32
          %mul3A_180 = arith.muli %while3A_177, %mul3A_179 : i32
          %scan3A_181 = arith.constant 0 : i32
          %scan3A_182 = arith.constant 0 : i32
          %scan3A_183 = arith.constant 16 : i32
          %scan3A_184 = arith.addi %scan3A_182, %scan3A_183 : i32
          %scan3A_185 = arith.constant 1 : i32
          %scan3A_186 = scf.for %scan3A_208 = %scan3A_182 to %scan3A_184 step %scan3A_185 iter_args(%scan3A_209 = %scan3A_181) -> (i32)  : i32 {
            %add3A_210 = arith.constant 0 : i32
            %add3A_211 = arith.addi %mul3A_180, %add3A_210 : i32
            %mul3A_212 = arith.constant 16 : i32
            %mul3A_213 = arith.muli %scan3A_208, %mul3A_212 : i32
            %add3A_214 = arith.addi %add3A_211, %mul3A_213 : i32
            %get3A = arith.index_cast %add3A_214 : i32 to index
            %get3A_215 = tpu.vector_load %arg19[%get3A] {strides = array<i32>} : memref<4624xi32, #tpu.memory_space<vmem>>, vector<16xi32>,
            %shift_right_arithmetic3A = arith.constant 14 : i32
            %shift_right_arithmetic3A_216 = vector.broadcast %shift_right_arithmetic3A : i32 to vector<16xi32>
            %shift_right_arithmetic3A_217 = arith.shrsi %get3A_215, %shift_right_arithmetic3A_216 : vector<16xi32>
            %mul3A_218 = arith.constant 16 : i32
            %mul3A_219 = arith.muli %scan3A_208, %mul3A_218 : i32
            %swap3A = arith.index_cast %mul3A_219 : i32 to index
            %swap3A_220 = tpu.vector_load %arg20[%swap3A] {strides = array<i32>} : memref<256xi32, #tpu.memory_space<vmem>>, vector<16xi32>,
            tpu.vector_store %arg20[%swap3A], %shift_right_arithmetic3A_217 {strides = array<i32>} : memref<256xi32, #tpu.memory_space<vmem>>, vector<16xi32>,
            %and3A_221 = arith.constant 16383 : i32
            %and3A_222 = vector.broadcast %and3A_221 : i32 to vector<16xi32>
            %and3A_223 = arith.andi %get3A_215, %and3A_222 : vector<16xi32>
            %mul3A_224 = arith.constant 16 : i32
            %mul3A_225 = arith.muli %scan3A_208, %mul3A_224 : i32
            %swap3A_226 = arith.index_cast %mul3A_225 : i32 to index
            %swap3A_227 = tpu.vector_load %arg22[%swap3A_226] {strides = array<i32>} : memref<256xi32, #tpu.memory_space<vmem>>, vector<16xi32>,
            tpu.vector_store %arg22[%swap3A_226], %and3A_223 {strides = array<i32>} : memref<256xi32, #tpu.memory_space<vmem>>, vector<16xi32>,
            %scan3A_228 = arith.constant 0 : i32
            scf.yield %scan3A_228 : i32
          }
          %scan3A_187 = arith.constant 16 : i32
          %dma_start3A_188 = arith.constant 0 : i32
          %dma_start3A_189 = arith.constant 0 : i32
          %dma_start3A_190 = tpu.memref_slice %arg8[%dma_start3A_188, %dma_start3A_189] : memref<50000x128xf32, #tpu.memory_space<hbm>> -> memref<50000x128xf32, #tpu.memory_space<hbm>>
          tpu.enqueue_indirect_dma source(%dma_start3A_190 : memref<50000x128xf32, #tpu.memory_space<hbm>>) target(%arg24 : memref<256x128xf32, #tpu.memory_space<vmem>>) offsets(%arg20 : memref<256xi32, #tpu.memory_space<vmem>>) semaphore(%arg29 : memref<!tpu.dma_semaphore, #tpu.memory_space<semaphore_mem>>)
          %scan3A_191 = arith.constant 0 : i32
          %scan3A_192 = arith.constant 0 : i32
          %scan3A_193 = arith.constant 16 : i32
          %scan3A_194 = arith.addi %scan3A_192, %scan3A_193 : i32
          %scan3A_195 = arith.constant 1 : i32
          %scan3A_196 = scf.for %scan3A_208 = %scan3A_192 to %scan3A_194 step %scan3A_195 iter_args(%scan3A_209 = %scan3A_191) -> (i32)  : i32 {
            %add3A_210 = arith.constant 256 : i32
            %add3A_211 = arith.addi %mul3A_180, %add3A_210 : i32
            %mul3A_212 = arith.constant 16 : i32
            %mul3A_213 = arith.muli %scan3A_208, %mul3A_212 : i32
            %add3A_214 = arith.addi %add3A_211, %mul3A_213 : i32
            %get3A = arith.index_cast %add3A_214 : i32 to index
            %get3A_215 = tpu.vector_load %arg19[%get3A] {strides = array<i32>} : memref<4624xi32, #tpu.memory_space<vmem>>, vector<16xi32>,
            %shift_right_arithmetic3A = arith.constant 14 : i32
            %shift_right_arithmetic3A_216 = vector.broadcast %shift_right_arithmetic3A : i32 to vector<16xi32>
            %shift_right_arithmetic3A_217 = arith.shrsi %get3A_215, %shift_right_arithmetic3A_216 : vector<16xi32>
            %mul3A_218 = arith.constant 16 : i32
            %mul3A_219 = arith.muli %scan3A_208, %mul3A_218 : i32
            %swap3A = arith.index_cast %mul3A_219 : i32 to index
            %swap3A_220 = tpu.vector_load %arg21[%swap3A] {strides = array<i32>} : memref<256xi32, #tpu.memory_space<vmem>>, vector<16xi32>,
            tpu.vector_store %arg21[%swap3A], %shift_right_arithmetic3A_217 {strides = array<i32>} : memref<256xi32, #tpu.memory_space<vmem>>, vector<16xi32>,
            %and3A_221 = arith.constant 16383 : i32
            %and3A_222 = vector.broadcast %and3A_221 : i32 to vector<16xi32>
            %and3A_223 = arith.andi %get3A_215, %and3A_222 : vector<16xi32>
            %mul3A_224 = arith.constant 16 : i32
            %mul3A_225 = arith.muli %scan3A_208, %mul3A_224 : i32
            %swap3A_226 = arith.index_cast %mul3A_225 : i32 to index
            %swap3A_227 = tpu.vector_load %arg23[%swap3A_226] {strides = array<i32>} : memref<256xi32, #tpu.memory_space<vmem>>, vector<16xi32>,
            tpu.vector_store %arg23[%swap3A_226], %and3A_223 {strides = array<i32>} : memref<256xi32, #tpu.memory_space<vmem>>, vector<16xi32>,
            %scan3A_228 = arith.constant 0 : i32
            scf.yield %scan3A_228 : i32
          }
          %scan3A_197 = arith.constant 16 : i32
          %dma_start3A_198 = arith.constant 0 : i32
          %dma_start3A_199 = arith.constant 0 : i32
          %dma_start3A_200 = tpu.memref_slice %arg8[%dma_start3A_198, %dma_start3A_199] : memref<50000x128xf32, #tpu.memory_space<hbm>> -> memref<50000x128xf32, #tpu.memory_space<hbm>>
          tpu.enqueue_indirect_dma source(%dma_start3A_200 : memref<50000x128xf32, #tpu.memory_space<hbm>>) target(%arg25 : memref<256x128xf32, #tpu.memory_space<vmem>>) offsets(%arg21 : memref<256xi32, #tpu.memory_space<vmem>>) semaphore(%arg30 : memref<!tpu.dma_semaphore, #tpu.memory_space<semaphore_mem>>)
          %dma_wait3A_201 = arith.constant 0 : i32
          %dma_wait3A_202 = arith.constant 0 : i32
          %dma_wait3A_203 = tpu.memref_slice %arg8[%dma_wait3A_201, %dma_wait3A_202] : memref<50000x128xf32, #tpu.memory_space<hbm>> -> memref<50000x128xf32, #tpu.memory_space<hbm>>
          tpu.wait_indirect_dma semaphore(%arg29 : memref<!tpu.dma_semaphore, #tpu.memory_space<semaphore_mem>>) src(%dma_wait3A_203 : memref<50000x128xf32, #tpu.memory_space<hbm>>) dst(%arg24 : memref<256x128xf32, #tpu.memory_space<vmem>>)
          "tpu.region"() ({
            %run_scoped3A = tpu.sem_alloc : memref<!tpu.dma_semaphore, #tpu.memory_space<semaphore_mem>>
            %dma_start3A_208 = arith.constant 0 : i32
            %dma_start3A_209 = arith.constant 0 : i32
            %dma_start3A_210 = tpu.memref_slice %arg26[%dma_start3A_208, %dma_start3A_209] : memref<6272x128xf32, #tpu.memory_space<vmem_shared>> -> memref<6272x128xf32, #tpu.memory_space<vmem_shared>>
            tpu.enqueue_indirect_dma source(%arg24 : memref<256x128xf32, #tpu.memory_space<vmem>>) target(%dma_start3A_210 : memref<6272x128xf32, #tpu.memory_space<vmem_shared>>) offsets(%arg22 : memref<256xi32, #tpu.memory_space<vmem>>) semaphore(%run_scoped3A : memref<!tpu.dma_semaphore, #tpu.memory_space<semaphore_mem>>) {add = true}
            %dma_wait3A_211 = arith.constant 0 : i32
            %dma_wait3A_212 = arith.constant 0 : i32
            %dma_wait3A_213 = tpu.memref_slice %arg26[%dma_wait3A_211, %dma_wait3A_212] : memref<6272x128xf32, #tpu.memory_space<vmem_shared>> -> memref<6272x128xf32, #tpu.memory_space<vmem_shared>>
            tpu.wait_indirect_dma semaphore(%run_scoped3A : memref<!tpu.dma_semaphore, #tpu.memory_space<semaphore_mem>>) src(%arg24 : memref<256x128xf32, #tpu.memory_space<vmem>>) dst(%dma_wait3A_213 : memref<6272x128xf32, #tpu.memory_space<vmem_shared>>)
            tpu.yield
          }) : () -> ()
          %dma_wait3A_204 = arith.constant 0 : i32
          %dma_wait3A_205 = arith.constant 0 : i32
          %dma_wait3A_206 = tpu.memref_slice %arg8[%dma_wait3A_204, %dma_wait3A_205] : memref<50000x128xf32, #tpu.memory_space<hbm>> -> memref<50000x128xf32, #tpu.memory_space<hbm>>
          tpu.wait_indirect_dma semaphore(%arg30 : memref<!tpu.dma_semaphore, #tpu.memory_space<semaphore_mem>>) src(%dma_wait3A_206 : memref<50000x128xf32, #tpu.memory_space<hbm>>) dst(%arg25 : memref<256x128xf32, #tpu.memory_space<vmem>>)
          "tpu.region"() ({
            %run_scoped3A = tpu.sem_alloc : memref<!tpu.dma_semaphore, #tpu.memory_space<semaphore_mem>>
            %dma_start3A_208 = arith.constant 0 : i32
            %dma_start3A_209 = arith.constant 0 : i32
            %dma_start3A_210 = tpu.memref_slice %arg26[%dma_start3A_208, %dma_start3A_209] : memref<6272x128xf32, #tpu.memory_space<vmem_shared>> -> memref<6272x128xf32, #tpu.memory_space<vmem_shared>>
            tpu.enqueue_indirect_dma source(%arg25 : memref<256x128xf32, #tpu.memory_space<vmem>>) target(%dma_start3A_210 : memref<6272x128xf32, #tpu.memory_space<vmem_shared>>) offsets(%arg23 : memref<256xi32, #tpu.memory_space<vmem>>) semaphore(%run_scoped3A : memref<!tpu.dma_semaphore, #tpu.memory_space<semaphore_mem>>) {add = true}
            %dma_wait3A_211 = arith.constant 0 : i32
            %dma_wait3A_212 = arith.constant 0 : i32
            %dma_wait3A_213 = tpu.memref_slice %arg26[%dma_wait3A_211, %dma_wait3A_212] : memref<6272x128xf32, #tpu.memory_space<vmem_shared>> -> memref<6272x128xf32, #tpu.memory_space<vmem_shared>>
            tpu.wait_indirect_dma semaphore(%run_scoped3A : memref<!tpu.dma_semaphore, #tpu.memory_space<semaphore_mem>>) src(%arg25 : memref<256x128xf32, #tpu.memory_space<vmem>>) dst(%dma_wait3A_213 : memref<6272x128xf32, #tpu.memory_space<vmem_shared>>)
            tpu.yield
          }) : () -> ()
          %while3A_207 = arith.constant 0 : i32
          scf.yield %while3A_207 : i32
        }
        %while3A_165 = arith.constant 1 : i32
        %while3A_166 = scf.for %while3A_177 = %while3A_162 to %while3A_158 step %while3A_165 iter_args(%while3A_178 = %while3A_164) -> (i32)  : i32 {
          %mul3A_179 = arith.constant 512 : i32
          %mul3A_180 = arith.muli %while3A_177, %mul3A_179 : i32
          %scan3A_181 = arith.constant 0 : i32
          %scan3A_182 = arith.constant 0 : i32
          %scan3A_183 = arith.constant 16 : i32
          %scan3A_184 = arith.addi %scan3A_182, %scan3A_183 : i32
          %scan3A_185 = arith.constant 1 : i32
          %scan3A_186 = scf.for %scan3A_208 = %scan3A_182 to %scan3A_184 step %scan3A_185 iter_args(%scan3A_209 = %scan3A_181) -> (i32)  : i32 {
            %add3A_210 = arith.constant 0 : i32
            %add3A_211 = arith.addi %mul3A_180, %add3A_210 : i32
            %mul3A_212 = arith.constant 16 : i32
            %mul3A_213 = arith.muli %scan3A_208, %mul3A_212 : i32
            %add3A_214 = arith.addi %add3A_211, %mul3A_213 : i32
            %get3A = arith.index_cast %add3A_214 : i32 to index
            %get3A_215 = tpu.vector_load %arg19[%get3A] {strides = array<i32>} : memref<4624xi32, #tpu.memory_space<vmem>>, vector<16xi32>,
            %shift_right_arithmetic3A = arith.constant 14 : i32
            %shift_right_arithmetic3A_216 = vector.broadcast %shift_right_arithmetic3A : i32 to vector<16xi32>
            %shift_right_arithmetic3A_217 = arith.shrsi %get3A_215, %shift_right_arithmetic3A_216 : vector<16xi32>
            %mul3A_218 = arith.constant 16 : i32
            %mul3A_219 = arith.muli %scan3A_208, %mul3A_218 : i32
            %swap3A = arith.index_cast %mul3A_219 : i32 to index
            %swap3A_220 = tpu.vector_load %arg20[%swap3A] {strides = array<i32>} : memref<256xi32, #tpu.memory_space<vmem>>, vector<16xi32>,
            tpu.vector_store %arg20[%swap3A], %shift_right_arithmetic3A_217 {strides = array<i32>} : memref<256xi32, #tpu.memory_space<vmem>>, vector<16xi32>,
            %and3A_221 = arith.constant 16383 : i32
            %and3A_222 = vector.broadcast %and3A_221 : i32 to vector<16xi32>
            %and3A_223 = arith.andi %get3A_215, %and3A_222 : vector<16xi32>
            %mul3A_224 = arith.constant 16 : i32
            %mul3A_225 = arith.muli %scan3A_208, %mul3A_224 : i32
            %swap3A_226 = arith.index_cast %mul3A_225 : i32 to index
            %swap3A_227 = tpu.vector_load %arg22[%swap3A_226] {strides = array<i32>} : memref<256xi32, #tpu.memory_space<vmem>>, vector<16xi32>,
            tpu.vector_store %arg22[%swap3A_226], %and3A_223 {strides = array<i32>} : memref<256xi32, #tpu.memory_space<vmem>>, vector<16xi32>,
            %scan3A_228 = arith.constant 0 : i32
            scf.yield %scan3A_228 : i32
          }
          %scan3A_187 = arith.constant 16 : i32
          %dma_start3A_188 = arith.constant 0 : i32
          %dma_start3A_189 = arith.constant 0 : i32
          %dma_start3A_190 = tpu.memref_slice %arg8[%dma_start3A_188, %dma_start3A_189] : memref<50000x128xf32, #tpu.memory_space<hbm>> -> memref<50000x128xf32, #tpu.memory_space<hbm>>
          tpu.enqueue_indirect_dma source(%dma_start3A_190 : memref<50000x128xf32, #tpu.memory_space<hbm>>) target(%arg24 : memref<256x128xf32, #tpu.memory_space<vmem>>) offsets(%arg20 : memref<256xi32, #tpu.memory_space<vmem>>) semaphore(%arg29 : memref<!tpu.dma_semaphore, #tpu.memory_space<semaphore_mem>>)
          %scan3A_191 = arith.constant 0 : i32
          %scan3A_192 = arith.constant 0 : i32
          %scan3A_193 = arith.constant 16 : i32
          %scan3A_194 = arith.addi %scan3A_192, %scan3A_193 : i32
          %scan3A_195 = arith.constant 1 : i32
          %scan3A_196 = scf.for %scan3A_208 = %scan3A_192 to %scan3A_194 step %scan3A_195 iter_args(%scan3A_209 = %scan3A_191) -> (i32)  : i32 {
            %add3A_210 = arith.constant 256 : i32
            %add3A_211 = arith.addi %mul3A_180, %add3A_210 : i32
            %mul3A_212 = arith.constant 16 : i32
            %mul3A_213 = arith.muli %scan3A_208, %mul3A_212 : i32
            %add3A_214 = arith.addi %add3A_211, %mul3A_213 : i32
            %get3A = arith.index_cast %add3A_214 : i32 to index
            %get3A_215 = tpu.vector_load %arg19[%get3A] {strides = array<i32>} : memref<4624xi32, #tpu.memory_space<vmem>>, vector<16xi32>,
            %shift_right_arithmetic3A = arith.constant 14 : i32
            %shift_right_arithmetic3A_216 = vector.broadcast %shift_right_arithmetic3A : i32 to vector<16xi32>
            %shift_right_arithmetic3A_217 = arith.shrsi %get3A_215, %shift_right_arithmetic3A_216 : vector<16xi32>
            %mul3A_218 = arith.constant 16 : i32
            %mul3A_219 = arith.muli %scan3A_208, %mul3A_218 : i32
            %swap3A = arith.index_cast %mul3A_219 : i32 to index
            %swap3A_220 = tpu.vector_load %arg21[%swap3A] {strides = array<i32>} : memref<256xi32, #tpu.memory_space<vmem>>, vector<16xi32>,
            tpu.vector_store %arg21[%swap3A], %shift_right_arithmetic3A_217 {strides = array<i32>} : memref<256xi32, #tpu.memory_space<vmem>>, vector<16xi32>,
            %and3A_221 = arith.constant 16383 : i32
            %and3A_222 = vector.broadcast %and3A_221 : i32 to vector<16xi32>
            %and3A_223 = arith.andi %get3A_215, %and3A_222 : vector<16xi32>
            %mul3A_224 = arith.constant 16 : i32
            %mul3A_225 = arith.muli %scan3A_208, %mul3A_224 : i32
            %swap3A_226 = arith.index_cast %mul3A_225 : i32 to index
            %swap3A_227 = tpu.vector_load %arg23[%swap3A_226] {strides = array<i32>} : memref<256xi32, #tpu.memory_space<vmem>>, vector<16xi32>,
            tpu.vector_store %arg23[%swap3A_226], %and3A_223 {strides = array<i32>} : memref<256xi32, #tpu.memory_space<vmem>>, vector<16xi32>,
            %scan3A_228 = arith.constant 0 : i32
            scf.yield %scan3A_228 : i32
          }
          %scan3A_197 = arith.constant 16 : i32
          %dma_start3A_198 = arith.constant 0 : i32
          %dma_start3A_199 = arith.constant 0 : i32
          %dma_start3A_200 = tpu.memref_slice %arg8[%dma_start3A_198, %dma_start3A_199] : memref<50000x128xf32, #tpu.memory_space<hbm>> -> memref<50000x128xf32, #tpu.memory_space<hbm>>
          tpu.enqueue_indirect_dma source(%dma_start3A_200 : memref<50000x128xf32, #tpu.memory_space<hbm>>) target(%arg25 : memref<256x128xf32, #tpu.memory_space<vmem>>) offsets(%arg21 : memref<256xi32, #tpu.memory_space<vmem>>) semaphore(%arg30 : memref<!tpu.dma_semaphore, #tpu.memory_space<semaphore_mem>>)
          %dma_wait3A_201 = arith.constant 0 : i32
          %dma_wait3A_202 = arith.constant 0 : i32
          %dma_wait3A_203 = tpu.memref_slice %arg8[%dma_wait3A_201, %dma_wait3A_202] : memref<50000x128xf32, #tpu.memory_space<hbm>> -> memref<50000x128xf32, #tpu.memory_space<hbm>>
          tpu.wait_indirect_dma semaphore(%arg29 : memref<!tpu.dma_semaphore, #tpu.memory_space<semaphore_mem>>) src(%dma_wait3A_203 : memref<50000x128xf32, #tpu.memory_space<hbm>>) dst(%arg24 : memref<256x128xf32, #tpu.memory_space<vmem>>)
          "tpu.region"() ({
            %run_scoped3A = tpu.sem_alloc : memref<!tpu.dma_semaphore, #tpu.memory_space<semaphore_mem>>
            %dma_start3A_208 = arith.constant 0 : i32
            %dma_start3A_209 = arith.constant 0 : i32
            %dma_start3A_210 = tpu.memref_slice %arg26[%dma_start3A_208, %dma_start3A_209] : memref<6272x128xf32, #tpu.memory_space<vmem_shared>> -> memref<6272x128xf32, #tpu.memory_space<vmem_shared>>
            tpu.enqueue_indirect_dma source(%arg24 : memref<256x128xf32, #tpu.memory_space<vmem>>) target(%dma_start3A_210 : memref<6272x128xf32, #tpu.memory_space<vmem_shared>>) offsets(%arg22 : memref<256xi32, #tpu.memory_space<vmem>>) semaphore(%run_scoped3A : memref<!tpu.dma_semaphore, #tpu.memory_space<semaphore_mem>>) {add = true}
            %dma_wait3A_211 = arith.constant 0 : i32
            %dma_wait3A_212 = arith.constant 0 : i32
            %dma_wait3A_213 = tpu.memref_slice %arg26[%dma_wait3A_211, %dma_wait3A_212] : memref<6272x128xf32, #tpu.memory_space<vmem_shared>> -> memref<6272x128xf32, #tpu.memory_space<vmem_shared>>
            tpu.wait_indirect_dma semaphore(%run_scoped3A : memref<!tpu.dma_semaphore, #tpu.memory_space<semaphore_mem>>) src(%arg24 : memref<256x128xf32, #tpu.memory_space<vmem>>) dst(%dma_wait3A_213 : memref<6272x128xf32, #tpu.memory_space<vmem_shared>>)
            tpu.yield
          }) : () -> ()
          %dma_wait3A_204 = arith.constant 0 : i32
          %dma_wait3A_205 = arith.constant 0 : i32
          %dma_wait3A_206 = tpu.memref_slice %arg8[%dma_wait3A_204, %dma_wait3A_205] : memref<50000x128xf32, #tpu.memory_space<hbm>> -> memref<50000x128xf32, #tpu.memory_space<hbm>>
          tpu.wait_indirect_dma semaphore(%arg30 : memref<!tpu.dma_semaphore, #tpu.memory_space<semaphore_mem>>) src(%dma_wait3A_206 : memref<50000x128xf32, #tpu.memory_space<hbm>>) dst(%arg25 : memref<256x128xf32, #tpu.memory_space<vmem>>)
          "tpu.region"() ({
            %run_scoped3A = tpu.sem_alloc : memref<!tpu.dma_semaphore, #tpu.memory_space<semaphore_mem>>
            %dma_start3A_208 = arith.constant 0 : i32
            %dma_start3A_209 = arith.constant 0 : i32
            %dma_start3A_210 = tpu.memref_slice %arg26[%dma_start3A_208, %dma_start3A_209] : memref<6272x128xf32, #tpu.memory_space<vmem_shared>> -> memref<6272x128xf32, #tpu.memory_space<vmem_shared>>
            tpu.enqueue_indirect_dma source(%arg25 : memref<256x128xf32, #tpu.memory_space<vmem>>) target(%dma_start3A_210 : memref<6272x128xf32, #tpu.memory_space<vmem_shared>>) offsets(%arg23 : memref<256xi32, #tpu.memory_space<vmem>>) semaphore(%run_scoped3A : memref<!tpu.dma_semaphore, #tpu.memory_space<semaphore_mem>>) {add = true}
            %dma_wait3A_211 = arith.constant 0 : i32
            %dma_wait3A_212 = arith.constant 0 : i32
            %dma_wait3A_213 = tpu.memref_slice %arg26[%dma_wait3A_211, %dma_wait3A_212] : memref<6272x128xf32, #tpu.memory_space<vmem_shared>> -> memref<6272x128xf32, #tpu.memory_space<vmem_shared>>
            tpu.wait_indirect_dma semaphore(%run_scoped3A : memref<!tpu.dma_semaphore, #tpu.memory_space<semaphore_mem>>) src(%arg25 : memref<256x128xf32, #tpu.memory_space<vmem>>) dst(%dma_wait3A_213 : memref<6272x128xf32, #tpu.memory_space<vmem_shared>>)
            tpu.yield
          }) : () -> ()
          %while3A_207 = arith.constant 0 : i32
          scf.yield %while3A_207 : i32
        }
        %mul3A_167 = arith.constant 512 : i32
        %mul3A_168 = arith.muli %select_n3A_154, %mul3A_167 : i32
        %scan3A_169 = arith.constant 0 : i32
        %scan3A_170 = arith.constant 0 : i32
        %scan3A_171 = arith.constant 32 : i32
        %scan3A_172 = arith.addi %scan3A_170, %scan3A_171 : i32
        %scan3A_173 = arith.constant 1 : i32
        %scan3A_174 = scf.for %scan3A_177 = %scan3A_170 to %scan3A_172 step %scan3A_173 iter_args(%scan3A_178 = %scan3A_169) -> (i32)  : i32 {
          %mul3A_179 = arith.constant 16 : i32
          %mul3A_180 = arith.muli %scan3A_177, %mul3A_179 : i32
          %add3A_181 = arith.addi %mul3A_168, %mul3A_180 : i32
          %get3A = arith.index_cast %add3A_181 : i32 to index
          %get3A_182 = tpu.vector_load %arg19[%get3A] {strides = array<i32>} : memref<4624xi32, #tpu.memory_space<vmem>>, vector<16xi32>,
          %mul3A_183 = arith.constant 16 : i32
          %mul3A_184 = arith.muli %scan3A_177, %mul3A_183 : i32
          %swap3A = arith.index_cast %mul3A_184 : i32 to index
          %swap3A_185 = tpu.vector_load %arg19[%swap3A] {strides = array<i32>} : memref<4624xi32, #tpu.memory_space<vmem>>, vector<16xi32>,
          tpu.vector_store %arg19[%swap3A], %get3A_182 {strides = array<i32>} : memref<4624xi32, #tpu.memory_space<vmem>>, vector<16xi32>,
          %scan3A_186 = arith.constant 0 : i32
          scf.yield %scan3A_186 : i32
        }
        %scan3A_175 = arith.constant 32 : i32
        %sub3A_176 = arith.subi %scan3A_122, %mul3A_168 : i32
        scf.yield %sub3A_176 : i32
      }
      %scan3A_55 = arith.constant 4 : i32
      %scan3A_56 = arith.constant 0 : i32
      %scan3A_57 = arith.constant 0 : i32
      %scan3A_58 = arith.constant 32 : i32
      %scan3A_59 = arith.addi %scan3A_57, %scan3A_58 : i32
      %scan3A_60 = arith.constant 1 : i32
      %scan3A_61 = scf.for %scan3A_103 = %scan3A_57 to %scan3A_59 step %scan3A_60 iter_args(%scan3A_104 = %scan3A_56) -> (i32)  : i32 {
        %mul3A_105 = arith.constant 16 : i32
        %mul3A_106 = arith.muli %scan3A_103, %mul3A_105 : i32
        %add3A_107 = arith.addi %scan3A_54, %mul3A_106 : i32
        %swap3A = arith.index_cast %add3A_107 : i32 to index
        %swap3A_108 = tpu.vector_load %arg19[%swap3A] {strides = array<i32>} : memref<4624xi32, #tpu.memory_space<vmem>>, vector<16xi32>,
        tpu.vector_store %arg19[%swap3A], %broadcast_in_dim3A_0 {strides = array<i32>} : memref<4624xi32, #tpu.memory_space<vmem>>, vector<16xi32>,
        %scan3A_109 = arith.constant 0 : i32
        scf.yield %scan3A_109 : i32
      }
      %scan3A_62 = arith.constant 32 : i32
      %add3A_63 = arith.constant 512 : i32
      %add3A_64 = arith.addi %scan3A_54, %add3A_63 : i32
      %sub3A = arith.constant 1 : i32
      %sub3A_65 = arith.subi %add3A_64, %sub3A : i32
      %jit3A = arith.constant 512 : i32
      %div3A = arith.divsi %sub3A_65, %jit3A : i32
      %sign3A = arith.constant 0 : i32
      %sign3A_66 = arith.cmpi sgt, %sub3A_65, %sign3A : i32
      %sign3A_67 = arith.extui %sign3A_66 : i1 to i32
      %sign3A_68 = arith.constant 0 : i32
      %sign3A_69 = arith.cmpi slt, %sub3A_65, %sign3A_68 : i32
      %sign3A_70 = arith.extui %sign3A_69 : i1 to i32
      %sign3A_71 = arith.subi %sign3A_67, %sign3A_70 : i32
      %sign3A_72 = arith.constant 0 : i32
      %sign3A_73 = arith.cmpi sgt, %jit3A, %sign3A_72 : i32
      %sign3A_74 = arith.extui %sign3A_73 : i1 to i32
      %sign3A_75 = arith.constant 0 : i32
      %sign3A_76 = arith.cmpi slt, %jit3A, %sign3A_75 : i32
      %sign3A_77 = arith.extui %sign3A_76 : i1 to i32
      %sign3A_78 = arith.subi %sign3A_74, %sign3A_77 : i32
      %ne3A = arith.cmpi ne, %sign3A_71, %sign3A_78 : i32
      %rem3A = arith.remsi %sub3A_65, %jit3A : i32
      %ne3A_79 = arith.constant 0 : i32
      %ne3A_80 = arith.cmpi ne, %rem3A, %ne3A_79 : i32
      %and3A = arith.andi %ne3A, %ne3A_80 : i1
      %sub3A_81 = arith.constant 1 : i32
      %sub3A_82 = arith.subi %div3A, %sub3A_81 : i32
      %select_n3A = arith.select %and3A, %sub3A_82, %div3A : i32
      %while3A = arith.constant 0 : i32
      %while3A_83 = arith.constant 0 : i32
      %while3A_84 = arith.subi %select_n3A, %while3A : i32
      %while3A_85 = arith.addi %while3A, %while3A_84 : i32
      %while3A_86 = arith.constant 1 : i32
      %while3A_87 = arith.divsi %while3A_84, %while3A_86 : i32
      %while3A_88 = arith.muli %while3A_87, %while3A_86 : i32
      %while3A_89 = arith.addi %while3A, %while3A_88 : i32
      %while3A_90 = arith.constant 1 : i32
      %while3A_91 = scf.for %while3A_103 = %while3A to %while3A_89 step %while3A_90 iter_args(%while3A_104 = %while3A_83) -> (i32)  : i32 {
        %mul3A_105 = arith.constant 512 : i32
        %mul3A_106 = arith.muli %while3A_103, %mul3A_105 : i32
        %scan3A_107 = arith.constant 0 : i32
        %scan3A_108 = arith.constant 0 : i32
        %scan3A_109 = arith.constant 16 : i32
        %scan3A_110 = arith.addi %scan3A_108, %scan3A_109 : i32
        %scan3A_111 = arith.constant 1 : i32
        %scan3A_112 = scf.for %scan3A_133 = %scan3A_108 to %scan3A_110 step %scan3A_111 iter_args(%scan3A_134 = %scan3A_107) -> (i32)  : i32 {
          %add3A_135 = arith.constant 0 : i32
          %add3A_136 = arith.addi %mul3A_106, %add3A_135 : i32
          %mul3A_137 = arith.constant 16 : i32
          %mul3A_138 = arith.muli %scan3A_133, %mul3A_137 : i32
          %add3A_139 = arith.addi %add3A_136, %mul3A_138 : i32
          %get3A = arith.index_cast %add3A_139 : i32 to index
          %get3A_140 = tpu.vector_load %arg19[%get3A] {strides = array<i32>} : memref<4624xi32, #tpu.memory_space<vmem>>, vector<16xi32>,
          %shift_right_arithmetic3A = arith.constant 14 : i32
          %shift_right_arithmetic3A_141 = vector.broadcast %shift_right_arithmetic3A : i32 to vector<16xi32>
          %shift_right_arithmetic3A_142 = arith.shrsi %get3A_140, %shift_right_arithmetic3A_141 : vector<16xi32>
          %mul3A_143 = arith.constant 16 : i32
          %mul3A_144 = arith.muli %scan3A_133, %mul3A_143 : i32
          %swap3A = arith.index_cast %mul3A_144 : i32 to index
          %swap3A_145 = tpu.vector_load %arg20[%swap3A] {strides = array<i32>} : memref<256xi32, #tpu.memory_space<vmem>>, vector<16xi32>,
          tpu.vector_store %arg20[%swap3A], %shift_right_arithmetic3A_142 {strides = array<i32>} : memref<256xi32, #tpu.memory_space<vmem>>, vector<16xi32>,
          %and3A_146 = arith.constant 16383 : i32
          %and3A_147 = vector.broadcast %and3A_146 : i32 to vector<16xi32>
          %and3A_148 = arith.andi %get3A_140, %and3A_147 : vector<16xi32>
          %mul3A_149 = arith.constant 16 : i32
          %mul3A_150 = arith.muli %scan3A_133, %mul3A_149 : i32
          %swap3A_151 = arith.index_cast %mul3A_150 : i32 to index
          %swap3A_152 = tpu.vector_load %arg22[%swap3A_151] {strides = array<i32>} : memref<256xi32, #tpu.memory_space<vmem>>, vector<16xi32>,
          tpu.vector_store %arg22[%swap3A_151], %and3A_148 {strides = array<i32>} : memref<256xi32, #tpu.memory_space<vmem>>, vector<16xi32>,
          %scan3A_153 = arith.constant 0 : i32
          scf.yield %scan3A_153 : i32
        }
        %scan3A_113 = arith.constant 16 : i32
        %dma_start3A_114 = arith.constant 0 : i32
        %dma_start3A_115 = arith.constant 0 : i32
        %dma_start3A_116 = tpu.memref_slice %arg8[%dma_start3A_114, %dma_start3A_115] : memref<50000x128xf32, #tpu.memory_space<hbm>> -> memref<50000x128xf32, #tpu.memory_space<hbm>>
        tpu.enqueue_indirect_dma source(%dma_start3A_116 : memref<50000x128xf32, #tpu.memory_space<hbm>>) target(%arg24 : memref<256x128xf32, #tpu.memory_space<vmem>>) offsets(%arg20 : memref<256xi32, #tpu.memory_space<vmem>>) semaphore(%arg29 : memref<!tpu.dma_semaphore, #tpu.memory_space<semaphore_mem>>)
        %scan3A_117 = arith.constant 0 : i32
        %scan3A_118 = arith.constant 0 : i32
        %scan3A_119 = arith.constant 16 : i32
        %scan3A_120 = arith.addi %scan3A_118, %scan3A_119 : i32
        %scan3A_121 = arith.constant 1 : i32
        %scan3A_122 = scf.for %scan3A_133 = %scan3A_118 to %scan3A_120 step %scan3A_121 iter_args(%scan3A_134 = %scan3A_117) -> (i32)  : i32 {
          %add3A_135 = arith.constant 256 : i32
          %add3A_136 = arith.addi %mul3A_106, %add3A_135 : i32
          %mul3A_137 = arith.constant 16 : i32
          %mul3A_138 = arith.muli %scan3A_133, %mul3A_137 : i32
          %add3A_139 = arith.addi %add3A_136, %mul3A_138 : i32
          %get3A = arith.index_cast %add3A_139 : i32 to index
          %get3A_140 = tpu.vector_load %arg19[%get3A] {strides = array<i32>} : memref<4624xi32, #tpu.memory_space<vmem>>, vector<16xi32>,
          %shift_right_arithmetic3A = arith.constant 14 : i32
          %shift_right_arithmetic3A_141 = vector.broadcast %shift_right_arithmetic3A : i32 to vector<16xi32>
          %shift_right_arithmetic3A_142 = arith.shrsi %get3A_140, %shift_right_arithmetic3A_141 : vector<16xi32>
          %mul3A_143 = arith.constant 16 : i32
          %mul3A_144 = arith.muli %scan3A_133, %mul3A_143 : i32
          %swap3A = arith.index_cast %mul3A_144 : i32 to index
          %swap3A_145 = tpu.vector_load %arg21[%swap3A] {strides = array<i32>} : memref<256xi32, #tpu.memory_space<vmem>>, vector<16xi32>,
          tpu.vector_store %arg21[%swap3A], %shift_right_arithmetic3A_142 {strides = array<i32>} : memref<256xi32, #tpu.memory_space<vmem>>, vector<16xi32>,
          %and3A_146 = arith.constant 16383 : i32
          %and3A_147 = vector.broadcast %and3A_146 : i32 to vector<16xi32>
          %and3A_148 = arith.andi %get3A_140, %and3A_147 : vector<16xi32>
          %mul3A_149 = arith.constant 16 : i32
          %mul3A_150 = arith.muli %scan3A_133, %mul3A_149 : i32
          %swap3A_151 = arith.index_cast %mul3A_150 : i32 to index
          %swap3A_152 = tpu.vector_load %arg23[%swap3A_151] {strides = array<i32>} : memref<256xi32, #tpu.memory_space<vmem>>, vector<16xi32>,
          tpu.vector_store %arg23[%swap3A_151], %and3A_148 {strides = array<i32>} : memref<256xi32, #tpu.memory_space<vmem>>, vector<16xi32>,
          %scan3A_153 = arith.constant 0 : i32
          scf.yield %scan3A_153 : i32
        }
        %scan3A_123 = arith.constant 16 : i32
        %dma_start3A_124 = arith.constant 0 : i32
        %dma_start3A_125 = arith.constant 0 : i32
        %dma_start3A_126 = tpu.memref_slice %arg8[%dma_start3A_124, %dma_start3A_125] : memref<50000x128xf32, #tpu.memory_space<hbm>> -> memref<50000x128xf32, #tpu.memory_space<hbm>>
        tpu.enqueue_indirect_dma source(%dma_start3A_126 : memref<50000x128xf32, #tpu.memory_space<hbm>>) target(%arg25 : memref<256x128xf32, #tpu.memory_space<vmem>>) offsets(%arg21 : memref<256xi32, #tpu.memory_space<vmem>>) semaphore(%arg30 : memref<!tpu.dma_semaphore, #tpu.memory_space<semaphore_mem>>)
        %dma_wait3A = arith.constant 0 : i32
        %dma_wait3A_127 = arith.constant 0 : i32
        %dma_wait3A_128 = tpu.memref_slice %arg8[%dma_wait3A, %dma_wait3A_127] : memref<50000x128xf32, #tpu.memory_space<hbm>> -> memref<50000x128xf32, #tpu.memory_space<hbm>>
        tpu.wait_indirect_dma semaphore(%arg29 : memref<!tpu.dma_semaphore, #tpu.memory_space<semaphore_mem>>) src(%dma_wait3A_128 : memref<50000x128xf32, #tpu.memory_space<hbm>>) dst(%arg24 : memref<256x128xf32, #tpu.memory_space<vmem>>)
        "tpu.region"() ({
          %run_scoped3A = tpu.sem_alloc : memref<!tpu.dma_semaphore, #tpu.memory_space<semaphore_mem>>
          %dma_start3A_133 = arith.constant 0 : i32
          %dma_start3A_134 = arith.constant 0 : i32
          %dma_start3A_135 = tpu.memref_slice %arg26[%dma_start3A_133, %dma_start3A_134] : memref<6272x128xf32, #tpu.memory_space<vmem_shared>> -> memref<6272x128xf32, #tpu.memory_space<vmem_shared>>
          tpu.enqueue_indirect_dma source(%arg24 : memref<256x128xf32, #tpu.memory_space<vmem>>) target(%dma_start3A_135 : memref<6272x128xf32, #tpu.memory_space<vmem_shared>>) offsets(%arg22 : memref<256xi32, #tpu.memory_space<vmem>>) semaphore(%run_scoped3A : memref<!tpu.dma_semaphore, #tpu.memory_space<semaphore_mem>>) {add = true}
          %dma_wait3A_136 = arith.constant 0 : i32
          %dma_wait3A_137 = arith.constant 0 : i32
          %dma_wait3A_138 = tpu.memref_slice %arg26[%dma_wait3A_136, %dma_wait3A_137] : memref<6272x128xf32, #tpu.memory_space<vmem_shared>> -> memref<6272x128xf32, #tpu.memory_space<vmem_shared>>
          tpu.wait_indirect_dma semaphore(%run_scoped3A : memref<!tpu.dma_semaphore, #tpu.memory_space<semaphore_mem>>) src(%arg24 : memref<256x128xf32, #tpu.memory_space<vmem>>) dst(%dma_wait3A_138 : memref<6272x128xf32, #tpu.memory_space<vmem_shared>>)
          tpu.yield
        }) : () -> ()
        %dma_wait3A_129 = arith.constant 0 : i32
        %dma_wait3A_130 = arith.constant 0 : i32
        %dma_wait3A_131 = tpu.memref_slice %arg8[%dma_wait3A_129, %dma_wait3A_130] : memref<50000x128xf32, #tpu.memory_space<hbm>> -> memref<50000x128xf32, #tpu.memory_space<hbm>>
        tpu.wait_indirect_dma semaphore(%arg30 : memref<!tpu.dma_semaphore, #tpu.memory_space<semaphore_mem>>) src(%dma_wait3A_131 : memref<50000x128xf32, #tpu.memory_space<hbm>>) dst(%arg25 : memref<256x128xf32, #tpu.memory_space<vmem>>)
        "tpu.region"() ({
          %run_scoped3A = tpu.sem_alloc : memref<!tpu.dma_semaphore, #tpu.memory_space<semaphore_mem>>
          %dma_start3A_133 = arith.constant 0 : i32
          %dma_start3A_134 = arith.constant 0 : i32
          %dma_start3A_135 = tpu.memref_slice %arg26[%dma_start3A_133, %dma_start3A_134] : memref<6272x128xf32, #tpu.memory_space<vmem_shared>> -> memref<6272x128xf32, #tpu.memory_space<vmem_shared>>
          tpu.enqueue_indirect_dma source(%arg25 : memref<256x128xf32, #tpu.memory_space<vmem>>) target(%dma_start3A_135 : memref<6272x128xf32, #tpu.memory_space<vmem_shared>>) offsets(%arg23 : memref<256xi32, #tpu.memory_space<vmem>>) semaphore(%run_scoped3A : memref<!tpu.dma_semaphore, #tpu.memory_space<semaphore_mem>>) {add = true}
          %dma_wait3A_136 = arith.constant 0 : i32
          %dma_wait3A_137 = arith.constant 0 : i32
          %dma_wait3A_138 = tpu.memref_slice %arg26[%dma_wait3A_136, %dma_wait3A_137] : memref<6272x128xf32, #tpu.memory_space<vmem_shared>> -> memref<6272x128xf32, #tpu.memory_space<vmem_shared>>
          tpu.wait_indirect_dma semaphore(%run_scoped3A : memref<!tpu.dma_semaphore, #tpu.memory_space<semaphore_mem>>) src(%arg25 : memref<256x128xf32, #tpu.memory_space<vmem>>) dst(%dma_wait3A_138 : memref<6272x128xf32, #tpu.memory_space<vmem_shared>>)
          tpu.yield
        }) : () -> ()
        %while3A_132 = arith.constant 0 : i32
        scf.yield %while3A_132 : i32
      }
      %while3A_92 = arith.constant 1 : i32
      %while3A_93 = scf.for %while3A_103 = %while3A_89 to %while3A_85 step %while3A_92 iter_args(%while3A_104 = %while3A_91) -> (i32)  : i32 {
        %mul3A_105 = arith.constant 512 : i32
        %mul3A_106 = arith.muli %while3A_103, %mul3A_105 : i32
        %scan3A_107 = arith.constant 0 : i32
        %scan3A_108 = arith.constant 0 : i32
        %scan3A_109 = arith.constant 16 : i32
        %scan3A_110 = arith.addi %scan3A_108, %scan3A_109 : i32
        %scan3A_111 = arith.constant 1 : i32
        %scan3A_112 = scf.for %scan3A_133 = %scan3A_108 to %scan3A_110 step %scan3A_111 iter_args(%scan3A_134 = %scan3A_107) -> (i32)  : i32 {
          %add3A_135 = arith.constant 0 : i32
          %add3A_136 = arith.addi %mul3A_106, %add3A_135 : i32
          %mul3A_137 = arith.constant 16 : i32
          %mul3A_138 = arith.muli %scan3A_133, %mul3A_137 : i32
          %add3A_139 = arith.addi %add3A_136, %mul3A_138 : i32
          %get3A = arith.index_cast %add3A_139 : i32 to index
          %get3A_140 = tpu.vector_load %arg19[%get3A] {strides = array<i32>} : memref<4624xi32, #tpu.memory_space<vmem>>, vector<16xi32>,
          %shift_right_arithmetic3A = arith.constant 14 : i32
          %shift_right_arithmetic3A_141 = vector.broadcast %shift_right_arithmetic3A : i32 to vector<16xi32>
          %shift_right_arithmetic3A_142 = arith.shrsi %get3A_140, %shift_right_arithmetic3A_141 : vector<16xi32>
          %mul3A_143 = arith.constant 16 : i32
          %mul3A_144 = arith.muli %scan3A_133, %mul3A_143 : i32
          %swap3A = arith.index_cast %mul3A_144 : i32 to index
          %swap3A_145 = tpu.vector_load %arg20[%swap3A] {strides = array<i32>} : memref<256xi32, #tpu.memory_space<vmem>>, vector<16xi32>,
          tpu.vector_store %arg20[%swap3A], %shift_right_arithmetic3A_142 {strides = array<i32>} : memref<256xi32, #tpu.memory_space<vmem>>, vector<16xi32>,
          %and3A_146 = arith.constant 16383 : i32
          %and3A_147 = vector.broadcast %and3A_146 : i32 to vector<16xi32>
          %and3A_148 = arith.andi %get3A_140, %and3A_147 : vector<16xi32>
          %mul3A_149 = arith.constant 16 : i32
          %mul3A_150 = arith.muli %scan3A_133, %mul3A_149 : i32
          %swap3A_151 = arith.index_cast %mul3A_150 : i32 to index
          %swap3A_152 = tpu.vector_load %arg22[%swap3A_151] {strides = array<i32>} : memref<256xi32, #tpu.memory_space<vmem>>, vector<16xi32>,
          tpu.vector_store %arg22[%swap3A_151], %and3A_148 {strides = array<i32>} : memref<256xi32, #tpu.memory_space<vmem>>, vector<16xi32>,
          %scan3A_153 = arith.constant 0 : i32
          scf.yield %scan3A_153 : i32
        }
        %scan3A_113 = arith.constant 16 : i32
        %dma_start3A_114 = arith.constant 0 : i32
        %dma_start3A_115 = arith.constant 0 : i32
        %dma_start3A_116 = tpu.memref_slice %arg8[%dma_start3A_114, %dma_start3A_115] : memref<50000x128xf32, #tpu.memory_space<hbm>> -> memref<50000x128xf32, #tpu.memory_space<hbm>>
        tpu.enqueue_indirect_dma source(%dma_start3A_116 : memref<50000x128xf32, #tpu.memory_space<hbm>>) target(%arg24 : memref<256x128xf32, #tpu.memory_space<vmem>>) offsets(%arg20 : memref<256xi32, #tpu.memory_space<vmem>>) semaphore(%arg29 : memref<!tpu.dma_semaphore, #tpu.memory_space<semaphore_mem>>)
        %scan3A_117 = arith.constant 0 : i32
        %scan3A_118 = arith.constant 0 : i32
        %scan3A_119 = arith.constant 16 : i32
        %scan3A_120 = arith.addi %scan3A_118, %scan3A_119 : i32
        %scan3A_121 = arith.constant 1 : i32
        %scan3A_122 = scf.for %scan3A_133 = %scan3A_118 to %scan3A_120 step %scan3A_121 iter_args(%scan3A_134 = %scan3A_117) -> (i32)  : i32 {
          %add3A_135 = arith.constant 256 : i32
          %add3A_136 = arith.addi %mul3A_106, %add3A_135 : i32
          %mul3A_137 = arith.constant 16 : i32
          %mul3A_138 = arith.muli %scan3A_133, %mul3A_137 : i32
          %add3A_139 = arith.addi %add3A_136, %mul3A_138 : i32
          %get3A = arith.index_cast %add3A_139 : i32 to index
          %get3A_140 = tpu.vector_load %arg19[%get3A] {strides = array<i32>} : memref<4624xi32, #tpu.memory_space<vmem>>, vector<16xi32>,
          %shift_right_arithmetic3A = arith.constant 14 : i32
          %shift_right_arithmetic3A_141 = vector.broadcast %shift_right_arithmetic3A : i32 to vector<16xi32>
          %shift_right_arithmetic3A_142 = arith.shrsi %get3A_140, %shift_right_arithmetic3A_141 : vector<16xi32>
          %mul3A_143 = arith.constant 16 : i32
          %mul3A_144 = arith.muli %scan3A_133, %mul3A_143 : i32
          %swap3A = arith.index_cast %mul3A_144 : i32 to index
          %swap3A_145 = tpu.vector_load %arg21[%swap3A] {strides = array<i32>} : memref<256xi32, #tpu.memory_space<vmem>>, vector<16xi32>,
          tpu.vector_store %arg21[%swap3A], %shift_right_arithmetic3A_142 {strides = array<i32>} : memref<256xi32, #tpu.memory_space<vmem>>, vector<16xi32>,
          %and3A_146 = arith.constant 16383 : i32
          %and3A_147 = vector.broadcast %and3A_146 : i32 to vector<16xi32>
          %and3A_148 = arith.andi %get3A_140, %and3A_147 : vector<16xi32>
          %mul3A_149 = arith.constant 16 : i32
          %mul3A_150 = arith.muli %scan3A_133, %mul3A_149 : i32
          %swap3A_151 = arith.index_cast %mul3A_150 : i32 to index
          %swap3A_152 = tpu.vector_load %arg23[%swap3A_151] {strides = array<i32>} : memref<256xi32, #tpu.memory_space<vmem>>, vector<16xi32>,
          tpu.vector_store %arg23[%swap3A_151], %and3A_148 {strides = array<i32>} : memref<256xi32, #tpu.memory_space<vmem>>, vector<16xi32>,
          %scan3A_153 = arith.constant 0 : i32
          scf.yield %scan3A_153 : i32
        }
        %scan3A_123 = arith.constant 16 : i32
        %dma_start3A_124 = arith.constant 0 : i32
        %dma_start3A_125 = arith.constant 0 : i32
        %dma_start3A_126 = tpu.memref_slice %arg8[%dma_start3A_124, %dma_start3A_125] : memref<50000x128xf32, #tpu.memory_space<hbm>> -> memref<50000x128xf32, #tpu.memory_space<hbm>>
        tpu.enqueue_indirect_dma source(%dma_start3A_126 : memref<50000x128xf32, #tpu.memory_space<hbm>>) target(%arg25 : memref<256x128xf32, #tpu.memory_space<vmem>>) offsets(%arg21 : memref<256xi32, #tpu.memory_space<vmem>>) semaphore(%arg30 : memref<!tpu.dma_semaphore, #tpu.memory_space<semaphore_mem>>)
        %dma_wait3A = arith.constant 0 : i32
        %dma_wait3A_127 = arith.constant 0 : i32
        %dma_wait3A_128 = tpu.memref_slice %arg8[%dma_wait3A, %dma_wait3A_127] : memref<50000x128xf32, #tpu.memory_space<hbm>> -> memref<50000x128xf32, #tpu.memory_space<hbm>>
        tpu.wait_indirect_dma semaphore(%arg29 : memref<!tpu.dma_semaphore, #tpu.memory_space<semaphore_mem>>) src(%dma_wait3A_128 : memref<50000x128xf32, #tpu.memory_space<hbm>>) dst(%arg24 : memref<256x128xf32, #tpu.memory_space<vmem>>)
        "tpu.region"() ({
          %run_scoped3A = tpu.sem_alloc : memref<!tpu.dma_semaphore, #tpu.memory_space<semaphore_mem>>
          %dma_start3A_133 = arith.constant 0 : i32
          %dma_start3A_134 = arith.constant 0 : i32
          %dma_start3A_135 = tpu.memref_slice %arg26[%dma_start3A_133, %dma_start3A_134] : memref<6272x128xf32, #tpu.memory_space<vmem_shared>> -> memref<6272x128xf32, #tpu.memory_space<vmem_shared>>
          tpu.enqueue_indirect_dma source(%arg24 : memref<256x128xf32, #tpu.memory_space<vmem>>) target(%dma_start3A_135 : memref<6272x128xf32, #tpu.memory_space<vmem_shared>>) offsets(%arg22 : memref<256xi32, #tpu.memory_space<vmem>>) semaphore(%run_scoped3A : memref<!tpu.dma_semaphore, #tpu.memory_space<semaphore_mem>>) {add = true}
          %dma_wait3A_136 = arith.constant 0 : i32
          %dma_wait3A_137 = arith.constant 0 : i32
          %dma_wait3A_138 = tpu.memref_slice %arg26[%dma_wait3A_136, %dma_wait3A_137] : memref<6272x128xf32, #tpu.memory_space<vmem_shared>> -> memref<6272x128xf32, #tpu.memory_space<vmem_shared>>
          tpu.wait_indirect_dma semaphore(%run_scoped3A : memref<!tpu.dma_semaphore, #tpu.memory_space<semaphore_mem>>) src(%arg24 : memref<256x128xf32, #tpu.memory_space<vmem>>) dst(%dma_wait3A_138 : memref<6272x128xf32, #tpu.memory_space<vmem_shared>>)
          tpu.yield
        }) : () -> ()
        %dma_wait3A_129 = arith.constant 0 : i32
        %dma_wait3A_130 = arith.constant 0 : i32
        %dma_wait3A_131 = tpu.memref_slice %arg8[%dma_wait3A_129, %dma_wait3A_130] : memref<50000x128xf32, #tpu.memory_space<hbm>> -> memref<50000x128xf32, #tpu.memory_space<hbm>>
        tpu.wait_indirect_dma semaphore(%arg30 : memref<!tpu.dma_semaphore, #tpu.memory_space<semaphore_mem>>) src(%dma_wait3A_131 : memref<50000x128xf32, #tpu.memory_space<hbm>>) dst(%arg25 : memref<256x128xf32, #tpu.memory_space<vmem>>)
        "tpu.region"() ({
          %run_scoped3A = tpu.sem_alloc : memref<!tpu.dma_semaphore, #tpu.memory_space<semaphore_mem>>
          %dma_start3A_133 = arith.constant 0 : i32
          %dma_start3A_134 = arith.constant 0 : i32
          %dma_start3A_135 = tpu.memref_slice %arg26[%dma_start3A_133, %dma_start3A_134] : memref<6272x128xf32, #tpu.memory_space<vmem_shared>> -> memref<6272x128xf32, #tpu.memory_space<vmem_shared>>
          tpu.enqueue_indirect_dma source(%arg25 : memref<256x128xf32, #tpu.memory_space<vmem>>) target(%dma_start3A_135 : memref<6272x128xf32, #tpu.memory_space<vmem_shared>>) offsets(%arg23 : memref<256xi32, #tpu.memory_space<vmem>>) semaphore(%run_scoped3A : memref<!tpu.dma_semaphore, #tpu.memory_space<semaphore_mem>>) {add = true}
          %dma_wait3A_136 = arith.constant 0 : i32
          %dma_wait3A_137 = arith.constant 0 : i32
          %dma_wait3A_138 = tpu.memref_slice %arg26[%dma_wait3A_136, %dma_wait3A_137] : memref<6272x128xf32, #tpu.memory_space<vmem_shared>> -> memref<6272x128xf32, #tpu.memory_space<vmem_shared>>
          tpu.wait_indirect_dma semaphore(%run_scoped3A : memref<!tpu.dma_semaphore, #tpu.memory_space<semaphore_mem>>) src(%arg25 : memref<256x128xf32, #tpu.memory_space<vmem>>) dst(%dma_wait3A_138 : memref<6272x128xf32, #tpu.memory_space<vmem_shared>>)
          tpu.yield
        }) : () -> ()
        %while3A_132 = arith.constant 0 : i32
        scf.yield %while3A_132 : i32
      }
      %barrier3A_94 = arith.constant 0 : index
      tpu.barrier barrier_id(%barrier3A_94)
      %lt3A = arith.constant 15 : i32
      %lt3A_95 = arith.cmpi slt, %arg1, %lt3A : i32
      %convert_element_type3A = arith.extui %lt3A_95 : i1 to i32
      %cond3A = arith.constant 0 : i32
      %cond3A_96 = arith.cmpi ne, %convert_element_type3A, %cond3A : i32
      scf.if %cond3A_96 {
        %add3A_103 = arith.addi %mul3A_35, %mul3A_3 : i32
        "tpu.region"() ({
          %run_scoped3A = tpu.sem_alloc : memref<!tpu.dma_semaphore, #tpu.memory_space<semaphore_mem>>
          %dma_start3A_104 = arith.constant 0 : i32
          %dma_start3A_105 = tpu.memref_slice %arg14[%add3A_103, %dma_start3A_104] : memref<100096x128xf32, #tpu.memory_space<hbm>> -> memref<392x128xf32, #tpu.memory_space<hbm>>
          %dma_start3A_106 = arith.constant 0 : i32
          %dma_start3A_107 = tpu.memref_slice %arg26[%mul3A_3, %dma_start3A_106] : memref<6272x128xf32, #tpu.memory_space<vmem_shared>> -> memref<392x128xf32, #tpu.memory_space<vmem_shared>>
          tpu.enqueue_dma source(%dma_start3A_107 : memref<392x128xf32, #tpu.memory_space<vmem_shared>>) target(%dma_start3A_105 : memref<392x128xf32, #tpu.memory_space<hbm>>) target_semaphore(%run_scoped3A : memref<!tpu.dma_semaphore, #tpu.memory_space<semaphore_mem>>)
          %dma_wait3A = arith.constant 0 : i32
          %dma_wait3A_108 = tpu.memref_slice %arg14[%add3A_103, %dma_wait3A] : memref<100096x128xf32, #tpu.memory_space<hbm>> -> memref<392x128xf32, #tpu.memory_space<hbm>>
          %dma_wait3A_109 = arith.constant 0 : i32
          %dma_wait3A_110 = tpu.memref_slice %arg26[%mul3A_3, %dma_wait3A_109] : memref<6272x128xf32, #tpu.memory_space<vmem_shared>> -> memref<392x128xf32, #tpu.memory_space<vmem_shared>>
          tpu.wait_dma2 semaphore(%run_scoped3A : memref<!tpu.dma_semaphore, #tpu.memory_space<semaphore_mem>>) src(%dma_wait3A_110 : memref<392x128xf32, #tpu.memory_space<vmem_shared>>) dst(%dma_wait3A_108 : memref<392x128xf32, #tpu.memory_space<hbm>>)
          tpu.yield
        }) : () -> ()
      } else {
      }
      %eq3A = arith.constant 15 : i32
      %eq3A_97 = arith.cmpi eq, %arg1, %eq3A : i32
      %convert_element_type3A_98 = arith.extui %eq3A_97 : i1 to i32
      %cond3A_99 = arith.constant 0 : i32
      %cond3A_100 = arith.cmpi ne, %convert_element_type3A_98, %cond3A_99 : i32
      scf.if %cond3A_100 {
        %add3A_103 = arith.addi %mul3A_35, %mul3A_3 : i32
        "tpu.region"() ({
          %run_scoped3A = tpu.sem_alloc : memref<!tpu.dma_semaphore, #tpu.memory_space<semaphore_mem>>
          %dma_start3A_104 = arith.constant 0 : i32
          %dma_start3A_105 = tpu.memref_slice %arg14[%add3A_103, %dma_start3A_104] : memref<100096x128xf32, #tpu.memory_space<hbm>> -> memref<376x128xf32, #tpu.memory_space<hbm>>
          %dma_start3A_106 = arith.constant 0 : i32
          %dma_start3A_107 = tpu.memref_slice %arg26[%mul3A_3, %dma_start3A_106] : memref<6272x128xf32, #tpu.memory_space<vmem_shared>> -> memref<376x128xf32, #tpu.memory_space<vmem_shared>>
          tpu.enqueue_dma source(%dma_start3A_107 : memref<376x128xf32, #tpu.memory_space<vmem_shared>>) target(%dma_start3A_105 : memref<376x128xf32, #tpu.memory_space<hbm>>) target_semaphore(%run_scoped3A : memref<!tpu.dma_semaphore, #tpu.memory_space<semaphore_mem>>)
          %dma_wait3A = arith.constant 0 : i32
          %dma_wait3A_108 = tpu.memref_slice %arg14[%add3A_103, %dma_wait3A] : memref<100096x128xf32, #tpu.memory_space<hbm>> -> memref<376x128xf32, #tpu.memory_space<hbm>>
          %dma_wait3A_109 = arith.constant 0 : i32
          %dma_wait3A_110 = tpu.memref_slice %arg26[%mul3A_3, %dma_wait3A_109] : memref<6272x128xf32, #tpu.memory_space<vmem_shared>> -> memref<376x128xf32, #tpu.memory_space<vmem_shared>>
          tpu.wait_dma2 semaphore(%run_scoped3A : memref<!tpu.dma_semaphore, #tpu.memory_space<semaphore_mem>>) src(%dma_wait3A_110 : memref<376x128xf32, #tpu.memory_space<vmem_shared>>) dst(%dma_wait3A_108 : memref<376x128xf32, #tpu.memory_space<hbm>>)
          tpu.yield
        }) : () -> ()
      } else {
      }
      %barrier3A_101 = arith.constant 0 : index
      tpu.barrier barrier_id(%barrier3A_101)
      %scan3A_102 = arith.constant 0 : i32
      scf.yield %scan3A_102 : i32
    }
    %scan3A_29 = arith.constant 8 : i32
    return
  }
}

module attributes {stable_mosaic.version = 14 : i64} {
  func.func @_mm_body(%arg0: i32, %arg1: memref<2000x128xf32, #tpu.memory_space<vmem>>, %arg2: memref<128x128xf32, #tpu.memory_space<vmem>>, %arg3: memref<2000x128xf32, #tpu.memory_space<vmem>>) attributes {dimension_semantics = [#tpu.dimension_semantics<arbitrary>], iteration_bounds = array<i64: 50>, scalar_prefetch = 0 : i64, scratch_operands = 0 : i64, tpu.core_type = #tpu.core_type<tc>, window_params = [{transform_indices = @transform_0, window_bounds = array<i64: 2000, 128>}, {pipeline_mode = #tpu.pipeline_mode<synchronous>, transform_indices = @transform_1, window_bounds = array<i64: 128, 128>}, {transform_indices = @transform_2, window_bounds = array<i64: 2000, 128>}]} {
    %get3A = arith.constant 0 : index
    %get3A_0 = arith.constant 0 : index
    %get3A_1 = vector.load %arg1[%get3A, %get3A_0] : memref<2000x128xf32, #tpu.memory_space<vmem>>, vector<2000x128xf32>
    %get3A_2 = arith.constant 0 : index
    %get3A_3 = arith.constant 0 : index
    %get3A_4 = vector.load %arg2[%get3A_2, %get3A_3] : memref<128x128xf32, #tpu.memory_space<vmem>>, vector<128x128xf32>
    %dot_general3A = arith.constant dense<0.000000e+00> : vector<2000x128xf32>
    %dot_general3A_5 = tpu.matmul %get3A_1, %get3A_4, %dot_general3A {dimension_numbers = #tpu.dot_dimension_numbers<[1], [0], [0], [1], [0, 0, 1, 1], [], []>, transpose_lhs_hint = false} : vector<2000x128xf32>, vector<128x128xf32>, vector<2000x128xf32> -> vector<2000x128xf32>
    %swap3A = arith.constant 0 : index
    %swap3A_6 = arith.constant 0 : index
    %swap3A_7 = vector.load %arg3[%swap3A, %swap3A_6] : memref<2000x128xf32, #tpu.memory_space<vmem>>, vector<2000x128xf32>
    tpu.vector_store %arg3[%swap3A, %swap3A_6], %dot_general3A_5 {strides = array<i32>} : memref<2000x128xf32, #tpu.memory_space<vmem>>, vector<2000x128xf32>,
    return
  }
  func.func @transform_0(%arg0: i32) -> (i32, i32) {
    %c0_i32 = arith.constant 0 : i32
    %c0_i32_0 = arith.constant 0 : i32
    return %arg0, %c0_i32 : i32, i32
  }
  func.func @transform_1(%arg0: i32) -> (i32, i32) {
    %c0_i32 = arith.constant 0 : i32
    %c0_i32_0 = arith.constant 0 : i32
    %c0_i32_1 = arith.constant 0 : i32
    return %c0_i32, %c0_i32_0 : i32, i32
  }
  func.func @transform_2(%arg0: i32) -> (i32, i32) {
    %c0_i32 = arith.constant 0 : i32
    %c0_i32_0 = arith.constant 0 : i32
    return %arg0, %c0_i32 : i32, i32
  }
}

module attributes {stable_mosaic.version = 14 : i64} {
  func.func @_mm_body(%arg0: i32, %arg1: memref<2000x128xf32, #tpu.memory_space<vmem>>, %arg2: memref<128x128xf32, #tpu.memory_space<vmem>>, %arg3: memref<2000x128xf32, #tpu.memory_space<vmem>>) attributes {dimension_semantics = [#tpu.dimension_semantics<arbitrary>], iteration_bounds = array<i64: 25>, scalar_prefetch = 0 : i64, scratch_operands = 0 : i64, tpu.core_type = #tpu.core_type<tc>, window_params = [{transform_indices = @transform_0, window_bounds = array<i64: 2000, 128>}, {pipeline_mode = #tpu.pipeline_mode<synchronous>, transform_indices = @transform_1, window_bounds = array<i64: 128, 128>}, {transform_indices = @transform_2, window_bounds = array<i64: 2000, 128>}]} {
    %get3A = arith.constant 0 : index
    %get3A_0 = arith.constant 0 : index
    %get3A_1 = vector.load %arg1[%get3A, %get3A_0] : memref<2000x128xf32, #tpu.memory_space<vmem>>, vector<2000x128xf32>
    %get3A_2 = arith.constant 0 : index
    %get3A_3 = arith.constant 0 : index
    %get3A_4 = vector.load %arg2[%get3A_2, %get3A_3] : memref<128x128xf32, #tpu.memory_space<vmem>>, vector<128x128xf32>
    %dot_general3A = arith.constant dense<0.000000e+00> : vector<2000x128xf32>
    %dot_general3A_5 = tpu.matmul %get3A_1, %get3A_4, %dot_general3A {dimension_numbers = #tpu.dot_dimension_numbers<[1], [0], [0], [1], [0, 0, 1, 1], [], []>, transpose_lhs_hint = false} : vector<2000x128xf32>, vector<128x128xf32>, vector<2000x128xf32> -> vector<2000x128xf32>
    %swap3A = arith.constant 0 : index
    %swap3A_6 = arith.constant 0 : index
    %swap3A_7 = vector.load %arg3[%swap3A, %swap3A_6] : memref<2000x128xf32, #tpu.memory_space<vmem>>, vector<2000x128xf32>
    tpu.vector_store %arg3[%swap3A, %swap3A_6], %dot_general3A_5 {strides = array<i32>} : memref<2000x128xf32, #tpu.memory_space<vmem>>, vector<2000x128xf32>,
    return
  }
  func.func @transform_0(%arg0: i32) -> (i32, i32) {
    %c0_i32 = arith.constant 0 : i32
    %c0_i32_0 = arith.constant 0 : i32
    return %arg0, %c0_i32 : i32, i32
  }
  func.func @transform_1(%arg0: i32) -> (i32, i32) {
    %c0_i32 = arith.constant 0 : i32
    %c0_i32_0 = arith.constant 0 : i32
    %c0_i32_1 = arith.constant 0 : i32
    return %c0_i32, %c0_i32_0 : i32, i32
  }
  func.func @transform_2(%arg0: i32) -> (i32, i32) {
    %c0_i32 = arith.constant 0 : i32
    %c0_i32_0 = arith.constant 0 : i32
    return %arg0, %c0_i32 : i32, i32
  }
}

module attributes {stable_mosaic.version = 14 : i64} {
  func.func @_stage1_body(%arg0: i32, %arg1: memref<1x1xf32, #tpu.memory_space<smem>>, %arg2: memref<2000x128xf32, #tpu.memory_space<vmem>>, %arg3: memref<2000x128xf32, #tpu.memory_space<vmem>>, %arg4: memref<2000x128xf32, #tpu.memory_space<vmem>>, %arg5: memref<128x128xf32, #tpu.memory_space<vmem>>, %arg6: memref<128x128xf32, #tpu.memory_space<vmem>>, %arg7: memref<1x128xf32, #tpu.memory_space<vmem>>, %arg8: memref<2000x128xf32, #tpu.memory_space<vmem>>, %arg9: memref<8x128xf32, #tpu.memory_space<vmem>>) attributes {dimension_semantics = [#tpu.dimension_semantics<arbitrary>], iteration_bounds = array<i64: 50>, scalar_prefetch = 0 : i64, scratch_operands = 0 : i64, tpu.core_type = #tpu.core_type<tc>, window_params = [{transform_indices = @transform_0, window_bounds = array<i64: 1, 1>}, {transform_indices = @transform_1, window_bounds = array<i64: 2000, 128>}, {transform_indices = @transform_2, window_bounds = array<i64: 2000, 128>}, {transform_indices = @transform_3, window_bounds = array<i64: 2000, 128>}, {pipeline_mode = #tpu.pipeline_mode<synchronous>, transform_indices = @transform_4, window_bounds = array<i64: 128, 128>}, {pipeline_mode = #tpu.pipeline_mode<synchronous>, transform_indices = @transform_5, window_bounds = array<i64: 128, 128>}, {pipeline_mode = #tpu.pipeline_mode<synchronous>, transform_indices = @transform_6, window_bounds = array<i64: 1, 128>}, {transform_indices = @transform_7, window_bounds = array<i64: 2000, 128>}, {pipeline_mode = #tpu.pipeline_mode<synchronous>, transform_indices = @transform_8, window_bounds = array<i64: 8, 128>}]} {
    %get3A = arith.constant 0 : index
    %get3A_0 = arith.constant 0 : index
    %get3A_1 = vector.load %arg4[%get3A, %get3A_0] : memref<2000x128xf32, #tpu.memory_space<vmem>>, vector<2000x128xf32>
    %get3A_2 = arith.constant 0 : index
    %get3A_3 = arith.constant 0 : index
    %get3A_4 = memref.load %arg1[%get3A_2, %get3A_3] : memref<1x1xf32, #tpu.memory_space<smem>>
    %mul3A = vector.broadcast %get3A_4 : f32 to vector<2000x128xf32>
    %mul3A_5 = arith.mulf %get3A_1, %mul3A : vector<2000x128xf32>
    %get3A_6 = arith.constant 0 : index
    %get3A_7 = arith.constant 0 : index
    %get3A_8 = vector.load %arg2[%get3A_6, %get3A_7] : memref<2000x128xf32, #tpu.memory_space<vmem>>, vector<2000x128xf32>
    %gt3A = arith.constant 0.000000e+00 : f32
    %gt3A_9 = vector.broadcast %gt3A : f32 to vector<2000x128xf32>
    %gt3A_10 = arith.cmpf ogt, %get3A_8, %gt3A_9 : vector<2000x128xf32>
    %min3A = arith.constant 0.000000e+00 : f32
    %min3A_11 = vector.broadcast %min3A : f32 to vector<2000x128xf32>
    %min3A_12 = arith.minimumf %get3A_8, %min3A_11 : vector<2000x128xf32>
    %exp3A = math.exp %min3A_12 : vector<2000x128xf32>
    %sub3A = arith.constant 1.000000e+00 : f32
    %sub3A_13 = vector.broadcast %sub3A : f32 to vector<2000x128xf32>
    %sub3A_14 = arith.subf %exp3A, %sub3A_13 : vector<2000x128xf32>
    %select_n3A = arith.select %gt3A_10, %get3A_8, %sub3A_14 : vector<2000x128xi1>, vector<2000x128xf32>
    %add3A = arith.addf %mul3A_5, %select_n3A : vector<2000x128xf32>
    %get3A_15 = arith.constant 0 : index
    %get3A_16 = arith.constant 0 : index
    %get3A_17 = vector.load %arg3[%get3A_15, %get3A_16] : memref<2000x128xf32, #tpu.memory_space<vmem>>, vector<2000x128xf32>
    %gt3A_18 = arith.constant 0.000000e+00 : f32
    %gt3A_19 = vector.broadcast %gt3A_18 : f32 to vector<2000x128xf32>
    %gt3A_20 = arith.cmpf ogt, %get3A_17, %gt3A_19 : vector<2000x128xf32>
    %min3A_21 = arith.constant 0.000000e+00 : f32
    %min3A_22 = vector.broadcast %min3A_21 : f32 to vector<2000x128xf32>
    %min3A_23 = arith.minimumf %get3A_17, %min3A_22 : vector<2000x128xf32>
    %exp3A_24 = math.exp %min3A_23 : vector<2000x128xf32>
    %sub3A_25 = arith.constant 1.000000e+00 : f32
    %sub3A_26 = vector.broadcast %sub3A_25 : f32 to vector<2000x128xf32>
    %sub3A_27 = arith.subf %exp3A_24, %sub3A_26 : vector<2000x128xf32>
    %select_n3A_28 = arith.select %gt3A_20, %get3A_17, %sub3A_27 : vector<2000x128xi1>, vector<2000x128xf32>
    %add3A_29 = arith.addf %mul3A_5, %select_n3A_28 : vector<2000x128xf32>
    %get3A_30 = arith.constant 0 : index
    %get3A_31 = arith.constant 0 : index
    %get3A_32 = vector.load %arg5[%get3A_30, %get3A_31] : memref<128x128xf32, #tpu.memory_space<vmem>>, vector<128x128xf32>
    %dot_general3A = arith.constant dense<0.000000e+00> : vector<2000x128xf32>
    %dot_general3A_33 = tpu.matmul %add3A, %get3A_32, %dot_general3A {dimension_numbers = #tpu.dot_dimension_numbers<[1], [0], [0], [1], [0, 0, 1, 1], [], []>, transpose_lhs_hint = false} : vector<2000x128xf32>, vector<128x128xf32>, vector<2000x128xf32> -> vector<2000x128xf32>
    %get3A_34 = arith.constant 0 : index
    %get3A_35 = arith.constant 0 : index
    %get3A_36 = vector.load %arg6[%get3A_34, %get3A_35] : memref<128x128xf32, #tpu.memory_space<vmem>>, vector<128x128xf32>
    %dot_general3A_37 = arith.constant dense<0.000000e+00> : vector<2000x128xf32>
    %dot_general3A_38 = tpu.matmul %add3A_29, %get3A_36, %dot_general3A_37 {dimension_numbers = #tpu.dot_dimension_numbers<[1], [0], [0], [1], [0, 0, 1, 1], [], []>, transpose_lhs_hint = false} : vector<2000x128xf32>, vector<128x128xf32>, vector<2000x128xf32> -> vector<2000x128xf32>
    %add3A_39 = arith.addf %dot_general3A_33, %dot_general3A_38 : vector<2000x128xf32>
    %get3A_40 = arith.constant 0 : index
    %get3A_41 = arith.constant 0 : index
    %get3A_42 = vector.load %arg7[%get3A_40, %get3A_41] : memref<1x128xf32, #tpu.memory_space<vmem>>, vector<1x128xf32>
    %add3A_43 = vector.broadcast %get3A_42 : vector<1x128xf32> to vector<2000x128xf32>
    %add3A_44 = arith.addf %add3A_39, %add3A_43 : vector<2000x128xf32>
    %swap3A = arith.constant 0 : index
    %swap3A_45 = arith.constant 0 : index
    %swap3A_46 = vector.load %arg8[%swap3A, %swap3A_45] : memref<2000x128xf32, #tpu.memory_space<vmem>>, vector<2000x128xf32>
    tpu.vector_store %arg8[%swap3A, %swap3A_45], %add3A_44 {strides = array<i32>} : memref<2000x128xf32, #tpu.memory_space<vmem>>, vector<2000x128xf32>,
    %reduce_sum3A = arith.constant dense<0.000000e+00> : vector<128xf32>
    %reduce_sum3A_47 = vector.multi_reduction <add>, %add3A_44, %reduce_sum3A [0] : vector<2000x128xf32> to vector<128xf32>
    %broadcast_in_dim3A = vector.shape_cast %reduce_sum3A_47 : vector<128xf32> to vector<1x128xf32>
    %mul3A_48 = arith.mulf %add3A_44, %add3A_44 : vector<2000x128xf32>
    %reduce_sum3A_49 = arith.constant dense<0.000000e+00> : vector<128xf32>
    %reduce_sum3A_50 = vector.multi_reduction <add>, %mul3A_48, %reduce_sum3A_49 [0] : vector<2000x128xf32> to vector<128xf32>
    %broadcast_in_dim3A_51 = vector.shape_cast %reduce_sum3A_50 : vector<128xf32> to vector<1x128xf32>
    %broadcast_in_dim3A_52 = arith.constant 0.000000e+00 : f32
    %broadcast_in_dim3A_53 = vector.broadcast %broadcast_in_dim3A_52 : f32 to vector<6x128xf32>
    %concatenate3A = tpu.concatenate %broadcast_in_dim3A, %broadcast_in_dim3A_51, %broadcast_in_dim3A_53 in 0 : vector<1x128xf32>, vector<1x128xf32>, vector<6x128xf32> -> vector<8x128xf32>
    %eq3A = arith.constant 0 : i32
    %eq3A_54 = arith.cmpi eq, %arg0, %eq3A : i32
    %convert_element_type3A = arith.extui %eq3A_54 : i1 to i32
    %cond3A = arith.constant 0 : i32
    %cond3A_55 = arith.cmpi ne, %convert_element_type3A, %cond3A : i32
    scf.if %cond3A_55 {
      %swap3A_61 = arith.constant 0 : index
      %swap3A_62 = arith.constant 0 : index
      %swap3A_63 = vector.load %arg9[%swap3A_61, %swap3A_62] : memref<8x128xf32, #tpu.memory_space<vmem>>, vector<8x128xf32>
      tpu.vector_store %arg9[%swap3A_61, %swap3A_62], %concatenate3A {strides = array<i32>} : memref<8x128xf32, #tpu.memory_space<vmem>>, vector<8x128xf32>,
    } else {
    }
    %gt3A_56 = arith.constant 0 : i32
    %gt3A_57 = arith.cmpi sgt, %arg0, %gt3A_56 : i32
    %convert_element_type3A_58 = arith.extui %gt3A_57 : i1 to i32
    %cond3A_59 = arith.constant 0 : i32
    %cond3A_60 = arith.cmpi ne, %convert_element_type3A_58, %cond3A_59 : i32
    scf.if %cond3A_60 {
      %get3A_61 = arith.constant 0 : index
      %get3A_62 = arith.constant 0 : index
      %get3A_63 = vector.load %arg9[%get3A_61, %get3A_62] : memref<8x128xf32, #tpu.memory_space<vmem>>, vector<8x128xf32>
      %add3A_64 = arith.addf %get3A_63, %concatenate3A : vector<8x128xf32>
      %swap3A_65 = arith.constant 0 : index
      %swap3A_66 = arith.constant 0 : index
      %swap3A_67 = vector.load %arg9[%swap3A_65, %swap3A_66] : memref<8x128xf32, #tpu.memory_space<vmem>>, vector<8x128xf32>
      tpu.vector_store %arg9[%swap3A_65, %swap3A_66], %add3A_64 {strides = array<i32>} : memref<8x128xf32, #tpu.memory_space<vmem>>, vector<8x128xf32>,
    } else {
    }
    return
  }
  func.func @transform_0(%arg0: i32) -> (i32, i32) {
    %c0_i32 = arith.constant 0 : i32
    %c0_i32_0 = arith.constant 0 : i32
    %c0_i32_1 = arith.constant 0 : i32
    return %c0_i32, %c0_i32_0 : i32, i32
  }
  func.func @transform_1(%arg0: i32) -> (i32, i32) {
    %c0_i32 = arith.constant 0 : i32
    %c0_i32_0 = arith.constant 0 : i32
    return %arg0, %c0_i32 : i32, i32
  }
  func.func @transform_2(%arg0: i32) -> (i32, i32) {
    %c0_i32 = arith.constant 0 : i32
    %c0_i32_0 = arith.constant 0 : i32
    return %arg0, %c0_i32 : i32, i32
  }
  func.func @transform_3(%arg0: i32) -> (i32, i32) {
    %c0_i32 = arith.constant 0 : i32
    %c0_i32_0 = arith.constant 0 : i32
    return %arg0, %c0_i32 : i32, i32
  }
  func.func @transform_4(%arg0: i32) -> (i32, i32) {
    %c0_i32 = arith.constant 0 : i32
    %c0_i32_0 = arith.constant 0 : i32
    %c0_i32_1 = arith.constant 0 : i32
    return %c0_i32, %c0_i32_0 : i32, i32
  }
  func.func @transform_5(%arg0: i32) -> (i32, i32) {
    %c0_i32 = arith.constant 0 : i32
    %c0_i32_0 = arith.constant 0 : i32
    %c0_i32_1 = arith.constant 0 : i32
    return %c0_i32, %c0_i32_0 : i32, i32
  }
  func.func @transform_6(%arg0: i32) -> (i32, i32) {
    %c0_i32 = arith.constant 0 : i32
    %c0_i32_0 = arith.constant 0 : i32
    %c0_i32_1 = arith.constant 0 : i32
    return %c0_i32, %c0_i32_0 : i32, i32
  }
  func.func @transform_7(%arg0: i32) -> (i32, i32) {
    %c0_i32 = arith.constant 0 : i32
    %c0_i32_0 = arith.constant 0 : i32
    return %arg0, %c0_i32 : i32, i32
  }
  func.func @transform_8(%arg0: i32) -> (i32, i32) {
    %c0_i32 = arith.constant 0 : i32
    %c0_i32_0 = arith.constant 0 : i32
    %c0_i32_1 = arith.constant 0 : i32
    return %c0_i32, %c0_i32_0 : i32, i32
  }
}

module attributes {stable_mosaic.version = 14 : i64} {
  func.func @_stage2_body(%arg0: i32, %arg1: memref<2000x128xf32, #tpu.memory_space<vmem>>, %arg2: memref<2000x128xf32, #tpu.memory_space<vmem>>, %arg3: memref<8x128xf32, #tpu.memory_space<vmem>>, %arg4: memref<1x128xf32, #tpu.memory_space<vmem>>, %arg5: memref<1x128xf32, #tpu.memory_space<vmem>>, %arg6: memref<128x128xf32, #tpu.memory_space<vmem>>, %arg7: memref<1x128xf32, #tpu.memory_space<vmem>>, %arg8: memref<128x128xf32, #tpu.memory_space<vmem>>, %arg9: memref<1x128xf32, #tpu.memory_space<vmem>>, %arg10: memref<2000x128xf32, #tpu.memory_space<vmem>>) attributes {dimension_semantics = [#tpu.dimension_semantics<arbitrary>], iteration_bounds = array<i64: 50>, scalar_prefetch = 0 : i64, scratch_operands = 0 : i64, tpu.core_type = #tpu.core_type<tc>, window_params = [{transform_indices = @transform_0, window_bounds = array<i64: 2000, 128>}, {transform_indices = @transform_1, window_bounds = array<i64: 2000, 128>}, {pipeline_mode = #tpu.pipeline_mode<synchronous>, transform_indices = @transform_2, window_bounds = array<i64: 8, 128>}, {pipeline_mode = #tpu.pipeline_mode<synchronous>, transform_indices = @transform_3, window_bounds = array<i64: 1, 128>}, {pipeline_mode = #tpu.pipeline_mode<synchronous>, transform_indices = @transform_4, window_bounds = array<i64: 1, 128>}, {pipeline_mode = #tpu.pipeline_mode<synchronous>, transform_indices = @transform_5, window_bounds = array<i64: 128, 128>}, {pipeline_mode = #tpu.pipeline_mode<synchronous>, transform_indices = @transform_6, window_bounds = array<i64: 1, 128>}, {pipeline_mode = #tpu.pipeline_mode<synchronous>, transform_indices = @transform_7, window_bounds = array<i64: 128, 128>}, {pipeline_mode = #tpu.pipeline_mode<synchronous>, transform_indices = @transform_8, window_bounds = array<i64: 1, 128>}, {transform_indices = @transform_9, window_bounds = array<i64: 2000, 128>}]} {
    %get3A = arith.constant 0 : index
    %get3A_0 = arith.constant 0 : index
    %get3A_1 = vector.load %arg3[%get3A, %get3A_0] : memref<8x128xf32, #tpu.memory_space<vmem>>, vector<1x128xf32>
    %mul3A = arith.constant 9.99999974E-6 : f32
    %mul3A_2 = vector.broadcast %mul3A : f32 to vector<1x128xf32>
    %mul3A_3 = arith.mulf %get3A_1, %mul3A_2 : vector<1x128xf32>
    %get3A_4 = arith.constant 1 : index
    %get3A_5 = arith.constant 0 : index
    %get3A_6 = vector.load %arg3[%get3A_4, %get3A_5] : memref<8x128xf32, #tpu.memory_space<vmem>>, vector<1x128xf32>
    %mul3A_7 = arith.constant 9.99999974E-6 : f32
    %mul3A_8 = vector.broadcast %mul3A_7 : f32 to vector<1x128xf32>
    %mul3A_9 = arith.mulf %get3A_6, %mul3A_8 : vector<1x128xf32>
    %mul3A_10 = arith.mulf %mul3A_3, %mul3A_3 : vector<1x128xf32>
    %sub3A = arith.subf %mul3A_9, %mul3A_10 : vector<1x128xf32>
    %add3A = arith.constant 9.99999974E-6 : f32
    %add3A_11 = vector.broadcast %add3A : f32 to vector<1x128xf32>
    %add3A_12 = arith.addf %sub3A, %add3A_11 : vector<1x128xf32>
    %rsqrt3A = math.rsqrt %add3A_12 : vector<1x128xf32>
    %get3A_13 = arith.constant 0 : index
    %get3A_14 = arith.constant 0 : index
    %get3A_15 = vector.load %arg4[%get3A_13, %get3A_14] : memref<1x128xf32, #tpu.memory_space<vmem>>, vector<1x128xf32>
    %mul3A_16 = arith.mulf %rsqrt3A, %get3A_15 : vector<1x128xf32>
    %get3A_17 = arith.constant 0 : index
    %get3A_18 = arith.constant 0 : index
    %get3A_19 = vector.load %arg1[%get3A_17, %get3A_18] : memref<2000x128xf32, #tpu.memory_space<vmem>>, vector<2000x128xf32>
    %sub3A_20 = vector.broadcast %mul3A_3 : vector<1x128xf32> to vector<2000x128xf32>
    %sub3A_21 = arith.subf %get3A_19, %sub3A_20 : vector<2000x128xf32>
    %mul3A_22 = vector.broadcast %mul3A_16 : vector<1x128xf32> to vector<2000x128xf32>
    %mul3A_23 = arith.mulf %sub3A_21, %mul3A_22 : vector<2000x128xf32>
    %get3A_24 = arith.constant 0 : index
    %get3A_25 = arith.constant 0 : index
    %get3A_26 = vector.load %arg5[%get3A_24, %get3A_25] : memref<1x128xf32, #tpu.memory_space<vmem>>, vector<1x128xf32>
    %add3A_27 = vector.broadcast %get3A_26 : vector<1x128xf32> to vector<2000x128xf32>
    %add3A_28 = arith.addf %mul3A_23, %add3A_27 : vector<2000x128xf32>
    %max3A = arith.constant 0.000000e+00 : f32
    %max3A_29 = vector.broadcast %max3A : f32 to vector<2000x128xf32>
    %max3A_30 = arith.maximumf %add3A_28, %max3A_29 : vector<2000x128xf32>
    %get3A_31 = arith.constant 0 : index
    %get3A_32 = arith.constant 0 : index
    %get3A_33 = vector.load %arg6[%get3A_31, %get3A_32] : memref<128x128xf32, #tpu.memory_space<vmem>>, vector<128x128xf32>
    %dot_general3A = arith.constant dense<0.000000e+00> : vector<2000x128xf32>
    %dot_general3A_34 = tpu.matmul %max3A_30, %get3A_33, %dot_general3A {dimension_numbers = #tpu.dot_dimension_numbers<[1], [0], [0], [1], [0, 0, 1, 1], [], []>, transpose_lhs_hint = false} : vector<2000x128xf32>, vector<128x128xf32>, vector<2000x128xf32> -> vector<2000x128xf32>
    %get3A_35 = arith.constant 0 : index
    %get3A_36 = arith.constant 0 : index
    %get3A_37 = vector.load %arg7[%get3A_35, %get3A_36] : memref<1x128xf32, #tpu.memory_space<vmem>>, vector<1x128xf32>
    %add3A_38 = vector.broadcast %get3A_37 : vector<1x128xf32> to vector<2000x128xf32>
    %add3A_39 = arith.addf %dot_general3A_34, %add3A_38 : vector<2000x128xf32>
    %get3A_40 = arith.constant 0 : index
    %get3A_41 = arith.constant 0 : index
    %get3A_42 = vector.load %arg2[%get3A_40, %get3A_41] : memref<2000x128xf32, #tpu.memory_space<vmem>>, vector<2000x128xf32>
    %gt3A = arith.constant 0.000000e+00 : f32
    %gt3A_43 = vector.broadcast %gt3A : f32 to vector<2000x128xf32>
    %gt3A_44 = arith.cmpf ogt, %get3A_42, %gt3A_43 : vector<2000x128xf32>
    %min3A = arith.constant 0.000000e+00 : f32
    %min3A_45 = vector.broadcast %min3A : f32 to vector<2000x128xf32>
    %min3A_46 = arith.minimumf %get3A_42, %min3A_45 : vector<2000x128xf32>
    %exp3A = math.exp %min3A_46 : vector<2000x128xf32>
    %sub3A_47 = arith.constant 1.000000e+00 : f32
    %sub3A_48 = vector.broadcast %sub3A_47 : f32 to vector<2000x128xf32>
    %sub3A_49 = arith.subf %exp3A, %sub3A_48 : vector<2000x128xf32>
    %select_n3A = arith.select %gt3A_44, %get3A_42, %sub3A_49 : vector<2000x128xi1>, vector<2000x128xf32>
    %add3A_50 = arith.addf %add3A_39, %select_n3A : vector<2000x128xf32>
    %get3A_51 = arith.constant 0 : index
    %get3A_52 = arith.constant 0 : index
    %get3A_53 = vector.load %arg8[%get3A_51, %get3A_52] : memref<128x128xf32, #tpu.memory_space<vmem>>, vector<128x128xf32>
    %dot_general3A_54 = arith.constant dense<0.000000e+00> : vector<2000x128xf32>
    %dot_general3A_55 = tpu.matmul %add3A_50, %get3A_53, %dot_general3A_54 {dimension_numbers = #tpu.dot_dimension_numbers<[1], [0], [0], [1], [0, 0, 1, 1], [], []>, transpose_lhs_hint = false} : vector<2000x128xf32>, vector<128x128xf32>, vector<2000x128xf32> -> vector<2000x128xf32>
    %get3A_56 = arith.constant 0 : index
    %get3A_57 = arith.constant 0 : index
    %get3A_58 = vector.load %arg9[%get3A_56, %get3A_57] : memref<1x128xf32, #tpu.memory_space<vmem>>, vector<1x128xf32>
    %add3A_59 = vector.broadcast %get3A_58 : vector<1x128xf32> to vector<2000x128xf32>
    %add3A_60 = arith.addf %dot_general3A_55, %add3A_59 : vector<2000x128xf32>
    %gt3A_61 = arith.constant 0.000000e+00 : f32
    %gt3A_62 = vector.broadcast %gt3A_61 : f32 to vector<2000x128xf32>
    %gt3A_63 = arith.cmpf ogt, %add3A_60, %gt3A_62 : vector<2000x128xf32>
    %min3A_64 = arith.constant 0.000000e+00 : f32
    %min3A_65 = vector.broadcast %min3A_64 : f32 to vector<2000x128xf32>
    %min3A_66 = arith.minimumf %add3A_60, %min3A_65 : vector<2000x128xf32>
    %exp3A_67 = math.exp %min3A_66 : vector<2000x128xf32>
    %sub3A_68 = arith.constant 1.000000e+00 : f32
    %sub3A_69 = vector.broadcast %sub3A_68 : f32 to vector<2000x128xf32>
    %sub3A_70 = arith.subf %exp3A_67, %sub3A_69 : vector<2000x128xf32>
    %select_n3A_71 = arith.select %gt3A_63, %add3A_60, %sub3A_70 : vector<2000x128xi1>, vector<2000x128xf32>
    %swap3A = arith.constant 0 : index
    %swap3A_72 = arith.constant 0 : index
    %swap3A_73 = vector.load %arg10[%swap3A, %swap3A_72] : memref<2000x128xf32, #tpu.memory_space<vmem>>, vector<2000x128xf32>
    tpu.vector_store %arg10[%swap3A, %swap3A_72], %select_n3A_71 {strides = array<i32>} : memref<2000x128xf32, #tpu.memory_space<vmem>>, vector<2000x128xf32>,
    return
  }
  func.func @transform_0(%arg0: i32) -> (i32, i32) {
    %c0_i32 = arith.constant 0 : i32
    %c0_i32_0 = arith.constant 0 : i32
    return %arg0, %c0_i32 : i32, i32
  }
  func.func @transform_1(%arg0: i32) -> (i32, i32) {
    %c0_i32 = arith.constant 0 : i32
    %c0_i32_0 = arith.constant 0 : i32
    return %arg0, %c0_i32 : i32, i32
  }
  func.func @transform_2(%arg0: i32) -> (i32, i32) {
    %c0_i32 = arith.constant 0 : i32
    %c0_i32_0 = arith.constant 0 : i32
    %c0_i32_1 = arith.constant 0 : i32
    return %c0_i32, %c0_i32_0 : i32, i32
  }
  func.func @transform_3(%arg0: i32) -> (i32, i32) {
    %c0_i32 = arith.constant 0 : i32
    %c0_i32_0 = arith.constant 0 : i32
    %c0_i32_1 = arith.constant 0 : i32
    return %c0_i32, %c0_i32_0 : i32, i32
  }
  func.func @transform_4(%arg0: i32) -> (i32, i32) {
    %c0_i32 = arith.constant 0 : i32
    %c0_i32_0 = arith.constant 0 : i32
    %c0_i32_1 = arith.constant 0 : i32
    return %c0_i32, %c0_i32_0 : i32, i32
  }
  func.func @transform_5(%arg0: i32) -> (i32, i32) {
    %c0_i32 = arith.constant 0 : i32
    %c0_i32_0 = arith.constant 0 : i32
    %c0_i32_1 = arith.constant 0 : i32
    return %c0_i32, %c0_i32_0 : i32, i32
  }
  func.func @transform_6(%arg0: i32) -> (i32, i32) {
    %c0_i32 = arith.constant 0 : i32
    %c0_i32_0 = arith.constant 0 : i32
    %c0_i32_1 = arith.constant 0 : i32
    return %c0_i32, %c0_i32_0 : i32, i32
  }
  func.func @transform_7(%arg0: i32) -> (i32, i32) {
    %c0_i32 = arith.constant 0 : i32
    %c0_i32_0 = arith.constant 0 : i32
    %c0_i32_1 = arith.constant 0 : i32
    return %c0_i32, %c0_i32_0 : i32, i32
  }
  func.func @transform_8(%arg0: i32) -> (i32, i32) {
    %c0_i32 = arith.constant 0 : i32
    %c0_i32_0 = arith.constant 0 : i32
    %c0_i32_1 = arith.constant 0 : i32
    return %c0_i32, %c0_i32_0 : i32, i32
  }
  func.func @transform_9(%arg0: i32) -> (i32, i32) {
    %c0_i32 = arith.constant 0 : i32
    %c0_i32_0 = arith.constant 0 : i32
    return %arg0, %c0_i32 : i32, i32
  }
}

</mosaic_0001>

<sc_bundles>
// kernel: kernel.8.cloned.1.call-start
scs
__scs_entry_jumppad:
0x0: {  	(pc) =	sbr.rel $0x88, $3  }
0x1: {  	(tag) =	ssettag $0x0;
	lr =	simm.s32 $0x1  }
0x2: {  	[smem:$0x3F8F] =	sst lr;
	_ =	strace $0xD0000000  }
0x3: {  	_ = 	snop  }
0x4: {  	_ = 	snop  }
0x5: {  	_ = 	snop  }
0x6: {  	_ = 	snop  }
0x7: {  	_ = 	snop  }
__scs_overlays_trampoline_lowered:
0x8: {  	[smem:$0x3F9E] =	sst s0  }
0x9: {  	[smem:$0x3F9F] =	sst s1  }
0xa: {  	[smem:$0x3FA0] =	sst s2  }
0xb: {  	[smem:$0x3FA1] =	sst s3  }
0xc: {  	[smem:$0x3FA2] =	sst s4  }
0xd: {  	[smem:$0x3FA3] =	sst s5  }
0xe: {  	[smem:$0x3FA4] =	sst s6  }
0xf: {  	[smem:$0x3FA5] =	sst s7  }
0x10: {  	[smem:$0x3FA6] =	sst s8  }
0x11: {  	[smem:$0x3FA7] =	sst s9;
	s0 =	simm.s32 @!p0 $0x0  }
0x12: {  	s1 =	sld [smem:$0x3F8D];
	s0 =	simm.s32 @p0 $0x1  }
0x13: {  	[smem:$0x3FA8] =	sst s0;
	s0 =	simm.s32 @!p1 $0x0  }
0x14: {  	s2 =	sld [smem:$0x3F8C];
	s0 =	simm.s32 @p1 $0x1  }
0x15: {  	[smem:$0x3FA9] =	sst s0;
	s0 =	simm.s32 @!p2 $0x0  }
0x16: {  	s3 =	sld [smem:$0x3FDB];
	s0 =	simm.s32 @p2 $0x1  }
0x17: {  	s4 =	simm.s32 $0x1BF5;
	[smem:$0x3FAB] =	sst s0  }
0x18: {  	s0 =	sld [smem:$0x3F8E];
	_ =	swait.ge [sflag:s4], $0x0  }
0x19: {  	s7 =	sld [smem:$0x3F8F]  }
0x1a: {  	s8 =	sadd.s32 $0xFFFFE003, lr  }
0x1b: {  	s9 =	sadd.s32 $0xFFFFFEF7, lr;
	s5 =	simm.s32 $0xFFFFFFFF;
	p2 =	slt.u32 s8, $0xFFFFF086  }
0x1c: {  	p1 =	slt.u32 s9, $0xF7A;
	s5 =	simm.s32 @!p2 $0x0  }
0x1d: {  	s5 =	simm.s32 @p1 $0x1;
	p0 =	seq.s32 s7, s2  }
0x1e: {  	s7 =	smul.u32 @!p0 $0xF7A, s2;
	p2 =	seq.s32 @!p0 s5, $0x0  }
0x1f: {  	s9 =	smul.u32 $0xF7A, s1;
	s8 =	simm.s32 @!p0 $0x1BF5;
	p2 =	por !p2, p0  }
0x20: {  	[sflag:s8] =	ssyncset.s32 @!p0 $0xFFFFF086;
	s6 =	sadd.s32 @!p0 s3, s7;
	s7 =	simm.s32 @!p0 $0x108  }
0x21: {  	s3 =	sadd.s32 s3, s9;
	s6 =	sadd.s32 @!p0 $0x88, s6;
	s7 =	simm.s32 @p2 $0x1082  }
0x22: {  	[simem:s7], [sflag:s8] =	dma.local @!p0 [hbm:s6], $0xF7A  }
0x23: {  	s9 =	sor.u32 $0xD0000000, s2;
	s6 =	simm.s32 $0x108;
	_ =	swait.ge @!p0 [sflag:s8], $0x0  }
0x24: {  	s3 =	sadd.s32 $0x88, s3;
	s6 =	simm.s32 @!p1 $0x1082;
	[sflag:s4] =	ssyncset.s32 $0xFFFFF086  }
0x25: {  	[simem:s6], [sflag:s4] =	dma.local [hbm:s3], $0xF7A  }
0x26: {  	[smem:$0x3F8F] =	sst s1;
	(tag) =	ssettag s2;
	_ =	strace s9  }
0x27: {  	s1 =	sld [smem:$0x3F9F]  }
0x28: {  	s2 =	sld [smem:$0x3FA0]  }
0x29: {  	s4 =	sld [smem:$0x3FA2]  }
0x2a: {  	p0 =	seq.s32 s5, $0x0;
	s5 =	sld [smem:$0x3FA3]  }
0x2b: {  	s6 =	sld [smem:$0x3FA4]  }
0x2c: {  	s7 =	sld [smem:$0x3FA5]  }
0x2d: {  	s3 =	simm.s32 $0x108;
	s8 =	sld [smem:$0x3FA6]  }
0x2e: {  	s3 =	simm.s32 @!p0 $0x1082;
	s9 =	sld [smem:$0x3FA7]  }
0x2f: {  	lr =	sadd.s32 s0, s3;
	s0 =	sld [smem:$0x3F9E]  }
0x30: {  	s3 =	sld [smem:$0x3FA1]  }
0x31: {  	[smem:$0x3FAA] =	sst s10  }
0x32: {  	s10 =	sld [smem:$0x3FA8];
	_ =	sdelay $0x3  }
0x33: {  	p0 =	seq.s32 s10, $0x1;
	s10 =	sld [smem:$0x3FAA];
	_ =	sdelay $0x3  }
0x34: {  	[smem:$0x3FAA] =	sst s10  }
0x35: {  	s10 =	sld [smem:$0x3FA9];
	_ =	sdelay $0x3  }
0x36: {  	p1 =	seq.s32 s10, $0x1;
	s10 =	sld [smem:$0x3FAA];
	_ =	sdelay $0x3  }
0x37: {  	[smem:$0x3FAA] =	sst s10  }
0x38: {  	s10 =	sld [smem:$0x3FAB]  }
0x39: {  	_ = 	snop;
	(pc) =	sbr.ind lr, $3  }
0x3a: {  	_ = 	snop  }
0x3b: {  	_ = 	snop  }
0x3c: {  	p2 =	seq.s32 s10, $0x1;
	s10 =	sld [smem:$0x3FAA]  }
0x3d: {  	_ =	shalt  }
0x3e: {  	_ =	shalt  }
0x3f: {  	_ =	shalt  }
0x40: {  	_ =	shalt  }
0x41: {  	_ =	shalt  }
0x42: {  	_ =	shalt  }
0x43: {  	_ =	shalt  }
0x44: {  	_ =	shalt  }
0x45: {  	_ =	shalt  }
0x46: {  	_ =	shalt  }
0x47: {  	_ =	shalt  }
0x48: {  	_ =	shalt  }
0x49: {  	_ =	shalt  }
0x4a: {  	_ =	shalt  }
0x4b: {  	_ =	shalt  }
0x4c: {  	_ =	shalt  }
0x4d: {  	_ =	shalt  }
0x4e: {  	_ =	shalt  }
0x4f: {  	_ =	shalt  }
0x50: {  	_ =	shalt  }
0x51: {  	_ =	shalt  }
0x52: {  	_ =	shalt  }
0x53: {  	_ =	shalt  }
0x54: {  	_ =	shalt  }
0x55: {  	_ =	shalt  }
0x56: {  	_ =	shalt  }
0x57: {  	_ =	shalt  }
0x58: {  	_ =	shalt  }
0x59: {  	_ =	shalt  }
0x5a: {  	_ =	shalt  }
0x5b: {  	_ =	shalt  }
0x5c: {  	_ =	shalt  }
0x5d: {  	_ =	shalt  }
0x5e: {  	_ =	shalt  }
0x5f: {  	_ =	shalt  }
0x60: {  	_ =	shalt  }
0x61: {  	_ =	shalt  }
0x62: {  	_ =	shalt  }
0x63: {  	_ =	shalt  }
0x64: {  	_ =	shalt  }
0x65: {  	_ =	shalt  }
0x66: {  	_ =	shalt  }
0x67: {  	_ =	shalt  }
0x68: {  	_ =	shalt  }
0x69: {  	_ =	shalt  }
0x6a: {  	_ =	shalt  }
0x6b: {  	_ =	shalt  }
0x6c: {  	_ =	shalt  }
0x6d: {  	_ =	shalt  }
0x6e: {  	_ =	shalt  }
0x6f: {  	_ =	shalt  }
0x70: {  	_ =	shalt  }
0x71: {  	_ =	shalt  }
0x72: {  	_ =	shalt  }
0x73: {  	_ =	shalt  }
0x74: {  	_ =	shalt  }
0x75: {  	_ =	shalt  }
0x76: {  	_ =	shalt  }
0x77: {  	_ =	shalt  }
0x78: {  	_ =	shalt  }
0x79: {  	_ =	shalt  }
0x7a: {  	_ =	shalt  }
0x7b: {  	_ =	shalt  }
0x7c: {  	_ =	shalt  }
0x7d: {  	_ =	shalt  }
0x7e: {  	_ =	shalt  }
0x7f: {  	_ =	shalt  }
0x80: {  	_ =	shalt  }
0x81: {  	_ =	shalt  }
0x82: {  	_ =	shalt  }
0x83: {  	_ =	shalt  }
0x84: {  	_ =	shalt  }
0x85: {  	_ =	shalt  }
0x86: {  	_ =	shalt  }
0x87: {  	_ =	shalt  }
.Lfunc_end0:
.L_simem_size_0:
called_computation_lowered:
.L_overlay_start_0:
0x88: {  	s2 =	sld [smem:$0x3FD9]  }
0x89: {  	s3 =	sld [smem:$0x3FFE];
	_ =	sdelay $0x1  }
0x8a: {  	s1 =	srdreg.scid  }
0x8b: {  	s0 =	sand.u32 $0x1, s1  }
0x8c: {  	s17 =	sshll.u32 s0, $0xA;
	s2 =	sadd.s32 s3, s2  }
0x8d: {  	s2 =	sadd.s32 s2, s17  }
0x8e: {  	[smem:$0x3FB6] =	sst s2  }
0x8f: {  	_ = 	snop  }
0x90: {  	s2 =	sld [smem:$0x3FD0];
	(tm) =	ssettm $0x1  }
0x91: {  	s18 =	sld [smem:$0x3FFB];
	_ =	sdelay $0x3  }
0x92: {  	_ =	strace s18  }
0x93: {  	s3 =	sld [smem:$0x3FFC];
	_ =	sdelay $0x3  }
0x94: {  	_ =	strace s3  }
0x95: {  	s3 =	sld [smem:$0x3FFD];
	_ =	sdelay $0x3  }
0x96: {  	_ =	strace s3  }
0x97: {  	_ =	strace $0x8FFFFFFF  }
0x98: {  	s19 =	sld [smem:$0x3FDB];
	_ =	sdelay $0x1  }
0x99: {  	s4 =	simm.s32 $_scs_section_size  }
0x9a: {  	s5 =	simm.s32 $_size__tile_overlayer_lowered;
	s6 =	simm.s32 $_tile_overlayer_lowered  }
0x9b: {  	s22 =	simm.s32 $0x1BFF;
	s21 =	sshll.u32 s6, $0x1;
	s3 =	sadd.s32 s4, s19  }
0x9c: {  	s7 =	simm.s32 $0x0;
	s20 =	sshll.u32 s5, $0x1;
	s5 =	sadd.s32 s21, s3  }
0x9d: {  	[timem:s7], [sflag:s22] =	dma.local [hbm:s5], s20  }
0x9e: {  	_ =	swait.ge [sflag:s22], s20  }
0x9f: {  	s4 =	ssub.s32 $0x0, s20;
	[sflag:s22] =	ssyncset.done $0x0  }
0xa0: {  	[sflag:s22] =	ssyncadd.s32 s4;
	_ =	sdelay $0x1  }
0xa1: {  	s23 =	simm.s32 $0x1B8B  }
0xa2: {  	_ =	swait.ge [sflag:s23], $0x1  }
0xa3: {  	[sflag:s23] =	ssyncset.done $0x0  }
0xa4: {  	s25 =	simm.s32 $0x1B8E;
	s24 =	sld [smem:$0x3FFE];
	[sflag:s23] =	ssyncadd.s32 $0xFFFFFFFF  }
0xa5: {  	s26 =	simm.s32 $execute0_lowered;
	[smem:$0x3FD2] =	sst s25  }
0xa6: {  	s5 =	sshll.u32 s26, $0x1;
	_ =	strace $0x80000046;
	[dreg:$0x1] =	wrdreg $0xFFFFFFFF  }
0xa7: {  	s28 =	simm.s32 $_size_execute0_lowered;
	s3 =	sadd.s32 s3, s5;
	[dreg:$0x0] =	wrdreg $0x0  }
0xa8: {  	s5 =	sshll.u32 s28, $0x1;
	[dreg:$0x2] =	wrdreg s3  }
0xa9: {  	[dreg:$0x3] =	wrdreg s5  }
0xaa: {  	[dreg:$0x4] =	wrdreg $0xC0  }
0xab: {  	_ =	task [dreg:s7], $0x5FFFF  }
0xac: {  	[dreg:$0x1] =	wrdreg $0xFFFFFFFF  }
0xad: {  	[dreg:$0x0] =	wrdreg $0x60  }
0xae: {  	[dreg:$0x2] =	wrdreg s2  }
0xaf: {  	[dreg:$0x3] =	wrdreg s24  }
0xb0: {  	[dreg:$0x4] =	wrdreg $0x136800  }
0xb1: {  	[dreg:$0x5] =	wrdreg $0x9  }
0xb2: {  	_ =	task.clear_ibuf [dreg:s7], $0x6FFFF;
	_ =	strace $0x90000046  }
0xb3: {  	s29 =	simm.s32 $0x9;
	_ =	strace $0x80000048  }
0xb4: {  	_ =	swait.ge [sflag:s29], $0x1  }
0xb5: {  	[sflag:s29] =	ssyncadd.s32 $0xFFFFFFFF  }
0xb6: {  	_ =	strace $0x90000048  }
0xb7: {  	_ =	sfence  }
0xb8: {  	s30 =	sld [smem:$0x0];
	_ =	sdelay $0x2  }
0xb9: {  	s31 =	sshll.u32 s1, $0xD;
	s1 =	sshrl.u32 s1, $0x2  }
0xba: {  	s3 =	sand.u32 $0x4000, s31;
	s1 =	sadd.s32 s1, s30  }
0xbb: {  	s0 =	sor.u32 s3, s0;
	s1 =	sshll.u32 s1, $0x11  }
0xbc: {  	s0 =	sor.u32 s1, s0  }
0xbd: {  	s0 =	sadd.s32 $0x8F2B, s0  }
0xbe: {  	[sflag:s0] =	ssyncadd.remote.s32 $0x1  }
0xbf: {  	_ =	sfence.sel $0xFFFF  }
0xc0: {  	[dreg:$0x0] =	wrdreg $0xFFFFFFFF;
	(pc) =	sbr.abs _section_cstart, $3  }
0xc1: {  	[dreg:$0x1] =	wrdreg $0xFFFFFFFF  }
0xc2: {  	_ =	task.clear_ibuf [dreg:s7], $0x2FFFF;
	_ =	strace $0x9FFFFFFF  }
0xc3: {  	(tm) =	ssettm $0x7FFFFFFF  }
tec
execute0_lowered:
.L_overlay_start_1:
0x0: {  	(tag) =	ssettag $0x1  }
0x1: {  	s1 =	rddreg [dreg:$0x0]  }
0x2: {  	s0 =	rddreg [dreg:$0x1]  }
0x3: {  	s2 =	rddreg [dreg:$0x2];
	s11 =	simm.s32 $0x0  }
0x4: {  	[smem:$0x7FF] =	sst s11;
	s13 =	sadd.s32 $0xA00, s0  }
0x5: {  	s14 =	sadd.s32 $0x18A00, s0;
	s6 =	sadd.s32 $0x3CA00, s0;
	s15 =	sadd.s32 $0x30A00, s0  }
0x6: {  	s8 =	sadd.s32 $0x36A00, s0;
	s9 =	sadd.s32 $0x100000, s0;
	s4 =	sadd.s32 $0x1C3600, s0  }
0x7: {  	s16 =	sadd.s32 $0x1C5000, s0;
	_ =	strace $0x80000047;
	[dreg:$0x8] =	wrdreg s4  }
0x8: {  	s10 =	sadd.s32 $0x10A00, s0;
	s5 =	sadd.s32 $0x34C000, s0;
	[dreg:$0x9] =	wrdreg s16  }
0x9: {  	s12 =	sadd.s32 $0x28A00, s0;
	s0 =	sadd.s32 $0x4D3000, s0;
	[dreg:$0xa] =	wrdreg s5  }
0xa: {  	s3 =	srdreg.scid;
	[dreg:$0xb] =	wrdreg s0  }
0xb: {  	s3 =	sand.u32 $0x1, s3;
	[dreg:$0x7] =	wrdreg s15  }
0xc: {  	s16 =	stileid.u32;
	s17 =	ssub.s32 $0x2, s3;
	[dreg:$0x5] =	wrdreg s13  }
0xd: {  	s3 =	sshll.u32 s3, $0x3;
	[dreg:$0x6] =	wrdreg s14;
	s18 =	sshrl.u32 s17, $0x1  }
0xe: {  	s5 =	sshll.u32 s16, $0xC;
	[dreg:$0xd] =	wrdreg s3;
	s20 =	smul.u32 $0x3000, s16  }
0xf: {  	s21 =	sshll.u32 s16, $0x6;
	s0 =	ssub.s32 s17, s18;
	[dreg:$0xc] =	wrdreg s5  }
0x10: {  	s22 =	sor.u32 $0x100, s5;
	s18 =	sor.u32 $0x1C05, s21;
	[dreg:$0xe] =	wrdreg s20  }
0x11: {  	s7 =	smul.u32 $0x31000, s16;
	s23 =	sadd.s32 s13, s22;
	[dreg:$0x10] =	wrdreg s18  }
0x12: {  	s4 =	sadd.s32 s14, s22;
	[dreg:$0x11] =	wrdreg s23  }
0x13: {  	s19 =	sshrl.u32 s7, $0x2;
	s0 =	smax.u32 s0, $0x1;
	[dreg:$0x12] =	wrdreg s4  }
0x14: {  	s24 =	sshrl.u32 s20, $0x3;
	s7 =	sshll.u32 s16, $0xB;
	[dreg:$0x1a] =	wrdreg s0  }
0x15: {  	s30 =	simm.s32 $0x1;
	s25 =	sadd.s32 s15, s24;
	[dreg:$0x14] =	wrdreg s7  }
0x16: {  	s22 =	smul.u32 $0x188, s16;
	s26 =	sadd.s32 s8, s24;
	[dreg:$0x13] =	wrdreg s25  }
0x17: {  	s31 =	simm.s32 $0x2000;
	s28 =	simm.s32 $0xB680;
	[dreg:$0x15] =	wrdreg s26  }
0x18: {  	s29 =	simm.s32 $0x3;
	s23 =	sadd.s32 s13, s5;
	[dreg:$0x1b] =	wrdreg s22  }
0x19: {  	s3 =	sor.u32 $0x100, s24;
	s24 =	sadd.s32 s14, s5;
	[dreg:$0x1c] =	wrdreg s23  }
0x1a: {  	p0 =	seq.s32 s16, $0xF;
	s17 =	sadd.s32 s19, s2;
	[dreg:$0x1d] =	wrdreg s24  }
0x1b: {  	s16 =	simm.s32 $0x3580;
	s15 =	sadd.s32 s15, s3;
	[dreg:$0xf] =	wrdreg s17  }
0x1c: {  	s19 =	sor.u32 $0x100, s7;
	s3 =	sadd.s32 s8, s3;
	[dreg:$0x16] =	wrdreg s15  }
0x1d: {  	s0 =	simm.s32 $0x2;
	s20 =	sadd.s32 s10, s19;
	[dreg:$0x17] =	wrdreg s3  }
.Ltmp0:
0x1e: {  	s21 =	sadd.s32 s12, s19;
	[dreg:$0x18] =	wrdreg s20;
	(pc) =	sbr.rel .LBB2_1-.Ltmp0, $4  }
0x1f: {  	s14 =	simm.s32 $0x3480;
	s25 =	sadd.s32 s10, s7;
	[dreg:$0x19] =	wrdreg s21  }
0x20: {  	s26 =	sadd.s32 s12, s7;
	s24 =	simm.s32 $0x5;
	[dreg:$0x1e] =	wrdreg s25  }
0x21: {  	s22 =	simm.s32 $0x3280;
	s23 =	simm.s32 $0x3680;
	[dreg:$0x1f] =	wrdreg s26  }
0x22: {  	v0 =	vimm.s32 $0x1;
	v1 =	vimm.s32 $0x1870;
	s3 =	simm.s32 $0x100;
	s26 =	simm.s32 $0x3380;
	s15 =	simm.s32 $0x4  }
.LBB2_67:
0x23: {  	s11 =	rddreg [dreg:$0x4]  }
0x24: {  	s4 =	rddreg [dreg:$0x1a];
	s11 =	sadd.s32 $0x1, s11  }
0x25: {  	p1 =	sne.s32 s11, s4  }
.Ltmp1:
0x26: {  	_ = 	snop;
	(pc) =	sbr.rel @!p1 .LBB2_68-.Ltmp1, $2  }
0x27: {  	_ =	sdelay $0x2  }
0x28: {  	s17 =	rddreg [dreg:$0xf]  }
.LBB2_1:
.Ltmp2:
0x29: {  	(pc) =	sbr.rel .LBB2_2-.Ltmp2, $2  }
0x2a: {  	_ =	sdelay $0x2  }
0x2b: {  	[dreg:$0x4] =	wrdreg s11;
	s13 =	simm.s32 $0x0  }
.LBB2_22:
0x2c: {  	s4 =	sld [smem:$0x7FC];
	_ =	sdelay $0x2  }
0x2d: {  	s4 =	smul.u32 @p0 $0xC3800, s4;
	_ =	sdelay $0x1  }
0x2e: {  	s7 =	rddreg [dreg:$0x9];
	[bflag:$0x0] =	sbarrier.arrive $0xFFFF;
	s4 =	sshrl.u32 @p0 s4, $0x3  }
0x2f: {  	s17 =	rddreg [dreg:$0xf];
	s4 =	sadd.s32 @p0 s7, s4  }
0x30: {  	s18 =	rddreg [dreg:$0x10];
	s11 =	sshrl.u32 @p0 s17, $0x3;
	s4 =	sadd.s32 @p0 $0x16F80, s4  }
0x31: {  	[hbm:s4], [sflag:s18] =	dma.local @p0 [spmem:s11], $0x1780  }
0x32: {  	s4 =	simm.s32 @p0 $0x5  }
0x33: {  	_ =	swait.ge @p0 [sflag:s4], $0x1780  }
0x34: {  	s13 =	sld [smem:$0x7FD];
	_ =	sdelay $0x1  }
0x35: {  	s5 =	rddreg [dreg:$0x1b]  }
0x36: {  	s5 =	sadd.s32 @!p0 s5, s13  }
0x37: {  	[sflag:s4] =	ssyncset.done @p0 $0x0;
	s5 =	sshll.u32 @!p0 s5, $0x4  }
0x38: {  	[sflag:s4] =	ssyncadd.s32 @p0 $0xFFFFE880;
	s4 =	sadd.s32 @!p0 s7, s5;
	s5 =	sshrl.u32 @!p0 s17, $0x3  }
0x39: {  	[hbm:s4], [sflag:s18] =	dma.local @!p0 [spmem:s5], $0x1880  }
0x3a: {  	s4 =	simm.s32 @!p0 $0x5  }
0x3b: {  	_ =	swait.ge @!p0 [sflag:s4], $0x1880  }
0x3c: {  	s25 =	sld [smem:$0x7FB];
	_ =	sdelay $0x2  }
0x3d: {  	s13 =	sadd.s32 $0x1, s25  }
0x3e: {  	p1 =	sne.s32 s13, $0x8  }
.Ltmp3:
0x3f: {  	_ = 	snop;
	(pc) =	sbr.rel @!p1 .LBB2_23-.Ltmp3, $4  }
0x40: {  	[sflag:s4] =	ssyncset.done @!p0 $0x0  }
0x41: {  	[sflag:s4] =	ssyncadd.s32 @!p0 $0xFFFFE780  }
0x42: {  	[bflag:$0x0] =	sbarrier.arrive $0xFFFF  }
0x43: {  	s7 =	simm.s32 $0x0  }
.LBB2_2:
0x44: {  	s5 =	sshrl.u32 s17, $0x3;
	s4 =	rddreg [dreg:$0x8]  }
0x45: {  	[smem:$0x7FA] =	sst s5  }
0x46: {  	[spmem:s5], [sflag:s18] =	dma.local [hbm:s4], $0x1880  }
0x47: {  	_ =	swait.ge [sflag:s24], $0x1880  }
0x48: {  	[sflag:s24] =	ssyncset.done $0x0  }
0x49: {  	[sflag:s24] =	ssyncadd.s32 $0xFFFFE780  }
0x4a: {  	[bflag:$0x0] =	sbarrier.arrive $0xFFFF  }
0x4b: {  	s25 =	rddreg [dreg:$0x1c]  }
0x4c: {  	s5 =	rddreg [dreg:$0x1d]  }
0x4d: {  	s11 =	rddreg [dreg:$0xd]  }
0x4e: {  	s21 =	simm.s32 $0x0;
	[smem:$0x7FB] =	sst s13  }
0x4f: {  	[tilespmem:s21], [sflag:$0x1] =	stream.linear.gather [hbm4b:s25+s21], $0x800, $0x38;
	[tilespmem:$0x1FA80] =	vst v63  }
0x50: {  	s7 =	simm.s32 $0x800;
	s17 =	rddreg [dreg:$0x11]  }
0x51: {  	[tilespmem:s7], [sflag:$0x1] =	stream.linear.gather [hbm4b:s5+s21], $0x800, $0x38;
	[tilespmem:$0x1FA80] =	vst v63  }
0x52: {  	s20 =	simm.s32 $0x1800;
	s19 =	rddreg [dreg:$0x12];
	s7 =	sadd.s32 s11, s13  }
0x53: {  	s18 =	simm.s32 $0x1000;
	[smem:$0x7FC] =	sst s7;
	s7 =	smul.u32 $0x1870, s7  }
0x54: {  	[tilespmem:s18], [sflag:$0x2] =	stream.linear.gather [hbm4b:s17+s21], $0x800, $0x38;
	[tilespmem:$0x1FA80] =	vst v63  }
0x55: {  	s18 =	simm.s32 $0x0;
	s25 =	sadd.s32 $0x1870, s7;
	[smem:$0x7FD] =	sst s7  }
0x56: {  	v2 =	vmov s7;
	[tilespmem:s20], [sflag:$0x2] =	stream.linear.gather [hbm4b:s19+s21], $0x800, $0x38;
	v3 =	vmov s25;
	[tilespmem:$0x1FA80] =	vst v63  }
.LBB2_3:
0x57: {  	_ =	swait.ge [sflag:s30], $0x800  }
0x58: {  	[sflag:s30] =	ssyncset.done $0x0  }
0x59: {  	[sflag:s30] =	ssyncadd.s32 $0xFFFFF800  }
0x5a: {  	_ =	swait.ge [sflag:s30], $0x800  }
0x5b: {  	[sflag:s30] =	ssyncset.done $0x0  }
0x5c: {  	s4 =	simm.s32 $0x0;
	[sflag:s30] =	ssyncadd.s32 $0xFFFFF800  }
0x5d: {  	v4 =	vld [tilespmem:s4+$0x800];
	_ =	sdelay $0x4  }
0x5e: {  	vm0 =	vge.s32 v4, v2;
	vm1 =	vlt.s32 v4, v3  }
0x5f: {  	vm0 =	vmand vm0, vm1  }
0x60: {  	v5 =	vmpcnt.ones.xlane vm0  }
0x61: {  	(xrf0) =	vadd.scan.msk.s32 vm0, v0  }
0x62: {  	(v2sf) =	vpush v5, $0x0;
	_ =	sdelay $0x3  }
0x63: {  	v5 =	vld [tilespmem:s4+$0x0]  }
0x64: {  	s25 =	sadd.s32 $0xFFFFFFFF, s18;
	v6, _, _ =	vpop (xrf0)  }
0x65: {  	v6 =	vadd.s32 s25, v6;
	_ =	sdelay $0x2  }
0x66: {  	v4 =	vsub.s32 v4, v2;
	v5 =	vshll.u32 v5, $0xE  }
0x67: {  	v4 =	vadd.s32 v5, v4  }
0x68: {  	s13 =	simm.s32 $0x10;
	[tilespmem:v6+s31+$0x0] =	vst.idx.msk vm0, v4  }
0x69: {  	v4 =	vld [tilespmem:s13+$0x800];
	_ =	sdelay $0x2  }
0x6a: {  	s11 =	simm.s32 $0x80;
	s4 =	spop (v2sf)  }
.LBB2_4:
0x6b: {  	p1 =	sne.s32 s11, $0x1FC0  }
0x6c: {  	vm0 =	vge.s32 v4, v2;
	vm1 =	vlt.s32 v4, v3;
	s18 =	sadd.s32 s18, s4;
	s4 =	smov.u32 s11;
	s11 =	sadd.s32 $0x40, s11  }
0x6d: {  	vm0 =	vmand vm0, vm1  }
0x6e: {  	v5 =	vmpcnt.ones.xlane vm0;
	(xrf0) =	vadd.scan.msk.s32 vm0, v0;
	_ =	sdelay $0x1  }
0x6f: {  	(v2sf) =	vpush v5, $0x0;
	_ =	sdelay $0x2  }
0x70: {  	v5 =	vld [tilespmem:s13+$0x0]  }
0x71: {  	s5 =	sadd.s32 $0xFFFFFFFF, s18;
	v6, _, _ =	vpop (xrf0)  }
0x72: {  	v6 =	vadd.s32 s5, v6;
	_ =	sdelay $0x2  }
0x73: {  	v4 =	vsub.s32 v4, v2;
	v5 =	vshll.u32 v5, $0xE  }
0x74: {  	v4 =	vadd.s32 v5, v4  }
0x75: {  	s13 =	sshra.s32 s4, $0x2;
	[tilespmem:v6+s31+$0x0] =	vst.idx.msk vm0, v4  }
.Ltmp4:
0x76: {  	v4 =	vld [tilespmem:s13+$0x800];
	(pc) =	sbr.rel @p1 .LBB2_4-.Ltmp4, $2  }
0x77: {  	_ =	sdelay $0x2  }
0x78: {  	s4 =	spop (v2sf)  }
0x79: {  	vm0 =	vge.s32 v4, v2;
	vm1 =	vlt.s32 v4, v3  }
0x7a: {  	vm0 =	vmand vm0, vm1  }
0x7b: {  	v5 =	vmpcnt.ones.xlane vm0;
	_ =	sdelay $0x1  }
0x7c: {  	(v2sf) =	vpush v5, $0x0;
	_ =	sdelay $0x2  }
0x7d: {  	(xrf0) =	vadd.scan.msk.s32 vm0, v0;
	_ =	sdelay $0x4  }
0x7e: {  	s4 =	sadd.s32 s18, s4;
	v5 =	vld [tilespmem:s13+$0x0]  }
0x7f: {  	s5 =	sadd.s32 $0xFFFFFFFF, s4;
	v6, _, _ =	vpop (xrf0)  }
0x80: {  	v6 =	vadd.s32 s5, v6;
	_ =	sdelay $0x2  }
0x81: {  	v4 =	vsub.s32 v4, v2;
	v5 =	vshll.u32 v5, $0xE  }
0x82: {  	v4 =	vadd.s32 v5, v4  }
0x83: {  	[tilespmem:v6+s31+$0x0] =	vst.idx.msk vm0, v4;
	s25 =	spop (v2sf)  }
0x84: {  	_ =	swait.ge [sflag:s0], $0x800  }
0x85: {  	[sflag:s0] =	ssyncset.done $0x0  }
0x86: {  	[sflag:s0] =	ssyncadd.s32 $0xFFFFF800  }
0x87: {  	_ =	swait.ge [sflag:s0], $0x800  }
0x88: {  	[sflag:s0] =	ssyncset.done $0x0  }
0x89: {  	s7 =	simm.s32 $0x0;
	[sflag:s0] =	ssyncadd.s32 $0xFFFFF800  }
0x8a: {  	v4 =	vld [tilespmem:s7+$0x1800];
	_ =	sdelay $0x4  }
0x8b: {  	vm14 =	vge.s32 v4, v2;
	vm15 =	vlt.s32 v4, v3  }
0x8c: {  	vm0 =	vmand vm14, vm15  }
0x8d: {  	v5 =	vmpcnt.ones.xlane vm0  }
0x8e: {  	(xrf0) =	vadd.scan.msk.s32 vm0, v0  }
0x8f: {  	(v2sf) =	vpush v5, $0x0;
	_ =	sdelay $0x3  }
0x90: {  	s11 =	sadd.s32 s4, s25;
	v5 =	vld [tilespmem:s7+$0x1000]  }
0x91: {  	s4 =	sadd.s32 $0xFFFFFFFF, s11;
	v6, _, _ =	vpop (xrf0)  }
0x92: {  	v6 =	vadd.s32 s4, v6;
	_ =	sdelay $0x2  }
0x93: {  	v4 =	vsub.s32 v4, v2;
	v5 =	vshll.u32 v5, $0xE  }
0x94: {  	v4 =	vadd.s32 v5, v4  }
0x95: {  	s17 =	simm.s32 $0x10;
	[tilespmem:v6+s31+$0x0] =	vst.idx.msk vm0, v4  }
0x96: {  	v4 =	vld [tilespmem:s17+$0x1800];
	_ =	sdelay $0x2  }
0x97: {  	s13 =	simm.s32 $0x80;
	s4 =	spop (v2sf)  }
.LBB2_6:
0x98: {  	p1 =	sne.s32 s13, $0x1FC0  }
0x99: {  	vm0 =	vge.s32 v4, v2;
	vm1 =	vlt.s32 v4, v3;
	s11 =	sadd.s32 s11, s4;
	s4 =	smov.u32 s13;
	s13 =	sadd.s32 $0x40, s13  }
0x9a: {  	vm0 =	vmand vm0, vm1  }
0x9b: {  	v5 =	vmpcnt.ones.xlane vm0;
	(xrf0) =	vadd.scan.msk.s32 vm0, v0;
	_ =	sdelay $0x1  }
0x9c: {  	(v2sf) =	vpush v5, $0x0;
	_ =	sdelay $0x2  }
0x9d: {  	v5 =	vld [tilespmem:s17+$0x1000]  }
0x9e: {  	s5 =	sadd.s32 $0xFFFFFFFF, s11;
	v6, _, _ =	vpop (xrf0)  }
0x9f: {  	v6 =	vadd.s32 s5, v6;
	_ =	sdelay $0x2  }
0xa0: {  	v4 =	vsub.s32 v4, v2;
	v5 =	vshll.u32 v5, $0xE  }
0xa1: {  	v4 =	vadd.s32 v5, v4  }
0xa2: {  	s17 =	sshra.s32 s4, $0x2;
	[tilespmem:v6+s31+$0x0] =	vst.idx.msk vm0, v4  }
.Ltmp5:
0xa3: {  	v4 =	vld [tilespmem:s17+$0x1800];
	(pc) =	sbr.rel @p1 .LBB2_6-.Ltmp5, $2  }
0xa4: {  	_ =	sdelay $0x2  }
0xa5: {  	s4 =	spop (v2sf)  }
0xa6: {  	vm0 =	vge.s32 v4, v2;
	vm1 =	vlt.s32 v4, v3  }
0xa7: {  	vm0 =	vmand vm0, vm1  }
0xa8: {  	(xrf0) =	vadd.scan.msk.s32 vm0, v0  }
0xa9: {  	v5 =	vmpcnt.ones.xlane vm0;
	_ =	sdelay $0x1  }
0xaa: {  	(v2sf) =	vpush v5, $0x0;
	_ =	sdelay $0x1  }
0xab: {  	s4 =	sadd.s32 s11, s4;
	v5 =	vld [tilespmem:s17+$0x1000]  }
0xac: {  	s5 =	sadd.s32 $0xFFFFFFFF, s4;
	v6, _, _ =	vpop (xrf0)  }
0xad: {  	v6 =	vadd.s32 s5, v6;
	_ =	sdelay $0x1  }
0xae: {  	s20 =	sadd.s32 $0x1, s21;
	p1 =	seq.s32 s21, $0x7  }
0xaf: {  	v4 =	vsub.s32 v4, v2;
	s7 =	rddreg [dreg:$0xc];
	v5 =	vshll.u32 v5, $0xE;
	s5 =	sshll.u32 @!p1 s20, $0x9  }
0xb0: {  	s17 =	rddreg [dreg:$0x5];
	v4 =	vadd.s32 v5, v4;
	s5 =	sadd.s32 @!p1 s7, s5  }
0xb1: {  	s18 =	rddreg [dreg:$0x6];
	s11 =	simm.s32 @!p1 $0x0;
	s7 =	sadd.s32 @!p1 s17, s5;
	[tilespmem:v6+s31+$0x0] =	vst.idx.msk vm0, v4  }
0xb2: {  	[tilespmem:s11], [sflag:$0x1] =	stream.linear.gather @!p1 [hbm4b:s7+s11], $0x800, $0x38;
	[tilespmem:$0x1FA80] =	vst v63  }
0xb3: {  	s13 =	simm.s32 @!p1 $0x800;
	s7 =	sadd.s32 @!p1 s18, s5;
	s5 =	sor.u32 @!p1 $0x100, s5  }
0xb4: {  	[tilespmem:s13], [sflag:$0x1] =	stream.linear.gather @!p1 [hbm4b:s7+s11], $0x800, $0x38;
	[tilespmem:$0x1FA80] =	vst v63  }
0xb5: {  	s7 =	sadd.s32 @!p1 s17, s5;
	s13 =	simm.s32 @!p1 $0x1000  }
0xb6: {  	[tilespmem:s13], [sflag:$0x2] =	stream.linear.gather @!p1 [hbm4b:s7+s11], $0x800, $0x38;
	[tilespmem:$0x1FA80] =	vst v63  }
0xb7: {  	s17 =	spop (v2sf)  }
0xb8: {  	s21 =	sadd.s32 s4, s17;
	s4 =	sadd.s32 @!p1 s18, s5;
	s5 =	simm.s32 @!p1 $0x1800  }
0xb9: {  	[tilespmem:s5], [sflag:$0x2] =	stream.linear.gather @!p1 [hbm4b:s4+s11], $0x800, $0x38;
	[tilespmem:$0x1FA80] =	vst v63  }
0xba: {  	s18 =	sand.u32 $0x1FF, s21  }
0xbb: {  	s19 =	sshra.s32 s21, $0x1F;
	p6 =	slt.s32 s21, $0x1;
	p2 =	sne.s32 s18, $0x0  }
0xbc: {  	s25 =	sshrl.u32 s19, $0x17;
	p1 =	por !p6, !p2  }
0xbd: {  	s5 =	simm.s32 $0x1;
	s4 =	sadd.s32 s25, s21;
	p1 =	por !p1, !p1  }
0xbe: {  	s4 =	sshra.s32 s4, $0x9;
	s5 =	simm.s32 @!p1 $0x0  }
0xbf: {  	s18 =	ssub.s32 s4, s5  }
0xc0: {  	p1 =	slt.s32 s18, $0x1  }
.Ltmp6:
0xc1: {  	_ = 	snop;
	(pc) =	sbr.rel @p1 .LBB2_13-.Ltmp6, $2  }
0xc2: {  	_ =	sdelay $0x2  }
0xc3: {  	s13 =	simm.s32 $0x0;
	s11 =	simm.s32 $0x0  }
.LBB2_8:
0xc4: {  	s4 =	sshll.u32 s13, $0xB  }
0xc5: {  	s4 =	sshra.s32 s4, $0x2  }
0xc6: {  	s25 =	sand.u32 $0x80, s11;
	s17 =	sadd.s32 $0x2000, s4  }
0xc7: {  	s5 =	sand.u32 $0x70, s11;
	s4 =	sadd.s32 s25, s17  }
0xc8: {  	s4 =	sadd.s32 s5, s4  }
0xc9: {  	v4 =	vld [tilespmem:s4+$0x0];
	_ =	sdelay $0x3  }
0xca: {  	s5 =	simm.s32 $0x10  }
0xcb: {  	s19 =	simm.s32 $0x3480;
	s25 =	simm.s32 $0x3280;
	s7 =	sand.u32 $0x80, s5;
	v5 =	vshra.s32 v4, $0xE  }
0xcc: {  	s5 =	sand.u32 $0x70, s5;
	s4 =	simm.s32 $0x20;
	s7 =	sadd.s32 s7, s17;
	v4 =	vand.u32 $0x3FFF, v4;
	[tilespmem:s25+$0x0] =	vst v5  }
.LBB2_9:
0xcd: {  	p1 =	sne.s32 s4, $0xF0;
	s5 =	sadd.s32 s5, s7;
	[tilespmem:s19+$0x0] =	vst v4  }
0xce: {  	v4 =	vld [tilespmem:s5+$0x0];
	_ =	sdelay $0x1  }
.Ltmp7:
0xcf: {  	(pc) =	sbr.rel @p1 .LBB2_9-.Ltmp7, $3  }
0xd0: {  	_ =	sdelay $0x1  }
0xd1: {  	s7 =	sand.u32 $0x80, s4;
	s25 =	sadd.s32 $0x10, s25;
	s19 =	sadd.s32 $0x10, s19;
	v5 =	vshra.s32 v4, $0xE;
	v4 =	vand.u32 $0x3FFF, v4  }
0xd2: {  	s5 =	sand.u32 $0x70, s4;
	s7 =	sadd.s32 s7, s17;
	s4 =	sadd.s32 $0x10, s4;
	[tilespmem:s25+$0x0] =	vst v5  }
0xd3: {  	s4 =	sadd.s32 s5, s7;
	[tilespmem:s19+$0x0] =	vst v4  }
0xd4: {  	v4 =	vld [tilespmem:s4+$0x0];
	_ =	sdelay $0x3  }
0xd5: {  	s7 =	sadd.s32 $0x10, s19;
	s19 =	simm.s32 $0x0  }
0xd6: {  	s5 =	sadd.s32 $0x10, s25;
	s25 =	sand.u32 $0x80, s19;
	v5 =	vshra.s32 v4, $0xE  }
0xd7: {  	s4 =	sand.u32 $0x70, s19;
	v4 =	vand.u32 $0x3FFF, v4;
	[tilespmem:s5+$0x0] =	vst v5;
	s5 =	sadd.s32 s25, s17  }
0xd8: {  	[tilespmem:s7+$0x0] =	vst v4;
	s4 =	sadd.s32 s4, s5  }
0xd9: {  	[tilespmem:s23], [sflag:$0x3] =	stream.indirect.gather [hbm4b:s1+s3], $0x80, s22, s3, $0xb8;
	[tilespmem:$0x1FA80] =	vst v63  }
0xda: {  	v4 =	vld [tilespmem:s4+$0x100];
	_ =	sdelay $0x3  }
0xdb: {  	s5 =	simm.s32 $0x10  }
0xdc: {  	s19 =	simm.s32 $0x3580;
	s25 =	simm.s32 $0x3380;
	s7 =	sand.u32 $0x80, s5;
	v5 =	vshra.s32 v4, $0xE  }
0xdd: {  	s5 =	sand.u32 $0x70, s5;
	s7 =	sadd.s32 s7, s17;
	s4 =	simm.s32 $0x20;
	v4 =	vand.u32 $0x3FFF, v4;
	[tilespmem:s25+$0x0] =	vst v5  }
.LBB2_11:
0xde: {  	p1 =	sne.s32 s4, $0xF0;
	s5 =	sadd.s32 s5, s7;
	[tilespmem:s19+$0x0] =	vst v4  }
0xdf: {  	v4 =	vld [tilespmem:s5+$0x100];
	_ =	sdelay $0x1  }
.Ltmp8:
0xe0: {  	(pc) =	sbr.rel @p1 .LBB2_11-.Ltmp8, $3  }
0xe1: {  	_ =	sdelay $0x1  }
0xe2: {  	s7 =	sand.u32 $0x80, s4;
	s25 =	sadd.s32 $0x10, s25;
	s19 =	sadd.s32 $0x10, s19;
	v5 =	vshra.s32 v4, $0xE;
	v4 =	vand.u32 $0x3FFF, v4  }
0xe3: {  	s5 =	sand.u32 $0x70, s4;
	s7 =	sadd.s32 s7, s17;
	s4 =	sadd.s32 $0x10, s4;
	[tilespmem:s25+$0x0] =	vst v5  }
0xe4: {  	s4 =	sadd.s32 s5, s7;
	[tilespmem:s19+$0x0] =	vst v4  }
0xe5: {  	v4 =	vld [tilespmem:s4+$0x100];
	_ =	sdelay $0x4  }
0xe6: {  	s17 =	sadd.s32 $0x10, s25;
	v5 =	vshra.s32 v4, $0xE  }
0xe7: {  	s25 =	sadd.s32 $0x10, s19;
	v4 =	vand.u32 $0x3FFF, v4;
	[tilespmem:s17+$0x0] =	vst v5  }
0xe8: {  	[tilespmem:s25+$0x0] =	vst v4  }
0xe9: {  	[tilespmem:s28], [sflag:$0x4] =	stream.indirect.gather [hbm4b:s1+s3], $0x80, s26, s3, $0xb8;
	[tilespmem:$0x1FA80] =	vst v63  }
0xea: {  	_ =	swait.ge [sflag:s29], $0x8000  }
0xeb: {  	[sflag:s29] =	ssyncset.done $0x0  }
0xec: {  	[sflag:s29] =	ssyncadd.s32 $0xFFFF8000  }
0xed: {  	[spmem:s2] =	stream.indirect.scatter.add.f32 [tilespmem:s23], [sflag:$0x5], $0x80, s14, s3, $0xb8;
	[tilespmem:$0x1FA80] =	vst v63  }
0xee: {  	_ =	swait.ge [sflag:s24], $0x8000  }
0xef: {  	[sflag:s24] =	ssyncset.done $0x0  }
0xf0: {  	[sflag:s24] =	ssyncadd.s32 $0xFFFF8000  }
0xf1: {  	s13 =	sadd.s32 $0x1, s13;
	_ =	swait.ge [sflag:s15], $0x8000  }
0xf2: {  	p1 =	sne.s32 s13, s18;
	[sflag:s15] =	ssyncset.done $0x0  }
.Ltmp9:
0xf3: {  	[sflag:s15] =	ssyncadd.s32 $0xFFFF8000;
	(pc) =	sbr.rel @p1 .LBB2_8-.Ltmp9, $4  }
0xf4: {  	[spmem:s2] =	stream.indirect.scatter.add.f32 [tilespmem:s28], [sflag:$0x5], $0x80, s16, s3, $0xb8;
	[tilespmem:$0x1FA80] =	vst v63  }
0xf5: {  	_ =	swait.ge [sflag:s24], $0x8000  }
0xf6: {  	[sflag:s24] =	ssyncset.done $0x0  }
0xf7: {  	[sflag:s24] =	ssyncadd.s32 $0xFFFF8000  }
.LBB2_13:
0xf8: {  	s11 =	sshll.u32 s18, $0x9;
	s4 =	simm.s32 $0x0  }
0xf9: {  	s13 =	sadd.s32 $0x2000, s11;
	s5 =	sand.u32 $0x180, s4  }
0xfa: {  	s4 =	sand.u32 $0x70, s4;
	s5 =	sadd.s32 s5, s13  }
0xfb: {  	s4 =	sadd.s32 s4, s5  }
0xfc: {  	v4 =	vld [tilespmem:s4+$0x0];
	_ =	sdelay $0x1  }
0xfd: {  	s25 =	simm.s32 $0x10  }
0xfe: {  	s7 =	sand.u32 $0x180, s25  }
0xff: {  	s7 =	sadd.s32 s7, s13;
	s5 =	sand.u32 $0x70, s25;
	s4 =	simm.s32 $0x2000  }
0x100: {  	s5 =	sadd.s32 s5, s7;
	[tilespmem:s4+$0x0] =	vst v4  }
0x101: {  	s17 =	simm.s32 $0x20;
	v4 =	vld [tilespmem:s5+$0x0]  }
.LBB2_14:
0x102: {  	p1 =	sne.s32 s17, $0x1F0  }
.Ltmp10:
0x103: {  	_ = 	snop;
	(pc) =	sbr.rel @p1 .LBB2_14-.Ltmp10, $4  }
0x104: {  	s5 =	sand.u32 $0x180, s17;
	s7 =	smov.u32 s17  }
0x105: {  	s4 =	sadd.s32 $0x10, s4;
	s7 =	sand.u32 $0x70, s7;
	s5 =	sadd.s32 s5, s13  }
0x106: {  	s5 =	sadd.s32 s7, s5;
	[tilespmem:s4+$0x0] =	vst v4  }
0x107: {  	s17 =	sadd.s32 $0x10, s17;
	v4 =	vld [tilespmem:s5+$0x0]  }
0x108: {  	p1 =	seq.s32 s20, $0x8  }
.Ltmp11:
0x109: {  	_ = 	snop;
	(pc) =	sbr.rel @!p1 .LBB2_3-.Ltmp11, $3  }
0x10a: {  	_ =	sdelay $0x1  }
0x10b: {  	s4 =	sadd.s32 $0x10, s4  }
0x10c: {  	s18 =	ssub.s32 s21, s11;
	s21 =	smov.u32 s20;
	[tilespmem:s4+$0x0] =	vst v4  }
0x10d: {  	[tilespmem:s18+$0x2000] =	vst v1  }
0x10e: {  	[tilespmem:s18+$0x2010] =	vst v1  }
0x10f: {  	[tilespmem:s18+$0x2020] =	vst v1  }
0x110: {  	[tilespmem:s18+$0x2030] =	vst v1  }
0x111: {  	[tilespmem:s18+$0x2040] =	vst v1  }
0x112: {  	[tilespmem:s18+$0x2050] =	vst v1  }
0x113: {  	[tilespmem:s18+$0x2060] =	vst v1  }
0x114: {  	[tilespmem:s18+$0x2070] =	vst v1  }
0x115: {  	[tilespmem:s18+$0x2080] =	vst v1  }
0x116: {  	[tilespmem:s18+$0x2090] =	vst v1  }
0x117: {  	[tilespmem:s18+$0x20A0] =	vst v1  }
0x118: {  	[tilespmem:s18+$0x20B0] =	vst v1  }
0x119: {  	[tilespmem:s18+$0x20C0] =	vst v1  }
0x11a: {  	[tilespmem:s18+$0x20D0] =	vst v1  }
0x11b: {  	[tilespmem:s18+$0x20E0] =	vst v1  }
0x11c: {  	[tilespmem:s18+$0x20F0] =	vst v1  }
0x11d: {  	[tilespmem:s18+$0x2100] =	vst v1  }
0x11e: {  	[tilespmem:s18+$0x2110] =	vst v1  }
0x11f: {  	[tilespmem:s18+$0x2120] =	vst v1  }
0x120: {  	[tilespmem:s18+$0x2130] =	vst v1;
	s4 =	sadd.s32 $0x1FF, s18  }
0x121: {  	[tilespmem:s18+$0x2140] =	vst v1;
	s5 =	sand.u32 $0x1FF, s4  }
0x122: {  	[tilespmem:s18+$0x2150] =	vst v1;
	s25 =	sshra.s32 s4, $0x1F;
	p2 =	slt.s32 s4, $0x1;
	p1 =	sne.s32 s5, $0x0  }
0x123: {  	[tilespmem:s18+$0x2160] =	vst v1;
	s5 =	sshrl.u32 s25, $0x17;
	p1 =	por !p2, !p1  }
0x124: {  	[tilespmem:s18+$0x2170] =	vst v1;
	s4 =	sadd.s32 s5, s4;
	s5 =	simm.s32 $0x1;
	p1 =	por !p1, !p1  }
0x125: {  	[tilespmem:s18+$0x2180] =	vst v1;
	s4 =	sshra.s32 s4, $0x9;
	s5 =	simm.s32 @!p1 $0x0  }
0x126: {  	[tilespmem:s18+$0x2190] =	vst v1;
	s20 =	ssub.s32 s4, s5  }
0x127: {  	[tilespmem:s18+$0x21A0] =	vst v1;
	p1 =	sgt.s32 s20, $0x0  }
.Ltmp12:
0x128: {  	[tilespmem:s18+$0x21B0] =	vst v1;
	(pc) =	sbr.rel @!p1 .LBB2_22-.Ltmp12, $4  }
0x129: {  	[tilespmem:s18+$0x21C0] =	vst v1  }
0x12a: {  	[tilespmem:s18+$0x21D0] =	vst v1  }
0x12b: {  	[tilespmem:s18+$0x21E0] =	vst v1  }
0x12c: {  	[tilespmem:s18+$0x21F0] =	vst v1;
	s11 =	simm.s32 $0x0;
	s13 =	simm.s32 $0x0  }
.LBB2_17:
0x12d: {  	s4 =	sshll.u32 s13, $0xB  }
0x12e: {  	s4 =	sshra.s32 s4, $0x2  }
0x12f: {  	s21 =	sand.u32 $0x80, s11;
	s17 =	sadd.s32 $0x2000, s4  }
0x130: {  	s5 =	sand.u32 $0x70, s11;
	s4 =	sadd.s32 s21, s17  }
0x131: {  	s4 =	sadd.s32 s5, s4  }
0x132: {  	v2 =	vld [tilespmem:s4+$0x0];
	_ =	sdelay $0x3  }
0x133: {  	s25 =	simm.s32 $0x10  }
0x134: {  	s19 =	simm.s32 $0x3280;
	s18 =	simm.s32 $0x3480;
	s7 =	sand.u32 $0x80, s25;
	v3 =	vshra.s32 v2, $0xE  }
0x135: {  	s7 =	sadd.s32 s7, s17;
	s5 =	sand.u32 $0x70, s25;
	s4 =	simm.s32 $0x20;
	v2 =	vand.u32 $0x3FFF, v2;
	[tilespmem:s19+$0x0] =	vst v3  }
.LBB2_18:
0x136: {  	p1 =	sne.s32 s4, $0xF0;
	s5 =	sadd.s32 s5, s7;
	[tilespmem:s18+$0x0] =	vst v2  }
0x137: {  	v2 =	vld [tilespmem:s5+$0x0];
	_ =	sdelay $0x1  }
.Ltmp13:
0x138: {  	(pc) =	sbr.rel @p1 .LBB2_18-.Ltmp13, $3  }
0x139: {  	_ =	sdelay $0x1  }
0x13a: {  	s7 =	sand.u32 $0x80, s4;
	s19 =	sadd.s32 $0x10, s19;
	s18 =	sadd.s32 $0x10, s18;
	v3 =	vshra.s32 v2, $0xE;
	v2 =	vand.u32 $0x3FFF, v2  }
0x13b: {  	s5 =	sand.u32 $0x70, s4;
	s7 =	sadd.s32 s7, s17;
	s4 =	sadd.s32 $0x10, s4;
	[tilespmem:s19+$0x0] =	vst v3  }
0x13c: {  	s4 =	sadd.s32 s5, s7;
	[tilespmem:s18+$0x0] =	vst v2  }
0x13d: {  	v2 =	vld [tilespmem:s4+$0x0];
	_ =	sdelay $0x3  }
0x13e: {  	s7 =	sadd.s32 $0x10, s18;
	s18 =	simm.s32 $0x0  }
0x13f: {  	s5 =	sadd.s32 $0x10, s19;
	s19 =	sand.u32 $0x80, s18;
	v3 =	vshra.s32 v2, $0xE  }
0x140: {  	s4 =	sand.u32 $0x70, s18;
	v2 =	vand.u32 $0x3FFF, v2;
	[tilespmem:s5+$0x0] =	vst v3;
	s5 =	sadd.s32 s19, s17  }
0x141: {  	[tilespmem:s7+$0x0] =	vst v2;
	s4 =	sadd.s32 s4, s5  }
0x142: {  	[tilespmem:s23], [sflag:$0x3] =	stream.indirect.gather [hbm4b:s1+s3], $0x80, s22, s3, $0xb8;
	[tilespmem:$0x1FA80] =	vst v63  }
0x143: {  	v2 =	vld [tilespmem:s4+$0x100];
	_ =	sdelay $0x3  }
0x144: {  	s21 =	simm.s32 $0x10  }
0x145: {  	s18 =	simm.s32 $0x3580;
	s25 =	sand.u32 $0x80, s21;
	s19 =	simm.s32 $0x3380;
	v3 =	vshra.s32 v2, $0xE  }
0x146: {  	s5 =	sand.u32 $0x70, s21;
	s7 =	sadd.s32 s25, s17;
	s4 =	simm.s32 $0x20;
	v2 =	vand.u32 $0x3FFF, v2;
	[tilespmem:s19+$0x0] =	vst v3  }
.LBB2_20:
0x147: {  	p1 =	sne.s32 s4, $0xF0;
	s5 =	sadd.s32 s5, s7;
	[tilespmem:s18+$0x0] =	vst v2  }
0x148: {  	v2 =	vld [tilespmem:s5+$0x100];
	_ =	sdelay $0x1  }
.Ltmp14:
0x149: {  	(pc) =	sbr.rel @p1 .LBB2_20-.Ltmp14, $3  }
0x14a: {  	_ =	sdelay $0x1  }
0x14b: {  	s7 =	sand.u32 $0x80, s4;
	s19 =	sadd.s32 $0x10, s19;
	s18 =	sadd.s32 $0x10, s18;
	v3 =	vshra.s32 v2, $0xE;
	v2 =	vand.u32 $0x3FFF, v2  }
0x14c: {  	s5 =	sand.u32 $0x70, s4;
	s7 =	sadd.s32 s7, s17;
	s4 =	sadd.s32 $0x10, s4;
	[tilespmem:s19+$0x0] =	vst v3  }
0x14d: {  	s4 =	sadd.s32 s5, s7;
	[tilespmem:s18+$0x0] =	vst v2  }
0x14e: {  	v2 =	vld [tilespmem:s4+$0x100];
	_ =	sdelay $0x4  }
0x14f: {  	s21 =	sadd.s32 $0x10, s19;
	v3 =	vshra.s32 v2, $0xE  }
0x150: {  	s25 =	sadd.s32 $0x10, s18;
	v2 =	vand.u32 $0x3FFF, v2;
	[tilespmem:s21+$0x0] =	vst v3  }
0x151: {  	[tilespmem:s25+$0x0] =	vst v2  }
0x152: {  	[tilespmem:s28], [sflag:$0x4] =	stream.indirect.gather [hbm4b:s1+s3], $0x80, s26, s3, $0xb8;
	[tilespmem:$0x1FA80] =	vst v63  }
0x153: {  	_ =	swait.ge [sflag:s29], $0x8000  }
0x154: {  	[sflag:s29] =	ssyncset.done $0x0  }
0x155: {  	[sflag:s29] =	ssyncadd.s32 $0xFFFF8000  }
0x156: {  	[spmem:s2] =	stream.indirect.scatter.add.f32 [tilespmem:s23], [sflag:$0x5], $0x80, s14, s3, $0xb8;
	[tilespmem:$0x1FA80] =	vst v63  }
0x157: {  	_ =	swait.ge [sflag:s24], $0x8000  }
0x158: {  	[sflag:s24] =	ssyncset.done $0x0  }
0x159: {  	[sflag:s24] =	ssyncadd.s32 $0xFFFF8000  }
0x15a: {  	_ =	swait.ge [sflag:s15], $0x8000  }
0x15b: {  	s13 =	sadd.s32 $0x1, s13;
	[sflag:s15] =	ssyncset.done $0x0  }
0x15c: {  	p1 =	sne.s32 s13, s20;
	[sflag:s15] =	ssyncadd.s32 $0xFFFF8000  }
0x15d: {  	[spmem:s2] =	stream.indirect.scatter.add.f32 [tilespmem:s28], [sflag:$0x5], $0x80, s16, s3, $0xb8;
	[tilespmem:$0x1FA80] =	vst v63  }
.Ltmp15:
0x15e: {  	_ = 	snop;
	(pc) =	sbr.rel @p1 .LBB2_17-.Ltmp15, $4  }
.Ltmp16:
0x15f: {  	_ = 	snop;
	(pc) =	sbr.rel @!p1 .LBB2_22-.Ltmp16, $4  }
0x160: {  	_ =	swait.ge [sflag:s24], $0x8000  }
0x161: {  	[sflag:s24] =	ssyncset.done $0x0  }
0x162: {  	[sflag:s24] =	ssyncadd.s32 $0xFFFF8000  }
0x163: {  	_ = 	snop  }
.LBB2_23:
.Ltmp17:
0x164: {  	(pc) =	sbr.rel .LBB2_24-.Ltmp17, $3  }
0x165: {  	_ =	sdelay $0x1  }
0x166: {  	[smem:$0x7F8] =	sst s11  }
0x167: {  	s17 =	simm.s32 $0x0;
	[smem:$0x7F9] =	sst s5  }
.LBB2_44:
0x168: {  	s4 =	sld [smem:$0x7F6];
	_ =	sdelay $0x2  }
0x169: {  	s4 =	smul.u32 @p0 $0xC3800, s4  }
0x16a: {  	s7 =	rddreg [dreg:$0xa];
	[bflag:$0x0] =	sbarrier.arrive $0xFFFF  }
0x16b: {  	s11 =	sld [smem:$0x7F8];
	s4 =	sshrl.u32 @p0 s4, $0x3  }
0x16c: {  	s4 =	sadd.s32 @p0 s7, s4  }
0x16d: {  	s18 =	rddreg [dreg:$0x10];
	s4 =	sadd.s32 @p0 $0x16F80, s4  }
0x16e: {  	[hbm:s4], [sflag:s18] =	dma.local @p0 [spmem:s11], $0x1780  }
0x16f: {  	s4 =	simm.s32 @p0 $0x5  }
0x170: {  	_ =	swait.ge @p0 [sflag:s4], $0x1780  }
0x171: {  	s13 =	sld [smem:$0x7F7];
	_ =	sdelay $0x1  }
0x172: {  	s5 =	rddreg [dreg:$0x1b]  }
0x173: {  	s5 =	sadd.s32 @!p0 s5, s13  }
0x174: {  	[sflag:s4] =	ssyncset.done @p0 $0x0;
	s5 =	sshll.u32 @!p0 s5, $0x4  }
0x175: {  	[sflag:s4] =	ssyncadd.s32 @p0 $0xFFFFE880;
	s4 =	sadd.s32 @!p0 s7, s5;
	s5 =	sld [smem:$0x7F9]  }
0x176: {  	_ =	sdelay $0x1  }
0x177: {  	[hbm:s4], [sflag:s18] =	dma.local @!p0 [spmem:s5], $0x1880  }
0x178: {  	s4 =	simm.s32 @!p0 $0x5  }
0x179: {  	_ =	swait.ge @!p0 [sflag:s4], $0x1880  }
0x17a: {  	s17 =	sld [smem:$0x7F5];
	_ =	sdelay $0x2  }
0x17b: {  	s17 =	sadd.s32 $0x1, s17  }
0x17c: {  	p1 =	sne.s32 s17, $0x8  }
.Ltmp18:
0x17d: {  	_ = 	snop;
	(pc) =	sbr.rel @!p1 .LBB2_45-.Ltmp18, $4  }
0x17e: {  	[sflag:s4] =	ssyncset.done @!p0 $0x0  }
0x17f: {  	[sflag:s4] =	ssyncadd.s32 @!p0 $0xFFFFE780  }
0x180: {  	[bflag:$0x0] =	sbarrier.arrive $0xFFFF  }
0x181: {  	s13 =	simm.s32 $0x0;
	s7 =	simm.s32 $0x0  }
.LBB2_24:
0x182: {  	s5 =	sld [smem:$0x7FA];
	_ =	sdelay $0x1  }
0x183: {  	s4 =	rddreg [dreg:$0x8]  }
0x184: {  	[spmem:s5], [sflag:s18] =	dma.local [hbm:s4], $0x1880  }
0x185: {  	_ =	swait.ge [sflag:s24], $0x1880  }
0x186: {  	[sflag:s24] =	ssyncset.done $0x0  }
0x187: {  	[sflag:s24] =	ssyncadd.s32 $0xFFFFE780  }
0x188: {  	[bflag:$0x0] =	sbarrier.arrive $0xFFFF  }
0x189: {  	s25 =	rddreg [dreg:$0x13]  }
0x18a: {  	s5 =	rddreg [dreg:$0x15]  }
0x18b: {  	s13 =	rddreg [dreg:$0xd]  }
0x18c: {  	[tilespmem:s7], [sflag:$0x1] =	stream.linear.gather [hbm4b:s25+s7], $0x800, $0x38;
	[tilespmem:$0x1FA80] =	vst v63  }
0x18d: {  	s11 =	simm.s32 $0x800;
	[smem:$0x7F5] =	sst s17  }
0x18e: {  	[tilespmem:s11], [sflag:$0x1] =	stream.linear.gather [hbm4b:s5+s7], $0x800, $0x38;
	[tilespmem:$0x1FA80] =	vst v63  }
0x18f: {  	s18 =	rddreg [dreg:$0x16];
	s11 =	sadd.s32 s13, s17  }
0x190: {  	s19 =	simm.s32 $0x1000;
	[smem:$0x7F6] =	sst s11;
	s11 =	smul.u32 $0x1870, s11  }
0x191: {  	[tilespmem:s19], [sflag:$0x2] =	stream.linear.gather [hbm4b:s18+s7], $0x800, $0x38;
	[tilespmem:$0x1FA80] =	vst v63  }
0x192: {  	s21 =	simm.s32 $0x1800;
	s20 =	rddreg [dreg:$0x17];
	s18 =	simm.s32 $0x0  }
0x193: {  	s25 =	sadd.s32 $0x1870, s11;
	[smem:$0x7F7] =	sst s11;
	v2 =	vmov s11;
	s11 =	simm.s32 $0x0  }
0x194: {  	[tilespmem:s21], [sflag:$0x2] =	stream.linear.gather [hbm4b:s20+s7], $0x800, $0x38;
	v3 =	vmov s25;
	[tilespmem:$0x1FA80] =	vst v63  }
.LBB2_25:
0x195: {  	_ =	swait.ge [sflag:s30], $0x800  }
0x196: {  	[sflag:s30] =	ssyncset.done $0x0  }
0x197: {  	[sflag:s30] =	ssyncadd.s32 $0xFFFFF800  }
0x198: {  	_ =	swait.ge [sflag:s30], $0x800  }
0x199: {  	[sflag:s30] =	ssyncset.done $0x0  }
0x19a: {  	s4 =	simm.s32 $0x0;
	[sflag:s30] =	ssyncadd.s32 $0xFFFFF800  }
0x19b: {  	v4 =	vld [tilespmem:s4+$0x800];
	_ =	sdelay $0x4  }
0x19c: {  	vm0 =	vge.s32 v4, v2;
	vm1 =	vlt.s32 v4, v3  }
0x19d: {  	vm0 =	vmand vm0, vm1  }
0x19e: {  	v5 =	vmpcnt.ones.xlane vm0  }
0x19f: {  	(xrf0) =	vadd.scan.msk.s32 vm0, v0  }
0x1a0: {  	(v2sf) =	vpush v5, $0x0;
	_ =	sdelay $0x3  }
0x1a1: {  	v5 =	vld [tilespmem:s4+$0x0]  }
0x1a2: {  	s25 =	sadd.s32 $0xFFFFFFFF, s11;
	v6, _, _ =	vpop (xrf0)  }
0x1a3: {  	v6 =	vadd.s32 s25, v6;
	_ =	sdelay $0x2  }
0x1a4: {  	v4 =	vsub.s32 v4, v2;
	v5 =	vshll.u32 v5, $0xE  }
0x1a5: {  	v4 =	vadd.s32 v5, v4  }
0x1a6: {  	s17 =	simm.s32 $0x10;
	[tilespmem:v6+s31+$0x0] =	vst.idx.msk vm0, v4  }
0x1a7: {  	v4 =	vld [tilespmem:s17+$0x800];
	_ =	sdelay $0x2  }
0x1a8: {  	s13 =	simm.s32 $0x80;
	s4 =	spop (v2sf)  }
.LBB2_26:
0x1a9: {  	p1 =	sne.s32 s13, $0x1FC0  }
0x1aa: {  	vm0 =	vge.s32 v4, v2;
	vm1 =	vlt.s32 v4, v3;
	s11 =	sadd.s32 s11, s4;
	s4 =	smov.u32 s13;
	s13 =	sadd.s32 $0x40, s13  }
0x1ab: {  	vm0 =	vmand vm0, vm1  }
0x1ac: {  	v5 =	vmpcnt.ones.xlane vm0;
	(xrf0) =	vadd.scan.msk.s32 vm0, v0;
	_ =	sdelay $0x1  }
0x1ad: {  	(v2sf) =	vpush v5, $0x0;
	_ =	sdelay $0x2  }
0x1ae: {  	v5 =	vld [tilespmem:s17+$0x0]  }
0x1af: {  	s5 =	sadd.s32 $0xFFFFFFFF, s11;
	v6, _, _ =	vpop (xrf0)  }
0x1b0: {  	v6 =	vadd.s32 s5, v6;
	_ =	sdelay $0x2  }
0x1b1: {  	v4 =	vsub.s32 v4, v2;
	v5 =	vshll.u32 v5, $0xE  }
0x1b2: {  	v4 =	vadd.s32 v5, v4  }
0x1b3: {  	s17 =	sshra.s32 s4, $0x2;
	[tilespmem:v6+s31+$0x0] =	vst.idx.msk vm0, v4  }
.Ltmp19:
0x1b4: {  	v4 =	vld [tilespmem:s17+$0x800];
	(pc) =	sbr.rel @p1 .LBB2_26-.Ltmp19, $2  }
0x1b5: {  	_ =	sdelay $0x2  }
0x1b6: {  	s4 =	spop (v2sf)  }
0x1b7: {  	vm0 =	vge.s32 v4, v2;
	vm1 =	vlt.s32 v4, v3  }
0x1b8: {  	vm0 =	vmand vm0, vm1  }
0x1b9: {  	v5 =	vmpcnt.ones.xlane vm0;
	_ =	sdelay $0x1  }
0x1ba: {  	(v2sf) =	vpush v5, $0x0;
	_ =	sdelay $0x2  }
0x1bb: {  	(xrf0) =	vadd.scan.msk.s32 vm0, v0;
	_ =	sdelay $0x4  }
0x1bc: {  	s4 =	sadd.s32 s11, s4;
	v5 =	vld [tilespmem:s17+$0x0]  }
0x1bd: {  	s5 =	sadd.s32 $0xFFFFFFFF, s4;
	v6, _, _ =	vpop (xrf0)  }
0x1be: {  	v6 =	vadd.s32 s5, v6;
	_ =	sdelay $0x2  }
0x1bf: {  	v4 =	vsub.s32 v4, v2;
	v5 =	vshll.u32 v5, $0xE  }
0x1c0: {  	v4 =	vadd.s32 v5, v4  }
0x1c1: {  	[tilespmem:v6+s31+$0x0] =	vst.idx.msk vm0, v4;
	s25 =	spop (v2sf)  }
0x1c2: {  	_ =	swait.ge [sflag:s0], $0x800  }
0x1c3: {  	[sflag:s0] =	ssyncset.done $0x0  }
0x1c4: {  	[sflag:s0] =	ssyncadd.s32 $0xFFFFF800  }
0x1c5: {  	_ =	swait.ge [sflag:s0], $0x800  }
0x1c6: {  	[sflag:s0] =	ssyncset.done $0x0  }
0x1c7: {  	s7 =	simm.s32 $0x0;
	[sflag:s0] =	ssyncadd.s32 $0xFFFFF800  }
0x1c8: {  	v4 =	vld [tilespmem:s7+$0x1800];
	_ =	sdelay $0x4  }
0x1c9: {  	vm14 =	vge.s32 v4, v2;
	vm15 =	vlt.s32 v4, v3  }
0x1ca: {  	vm0 =	vmand vm14, vm15  }
0x1cb: {  	v5 =	vmpcnt.ones.xlane vm0  }
0x1cc: {  	(xrf0) =	vadd.scan.msk.s32 vm0, v0  }
0x1cd: {  	(v2sf) =	vpush v5, $0x0;
	_ =	sdelay $0x3  }
0x1ce: {  	s11 =	sadd.s32 s4, s25;
	v5 =	vld [tilespmem:s7+$0x1000]  }
0x1cf: {  	s4 =	sadd.s32 $0xFFFFFFFF, s11;
	v6, _, _ =	vpop (xrf0)  }
0x1d0: {  	v6 =	vadd.s32 s4, v6;
	_ =	sdelay $0x2  }
0x1d1: {  	v4 =	vsub.s32 v4, v2;
	v5 =	vshll.u32 v5, $0xE  }
0x1d2: {  	v4 =	vadd.s32 v5, v4  }
0x1d3: {  	s17 =	simm.s32 $0x10;
	[tilespmem:v6+s31+$0x0] =	vst.idx.msk vm0, v4  }
0x1d4: {  	v4 =	vld [tilespmem:s17+$0x1800];
	_ =	sdelay $0x2  }
0x1d5: {  	s13 =	simm.s32 $0x80;
	s4 =	spop (v2sf)  }
.LBB2_28:
0x1d6: {  	p1 =	sne.s32 s13, $0x1FC0  }
0x1d7: {  	vm0 =	vge.s32 v4, v2;
	vm1 =	vlt.s32 v4, v3;
	s11 =	sadd.s32 s11, s4;
	s4 =	smov.u32 s13;
	s13 =	sadd.s32 $0x40, s13  }
0x1d8: {  	vm0 =	vmand vm0, vm1  }
0x1d9: {  	v5 =	vmpcnt.ones.xlane vm0;
	(xrf0) =	vadd.scan.msk.s32 vm0, v0;
	_ =	sdelay $0x1  }
0x1da: {  	(v2sf) =	vpush v5, $0x0;
	_ =	sdelay $0x2  }
0x1db: {  	v5 =	vld [tilespmem:s17+$0x1000]  }
0x1dc: {  	s5 =	sadd.s32 $0xFFFFFFFF, s11;
	v6, _, _ =	vpop (xrf0)  }
0x1dd: {  	v6 =	vadd.s32 s5, v6;
	_ =	sdelay $0x2  }
0x1de: {  	v4 =	vsub.s32 v4, v2;
	v5 =	vshll.u32 v5, $0xE  }
0x1df: {  	v4 =	vadd.s32 v5, v4  }
0x1e0: {  	s17 =	sshra.s32 s4, $0x2;
	[tilespmem:v6+s31+$0x0] =	vst.idx.msk vm0, v4  }
.Ltmp20:
0x1e1: {  	v4 =	vld [tilespmem:s17+$0x1800];
	(pc) =	sbr.rel @p1 .LBB2_28-.Ltmp20, $2  }
0x1e2: {  	_ =	sdelay $0x2  }
0x1e3: {  	s4 =	spop (v2sf)  }
0x1e4: {  	vm0 =	vge.s32 v4, v2;
	vm1 =	vlt.s32 v4, v3  }
0x1e5: {  	vm0 =	vmand vm0, vm1  }
0x1e6: {  	(xrf0) =	vadd.scan.msk.s32 vm0, v0  }
0x1e7: {  	v5 =	vmpcnt.ones.xlane vm0;
	_ =	sdelay $0x1  }
0x1e8: {  	(v2sf) =	vpush v5, $0x0;
	_ =	sdelay $0x1  }
0x1e9: {  	s4 =	sadd.s32 s11, s4;
	v5 =	vld [tilespmem:s17+$0x1000]  }
0x1ea: {  	s5 =	sadd.s32 $0xFFFFFFFF, s4;
	v6, _, _ =	vpop (xrf0)  }
0x1eb: {  	v6 =	vadd.s32 s5, v6  }
0x1ec: {  	s20 =	sadd.s32 $0x1, s18;
	p1 =	seq.s32 s18, $0x2  }
0x1ed: {  	s7 =	rddreg [dreg:$0xe];
	s5 =	sshll.u32 @!p1 s20, $0xC  }
0x1ee: {  	v4 =	vsub.s32 v4, v2;
	v5 =	vshll.u32 v5, $0xE;
	s5 =	sadd.s32 @!p1 s7, s5  }
0x1ef: {  	s17 =	rddreg [dreg:$0x7];
	v4 =	vadd.s32 v5, v4;
	s5 =	sshrl.u32 @!p1 s5, $0x3  }
0x1f0: {  	s11 =	simm.s32 @!p1 $0x0;
	s7 =	sadd.s32 @!p1 s17, s5;
	[tilespmem:v6+s31+$0x0] =	vst.idx.msk vm0, v4  }
0x1f1: {  	[tilespmem:s11], [sflag:$0x1] =	stream.linear.gather @!p1 [hbm4b:s7+s11], $0x800, $0x38;
	[tilespmem:$0x1FA80] =	vst v63  }
0x1f2: {  	s13 =	simm.s32 @!p1 $0x800;
	s7 =	sadd.s32 @!p1 s8, s5;
	s5 =	sor.u32 @!p1 $0x100, s5  }
0x1f3: {  	[tilespmem:s13], [sflag:$0x1] =	stream.linear.gather @!p1 [hbm4b:s7+s11], $0x800, $0x38;
	[tilespmem:$0x1FA80] =	vst v63  }
0x1f4: {  	s7 =	sadd.s32 @!p1 s17, s5;
	s13 =	simm.s32 @!p1 $0x1000  }
0x1f5: {  	[tilespmem:s13], [sflag:$0x2] =	stream.linear.gather @!p1 [hbm4b:s7+s11], $0x800, $0x38;
	[tilespmem:$0x1FA80] =	vst v63  }
0x1f6: {  	s18 =	spop (v2sf)  }
0x1f7: {  	s18 =	sadd.s32 s4, s18;
	s4 =	sadd.s32 @!p1 s8, s5;
	s5 =	simm.s32 @!p1 $0x1800  }
0x1f8: {  	[tilespmem:s5], [sflag:$0x2] =	stream.linear.gather @!p1 [hbm4b:s4+s11], $0x800, $0x38;
	[tilespmem:$0x1FA80] =	vst v63  }
0x1f9: {  	s19 =	sand.u32 $0x1FF, s18  }
0x1fa: {  	s21 =	sshra.s32 s18, $0x1F;
	p6 =	slt.s32 s18, $0x1;
	p2 =	sne.s32 s19, $0x0  }
0x1fb: {  	s25 =	sshrl.u32 s21, $0x17;
	p1 =	por !p6, !p2  }
0x1fc: {  	s5 =	simm.s32 $0x1;
	s4 =	sadd.s32 s25, s18;
	p1 =	por !p1, !p1  }
0x1fd: {  	s4 =	sshra.s32 s4, $0x9;
	s5 =	simm.s32 @!p1 $0x0  }
0x1fe: {  	s11 =	ssub.s32 s4, s5  }
0x1ff: {  	p1 =	slt.s32 s11, $0x1  }
.Ltmp21:
0x200: {  	_ = 	snop;
	(pc) =	sbr.rel @p1 .LBB2_35-.Ltmp21, $2  }
0x201: {  	_ =	sdelay $0x2  }
0x202: {  	s13 =	simm.s32 $0x0;
	s21 =	simm.s32 $0x0  }
.LBB2_30:
0x203: {  	s4 =	sshll.u32 s21, $0xB  }
0x204: {  	s4 =	sshra.s32 s4, $0x2  }
0x205: {  	s25 =	sand.u32 $0x80, s13;
	s17 =	sadd.s32 $0x2000, s4  }
0x206: {  	s5 =	sand.u32 $0x70, s13;
	s4 =	sadd.s32 s25, s17  }
0x207: {  	s4 =	sadd.s32 s5, s4  }
0x208: {  	v4 =	vld [tilespmem:s4+$0x0];
	_ =	sdelay $0x3  }
0x209: {  	s5 =	simm.s32 $0x10  }
0x20a: {  	s19 =	simm.s32 $0x3480;
	s25 =	simm.s32 $0x3280;
	s7 =	sand.u32 $0x80, s5;
	v5 =	vshra.s32 v4, $0xE  }
0x20b: {  	s5 =	sand.u32 $0x70, s5;
	s4 =	simm.s32 $0x20;
	s7 =	sadd.s32 s7, s17;
	v4 =	vand.u32 $0x3FFF, v4;
	[tilespmem:s25+$0x0] =	vst v5  }
.LBB2_31:
0x20c: {  	p1 =	sne.s32 s4, $0xF0;
	s5 =	sadd.s32 s5, s7;
	[tilespmem:s19+$0x0] =	vst v4  }
0x20d: {  	v4 =	vld [tilespmem:s5+$0x0];
	_ =	sdelay $0x1  }
.Ltmp22:
0x20e: {  	(pc) =	sbr.rel @p1 .LBB2_31-.Ltmp22, $3  }
0x20f: {  	_ =	sdelay $0x1  }
0x210: {  	s7 =	sand.u32 $0x80, s4;
	s25 =	sadd.s32 $0x10, s25;
	s19 =	sadd.s32 $0x10, s19;
	v5 =	vshra.s32 v4, $0xE;
	v4 =	vand.u32 $0x3FFF, v4  }
0x211: {  	s5 =	sand.u32 $0x70, s4;
	s7 =	sadd.s32 s7, s17;
	s4 =	sadd.s32 $0x10, s4;
	[tilespmem:s25+$0x0] =	vst v5  }
0x212: {  	s4 =	sadd.s32 s5, s7;
	[tilespmem:s19+$0x0] =	vst v4  }
0x213: {  	v4 =	vld [tilespmem:s4+$0x0];
	_ =	sdelay $0x3  }
0x214: {  	s7 =	sadd.s32 $0x10, s19;
	s19 =	simm.s32 $0x0  }
0x215: {  	s5 =	sadd.s32 $0x10, s25;
	s25 =	sand.u32 $0x80, s19;
	v5 =	vshra.s32 v4, $0xE  }
0x216: {  	s4 =	sand.u32 $0x70, s19;
	v4 =	vand.u32 $0x3FFF, v4;
	[tilespmem:s5+$0x0] =	vst v5;
	s5 =	sadd.s32 s25, s17  }
0x217: {  	[tilespmem:s7+$0x0] =	vst v4;
	s4 =	sadd.s32 s4, s5  }
0x218: {  	[tilespmem:s23], [sflag:$0x3] =	stream.indirect.gather [hbm4b:s6+s3], $0x80, s22, s3, $0xb8;
	[tilespmem:$0x1FA80] =	vst v63  }
0x219: {  	v4 =	vld [tilespmem:s4+$0x100];
	_ =	sdelay $0x3  }
0x21a: {  	s5 =	simm.s32 $0x10  }
0x21b: {  	s19 =	simm.s32 $0x3580;
	s25 =	simm.s32 $0x3380;
	s7 =	sand.u32 $0x80, s5;
	v5 =	vshra.s32 v4, $0xE  }
0x21c: {  	s5 =	sand.u32 $0x70, s5;
	s7 =	sadd.s32 s7, s17;
	s4 =	simm.s32 $0x20;
	v4 =	vand.u32 $0x3FFF, v4;
	[tilespmem:s25+$0x0] =	vst v5  }
.LBB2_33:
0x21d: {  	p1 =	sne.s32 s4, $0xF0;
	s5 =	sadd.s32 s5, s7;
	[tilespmem:s19+$0x0] =	vst v4  }
0x21e: {  	v4 =	vld [tilespmem:s5+$0x100];
	_ =	sdelay $0x1  }
.Ltmp23:
0x21f: {  	(pc) =	sbr.rel @p1 .LBB2_33-.Ltmp23, $3  }
0x220: {  	_ =	sdelay $0x1  }
0x221: {  	s7 =	sand.u32 $0x80, s4;
	s25 =	sadd.s32 $0x10, s25;
	s19 =	sadd.s32 $0x10, s19;
	v5 =	vshra.s32 v4, $0xE;
	v4 =	vand.u32 $0x3FFF, v4  }
0x222: {  	s5 =	sand.u32 $0x70, s4;
	s7 =	sadd.s32 s7, s17;
	s4 =	sadd.s32 $0x10, s4;
	[tilespmem:s25+$0x0] =	vst v5  }
0x223: {  	s4 =	sadd.s32 s5, s7;
	[tilespmem:s19+$0x0] =	vst v4  }
0x224: {  	v4 =	vld [tilespmem:s4+$0x100];
	_ =	sdelay $0x4  }
0x225: {  	s17 =	sadd.s32 $0x10, s25;
	v5 =	vshra.s32 v4, $0xE  }
0x226: {  	s25 =	sadd.s32 $0x10, s19;
	v4 =	vand.u32 $0x3FFF, v4;
	[tilespmem:s17+$0x0] =	vst v5  }
0x227: {  	[tilespmem:s25+$0x0] =	vst v4  }
0x228: {  	[tilespmem:s28], [sflag:$0x4] =	stream.indirect.gather [hbm4b:s6+s3], $0x80, s26, s3, $0xb8;
	[tilespmem:$0x1FA80] =	vst v63  }
0x229: {  	_ =	swait.ge [sflag:s29], $0x8000  }
0x22a: {  	[sflag:s29] =	ssyncset.done $0x0  }
0x22b: {  	[sflag:s29] =	ssyncadd.s32 $0xFFFF8000  }
0x22c: {  	[spmem:s2] =	stream.indirect.scatter.add.f32 [tilespmem:s23], [sflag:$0x5], $0x80, s14, s3, $0xb8;
	[tilespmem:$0x1FA80] =	vst v63  }
0x22d: {  	_ =	swait.ge [sflag:s24], $0x8000  }
0x22e: {  	[sflag:s24] =	ssyncset.done $0x0  }
0x22f: {  	[sflag:s24] =	ssyncadd.s32 $0xFFFF8000  }
0x230: {  	s21 =	sadd.s32 $0x1, s21;
	_ =	swait.ge [sflag:s15], $0x8000  }
0x231: {  	p1 =	sne.s32 s21, s11;
	[sflag:s15] =	ssyncset.done $0x0  }
.Ltmp24:
0x232: {  	[sflag:s15] =	ssyncadd.s32 $0xFFFF8000;
	(pc) =	sbr.rel @p1 .LBB2_30-.Ltmp24, $4  }
0x233: {  	[spmem:s2] =	stream.indirect.scatter.add.f32 [tilespmem:s28], [sflag:$0x5], $0x80, s16, s3, $0xb8;
	[tilespmem:$0x1FA80] =	vst v63  }
0x234: {  	_ =	swait.ge [sflag:s24], $0x8000  }
0x235: {  	[sflag:s24] =	ssyncset.done $0x0  }
0x236: {  	[sflag:s24] =	ssyncadd.s32 $0xFFFF8000  }
.LBB2_35:
0x237: {  	s11 =	sshll.u32 s11, $0x9;
	s4 =	simm.s32 $0x0  }
0x238: {  	s13 =	sadd.s32 $0x2000, s11;
	s5 =	sand.u32 $0x180, s4  }
0x239: {  	s4 =	sand.u32 $0x70, s4;
	s5 =	sadd.s32 s5, s13  }
0x23a: {  	s4 =	sadd.s32 s4, s5  }
0x23b: {  	v4 =	vld [tilespmem:s4+$0x0];
	_ =	sdelay $0x1  }
0x23c: {  	s25 =	simm.s32 $0x10  }
0x23d: {  	s7 =	sand.u32 $0x180, s25  }
0x23e: {  	s7 =	sadd.s32 s7, s13;
	s5 =	sand.u32 $0x70, s25;
	s4 =	simm.s32 $0x2000  }
0x23f: {  	s5 =	sadd.s32 s5, s7;
	[tilespmem:s4+$0x0] =	vst v4  }
0x240: {  	s17 =	simm.s32 $0x20;
	v4 =	vld [tilespmem:s5+$0x0]  }
.LBB2_36:
0x241: {  	p1 =	sne.s32 s17, $0x1F0  }
.Ltmp25:
0x242: {  	_ = 	snop;
	(pc) =	sbr.rel @p1 .LBB2_36-.Ltmp25, $4  }
0x243: {  	s5 =	sand.u32 $0x180, s17;
	s7 =	smov.u32 s17  }
0x244: {  	s4 =	sadd.s32 $0x10, s4;
	s7 =	sand.u32 $0x70, s7;
	s5 =	sadd.s32 s5, s13  }
0x245: {  	s5 =	sadd.s32 s7, s5;
	[tilespmem:s4+$0x0] =	vst v4  }
0x246: {  	s17 =	sadd.s32 $0x10, s17;
	v4 =	vld [tilespmem:s5+$0x0]  }
0x247: {  	p1 =	seq.s32 s20, $0x3  }
.Ltmp26:
0x248: {  	_ = 	snop;
	(pc) =	sbr.rel @!p1 .LBB2_25-.Ltmp26, $3  }
0x249: {  	_ =	sdelay $0x1  }
0x24a: {  	s4 =	sadd.s32 $0x10, s4  }
0x24b: {  	s11 =	ssub.s32 s18, s11;
	s18 =	smov.u32 s20;
	[tilespmem:s4+$0x0] =	vst v4  }
0x24c: {  	[tilespmem:s11+$0x2000] =	vst v1  }
0x24d: {  	[tilespmem:s11+$0x2010] =	vst v1  }
0x24e: {  	[tilespmem:s11+$0x2020] =	vst v1  }
0x24f: {  	[tilespmem:s11+$0x2030] =	vst v1  }
0x250: {  	[tilespmem:s11+$0x2040] =	vst v1  }
0x251: {  	[tilespmem:s11+$0x2050] =	vst v1  }
0x252: {  	[tilespmem:s11+$0x2060] =	vst v1  }
0x253: {  	[tilespmem:s11+$0x2070] =	vst v1  }
0x254: {  	[tilespmem:s11+$0x2080] =	vst v1  }
0x255: {  	[tilespmem:s11+$0x2090] =	vst v1  }
0x256: {  	[tilespmem:s11+$0x20A0] =	vst v1  }
0x257: {  	[tilespmem:s11+$0x20B0] =	vst v1  }
0x258: {  	[tilespmem:s11+$0x20C0] =	vst v1  }
0x259: {  	[tilespmem:s11+$0x20D0] =	vst v1  }
0x25a: {  	[tilespmem:s11+$0x20E0] =	vst v1  }
0x25b: {  	[tilespmem:s11+$0x20F0] =	vst v1  }
0x25c: {  	[tilespmem:s11+$0x2100] =	vst v1  }
0x25d: {  	[tilespmem:s11+$0x2110] =	vst v1  }
0x25e: {  	[tilespmem:s11+$0x2120] =	vst v1  }
0x25f: {  	[tilespmem:s11+$0x2130] =	vst v1;
	s4 =	sadd.s32 $0x1FF, s11  }
0x260: {  	[tilespmem:s11+$0x2140] =	vst v1;
	s5 =	sand.u32 $0x1FF, s4  }
0x261: {  	[tilespmem:s11+$0x2150] =	vst v1;
	s25 =	sshra.s32 s4, $0x1F;
	p2 =	slt.s32 s4, $0x1;
	p1 =	sne.s32 s5, $0x0  }
0x262: {  	[tilespmem:s11+$0x2160] =	vst v1;
	s5 =	sshrl.u32 s25, $0x17;
	p1 =	por !p2, !p1  }
0x263: {  	[tilespmem:s11+$0x2170] =	vst v1;
	s4 =	sadd.s32 s5, s4;
	s5 =	simm.s32 $0x1;
	p1 =	por !p1, !p1  }
0x264: {  	[tilespmem:s11+$0x2180] =	vst v1;
	s4 =	sshra.s32 s4, $0x9;
	s5 =	simm.s32 @!p1 $0x0  }
0x265: {  	[tilespmem:s11+$0x2190] =	vst v1;
	s18 =	ssub.s32 s4, s5  }
0x266: {  	[tilespmem:s11+$0x21A0] =	vst v1;
	p1 =	sgt.s32 s18, $0x0  }
.Ltmp27:
0x267: {  	[tilespmem:s11+$0x21B0] =	vst v1;
	(pc) =	sbr.rel @!p1 .LBB2_44-.Ltmp27, $4  }
0x268: {  	[tilespmem:s11+$0x21C0] =	vst v1  }
0x269: {  	[tilespmem:s11+$0x21D0] =	vst v1  }
0x26a: {  	[tilespmem:s11+$0x21E0] =	vst v1  }
0x26b: {  	[tilespmem:s11+$0x21F0] =	vst v1;
	s11 =	simm.s32 $0x0;
	s13 =	simm.s32 $0x0  }
.LBB2_39:
0x26c: {  	s4 =	sshll.u32 s13, $0xB  }
0x26d: {  	s4 =	sshra.s32 s4, $0x2  }
0x26e: {  	s21 =	sand.u32 $0x80, s11;
	s17 =	sadd.s32 $0x2000, s4  }
0x26f: {  	s5 =	sand.u32 $0x70, s11;
	s4 =	sadd.s32 s21, s17  }
0x270: {  	s4 =	sadd.s32 s5, s4  }
0x271: {  	v2 =	vld [tilespmem:s4+$0x0];
	_ =	sdelay $0x3  }
0x272: {  	s25 =	simm.s32 $0x10  }
0x273: {  	s20 =	simm.s32 $0x3280;
	s19 =	simm.s32 $0x3480;
	s7 =	sand.u32 $0x80, s25;
	v3 =	vshra.s32 v2, $0xE  }
0x274: {  	s7 =	sadd.s32 s7, s17;
	s5 =	sand.u32 $0x70, s25;
	s4 =	simm.s32 $0x20;
	v2 =	vand.u32 $0x3FFF, v2;
	[tilespmem:s20+$0x0] =	vst v3  }
.LBB2_40:
0x275: {  	p1 =	sne.s32 s4, $0xF0;
	s5 =	sadd.s32 s5, s7;
	[tilespmem:s19+$0x0] =	vst v2  }
0x276: {  	v2 =	vld [tilespmem:s5+$0x0];
	_ =	sdelay $0x1  }
.Ltmp28:
0x277: {  	(pc) =	sbr.rel @p1 .LBB2_40-.Ltmp28, $3  }
0x278: {  	_ =	sdelay $0x1  }
0x279: {  	s7 =	sand.u32 $0x80, s4;
	s20 =	sadd.s32 $0x10, s20;
	s19 =	sadd.s32 $0x10, s19;
	v3 =	vshra.s32 v2, $0xE;
	v2 =	vand.u32 $0x3FFF, v2  }
0x27a: {  	s5 =	sand.u32 $0x70, s4;
	s7 =	sadd.s32 s7, s17;
	s4 =	sadd.s32 $0x10, s4;
	[tilespmem:s20+$0x0] =	vst v3  }
0x27b: {  	s4 =	sadd.s32 s5, s7;
	[tilespmem:s19+$0x0] =	vst v2  }
0x27c: {  	v2 =	vld [tilespmem:s4+$0x0];
	_ =	sdelay $0x3  }
0x27d: {  	s7 =	sadd.s32 $0x10, s19;
	s19 =	simm.s32 $0x0  }
0x27e: {  	s5 =	sadd.s32 $0x10, s20;
	s20 =	sand.u32 $0x80, s19;
	v3 =	vshra.s32 v2, $0xE  }
0x27f: {  	s4 =	sand.u32 $0x70, s19;
	v2 =	vand.u32 $0x3FFF, v2;
	[tilespmem:s5+$0x0] =	vst v3;
	s5 =	sadd.s32 s20, s17  }
0x280: {  	[tilespmem:s7+$0x0] =	vst v2;
	s4 =	sadd.s32 s4, s5  }
0x281: {  	[tilespmem:s23], [sflag:$0x3] =	stream.indirect.gather [hbm4b:s6+s3], $0x80, s22, s3, $0xb8;
	[tilespmem:$0x1FA80] =	vst v63  }
0x282: {  	v2 =	vld [tilespmem:s4+$0x100];
	_ =	sdelay $0x3  }
0x283: {  	s21 =	simm.s32 $0x10  }
0x284: {  	s19 =	simm.s32 $0x3580;
	s25 =	sand.u32 $0x80, s21;
	s20 =	simm.s32 $0x3380;
	v3 =	vshra.s32 v2, $0xE  }
0x285: {  	s5 =	sand.u32 $0x70, s21;
	s7 =	sadd.s32 s25, s17;
	s4 =	simm.s32 $0x20;
	v2 =	vand.u32 $0x3FFF, v2;
	[tilespmem:s20+$0x0] =	vst v3  }
.LBB2_42:
0x286: {  	p1 =	sne.s32 s4, $0xF0;
	s5 =	sadd.s32 s5, s7;
	[tilespmem:s19+$0x0] =	vst v2  }
0x287: {  	v2 =	vld [tilespmem:s5+$0x100];
	_ =	sdelay $0x1  }
.Ltmp29:
0x288: {  	(pc) =	sbr.rel @p1 .LBB2_42-.Ltmp29, $3  }
0x289: {  	_ =	sdelay $0x1  }
0x28a: {  	s7 =	sand.u32 $0x80, s4;
	s20 =	sadd.s32 $0x10, s20;
	s19 =	sadd.s32 $0x10, s19;
	v3 =	vshra.s32 v2, $0xE;
	v2 =	vand.u32 $0x3FFF, v2  }
0x28b: {  	s5 =	sand.u32 $0x70, s4;
	s7 =	sadd.s32 s7, s17;
	s4 =	sadd.s32 $0x10, s4;
	[tilespmem:s20+$0x0] =	vst v3  }
0x28c: {  	s4 =	sadd.s32 s5, s7;
	[tilespmem:s19+$0x0] =	vst v2  }
0x28d: {  	v2 =	vld [tilespmem:s4+$0x100];
	_ =	sdelay $0x4  }
0x28e: {  	s21 =	sadd.s32 $0x10, s20;
	v3 =	vshra.s32 v2, $0xE  }
0x28f: {  	s25 =	sadd.s32 $0x10, s19;
	v2 =	vand.u32 $0x3FFF, v2;
	[tilespmem:s21+$0x0] =	vst v3  }
0x290: {  	[tilespmem:s25+$0x0] =	vst v2  }
0x291: {  	[tilespmem:s28], [sflag:$0x4] =	stream.indirect.gather [hbm4b:s6+s3], $0x80, s26, s3, $0xb8;
	[tilespmem:$0x1FA80] =	vst v63  }
0x292: {  	_ =	swait.ge [sflag:s29], $0x8000  }
0x293: {  	[sflag:s29] =	ssyncset.done $0x0  }
0x294: {  	[sflag:s29] =	ssyncadd.s32 $0xFFFF8000  }
0x295: {  	[spmem:s2] =	stream.indirect.scatter.add.f32 [tilespmem:s23], [sflag:$0x5], $0x80, s14, s3, $0xb8;
	[tilespmem:$0x1FA80] =	vst v63  }
0x296: {  	_ =	swait.ge [sflag:s24], $0x8000  }
0x297: {  	[sflag:s24] =	ssyncset.done $0x0  }
0x298: {  	[sflag:s24] =	ssyncadd.s32 $0xFFFF8000  }
0x299: {  	_ =	swait.ge [sflag:s15], $0x8000  }
0x29a: {  	s13 =	sadd.s32 $0x1, s13;
	[sflag:s15] =	ssyncset.done $0x0  }
0x29b: {  	p1 =	sne.s32 s13, s18;
	[sflag:s15] =	ssyncadd.s32 $0xFFFF8000  }
0x29c: {  	[spmem:s2] =	stream.indirect.scatter.add.f32 [tilespmem:s28], [sflag:$0x5], $0x80, s16, s3, $0xb8;
	[tilespmem:$0x1FA80] =	vst v63  }
.Ltmp30:
0x29d: {  	_ = 	snop;
	(pc) =	sbr.rel @p1 .LBB2_39-.Ltmp30, $4  }
.Ltmp31:
0x29e: {  	_ = 	snop;
	(pc) =	sbr.rel @!p1 .LBB2_44-.Ltmp31, $4  }
0x29f: {  	_ =	swait.ge [sflag:s24], $0x8000  }
0x2a0: {  	[sflag:s24] =	ssyncset.done $0x0  }
0x2a1: {  	[sflag:s24] =	ssyncadd.s32 $0xFFFF8000  }
0x2a2: {  	_ = 	snop  }
.LBB2_45:
.Ltmp32:
0x2a3: {  	(pc) =	sbr.rel .LBB2_46-.Ltmp32, $2  }
0x2a4: {  	_ =	sdelay $0x2  }
0x2a5: {  	s7 =	simm.s32 $0x0  }
.LBB2_66:
0x2a6: {  	s4 =	sld [smem:$0x7F3];
	_ =	sdelay $0x2  }
0x2a7: {  	s4 =	smul.u32 @p0 $0xC3800, s4  }
0x2a8: {  	s7 =	rddreg [dreg:$0xb];
	[bflag:$0x0] =	sbarrier.arrive $0xFFFF  }
0x2a9: {  	s5 =	sld [smem:$0x7F8];
	s4 =	sshrl.u32 @p0 s4, $0x3  }
0x2aa: {  	s4 =	sadd.s32 @p0 s7, s4  }
0x2ab: {  	s18 =	rddreg [dreg:$0x10];
	s4 =	sadd.s32 @p0 $0x16F80, s4  }
0x2ac: {  	[hbm:s4], [sflag:s18] =	dma.local @p0 [spmem:s5], $0x1780  }
0x2ad: {  	s4 =	simm.s32 @p0 $0x5  }
0x2ae: {  	_ =	swait.ge @p0 [sflag:s4], $0x1780  }
0x2af: {  	s11 =	sld [smem:$0x7F4];
	_ =	sdelay $0x1  }
0x2b0: {  	s5 =	rddreg [dreg:$0x1b]  }
0x2b1: {  	s5 =	sadd.s32 @!p0 s5, s11  }
0x2b2: {  	[sflag:s4] =	ssyncset.done @p0 $0x0;
	s5 =	sshll.u32 @!p0 s5, $0x4  }
0x2b3: {  	[sflag:s4] =	ssyncadd.s32 @p0 $0xFFFFE880;
	s4 =	sadd.s32 @!p0 s7, s5;
	s5 =	sld [smem:$0x7F9]  }
0x2b4: {  	_ =	sdelay $0x1  }
0x2b5: {  	[hbm:s4], [sflag:s18] =	dma.local @!p0 [spmem:s5], $0x1880  }
0x2b6: {  	s4 =	simm.s32 @!p0 $0x5  }
0x2b7: {  	_ =	swait.ge @!p0 [sflag:s4], $0x1880  }
0x2b8: {  	s25 =	sld [smem:$0x7F2];
	_ =	sdelay $0x2  }
0x2b9: {  	s7 =	sadd.s32 $0x1, s25  }
0x2ba: {  	p1 =	sne.s32 s7, $0x8  }
.Ltmp33:
0x2bb: {  	_ = 	snop;
	(pc) =	sbr.rel @!p1 .LBB2_67-.Ltmp33, $4  }
0x2bc: {  	[sflag:s4] =	ssyncset.done @!p0 $0x0  }
0x2bd: {  	[sflag:s4] =	ssyncadd.s32 @!p0 $0xFFFFE780  }
0x2be: {  	[bflag:$0x0] =	sbarrier.arrive $0xFFFF  }
0x2bf: {  	s13 =	simm.s32 $0x0  }
.LBB2_46:
0x2c0: {  	s5 =	sld [smem:$0x7FA];
	_ =	sdelay $0x1  }
0x2c1: {  	s4 =	rddreg [dreg:$0x8]  }
0x2c2: {  	[spmem:s5], [sflag:s18] =	dma.local [hbm:s4], $0x1880  }
0x2c3: {  	_ =	swait.ge [sflag:s24], $0x1880  }
0x2c4: {  	[sflag:s24] =	ssyncset.done $0x0  }
0x2c5: {  	[sflag:s24] =	ssyncadd.s32 $0xFFFFE780  }
0x2c6: {  	[bflag:$0x0] =	sbarrier.arrive $0xFFFF  }
0x2c7: {  	s20 =	rddreg [dreg:$0x1e]  }
0x2c8: {  	s21 =	rddreg [dreg:$0x1f]  }
0x2c9: {  	s11 =	rddreg [dreg:$0xd]  }
0x2ca: {  	[smem:$0x7F2] =	sst s7  }
0x2cb: {  	[tilespmem:s13], [sflag:$0x1] =	stream.linear.gather [hbm4b:s20+s13], $0x800, $0x38;
	[tilespmem:$0x1FA80] =	vst v63  }
0x2cc: {  	s25 =	simm.s32 $0x800;
	s18 =	rddreg [dreg:$0x18];
	s17 =	sadd.s32 s11, s7  }
0x2cd: {  	[tilespmem:s25], [sflag:$0x1] =	stream.linear.gather [hbm4b:s21+s13], $0x800, $0x38;
	[tilespmem:$0x1FA80] =	vst v63  }
0x2ce: {  	s19 =	simm.s32 $0x1000;
	s20 =	rddreg [dreg:$0x19];
	s7 =	smul.u32 $0x1870, s17  }
0x2cf: {  	[tilespmem:s19], [sflag:$0x2] =	stream.linear.gather [hbm4b:s18+s13], $0x800, $0x38;
	[tilespmem:$0x1FA80] =	vst v63  }
0x2d0: {  	[smem:$0x7F3] =	sst s17;
	s21 =	simm.s32 $0x1800;
	s25 =	sadd.s32 $0x1870, s7  }
0x2d1: {  	[tilespmem:s21], [sflag:$0x2] =	stream.linear.gather [hbm4b:s20+s13], $0x800, $0x38;
	[tilespmem:$0x1FA80] =	vst v63  }
0x2d2: {  	[smem:$0x7F4] =	sst s7;
	v2 =	vmov s7;
	v3 =	vmov s25;
	s18 =	simm.s32 $0x0;
	s13 =	simm.s32 $0x0  }
.LBB2_47:
0x2d3: {  	_ =	swait.ge [sflag:s30], $0x800  }
0x2d4: {  	[sflag:s30] =	ssyncset.done $0x0  }
0x2d5: {  	[sflag:s30] =	ssyncadd.s32 $0xFFFFF800  }
0x2d6: {  	_ =	swait.ge [sflag:s30], $0x800  }
0x2d7: {  	[sflag:s30] =	ssyncset.done $0x0  }
0x2d8: {  	s4 =	simm.s32 $0x0;
	[sflag:s30] =	ssyncadd.s32 $0xFFFFF800  }
0x2d9: {  	v4 =	vld [tilespmem:s4+$0x800];
	_ =	sdelay $0x4  }
0x2da: {  	vm0 =	vge.s32 v4, v2;
	vm1 =	vlt.s32 v4, v3  }
0x2db: {  	vm0 =	vmand vm0, vm1  }
0x2dc: {  	v5 =	vmpcnt.ones.xlane vm0  }
0x2dd: {  	(xrf0) =	vadd.scan.msk.s32 vm0, v0  }
0x2de: {  	(v2sf) =	vpush v5, $0x0;
	_ =	sdelay $0x3  }
0x2df: {  	v5 =	vld [tilespmem:s4+$0x0]  }
0x2e0: {  	s25 =	sadd.s32 $0xFFFFFFFF, s13;
	v6, _, _ =	vpop (xrf0)  }
0x2e1: {  	v6 =	vadd.s32 s25, v6;
	_ =	sdelay $0x2  }
0x2e2: {  	v4 =	vsub.s32 v4, v2;
	v5 =	vshll.u32 v5, $0xE  }
0x2e3: {  	v4 =	vadd.s32 v5, v4  }
0x2e4: {  	s17 =	simm.s32 $0x10;
	[tilespmem:v6+s31+$0x0] =	vst.idx.msk vm0, v4  }
0x2e5: {  	v4 =	vld [tilespmem:s17+$0x800];
	_ =	sdelay $0x2  }
0x2e6: {  	s11 =	simm.s32 $0x80;
	s4 =	spop (v2sf)  }
.LBB2_48:
0x2e7: {  	p1 =	sne.s32 s11, $0x1FC0  }
0x2e8: {  	vm0 =	vge.s32 v4, v2;
	vm1 =	vlt.s32 v4, v3;
	s13 =	sadd.s32 s13, s4;
	s4 =	smov.u32 s11;
	s11 =	sadd.s32 $0x40, s11  }
0x2e9: {  	vm0 =	vmand vm0, vm1  }
0x2ea: {  	v5 =	vmpcnt.ones.xlane vm0;
	(xrf0) =	vadd.scan.msk.s32 vm0, v0;
	_ =	sdelay $0x1  }
0x2eb: {  	(v2sf) =	vpush v5, $0x0;
	_ =	sdelay $0x2  }
0x2ec: {  	v5 =	vld [tilespmem:s17+$0x0]  }
0x2ed: {  	s5 =	sadd.s32 $0xFFFFFFFF, s13;
	v6, _, _ =	vpop (xrf0)  }
0x2ee: {  	v6 =	vadd.s32 s5, v6;
	_ =	sdelay $0x2  }
0x2ef: {  	v4 =	vsub.s32 v4, v2;
	v5 =	vshll.u32 v5, $0xE  }
0x2f0: {  	v4 =	vadd.s32 v5, v4  }
0x2f1: {  	s17 =	sshra.s32 s4, $0x2;
	[tilespmem:v6+s31+$0x0] =	vst.idx.msk vm0, v4  }
.Ltmp34:
0x2f2: {  	v4 =	vld [tilespmem:s17+$0x800];
	(pc) =	sbr.rel @p1 .LBB2_48-.Ltmp34, $2  }
0x2f3: {  	_ =	sdelay $0x2  }
0x2f4: {  	s4 =	spop (v2sf)  }
0x2f5: {  	vm0 =	vge.s32 v4, v2;
	vm1 =	vlt.s32 v4, v3  }
0x2f6: {  	vm0 =	vmand vm0, vm1  }
0x2f7: {  	v5 =	vmpcnt.ones.xlane vm0;
	_ =	sdelay $0x1  }
0x2f8: {  	(v2sf) =	vpush v5, $0x0;
	_ =	sdelay $0x2  }
0x2f9: {  	(xrf0) =	vadd.scan.msk.s32 vm0, v0;
	_ =	sdelay $0x4  }
0x2fa: {  	s4 =	sadd.s32 s13, s4;
	v5 =	vld [tilespmem:s17+$0x0]  }
0x2fb: {  	s5 =	sadd.s32 $0xFFFFFFFF, s4;
	v6, _, _ =	vpop (xrf0)  }
0x2fc: {  	v6 =	vadd.s32 s5, v6;
	_ =	sdelay $0x2  }
0x2fd: {  	v4 =	vsub.s32 v4, v2;
	v5 =	vshll.u32 v5, $0xE  }
0x2fe: {  	v4 =	vadd.s32 v5, v4  }
0x2ff: {  	[tilespmem:v6+s31+$0x0] =	vst.idx.msk vm0, v4;
	s25 =	spop (v2sf)  }
0x300: {  	_ =	swait.ge [sflag:s0], $0x800  }
0x301: {  	[sflag:s0] =	ssyncset.done $0x0  }
0x302: {  	[sflag:s0] =	ssyncadd.s32 $0xFFFFF800  }
0x303: {  	_ =	swait.ge [sflag:s0], $0x800  }
0x304: {  	[sflag:s0] =	ssyncset.done $0x0  }
0x305: {  	s7 =	simm.s32 $0x0;
	[sflag:s0] =	ssyncadd.s32 $0xFFFFF800  }
0x306: {  	v4 =	vld [tilespmem:s7+$0x1800];
	_ =	sdelay $0x4  }
0x307: {  	vm14 =	vge.s32 v4, v2;
	vm15 =	vlt.s32 v4, v3  }
0x308: {  	vm0 =	vmand vm14, vm15  }
0x309: {  	v5 =	vmpcnt.ones.xlane vm0  }
0x30a: {  	(xrf0) =	vadd.scan.msk.s32 vm0, v0  }
0x30b: {  	(v2sf) =	vpush v5, $0x0;
	_ =	sdelay $0x3  }
0x30c: {  	s11 =	sadd.s32 s4, s25;
	v5 =	vld [tilespmem:s7+$0x1000]  }
0x30d: {  	s4 =	sadd.s32 $0xFFFFFFFF, s11;
	v6, _, _ =	vpop (xrf0)  }
0x30e: {  	v6 =	vadd.s32 s4, v6;
	_ =	sdelay $0x2  }
0x30f: {  	v4 =	vsub.s32 v4, v2;
	v5 =	vshll.u32 v5, $0xE  }
0x310: {  	v4 =	vadd.s32 v5, v4  }
0x311: {  	s17 =	simm.s32 $0x10;
	[tilespmem:v6+s31+$0x0] =	vst.idx.msk vm0, v4  }
0x312: {  	v4 =	vld [tilespmem:s17+$0x1800];
	_ =	sdelay $0x2  }
0x313: {  	s13 =	simm.s32 $0x80;
	s4 =	spop (v2sf)  }
.LBB2_50:
0x314: {  	p1 =	sne.s32 s13, $0x1FC0  }
0x315: {  	vm0 =	vge.s32 v4, v2;
	vm1 =	vlt.s32 v4, v3;
	s11 =	sadd.s32 s11, s4;
	s4 =	smov.u32 s13;
	s13 =	sadd.s32 $0x40, s13  }
0x316: {  	vm0 =	vmand vm0, vm1  }
0x317: {  	v5 =	vmpcnt.ones.xlane vm0;
	(xrf0) =	vadd.scan.msk.s32 vm0, v0;
	_ =	sdelay $0x1  }
0x318: {  	(v2sf) =	vpush v5, $0x0;
	_ =	sdelay $0x2  }
0x319: {  	v5 =	vld [tilespmem:s17+$0x1000]  }
0x31a: {  	s5 =	sadd.s32 $0xFFFFFFFF, s11;
	v6, _, _ =	vpop (xrf0)  }
0x31b: {  	v6 =	vadd.s32 s5, v6;
	_ =	sdelay $0x2  }
0x31c: {  	v4 =	vsub.s32 v4, v2;
	v5 =	vshll.u32 v5, $0xE  }
0x31d: {  	v4 =	vadd.s32 v5, v4  }
0x31e: {  	s17 =	sshra.s32 s4, $0x2;
	[tilespmem:v6+s31+$0x0] =	vst.idx.msk vm0, v4  }
.Ltmp35:
0x31f: {  	v4 =	vld [tilespmem:s17+$0x1800];
	(pc) =	sbr.rel @p1 .LBB2_50-.Ltmp35, $2  }
0x320: {  	_ =	sdelay $0x2  }
0x321: {  	s4 =	spop (v2sf)  }
0x322: {  	vm0 =	vge.s32 v4, v2;
	vm1 =	vlt.s32 v4, v3  }
0x323: {  	vm0 =	vmand vm0, vm1  }
0x324: {  	(xrf0) =	vadd.scan.msk.s32 vm0, v0  }
0x325: {  	v5 =	vmpcnt.ones.xlane vm0;
	_ =	sdelay $0x1  }
0x326: {  	(v2sf) =	vpush v5, $0x0;
	_ =	sdelay $0x1  }
0x327: {  	s4 =	sadd.s32 s11, s4;
	v5 =	vld [tilespmem:s17+$0x1000]  }
0x328: {  	s5 =	sadd.s32 $0xFFFFFFFF, s4;
	v6, _, _ =	vpop (xrf0)  }
0x329: {  	v6 =	vadd.s32 s5, v6;
	_ =	sdelay $0x1  }
0x32a: {  	s20 =	sadd.s32 $0x1, s18;
	p1 =	seq.s32 s18, $0x3  }
0x32b: {  	v4 =	vsub.s32 v4, v2;
	s7 =	rddreg [dreg:$0x14];
	v5 =	vshll.u32 v5, $0xE;
	s5 =	sshll.u32 @!p1 s20, $0x9  }
0x32c: {  	v4 =	vadd.s32 v5, v4;
	s5 =	sadd.s32 @!p1 s7, s5  }
0x32d: {  	s11 =	simm.s32 @!p1 $0x0;
	s7 =	sadd.s32 @!p1 s10, s5;
	[tilespmem:v6+s31+$0x0] =	vst.idx.msk vm0, v4  }
0x32e: {  	[tilespmem:s11], [sflag:$0x1] =	stream.linear.gather @!p1 [hbm4b:s7+s11], $0x800, $0x38;
	[tilespmem:$0x1FA80] =	vst v63  }
0x32f: {  	s13 =	simm.s32 @!p1 $0x800;
	s7 =	sadd.s32 @!p1 s12, s5;
	s5 =	sor.u32 @!p1 $0x100, s5  }
0x330: {  	[tilespmem:s13], [sflag:$0x1] =	stream.linear.gather @!p1 [hbm4b:s7+s11], $0x800, $0x38;
	[tilespmem:$0x1FA80] =	vst v63  }
0x331: {  	s7 =	sadd.s32 @!p1 s10, s5;
	s13 =	simm.s32 @!p1 $0x1000  }
0x332: {  	[tilespmem:s13], [sflag:$0x2] =	stream.linear.gather @!p1 [hbm4b:s7+s11], $0x800, $0x38;
	[tilespmem:$0x1FA80] =	vst v63  }
0x333: {  	s18 =	spop (v2sf)  }
0x334: {  	s18 =	sadd.s32 s4, s18;
	s4 =	sadd.s32 @!p1 s12, s5;
	s5 =	simm.s32 @!p1 $0x1800  }
0x335: {  	[tilespmem:s5], [sflag:$0x2] =	stream.linear.gather @!p1 [hbm4b:s4+s11], $0x800, $0x38;
	[tilespmem:$0x1FA80] =	vst v63  }
0x336: {  	s19 =	sand.u32 $0x1FF, s18  }
0x337: {  	s21 =	sshra.s32 s18, $0x1F;
	p6 =	slt.s32 s18, $0x1;
	p2 =	sne.s32 s19, $0x0  }
0x338: {  	s25 =	sshrl.u32 s21, $0x17;
	p1 =	por !p6, !p2  }
0x339: {  	s5 =	simm.s32 $0x1;
	s4 =	sadd.s32 s25, s18;
	p1 =	por !p1, !p1  }
0x33a: {  	s4 =	sshra.s32 s4, $0x9;
	s5 =	simm.s32 @!p1 $0x0  }
0x33b: {  	s13 =	ssub.s32 s4, s5  }
0x33c: {  	p1 =	slt.s32 s13, $0x1  }
.Ltmp36:
0x33d: {  	_ = 	snop;
	(pc) =	sbr.rel @p1 .LBB2_57-.Ltmp36, $2  }
0x33e: {  	_ =	sdelay $0x2  }
0x33f: {  	s11 =	simm.s32 $0x0;
	s21 =	simm.s32 $0x0  }
.LBB2_52:
0x340: {  	s4 =	sshll.u32 s11, $0xB  }
0x341: {  	s4 =	sshra.s32 s4, $0x2  }
0x342: {  	s25 =	sand.u32 $0x80, s21;
	s17 =	sadd.s32 $0x2000, s4  }
0x343: {  	s5 =	sand.u32 $0x70, s21;
	s4 =	sadd.s32 s25, s17  }
0x344: {  	s4 =	sadd.s32 s5, s4  }
0x345: {  	v4 =	vld [tilespmem:s4+$0x0];
	_ =	sdelay $0x3  }
0x346: {  	s5 =	simm.s32 $0x10  }
0x347: {  	s19 =	simm.s32 $0x3480;
	s25 =	simm.s32 $0x3280;
	s7 =	sand.u32 $0x80, s5;
	v5 =	vshra.s32 v4, $0xE  }
0x348: {  	s5 =	sand.u32 $0x70, s5;
	s4 =	simm.s32 $0x20;
	s7 =	sadd.s32 s7, s17;
	v4 =	vand.u32 $0x3FFF, v4;
	[tilespmem:s25+$0x0] =	vst v5  }
.LBB2_53:
0x349: {  	p1 =	sne.s32 s4, $0xF0;
	s5 =	sadd.s32 s5, s7;
	[tilespmem:s19+$0x0] =	vst v4  }
0x34a: {  	v4 =	vld [tilespmem:s5+$0x0];
	_ =	sdelay $0x1  }
.Ltmp37:
0x34b: {  	(pc) =	sbr.rel @p1 .LBB2_53-.Ltmp37, $3  }
0x34c: {  	_ =	sdelay $0x1  }
0x34d: {  	s7 =	sand.u32 $0x80, s4;
	s25 =	sadd.s32 $0x10, s25;
	s19 =	sadd.s32 $0x10, s19;
	v5 =	vshra.s32 v4, $0xE;
	v4 =	vand.u32 $0x3FFF, v4  }
0x34e: {  	s5 =	sand.u32 $0x70, s4;
	s7 =	sadd.s32 s7, s17;
	s4 =	sadd.s32 $0x10, s4;
	[tilespmem:s25+$0x0] =	vst v5  }
0x34f: {  	s4 =	sadd.s32 s5, s7;
	[tilespmem:s19+$0x0] =	vst v4  }
0x350: {  	v4 =	vld [tilespmem:s4+$0x0];
	_ =	sdelay $0x3  }
0x351: {  	s7 =	sadd.s32 $0x10, s19;
	s19 =	simm.s32 $0x0  }
0x352: {  	s5 =	sadd.s32 $0x10, s25;
	s25 =	sand.u32 $0x80, s19;
	v5 =	vshra.s32 v4, $0xE  }
0x353: {  	s4 =	sand.u32 $0x70, s19;
	v4 =	vand.u32 $0x3FFF, v4;
	[tilespmem:s5+$0x0] =	vst v5;
	s5 =	sadd.s32 s25, s17  }
0x354: {  	[tilespmem:s7+$0x0] =	vst v4;
	s4 =	sadd.s32 s4, s5  }
0x355: {  	[tilespmem:s23], [sflag:$0x3] =	stream.indirect.gather [hbm4b:s9+s3], $0x80, s22, s3, $0xb8;
	[tilespmem:$0x1FA80] =	vst v63  }
0x356: {  	v4 =	vld [tilespmem:s4+$0x100];
	_ =	sdelay $0x3  }
0x357: {  	s5 =	simm.s32 $0x10  }
0x358: {  	s19 =	simm.s32 $0x3580;
	s25 =	simm.s32 $0x3380;
	s7 =	sand.u32 $0x80, s5;
	v5 =	vshra.s32 v4, $0xE  }
0x359: {  	s5 =	sand.u32 $0x70, s5;
	s7 =	sadd.s32 s7, s17;
	s4 =	simm.s32 $0x20;
	v4 =	vand.u32 $0x3FFF, v4;
	[tilespmem:s25+$0x0] =	vst v5  }
.LBB2_55:
0x35a: {  	p1 =	sne.s32 s4, $0xF0;
	s5 =	sadd.s32 s5, s7;
	[tilespmem:s19+$0x0] =	vst v4  }
0x35b: {  	v4 =	vld [tilespmem:s5+$0x100];
	_ =	sdelay $0x1  }
.Ltmp38:
0x35c: {  	(pc) =	sbr.rel @p1 .LBB2_55-.Ltmp38, $3  }
0x35d: {  	_ =	sdelay $0x1  }
0x35e: {  	s7 =	sand.u32 $0x80, s4;
	s25 =	sadd.s32 $0x10, s25;
	s19 =	sadd.s32 $0x10, s19;
	v5 =	vshra.s32 v4, $0xE;
	v4 =	vand.u32 $0x3FFF, v4  }
0x35f: {  	s5 =	sand.u32 $0x70, s4;
	s7 =	sadd.s32 s7, s17;
	s4 =	sadd.s32 $0x10, s4;
	[tilespmem:s25+$0x0] =	vst v5  }
0x360: {  	s4 =	sadd.s32 s5, s7;
	[tilespmem:s19+$0x0] =	vst v4  }
0x361: {  	v4 =	vld [tilespmem:s4+$0x100];
	_ =	sdelay $0x4  }
0x362: {  	s17 =	sadd.s32 $0x10, s25;
	v5 =	vshra.s32 v4, $0xE  }
0x363: {  	s25 =	sadd.s32 $0x10, s19;
	v4 =	vand.u32 $0x3FFF, v4;
	[tilespmem:s17+$0x0] =	vst v5  }
0x364: {  	[tilespmem:s25+$0x0] =	vst v4  }
0x365: {  	[tilespmem:s28], [sflag:$0x4] =	stream.indirect.gather [hbm4b:s9+s3], $0x80, s26, s3, $0xb8;
	[tilespmem:$0x1FA80] =	vst v63  }
0x366: {  	_ =	swait.ge [sflag:s29], $0x8000  }
0x367: {  	[sflag:s29] =	ssyncset.done $0x0  }
0x368: {  	[sflag:s29] =	ssyncadd.s32 $0xFFFF8000  }
0x369: {  	[spmem:s2] =	stream.indirect.scatter.add.f32 [tilespmem:s23], [sflag:$0x5], $0x80, s14, s3, $0xb8;
	[tilespmem:$0x1FA80] =	vst v63  }
0x36a: {  	_ =	swait.ge [sflag:s24], $0x8000  }
0x36b: {  	[sflag:s24] =	ssyncset.done $0x0  }
0x36c: {  	[sflag:s24] =	ssyncadd.s32 $0xFFFF8000  }
0x36d: {  	s11 =	sadd.s32 $0x1, s11;
	_ =	swait.ge [sflag:s15], $0x8000  }
0x36e: {  	p1 =	sne.s32 s11, s13;
	[sflag:s15] =	ssyncset.done $0x0  }
.Ltmp39:
0x36f: {  	[sflag:s15] =	ssyncadd.s32 $0xFFFF8000;
	(pc) =	sbr.rel @p1 .LBB2_52-.Ltmp39, $4  }
0x370: {  	[spmem:s2] =	stream.indirect.scatter.add.f32 [tilespmem:s28], [sflag:$0x5], $0x80, s16, s3, $0xb8;
	[tilespmem:$0x1FA80] =	vst v63  }
0x371: {  	_ =	swait.ge [sflag:s24], $0x8000  }
0x372: {  	[sflag:s24] =	ssyncset.done $0x0  }
0x373: {  	[sflag:s24] =	ssyncadd.s32 $0xFFFF8000  }
.LBB2_57:
0x374: {  	s11 =	sshll.u32 s13, $0x9;
	s4 =	simm.s32 $0x0  }
0x375: {  	s13 =	sadd.s32 $0x2000, s11;
	s5 =	sand.u32 $0x180, s4  }
0x376: {  	s4 =	sand.u32 $0x70, s4;
	s5 =	sadd.s32 s5, s13  }
0x377: {  	s4 =	sadd.s32 s4, s5  }
0x378: {  	v4 =	vld [tilespmem:s4+$0x0];
	_ =	sdelay $0x1  }
0x379: {  	s25 =	simm.s32 $0x10  }
0x37a: {  	s7 =	sand.u32 $0x180, s25  }
0x37b: {  	s7 =	sadd.s32 s7, s13;
	s5 =	sand.u32 $0x70, s25;
	s4 =	simm.s32 $0x2000  }
0x37c: {  	s5 =	sadd.s32 s5, s7;
	[tilespmem:s4+$0x0] =	vst v4  }
0x37d: {  	s17 =	simm.s32 $0x20;
	v4 =	vld [tilespmem:s5+$0x0]  }
.LBB2_58:
0x37e: {  	p1 =	sne.s32 s17, $0x1F0  }
.Ltmp40:
0x37f: {  	_ = 	snop;
	(pc) =	sbr.rel @p1 .LBB2_58-.Ltmp40, $4  }
0x380: {  	s5 =	sand.u32 $0x180, s17;
	s7 =	smov.u32 s17  }
0x381: {  	s4 =	sadd.s32 $0x10, s4;
	s7 =	sand.u32 $0x70, s7;
	s5 =	sadd.s32 s5, s13  }
0x382: {  	s5 =	sadd.s32 s7, s5;
	[tilespmem:s4+$0x0] =	vst v4  }
0x383: {  	s17 =	sadd.s32 $0x10, s17;
	v4 =	vld [tilespmem:s5+$0x0]  }
0x384: {  	p1 =	seq.s32 s20, $0x4  }
.Ltmp41:
0x385: {  	_ = 	snop;
	(pc) =	sbr.rel @!p1 .LBB2_47-.Ltmp41, $3  }
0x386: {  	_ =	sdelay $0x1  }
0x387: {  	s4 =	sadd.s32 $0x10, s4  }
0x388: {  	s13 =	ssub.s32 s18, s11;
	s18 =	smov.u32 s20;
	[tilespmem:s4+$0x0] =	vst v4  }
0x389: {  	[tilespmem:s13+$0x2000] =	vst v1  }
0x38a: {  	[tilespmem:s13+$0x2010] =	vst v1  }
0x38b: {  	[tilespmem:s13+$0x2020] =	vst v1  }
0x38c: {  	[tilespmem:s13+$0x2030] =	vst v1  }
0x38d: {  	[tilespmem:s13+$0x2040] =	vst v1  }
0x38e: {  	[tilespmem:s13+$0x2050] =	vst v1  }
0x38f: {  	[tilespmem:s13+$0x2060] =	vst v1  }
0x390: {  	[tilespmem:s13+$0x2070] =	vst v1  }
0x391: {  	[tilespmem:s13+$0x2080] =	vst v1  }
0x392: {  	[tilespmem:s13+$0x2090] =	vst v1  }
0x393: {  	[tilespmem:s13+$0x20A0] =	vst v1  }
0x394: {  	[tilespmem:s13+$0x20B0] =	vst v1  }
0x395: {  	[tilespmem:s13+$0x20C0] =	vst v1  }
0x396: {  	[tilespmem:s13+$0x20D0] =	vst v1  }
0x397: {  	[tilespmem:s13+$0x20E0] =	vst v1  }
0x398: {  	[tilespmem:s13+$0x20F0] =	vst v1  }
0x399: {  	[tilespmem:s13+$0x2100] =	vst v1  }
0x39a: {  	[tilespmem:s13+$0x2110] =	vst v1  }
0x39b: {  	[tilespmem:s13+$0x2120] =	vst v1  }
0x39c: {  	[tilespmem:s13+$0x2130] =	vst v1;
	s4 =	sadd.s32 $0x1FF, s13  }
0x39d: {  	[tilespmem:s13+$0x2140] =	vst v1;
	s5 =	sand.u32 $0x1FF, s4  }
0x39e: {  	[tilespmem:s13+$0x2150] =	vst v1;
	s25 =	sshra.s32 s4, $0x1F;
	p2 =	slt.s32 s4, $0x1;
	p1 =	sne.s32 s5, $0x0  }
0x39f: {  	[tilespmem:s13+$0x2160] =	vst v1;
	s5 =	sshrl.u32 s25, $0x17;
	p1 =	por !p2, !p1  }
0x3a0: {  	[tilespmem:s13+$0x2170] =	vst v1;
	s4 =	sadd.s32 s5, s4;
	s5 =	simm.s32 $0x1;
	p1 =	por !p1, !p1  }
0x3a1: {  	[tilespmem:s13+$0x2180] =	vst v1;
	s4 =	sshra.s32 s4, $0x9;
	s5 =	simm.s32 @!p1 $0x0  }
0x3a2: {  	[tilespmem:s13+$0x2190] =	vst v1;
	s18 =	ssub.s32 s4, s5  }
0x3a3: {  	[tilespmem:s13+$0x21A0] =	vst v1;
	p1 =	sgt.s32 s18, $0x0  }
.Ltmp42:
0x3a4: {  	[tilespmem:s13+$0x21B0] =	vst v1;
	(pc) =	sbr.rel @!p1 .LBB2_66-.Ltmp42, $4  }
0x3a5: {  	[tilespmem:s13+$0x21C0] =	vst v1  }
0x3a6: {  	[tilespmem:s13+$0x21D0] =	vst v1  }
0x3a7: {  	[tilespmem:s13+$0x21E0] =	vst v1  }
0x3a8: {  	[tilespmem:s13+$0x21F0] =	vst v1;
	s13 =	simm.s32 $0x0;
	s11 =	simm.s32 $0x0  }
.LBB2_61:
0x3a9: {  	s4 =	sshll.u32 s11, $0xB  }
0x3aa: {  	s4 =	sshra.s32 s4, $0x2  }
0x3ab: {  	s21 =	sand.u32 $0x80, s13;
	s17 =	sadd.s32 $0x2000, s4  }
0x3ac: {  	s5 =	sand.u32 $0x70, s13;
	s4 =	sadd.s32 s21, s17  }
0x3ad: {  	s4 =	sadd.s32 s5, s4  }
0x3ae: {  	v2 =	vld [tilespmem:s4+$0x0];
	_ =	sdelay $0x3  }
0x3af: {  	s25 =	simm.s32 $0x10  }
0x3b0: {  	s20 =	simm.s32 $0x3280;
	s19 =	simm.s32 $0x3480;
	s7 =	sand.u32 $0x80, s25;
	v3 =	vshra.s32 v2, $0xE  }
0x3b1: {  	s7 =	sadd.s32 s7, s17;
	s5 =	sand.u32 $0x70, s25;
	s4 =	simm.s32 $0x20;
	v2 =	vand.u32 $0x3FFF, v2;
	[tilespmem:s20+$0x0] =	vst v3  }
.LBB2_62:
0x3b2: {  	p1 =	sne.s32 s4, $0xF0;
	s5 =	sadd.s32 s5, s7;
	[tilespmem:s19+$0x0] =	vst v2  }
0x3b3: {  	v2 =	vld [tilespmem:s5+$0x0];
	_ =	sdelay $0x1  }
.Ltmp43:
0x3b4: {  	(pc) =	sbr.rel @p1 .LBB2_62-.Ltmp43, $3  }
0x3b5: {  	_ =	sdelay $0x1  }
0x3b6: {  	s7 =	sand.u32 $0x80, s4;
	s20 =	sadd.s32 $0x10, s20;
	s19 =	sadd.s32 $0x10, s19;
	v3 =	vshra.s32 v2, $0xE;
	v2 =	vand.u32 $0x3FFF, v2  }
0x3b7: {  	s5 =	sand.u32 $0x70, s4;
	s7 =	sadd.s32 s7, s17;
	s4 =	sadd.s32 $0x10, s4;
	[tilespmem:s20+$0x0] =	vst v3  }
0x3b8: {  	s4 =	sadd.s32 s5, s7;
	[tilespmem:s19+$0x0] =	vst v2  }
0x3b9: {  	v2 =	vld [tilespmem:s4+$0x0];
	_ =	sdelay $0x3  }
0x3ba: {  	s7 =	sadd.s32 $0x10, s19;
	s19 =	simm.s32 $0x0  }
0x3bb: {  	s5 =	sadd.s32 $0x10, s20;
	s20 =	sand.u32 $0x80, s19;
	v3 =	vshra.s32 v2, $0xE  }
0x3bc: {  	s4 =	sand.u32 $0x70, s19;
	v2 =	vand.u32 $0x3FFF, v2;
	[tilespmem:s5+$0x0] =	vst v3;
	s5 =	sadd.s32 s20, s17  }
0x3bd: {  	[tilespmem:s7+$0x0] =	vst v2;
	s4 =	sadd.s32 s4, s5  }
0x3be: {  	[tilespmem:s23], [sflag:$0x3] =	stream.indirect.gather [hbm4b:s9+s3], $0x80, s22, s3, $0xb8;
	[tilespmem:$0x1FA80] =	vst v63  }
0x3bf: {  	v2 =	vld [tilespmem:s4+$0x100];
	_ =	sdelay $0x3  }
0x3c0: {  	s21 =	simm.s32 $0x10  }
0x3c1: {  	s19 =	simm.s32 $0x3580;
	s25 =	sand.u32 $0x80, s21;
	s20 =	simm.s32 $0x3380;
	v3 =	vshra.s32 v2, $0xE  }
0x3c2: {  	s5 =	sand.u32 $0x70, s21;
	s7 =	sadd.s32 s25, s17;
	s4 =	simm.s32 $0x20;
	v2 =	vand.u32 $0x3FFF, v2;
	[tilespmem:s20+$0x0] =	vst v3  }
.LBB2_64:
0x3c3: {  	p1 =	sne.s32 s4, $0xF0;
	s5 =	sadd.s32 s5, s7;
	[tilespmem:s19+$0x0] =	vst v2  }
0x3c4: {  	v2 =	vld [tilespmem:s5+$0x100];
	_ =	sdelay $0x1  }
.Ltmp44:
0x3c5: {  	(pc) =	sbr.rel @p1 .LBB2_64-.Ltmp44, $3  }
0x3c6: {  	_ =	sdelay $0x1  }
0x3c7: {  	s7 =	sand.u32 $0x80, s4;
	s20 =	sadd.s32 $0x10, s20;
	s19 =	sadd.s32 $0x10, s19;
	v3 =	vshra.s32 v2, $0xE;
	v2 =	vand.u32 $0x3FFF, v2  }
0x3c8: {  	s5 =	sand.u32 $0x70, s4;
	s7 =	sadd.s32 s7, s17;
	s4 =	sadd.s32 $0x10, s4;
	[tilespmem:s20+$0x0] =	vst v3  }
0x3c9: {  	s4 =	sadd.s32 s5, s7;
	[tilespmem:s19+$0x0] =	vst v2  }
0x3ca: {  	v2 =	vld [tilespmem:s4+$0x100];
	_ =	sdelay $0x4  }
0x3cb: {  	s21 =	sadd.s32 $0x10, s20;
	v3 =	vshra.s32 v2, $0xE  }
0x3cc: {  	s25 =	sadd.s32 $0x10, s19;
	v2 =	vand.u32 $0x3FFF, v2;
	[tilespmem:s21+$0x0] =	vst v3  }
0x3cd: {  	[tilespmem:s25+$0x0] =	vst v2  }
0x3ce: {  	[tilespmem:s28], [sflag:$0x4] =	stream.indirect.gather [hbm4b:s9+s3], $0x80, s26, s3, $0xb8;
	[tilespmem:$0x1FA80] =	vst v63  }
0x3cf: {  	_ =	swait.ge [sflag:s29], $0x8000  }
0x3d0: {  	[sflag:s29] =	ssyncset.done $0x0  }
0x3d1: {  	[sflag:s29] =	ssyncadd.s32 $0xFFFF8000  }
0x3d2: {  	[spmem:s2] =	stream.indirect.scatter.add.f32 [tilespmem:s23], [sflag:$0x5], $0x80, s14, s3, $0xb8;
	[tilespmem:$0x1FA80] =	vst v63  }
0x3d3: {  	_ =	swait.ge [sflag:s24], $0x8000  }
0x3d4: {  	[sflag:s24] =	ssyncset.done $0x0  }
0x3d5: {  	[sflag:s24] =	ssyncadd.s32 $0xFFFF8000  }
0x3d6: {  	_ =	swait.ge [sflag:s15], $0x8000  }
0x3d7: {  	s11 =	sadd.s32 $0x1, s11;
	[sflag:s15] =	ssyncset.done $0x0  }
0x3d8: {  	p1 =	sne.s32 s11, s18;
	[sflag:s15] =	ssyncadd.s32 $0xFFFF8000  }
0x3d9: {  	[spmem:s2] =	stream.indirect.scatter.add.f32 [tilespmem:s28], [sflag:$0x5], $0x80, s16, s3, $0xb8;
	[tilespmem:$0x1FA80] =	vst v63  }
.Ltmp45:
0x3da: {  	_ = 	snop;
	(pc) =	sbr.rel @p1 .LBB2_61-.Ltmp45, $4  }
.Ltmp46:
0x3db: {  	_ = 	snop;
	(pc) =	sbr.rel @!p1 .LBB2_66-.Ltmp46, $4  }
0x3dc: {  	_ =	swait.ge [sflag:s24], $0x8000  }
0x3dd: {  	[sflag:s24] =	ssyncset.done $0x0  }
0x3de: {  	[sflag:s24] =	ssyncadd.s32 $0xFFFF8000  }
0x3df: {  	_ = 	snop  }
.LBB2_68:
0x3e0: {  	_ =	sfence.sel $0x180000  }
0x3e1: {  	[bflag:$0x0] =	sbarrier.arrive $0xFFFF  }
0x3e2: {  	_ =	strace $0x90000047  }
0x3e3: {  	s0 =	stileid.u32;
	[bflag:$0x2] =	sbarrier.arrive $0xFFFF  }
0x3e4: {  	p0 =	sne.s32 s0, $0x0;
	s0 =	rddreg [dreg:$0x3]  }
0x3e5: {  	s0 =	sadd.s32 @!p0 $0x100000, s0  }
0x3e6: {  	[sflag:s0] =	ssyncadd.tile.s32 @!p0 $0x1;
	_ =	shalt  }
.Lfunc_end2:
_tile_overlayer_lowered:
.L_overlay_start_2:
0x3e7: {  	(tag) =	ssettag $0x2  }
0x3e8: {  	s0 =	rddreg [dreg:$0x0];
	s2 =	stileid.u32  }
0x3e9: {  	s1 =	rddreg [dreg:$0x1];
	p0 =	sne.s32 s2, $0x0  }
0x3ea: {  	s3 =	rddreg [dreg:$0x2];
	[bflag:$0x3] =	sbarrier.arrive $0xFFFF;
	s2 =	simm.s32 @!p0 $0x1C05  }
0x3eb: {  	[timem:s3], [sflag:s2] =	dma.local @!p0 [hbm:s0], s1  }
0x3ec: {  	s0 =	simm.s32 @!p0 $0x5  }
0x3ed: {  	_ =	swait.ge @!p0 [sflag:s0], s1  }
0x3ee: {  	s1 =	ssub.s32 @!p0 $0x0, s1;
	[sflag:s0] =	ssyncset.done @!p0 $0x0  }
0x3ef: {  	[sflag:s0] =	ssyncadd.s32 @!p0 s1  }
0x3f0: {  	[bflag:$0x3] =	sbarrier.arrive $0xFFFF  }
0x3f1: {  	_ =	shalt  }

</sc_bundles>
